<compile_context>
chip_gen: v7x
topology: tpu7x:2x2x1
jax: 0.10.2.dev20260603
libtpu: 0.0.44.dev20260713+nightly
codegen_flags: <defaults>
</compile_context>

<pallas_src>
import functools

import jax
import jax.numpy as jnp
from jax import lax
from jax.experimental import pallas as pl
from jax.experimental.pallas import tpu as pltpu
from jax.experimental.pallas import tpu_sc as plsc

N = 10000
E = 160000
H = 512
G = 64
L = 3

NC = 2
NS = 16
NTILES = NC * NS

EPT = E // NS
XSL = 4
HSL = H // XSL
NPAD = 10240
RPT = NPAD // NS
KB = 80
NBATCH = EPT // KB

DEA = 128
EPT2 = E // NTILES
KB2 = 40
NB2 = EPT2 // KB2

MB = 1000
NBLK = N // MB

_mesh = plsc.VectorSubcoreMesh(core_axis_name="c", subcore_axis_name="s")


def _zero_vmem_2d(ref, rows, cols):
    z = jnp.zeros((16,), jnp.float32)
    for r in range(rows):
        def body(j, carry):
            ref[r, pl.ds(j * 16, 16)] = z
            return carry
        lax.fori_loop(0, cols // 16, body, 0)


@functools.partial(
    pl.kernel,
    out_type=jax.ShapeDtypeStruct((NC, NPAD, DEA), jnp.float32),
    mesh=_mesh,
    scratch_types=[
        pltpu.VMEM_SHARED((NPAD, DEA), jnp.float32),
        pltpu.VMEM((KB2,), jnp.int32),
        pltpu.VMEM((KB2,), jnp.int32),
        pltpu.VMEM((KB2, DEA), jnp.float32),
        pltpu.VMEM((KB2,), jnp.int32),
        pltpu.VMEM((KB2,), jnp.int32),
        pltpu.VMEM((KB2, DEA), jnp.float32),
        pltpu.VMEM((16, DEA), jnp.float32),
        pltpu.SemaphoreType.DMA,
        pltpu.SemaphoreType.DMA,
    ],
)
def _sc_edge_feat(ea_hbm, row_hbm, col_hbm, p_hbm,
                  acc, st_r0, st_c0, ea_buf0, st_r1, st_c1, ea_buf1, zbuf,
                  sem0, sem1):
    ci = lax.axis_index("c")
    si = lax.axis_index("s")
    w = ci * NS + si
    bufs = ((st_r0, st_c0, ea_buf0, sem0), (st_r1, st_c1, ea_buf1, sem1))
    _zero_vmem_2d(zbuf, 16, DEA)

    def zero_acc(k, carry):
        pltpu.sync_copy(zbuf, acc.at[pl.ds(si * RPT + k * 16, 16)])
        return carry
    lax.fori_loop(0, RPT // 16, zero_acc, 0)
    plsc.subcore_barrier()

    def srcs(j):
        e0 = w * EPT2 + j * KB2
        return (row_hbm.at[pl.ds(e0, KB2)], col_hbm.at[pl.ds(e0, KB2)],
                ea_hbm.at[pl.ds(e0, KB2)])

    def start(j, bset):
        sr, sc, se = srcs(j)
        pltpu.async_copy(sr, bset[0], bset[3])
        pltpu.async_copy(sc, bset[1], bset[3])
        pltpu.async_copy(se, bset[2], bset[3])

    def wait(j, bset):
        sr, sc, se = srcs(j)
        pltpu.make_async_copy(sr, bset[0], bset[3]).wait()
        pltpu.make_async_copy(sc, bset[1], bset[3]).wait()
        pltpu.make_async_copy(se, bset[2], bset[3]).wait()

    def scat(bset):
        pltpu.sync_copy(bset[2], acc.at[bset[0]], add=True)
        pltpu.sync_copy(bset[2], acc.at[bset[1]], add=True)

    start(0, bufs[0])

    def pair(g, carry):
        b0 = 2 * g
        start(b0 + 1, bufs[1])
        wait(b0, bufs[0])
        scat(bufs[0])
        start(b0 + 2, bufs[0])
        wait(b0 + 1, bufs[1])
        scat(bufs[1])
        return carry
    lax.fori_loop(0, (NB2 - 1) // 2, pair, 0)
    wait(NB2 - 1, bufs[0])
    scat(bufs[0])

    plsc.subcore_barrier()
    pltpu.sync_copy(acc.at[pl.ds(si * RPT, RPT)],
                    p_hbm.at[ci, pl.ds(si * RPT, RPT)])


@functools.partial(
    pl.kernel,
    out_type=jax.ShapeDtypeStruct((XSL, NPAD, HSL), jnp.float32),
    mesh=_mesh,
    scratch_types=[
        pltpu.VMEM_SHARED((NPAD, HSL), jnp.float32),
        pltpu.VMEM((EPT,), jnp.int32),
        pltpu.VMEM((EPT,), jnp.int32),
        pltpu.VMEM((KB,), jnp.int32),
        pltpu.VMEM((KB, HSL), jnp.float32),
        pltpu.VMEM((KB, HSL), jnp.float32),
        pltpu.VMEM((16, HSL), jnp.float32),
        pltpu.SemaphoreType.DMA,
        pltpu.SemaphoreType.DMA,
    ],
)
def _sc_agg(xe_hbm, row_hbm, col_hbm, agg_hbm,
            acc, row_v, col_v, stage, rows_buf0, rows_buf1, zbuf, sem0, sem1):
    ci = lax.axis_index("c")
    si = lax.axis_index("s")
    ebase = si * EPT
    pltpu.sync_copy(row_hbm.at[pl.ds(ebase, EPT)], row_v)
    pltpu.sync_copy(col_hbm.at[pl.ds(ebase, EPT)], col_v)
    _zero_vmem_2d(zbuf, 16, HSL)
    bufs = ((rows_buf0, sem0), (rows_buf1, sem1))

    for sl in range(XSL // NC):
        slidx = ci * (XSL // NC) + sl
        def zero_acc(k, carry):
            pltpu.sync_copy(zbuf, acc.at[pl.ds(si * RPT + k * 16, 16)])
            return carry
        lax.fori_loop(0, RPT // 16, zero_acc, 0)
        plsc.subcore_barrier()

        def gsrc(b):
            return xe_hbm.at[slidx].at[row_v.at[pl.ds(b * KB, KB)]]

        def start(b, bset):
            pltpu.async_copy(gsrc(b), bset[0], bset[1])

        def wait(b, bset):
            pltpu.make_async_copy(gsrc(b), bset[0], bset[1]).wait()

        def scat(b, bset):
            for k in range(KB // 16):
                stage[pl.ds(k * 16, 16)] = col_v[pl.ds(b * KB + k * 16, 16)]
            pltpu.sync_copy(bset[0], acc.at[stage], add=True)

        start(0, bufs[0])

        def pair(g, carry):
            b0 = 2 * g
            start(b0 + 1, bufs[1])
            wait(b0, bufs[0])
            scat(b0, bufs[0])
            start(b0 + 2, bufs[0])
            wait(b0 + 1, bufs[1])
            scat(b0 + 1, bufs[1])
            return carry
        lax.fori_loop(0, (NBATCH - 1) // 2, pair, 0)
        wait(NBATCH - 1, bufs[0])
        scat(NBATCH - 1, bufs[0])
        plsc.subcore_barrier()

        pltpu.sync_copy(acc.at[pl.ds(si * RPT, RPT)],
                        agg_hbm.at[slidx, pl.ds(si * RPT, RPT)])
        plsc.subcore_barrier()


def _cat(ref3):
    return jnp.concatenate([ref3[k] for k in range(XSL)], axis=1)


def _split_store(ref3, val):
    for k in range(XSL):
        ref3[k] = val[:, k * HSL:(k + 1) * HSL]


def _pre_body(x_ref, nw_ref, nb_ref, p_ref, wa_ref, xe_ref, ec_ref):
    h = jnp.maximum(
        jnp.dot(x_ref[...], nw_ref[...], preferred_element_type=jnp.float32)
        + nb_ref[...], 0.0)
    ec = jnp.dot(p_ref[0] + p_ref[1], wa_ref[...],
                 preferred_element_type=jnp.float32)
    ec_ref[...] = ec
    _split_store(xe_ref, h + ec)


def _ka_body(s_ref, xe_ref, agg_ref, w1_ref, b1_ref, z1_ref, st_ref, acc_ref):
    i = pl.program_id(0)
    @pl.when(i == 0)
    def _():
        acc_ref[...] = jnp.zeros_like(acc_ref)
    zpre = s_ref[0, 0] * _cat(xe_ref) + _cat(agg_ref)
    z1 = jnp.dot(zpre, w1_ref[...], preferred_element_type=jnp.float32) + b1_ref[...]
    z1_ref[...] = z1.astype(jnp.bfloat16)
    acc_ref[0:1, :] += jnp.sum(z1, axis=0, keepdims=True)
    acc_ref[1:2, :] += jnp.sum(z1 * z1, axis=0, keepdims=True)
    @pl.when(i == NBLK - 1)
    def _():
        st_ref[...] = acc_ref[...]


def _bn_coeff(st_ref, g_ref, bb_ref):
    m = st_ref[0:1, :] * (1.0 / N)
    v = st_ref[1:2, :] * (1.0 / N) - m * m
    a = g_ref[...] * lax.rsqrt(v + 1e-5)
    c = bb_ref[...] - m * a
    return a, c


def _kb_body(z1_ref, st_ref, g1_ref, bb1_ref, w2_ref, b2_ref,
             z2_ref, st2_ref, acc_ref):
    i = pl.program_id(0)
    @pl.when(i == 0)
    def _():
        acc_ref[...] = jnp.zeros_like(acc_ref)
    a, c = _bn_coeff(st_ref, g1_ref, bb1_ref)
    z1n = jnp.maximum(z1_ref[...].astype(jnp.float32) * a + c, 0.0)
    z2 = jnp.dot(z1n, w2_ref[...], preferred_element_type=jnp.float32) + b2_ref[...]
    z2_ref[...] = z2
    acc_ref[0:1, :] += jnp.sum(z2, axis=0, keepdims=True)
    acc_ref[1:2, :] += jnp.sum(z2 * z2, axis=0, keepdims=True)
    @pl.when(i == NBLK - 1)
    def _():
        st2_ref[...] = acc_ref[...]


def _kc_body(z2_ref, st2_ref, g_ref, bb_ref, ec_ref, xe_ref):
    a, c = _bn_coeff(st2_ref, g_ref, bb_ref)
    h = jnp.maximum(z2_ref[...] * a + c, 0.0)
    _split_store(xe_ref, h + ec_ref[...])


def _kpool_body(z2_ref, st2_ref, g_ref, bb_ref, batch_ref, ow_ref, ob_ref,
                out_ref, pool_ref):
    i = pl.program_id(0)
    @pl.when(i == 0)
    def _():
        pool_ref[...] = jnp.zeros_like(pool_ref)
    a, c = _bn_coeff(st2_ref, g_ref, bb_ref)
    h = jnp.maximum(z2_ref[...] * a + c, 0.0)
    onehot = (batch_ref[0] == lax.broadcasted_iota(jnp.int32, (G, MB), 0)
              ).astype(jnp.float32)
    pool_ref[...] += jnp.dot(onehot, h, preferred_element_type=jnp.float32)
    @pl.when(i == NBLK - 1)
    def _():
        out_ref[...] = (jnp.dot(pool_ref[...], ow_ref[...],
                                preferred_element_type=jnp.float32)
                        + ob_ref[...])


def _full(shape):
    return pl.BlockSpec(shape, lambda i: tuple(0 for _ in shape))


def _rows(d):
    return pl.BlockSpec((MB, d), lambda i: (i, 0))


def _rows3():
    return pl.BlockSpec((XSL, MB, HSL), lambda i: (0, i, 0))


_SEQ = pltpu.CompilerParams(dimension_semantics=("arbitrary",))
_XE_SHAPE = jax.ShapeDtypeStruct((XSL, N, HSL), jnp.float32)


def _k_pre(x, node_W, node_b, P, W_aug):
    return pl.pallas_call(
        _pre_body,
        grid=(NBLK,),
        in_specs=[
            _rows(256),
            _full((256, H)),
            _full((1, H)),
            pl.BlockSpec((NC, MB, DEA), lambda i: (0, i, 0)),
            _full((DEA, H)),
        ],
        out_specs=[_rows3(), _rows(H)],
        out_shape=[_XE_SHAPE, jax.ShapeDtypeStruct((N, H), jnp.float32)],
        compiler_params=_SEQ,
    )(x, node_W, node_b, P, W_aug)


def _k_a(s, xe, agg, W1, b1):
    return pl.pallas_call(
        _ka_body,
        grid=(NBLK,),
        in_specs=[
            _full((1, 1)),
            _rows3(),
            pl.BlockSpec((XSL, MB, HSL), lambda i: (0, i, 0)),
            _full((H, 2 * H)),
            _full((1, 2 * H)),
        ],
        out_specs=[_rows(2 * H), _full((8, 2 * H))],
        out_shape=[jax.ShapeDtypeStruct((N, 2 * H), jnp.bfloat16),
                   jax.ShapeDtypeStruct((8, 2 * H), jnp.float32)],
        scratch_shapes=[pltpu.VMEM((8, 2 * H), jnp.float32)],
        compiler_params=_SEQ,
    )(s, xe, agg, W1, b1)


def _k_b(z1, st1, g1, bb1, W2, b2):
    return pl.pallas_call(
        _kb_body,
        grid=(NBLK,),
        in_specs=[
            _rows(2 * H),
            _full((8, 2 * H)),
            _full((1, 2 * H)),
            _full((1, 2 * H)),
            _full((2 * H, H)),
            _full((1, H)),
        ],
        out_specs=[_rows(H), _full((8, H))],
        out_shape=[jax.ShapeDtypeStruct((N, H), jnp.float32),
                   jax.ShapeDtypeStruct((8, H), jnp.float32)],
        scratch_shapes=[pltpu.VMEM((8, H), jnp.float32)],
        compiler_params=_SEQ,
    )(z1, st1, g1, bb1, W2, b2)


def _k_c(z2, st2, g, bb, ec):
    return pl.pallas_call(
        _kc_body,
        grid=(NBLK,),
        in_specs=[
            _rows(H),
            _full((8, H)),
            _full((1, H)),
            _full((1, H)),
            _rows(H),
        ],
        out_specs=_rows3(),
        out_shape=_XE_SHAPE,
        compiler_params=_SEQ,
    )(z2, st2, g, bb, ec)


def _k_pool(z2, st2, g, bb, batch3, out_W, out_b):
    return pl.pallas_call(
        _kpool_body,
        grid=(NBLK,),
        in_specs=[
            _rows(H),
            _full((8, H)),
            _full((1, H)),
            _full((1, H)),
            pl.BlockSpec((1, 1, MB), lambda i: (i, 0, 0)),
            _full((H, 256)),
            _full((1, 256)),
        ],
        out_specs=_full((G, 256)),
        out_shape=jax.ShapeDtypeStruct((G, 256), jnp.float32),
        scratch_shapes=[pltpu.VMEM((G, H), jnp.float32)],
        compiler_params=_SEQ,
    )(z2, st2, g, bb, batch3, out_W, out_b)


def kernel(x, edge_index, edge_attr, batch, params):
    row = edge_index[0].astype(jnp.int32)
    col = edge_index[1].astype(jnp.int32)
    ea_aug = jnp.concatenate(
        [edge_attr,
         jnp.ones((E, 1), jnp.float32),
         jnp.zeros((E, DEA - 17), jnp.float32)], axis=1)
    W_aug = jnp.concatenate(
        [params['edge_W'],
         params['edge_b'][None, :],
         jnp.zeros((DEA - 17, H), jnp.float32)], axis=0)

    P = _sc_edge_feat(ea_aug, row, col)
    xe, ec = _k_pre(x, params['node_W'], params['node_b'][None, :], P, W_aug)

    out = None
    for l in range(L):
        p = params['layers'][l]
        agg = _sc_agg(xe, row, col)
        s = jnp.reshape(1.0 + p['eps'], (1, 1))
        z1, st1 = _k_a(s, xe, agg, p['W1'], p['b1'][None, :])
        z2, st2 = _k_b(z1, st1, p['g1'][None, :], p['bb1'][None, :],
                       p['W2'], p['b2'][None, :])
        if l < L - 1:
            xe = _k_c(z2, st2, p['g'][None, :], p['bb'][None, :], ec)
        else:
            batch3 = batch.astype(jnp.int32).reshape(NBLK, 1, MB)
            out = _k_pool(z2, st2, p['g'][None, :], p['bb'][None, :],
                          batch3, params['out_W'], params['out_b'][None, :])
    return out

# --- scband reference (transcript-rebuilt; emitter-appended) ---
"""Pipeline reference for scband-ginencoder-with-edge-34299608826266 (READ-ONLY COPY).

The authoritative reference and input builder live on the scoring server;
editing this copy changes nothing except your own understanding.
"""

import jax, jax.numpy as jnp
import numpy as np

N = 10000
E = 160000
D_IN = 256
D_EDGE = 16
H = 512
OUT = 256
L = 3
G = 64


def _lin_init(key, fan_in, fan_out):
    k1, k2 = jax.random.split(key)
    scale = 1.0 / np.sqrt(fan_in)
    W = jax.random.uniform(k1, (fan_in, fan_out), jnp.float32, -scale, scale)
    b = jax.random.uniform(k2, (fan_out,), jnp.float32, -scale, scale)
    return W, b


def setup_inputs(seed: int = 0) -> dict:
    key = jax.random.key(seed)
    ks = jax.random.split(key, 64)
    x = jax.random.normal(ks[0], (N, D_IN), jnp.float32)
    edge_index = jax.random.randint(ks[1], (2, E), 0, N)
    edge_attr = jax.random.normal(ks[2], (E, D_EDGE), jnp.float32)
    batch = jnp.sort(jax.random.randint(ks[3], (N,), 0, G))

    node_W, node_b = _lin_init(ks[4], D_IN, H)
    edge_W, edge_b = _lin_init(ks[5], D_EDGE, H)
    layers = []
    for l in range(L):
        W1, b1 = _lin_init(ks[6 + 3 * l], H, 2 * H)
        W2, b2 = _lin_init(ks[7 + 3 * l], 2 * H, H)
        layers.append({
            'W1': W1, 'b1': b1,
            'g1': jnp.ones((2 * H,), jnp.float32), 'bb1': jnp.zeros((2 * H,), jnp.float32),
            'W2': W2, 'b2': b2,
            'eps': jnp.zeros((), jnp.float32),
            'g': jnp.ones((H,), jnp.float32), 'bb': jnp.zeros((H,), jnp.float32),
        })
    out_W, out_b = _lin_init(ks[30], H, OUT)
    params = {
        'node_W': node_W, 'node_b': node_b,
        'edge_W': edge_W, 'edge_b': edge_b,
        'layers': layers,
        'out_W': out_W, 'out_b': out_b,
    }
    return {'x': x, 'edge_index': edge_index, 'edge_attr': edge_attr, 'batch': batch, 'params': params}


def _bn(x, g, b):
    m = jnp.mean(x, axis=0)
    v = jnp.var(x, axis=0)
    return (x - m) / jnp.sqrt(v + 1e-5) * g + b


def reference(x, edge_index, edge_attr, batch, params):
    h = jnp.maximum(x @ params['node_W'] + params['node_b'], 0.0)
    ea = edge_attr @ params['edge_W'] + params['edge_b']
    row = edge_index[0]
    col = edge_index[1]
    for l in range(L):
        p = params['layers'][l]
        ec = jnp.zeros_like(h).at[row].add(ea).at[col].add(ea)
        xe = h + ec
        # GINConv (PyG): mlp((1+eps)*x + sum_{j->i} x_j), source=row, target=col
        agg = jax.ops.segment_sum(xe[row], col, num_segments=N)
        z = (1.0 + p['eps']) * xe + agg
        z = z @ p['W1'] + p['b1']
        z = _bn(z, p['g1'], p['bb1'])
        z = jnp.maximum(z, 0.0)
        z = z @ p['W2'] + p['b2']
        h = jnp.maximum(_bn(z, p['g'], p['bb']), 0.0)
        # dropout: identity (eval mode)
    pooled = jax.ops.segment_sum(h, batch, num_segments=G)
    return pooled @ params['out_W'] + params['out_b']

if __name__ == "__main__":
    import jax
    _d = setup_inputs()
    print(jax.jit(kernel)(*tuple(_d.values())))

</pallas_src>

<mosaic_0001>
#map = affine_map<(d0, d1) -> (0, 0)>
#map1 = affine_map<(d0, d1) -> (0)>
#map2 = affine_map<(d0, d1) -> (0, 0, 0)>
module attributes {stable_mosaic.version = 14 : i64} {
  func.func @_sc_edge_feat(%arg0: i32, %arg1: i32, %arg2: memref<160000x128xf32, #tpu.memory_space<hbm>>, %arg3: memref<160000xi32, #tpu.memory_space<hbm>>, %arg4: memref<160000xi32, #tpu.memory_space<hbm>>, %arg5: memref<2x10240x128xf32, #tpu.memory_space<hbm>>, %arg6: memref<10240x128xf32, #tpu.memory_space<vmem_shared>>, %arg7: memref<40xi32, #tpu.memory_space<vmem>>, %arg8: memref<40xi32, #tpu.memory_space<vmem>>, %arg9: memref<40x128xf32, #tpu.memory_space<vmem>>, %arg10: memref<40xi32, #tpu.memory_space<vmem>>, %arg11: memref<40xi32, #tpu.memory_space<vmem>>, %arg12: memref<40x128xf32, #tpu.memory_space<vmem>>, %arg13: memref<16x128xf32, #tpu.memory_space<vmem>>, %arg14: memref<!tpu.dma_semaphore, #tpu.memory_space<semaphore_mem>>, %arg15: memref<!tpu.dma_semaphore, #tpu.memory_space<semaphore_mem>>) attributes {dimension_semantics = [#tpu.dimension_semantics<core_parallel>, #tpu.dimension_semantics<subcore_parallel>], iteration_bounds = array<i64: 2, 16>, scalar_prefetch = 0 : i64, scratch_operands = 10 : i64, tpu.core_type = #tpu.core_type<sc_vector_subcore>, window_params = [{transform_indices = #map}, {transform_indices = #map1}, {transform_indices = #map1}, {transform_indices = #map2}]} {
    %mul3A = arith.constant 16 : i32
    %mul3A_0 = arith.muli %arg0, %mul3A : i32
    %add3A = arith.addi %mul3A_0, %arg1 : i32
    %broadcast_in_dim3A = arith.constant 0.000000e+00 : f32
    %broadcast_in_dim3A_1 = vector.broadcast %broadcast_in_dim3A : f32 to vector<16xf32>
    %scan3A = arith.constant 0 : i32
    %scan3A_2 = arith.constant 0 : i32
    %scan3A_3 = arith.constant 8 : i32
    %scan3A_4 = arith.addi %scan3A_2, %scan3A_3 : i32
    %scan3A_5 = arith.constant 1 : i32
    scf.for %scan3A_136 = %scan3A_2 to %scan3A_4 step %scan3A_5  : i32 {
      %mul3A_137 = arith.constant 16 : i32
      %mul3A_138 = arith.muli %scan3A_136, %mul3A_137 : i32
      %swap3A = arith.constant 0 : i32
      %swap3A_139 = arith.index_cast %swap3A : i32 to index
      %swap3A_140 = arith.index_cast %mul3A_138 : i32 to index
      %swap3A_141 = tpu.vector_load %arg13[%swap3A_139, %swap3A_140] {strides = array<i32>} : memref<16x128xf32, #tpu.memory_space<vmem>>, vector<1x16xf32>,
      %swap3A_142 = vector.shape_cast %swap3A_141 : vector<1x16xf32> to vector<16xf32>
      %swap3A_143 = vector.shape_cast %broadcast_in_dim3A_1 : vector<16xf32> to vector<1x16xf32>
      tpu.vector_store %arg13[%swap3A_139, %swap3A_140], %swap3A_143 {strides = array<i32>} : memref<16x128xf32, #tpu.memory_space<vmem>>, vector<1x16xf32>,
    }
    %scan3A_6 = arith.constant 8 : i32
    %scan3A_7 = arith.constant 0 : i32
    %scan3A_8 = arith.constant 0 : i32
    %scan3A_9 = arith.constant 8 : i32
    %scan3A_10 = arith.addi %scan3A_8, %scan3A_9 : i32
    %scan3A_11 = arith.constant 1 : i32
    scf.for %scan3A_136 = %scan3A_8 to %scan3A_10 step %scan3A_11  : i32 {
      %mul3A_137 = arith.constant 16 : i32
      %mul3A_138 = arith.muli %scan3A_136, %mul3A_137 : i32
      %swap3A = arith.constant 1 : i32
      %swap3A_139 = arith.index_cast %swap3A : i32 to index
      %swap3A_140 = arith.index_cast %mul3A_138 : i32 to index
      %swap3A_141 = tpu.vector_load %arg13[%swap3A_139, %swap3A_140] {strides = array<i32>} : memref<16x128xf32, #tpu.memory_space<vmem>>, vector<1x16xf32>,
      %swap3A_142 = vector.shape_cast %swap3A_141 : vector<1x16xf32> to vector<16xf32>
      %swap3A_143 = vector.shape_cast %broadcast_in_dim3A_1 : vector<16xf32> to vector<1x16xf32>
      tpu.vector_store %arg13[%swap3A_139, %swap3A_140], %swap3A_143 {strides = array<i32>} : memref<16x128xf32, #tpu.memory_space<vmem>>, vector<1x16xf32>,
    }
    %scan3A_12 = arith.constant 8 : i32
    %scan3A_13 = arith.constant 0 : i32
    %scan3A_14 = arith.constant 0 : i32
    %scan3A_15 = arith.constant 8 : i32
    %scan3A_16 = arith.addi %scan3A_14, %scan3A_15 : i32
    %scan3A_17 = arith.constant 1 : i32
    scf.for %scan3A_136 = %scan3A_14 to %scan3A_16 step %scan3A_17  : i32 {
      %mul3A_137 = arith.constant 16 : i32
      %mul3A_138 = arith.muli %scan3A_136, %mul3A_137 : i32
      %swap3A = arith.constant 2 : i32
      %swap3A_139 = arith.index_cast %swap3A : i32 to index
      %swap3A_140 = arith.index_cast %mul3A_138 : i32 to index
      %swap3A_141 = tpu.vector_load %arg13[%swap3A_139, %swap3A_140] {strides = array<i32>} : memref<16x128xf32, #tpu.memory_space<vmem>>, vector<1x16xf32>,
      %swap3A_142 = vector.shape_cast %swap3A_141 : vector<1x16xf32> to vector<16xf32>
      %swap3A_143 = vector.shape_cast %broadcast_in_dim3A_1 : vector<16xf32> to vector<1x16xf32>
      tpu.vector_store %arg13[%swap3A_139, %swap3A_140], %swap3A_143 {strides = array<i32>} : memref<16x128xf32, #tpu.memory_space<vmem>>, vector<1x16xf32>,
    }
    %scan3A_18 = arith.constant 8 : i32
    %scan3A_19 = arith.constant 0 : i32
    %scan3A_20 = arith.constant 0 : i32
    %scan3A_21 = arith.constant 8 : i32
    %scan3A_22 = arith.addi %scan3A_20, %scan3A_21 : i32
    %scan3A_23 = arith.constant 1 : i32
    scf.for %scan3A_136 = %scan3A_20 to %scan3A_22 step %scan3A_23  : i32 {
      %mul3A_137 = arith.constant 16 : i32
      %mul3A_138 = arith.muli %scan3A_136, %mul3A_137 : i32
      %swap3A = arith.constant 3 : i32
      %swap3A_139 = arith.index_cast %swap3A : i32 to index
      %swap3A_140 = arith.index_cast %mul3A_138 : i32 to index
      %swap3A_141 = tpu.vector_load %arg13[%swap3A_139, %swap3A_140] {strides = array<i32>} : memref<16x128xf32, #tpu.memory_space<vmem>>, vector<1x16xf32>,
      %swap3A_142 = vector.shape_cast %swap3A_141 : vector<1x16xf32> to vector<16xf32>
      %swap3A_143 = vector.shape_cast %broadcast_in_dim3A_1 : vector<16xf32> to vector<1x16xf32>
      tpu.vector_store %arg13[%swap3A_139, %swap3A_140], %swap3A_143 {strides = array<i32>} : memref<16x128xf32, #tpu.memory_space<vmem>>, vector<1x16xf32>,
    }
    %scan3A_24 = arith.constant 8 : i32
    %scan3A_25 = arith.constant 0 : i32
    %scan3A_26 = arith.constant 0 : i32
    %scan3A_27 = arith.constant 8 : i32
    %scan3A_28 = arith.addi %scan3A_26, %scan3A_27 : i32
    %scan3A_29 = arith.constant 1 : i32
    scf.for %scan3A_136 = %scan3A_26 to %scan3A_28 step %scan3A_29  : i32 {
      %mul3A_137 = arith.constant 16 : i32
      %mul3A_138 = arith.muli %scan3A_136, %mul3A_137 : i32
      %swap3A = arith.constant 4 : i32
      %swap3A_139 = arith.index_cast %swap3A : i32 to index
      %swap3A_140 = arith.index_cast %mul3A_138 : i32 to index
      %swap3A_141 = tpu.vector_load %arg13[%swap3A_139, %swap3A_140] {strides = array<i32>} : memref<16x128xf32, #tpu.memory_space<vmem>>, vector<1x16xf32>,
      %swap3A_142 = vector.shape_cast %swap3A_141 : vector<1x16xf32> to vector<16xf32>
      %swap3A_143 = vector.shape_cast %broadcast_in_dim3A_1 : vector<16xf32> to vector<1x16xf32>
      tpu.vector_store %arg13[%swap3A_139, %swap3A_140], %swap3A_143 {strides = array<i32>} : memref<16x128xf32, #tpu.memory_space<vmem>>, vector<1x16xf32>,
    }
    %scan3A_30 = arith.constant 8 : i32
    %scan3A_31 = arith.constant 0 : i32
    %scan3A_32 = arith.constant 0 : i32
    %scan3A_33 = arith.constant 8 : i32
    %scan3A_34 = arith.addi %scan3A_32, %scan3A_33 : i32
    %scan3A_35 = arith.constant 1 : i32
    scf.for %scan3A_136 = %scan3A_32 to %scan3A_34 step %scan3A_35  : i32 {
      %mul3A_137 = arith.constant 16 : i32
      %mul3A_138 = arith.muli %scan3A_136, %mul3A_137 : i32
      %swap3A = arith.constant 5 : i32
      %swap3A_139 = arith.index_cast %swap3A : i32 to index
      %swap3A_140 = arith.index_cast %mul3A_138 : i32 to index
      %swap3A_141 = tpu.vector_load %arg13[%swap3A_139, %swap3A_140] {strides = array<i32>} : memref<16x128xf32, #tpu.memory_space<vmem>>, vector<1x16xf32>,
      %swap3A_142 = vector.shape_cast %swap3A_141 : vector<1x16xf32> to vector<16xf32>
      %swap3A_143 = vector.shape_cast %broadcast_in_dim3A_1 : vector<16xf32> to vector<1x16xf32>
      tpu.vector_store %arg13[%swap3A_139, %swap3A_140], %swap3A_143 {strides = array<i32>} : memref<16x128xf32, #tpu.memory_space<vmem>>, vector<1x16xf32>,
    }
    %scan3A_36 = arith.constant 8 : i32
    %scan3A_37 = arith.constant 0 : i32
    %scan3A_38 = arith.constant 0 : i32
    %scan3A_39 = arith.constant 8 : i32
    %scan3A_40 = arith.addi %scan3A_38, %scan3A_39 : i32
    %scan3A_41 = arith.constant 1 : i32
    scf.for %scan3A_136 = %scan3A_38 to %scan3A_40 step %scan3A_41  : i32 {
      %mul3A_137 = arith.constant 16 : i32
      %mul3A_138 = arith.muli %scan3A_136, %mul3A_137 : i32
      %swap3A = arith.constant 6 : i32
      %swap3A_139 = arith.index_cast %swap3A : i32 to index
      %swap3A_140 = arith.index_cast %mul3A_138 : i32 to index
      %swap3A_141 = tpu.vector_load %arg13[%swap3A_139, %swap3A_140] {strides = array<i32>} : memref<16x128xf32, #tpu.memory_space<vmem>>, vector<1x16xf32>,
      %swap3A_142 = vector.shape_cast %swap3A_141 : vector<1x16xf32> to vector<16xf32>
      %swap3A_143 = vector.shape_cast %broadcast_in_dim3A_1 : vector<16xf32> to vector<1x16xf32>
      tpu.vector_store %arg13[%swap3A_139, %swap3A_140], %swap3A_143 {strides = array<i32>} : memref<16x128xf32, #tpu.memory_space<vmem>>, vector<1x16xf32>,
    }
    %scan3A_42 = arith.constant 8 : i32
    %scan3A_43 = arith.constant 0 : i32
    %scan3A_44 = arith.constant 0 : i32
    %scan3A_45 = arith.constant 8 : i32
    %scan3A_46 = arith.addi %scan3A_44, %scan3A_45 : i32
    %scan3A_47 = arith.constant 1 : i32
    scf.for %scan3A_136 = %scan3A_44 to %scan3A_46 step %scan3A_47  : i32 {
      %mul3A_137 = arith.constant 16 : i32
      %mul3A_138 = arith.muli %scan3A_136, %mul3A_137 : i32
      %swap3A = arith.constant 7 : i32
      %swap3A_139 = arith.index_cast %swap3A : i32 to index
      %swap3A_140 = arith.index_cast %mul3A_138 : i32 to index
      %swap3A_141 = tpu.vector_load %arg13[%swap3A_139, %swap3A_140] {strides = array<i32>} : memref<16x128xf32, #tpu.memory_space<vmem>>, vector<1x16xf32>,
      %swap3A_142 = vector.shape_cast %swap3A_141 : vector<1x16xf32> to vector<16xf32>
      %swap3A_143 = vector.shape_cast %broadcast_in_dim3A_1 : vector<16xf32> to vector<1x16xf32>
      tpu.vector_store %arg13[%swap3A_139, %swap3A_140], %swap3A_143 {strides = array<i32>} : memref<16x128xf32, #tpu.memory_space<vmem>>, vector<1x16xf32>,
    }
    %scan3A_48 = arith.constant 8 : i32
    %scan3A_49 = arith.constant 0 : i32
    %scan3A_50 = arith.constant 0 : i32
    %scan3A_51 = arith.constant 8 : i32
    %scan3A_52 = arith.addi %scan3A_50, %scan3A_51 : i32
    %scan3A_53 = arith.constant 1 : i32
    scf.for %scan3A_136 = %scan3A_50 to %scan3A_52 step %scan3A_53  : i32 {
      %mul3A_137 = arith.constant 16 : i32
      %mul3A_138 = arith.muli %scan3A_136, %mul3A_137 : i32
      %swap3A = arith.constant 8 : i32
      %swap3A_139 = arith.index_cast %swap3A : i32 to index
      %swap3A_140 = arith.index_cast %mul3A_138 : i32 to index
      %swap3A_141 = tpu.vector_load %arg13[%swap3A_139, %swap3A_140] {strides = array<i32>} : memref<16x128xf32, #tpu.memory_space<vmem>>, vector<1x16xf32>,
      %swap3A_142 = vector.shape_cast %swap3A_141 : vector<1x16xf32> to vector<16xf32>
      %swap3A_143 = vector.shape_cast %broadcast_in_dim3A_1 : vector<16xf32> to vector<1x16xf32>
      tpu.vector_store %arg13[%swap3A_139, %swap3A_140], %swap3A_143 {strides = array<i32>} : memref<16x128xf32, #tpu.memory_space<vmem>>, vector<1x16xf32>,
    }
    %scan3A_54 = arith.constant 8 : i32
    %scan3A_55 = arith.constant 0 : i32
    %scan3A_56 = arith.constant 0 : i32
    %scan3A_57 = arith.constant 8 : i32
    %scan3A_58 = arith.addi %scan3A_56, %scan3A_57 : i32
    %scan3A_59 = arith.constant 1 : i32
    scf.for %scan3A_136 = %scan3A_56 to %scan3A_58 step %scan3A_59  : i32 {
      %mul3A_137 = arith.constant 16 : i32
      %mul3A_138 = arith.muli %scan3A_136, %mul3A_137 : i32
      %swap3A = arith.constant 9 : i32
      %swap3A_139 = arith.index_cast %swap3A : i32 to index
      %swap3A_140 = arith.index_cast %mul3A_138 : i32 to index
      %swap3A_141 = tpu.vector_load %arg13[%swap3A_139, %swap3A_140] {strides = array<i32>} : memref<16x128xf32, #tpu.memory_space<vmem>>, vector<1x16xf32>,
      %swap3A_142 = vector.shape_cast %swap3A_141 : vector<1x16xf32> to vector<16xf32>
      %swap3A_143 = vector.shape_cast %broadcast_in_dim3A_1 : vector<16xf32> to vector<1x16xf32>
      tpu.vector_store %arg13[%swap3A_139, %swap3A_140], %swap3A_143 {strides = array<i32>} : memref<16x128xf32, #tpu.memory_space<vmem>>, vector<1x16xf32>,
    }
    %scan3A_60 = arith.constant 8 : i32
    %scan3A_61 = arith.constant 0 : i32
    %scan3A_62 = arith.constant 0 : i32
    %scan3A_63 = arith.constant 8 : i32
    %scan3A_64 = arith.addi %scan3A_62, %scan3A_63 : i32
    %scan3A_65 = arith.constant 1 : i32
    scf.for %scan3A_136 = %scan3A_62 to %scan3A_64 step %scan3A_65  : i32 {
      %mul3A_137 = arith.constant 16 : i32
      %mul3A_138 = arith.muli %scan3A_136, %mul3A_137 : i32
      %swap3A = arith.constant 10 : i32
      %swap3A_139 = arith.index_cast %swap3A : i32 to index
      %swap3A_140 = arith.index_cast %mul3A_138 : i32 to index
      %swap3A_141 = tpu.vector_load %arg13[%swap3A_139, %swap3A_140] {strides = array<i32>} : memref<16x128xf32, #tpu.memory_space<vmem>>, vector<1x16xf32>,
      %swap3A_142 = vector.shape_cast %swap3A_141 : vector<1x16xf32> to vector<16xf32>
      %swap3A_143 = vector.shape_cast %broadcast_in_dim3A_1 : vector<16xf32> to vector<1x16xf32>
      tpu.vector_store %arg13[%swap3A_139, %swap3A_140], %swap3A_143 {strides = array<i32>} : memref<16x128xf32, #tpu.memory_space<vmem>>, vector<1x16xf32>,
    }
    %scan3A_66 = arith.constant 8 : i32
    %scan3A_67 = arith.constant 0 : i32
    %scan3A_68 = arith.constant 0 : i32
    %scan3A_69 = arith.constant 8 : i32
    %scan3A_70 = arith.addi %scan3A_68, %scan3A_69 : i32
    %scan3A_71 = arith.constant 1 : i32
    scf.for %scan3A_136 = %scan3A_68 to %scan3A_70 step %scan3A_71  : i32 {
      %mul3A_137 = arith.constant 16 : i32
      %mul3A_138 = arith.muli %scan3A_136, %mul3A_137 : i32
      %swap3A = arith.constant 11 : i32
      %swap3A_139 = arith.index_cast %swap3A : i32 to index
      %swap3A_140 = arith.index_cast %mul3A_138 : i32 to index
      %swap3A_141 = tpu.vector_load %arg13[%swap3A_139, %swap3A_140] {strides = array<i32>} : memref<16x128xf32, #tpu.memory_space<vmem>>, vector<1x16xf32>,
      %swap3A_142 = vector.shape_cast %swap3A_141 : vector<1x16xf32> to vector<16xf32>
      %swap3A_143 = vector.shape_cast %broadcast_in_dim3A_1 : vector<16xf32> to vector<1x16xf32>
      tpu.vector_store %arg13[%swap3A_139, %swap3A_140], %swap3A_143 {strides = array<i32>} : memref<16x128xf32, #tpu.memory_space<vmem>>, vector<1x16xf32>,
    }
    %scan3A_72 = arith.constant 8 : i32
    %scan3A_73 = arith.constant 0 : i32
    %scan3A_74 = arith.constant 0 : i32
    %scan3A_75 = arith.constant 8 : i32
    %scan3A_76 = arith.addi %scan3A_74, %scan3A_75 : i32
    %scan3A_77 = arith.constant 1 : i32
    scf.for %scan3A_136 = %scan3A_74 to %scan3A_76 step %scan3A_77  : i32 {
      %mul3A_137 = arith.constant 16 : i32
      %mul3A_138 = arith.muli %scan3A_136, %mul3A_137 : i32
      %swap3A = arith.constant 12 : i32
      %swap3A_139 = arith.index_cast %swap3A : i32 to index
      %swap3A_140 = arith.index_cast %mul3A_138 : i32 to index
      %swap3A_141 = tpu.vector_load %arg13[%swap3A_139, %swap3A_140] {strides = array<i32>} : memref<16x128xf32, #tpu.memory_space<vmem>>, vector<1x16xf32>,
      %swap3A_142 = vector.shape_cast %swap3A_141 : vector<1x16xf32> to vector<16xf32>
      %swap3A_143 = vector.shape_cast %broadcast_in_dim3A_1 : vector<16xf32> to vector<1x16xf32>
      tpu.vector_store %arg13[%swap3A_139, %swap3A_140], %swap3A_143 {strides = array<i32>} : memref<16x128xf32, #tpu.memory_space<vmem>>, vector<1x16xf32>,
    }
    %scan3A_78 = arith.constant 8 : i32
    %scan3A_79 = arith.constant 0 : i32
    %scan3A_80 = arith.constant 0 : i32
    %scan3A_81 = arith.constant 8 : i32
    %scan3A_82 = arith.addi %scan3A_80, %scan3A_81 : i32
    %scan3A_83 = arith.constant 1 : i32
    scf.for %scan3A_136 = %scan3A_80 to %scan3A_82 step %scan3A_83  : i32 {
      %mul3A_137 = arith.constant 16 : i32
      %mul3A_138 = arith.muli %scan3A_136, %mul3A_137 : i32
      %swap3A = arith.constant 13 : i32
      %swap3A_139 = arith.index_cast %swap3A : i32 to index
      %swap3A_140 = arith.index_cast %mul3A_138 : i32 to index
      %swap3A_141 = tpu.vector_load %arg13[%swap3A_139, %swap3A_140] {strides = array<i32>} : memref<16x128xf32, #tpu.memory_space<vmem>>, vector<1x16xf32>,
      %swap3A_142 = vector.shape_cast %swap3A_141 : vector<1x16xf32> to vector<16xf32>
      %swap3A_143 = vector.shape_cast %broadcast_in_dim3A_1 : vector<16xf32> to vector<1x16xf32>
      tpu.vector_store %arg13[%swap3A_139, %swap3A_140], %swap3A_143 {strides = array<i32>} : memref<16x128xf32, #tpu.memory_space<vmem>>, vector<1x16xf32>,
    }
    %scan3A_84 = arith.constant 8 : i32
    %scan3A_85 = arith.constant 0 : i32
    %scan3A_86 = arith.constant 0 : i32
    %scan3A_87 = arith.constant 8 : i32
    %scan3A_88 = arith.addi %scan3A_86, %scan3A_87 : i32
    %scan3A_89 = arith.constant 1 : i32
    scf.for %scan3A_136 = %scan3A_86 to %scan3A_88 step %scan3A_89  : i32 {
      %mul3A_137 = arith.constant 16 : i32
      %mul3A_138 = arith.muli %scan3A_136, %mul3A_137 : i32
      %swap3A = arith.constant 14 : i32
      %swap3A_139 = arith.index_cast %swap3A : i32 to index
      %swap3A_140 = arith.index_cast %mul3A_138 : i32 to index
      %swap3A_141 = tpu.vector_load %arg13[%swap3A_139, %swap3A_140] {strides = array<i32>} : memref<16x128xf32, #tpu.memory_space<vmem>>, vector<1x16xf32>,
      %swap3A_142 = vector.shape_cast %swap3A_141 : vector<1x16xf32> to vector<16xf32>
      %swap3A_143 = vector.shape_cast %broadcast_in_dim3A_1 : vector<16xf32> to vector<1x16xf32>
      tpu.vector_store %arg13[%swap3A_139, %swap3A_140], %swap3A_143 {strides = array<i32>} : memref<16x128xf32, #tpu.memory_space<vmem>>, vector<1x16xf32>,
    }
    %scan3A_90 = arith.constant 8 : i32
    %scan3A_91 = arith.constant 0 : i32
    %scan3A_92 = arith.constant 0 : i32
    %scan3A_93 = arith.constant 8 : i32
    %scan3A_94 = arith.addi %scan3A_92, %scan3A_93 : i32
    %scan3A_95 = arith.constant 1 : i32
    scf.for %scan3A_136 = %scan3A_92 to %scan3A_94 step %scan3A_95  : i32 {
      %mul3A_137 = arith.constant 16 : i32
      %mul3A_138 = arith.muli %scan3A_136, %mul3A_137 : i32
      %swap3A = arith.constant 15 : i32
      %swap3A_139 = arith.index_cast %swap3A : i32 to index
      %swap3A_140 = arith.index_cast %mul3A_138 : i32 to index
      %swap3A_141 = tpu.vector_load %arg13[%swap3A_139, %swap3A_140] {strides = array<i32>} : memref<16x128xf32, #tpu.memory_space<vmem>>, vector<1x16xf32>,
      %swap3A_142 = vector.shape_cast %swap3A_141 : vector<1x16xf32> to vector<16xf32>
      %swap3A_143 = vector.shape_cast %broadcast_in_dim3A_1 : vector<16xf32> to vector<1x16xf32>
      tpu.vector_store %arg13[%swap3A_139, %swap3A_140], %swap3A_143 {strides = array<i32>} : memref<16x128xf32, #tpu.memory_space<vmem>>, vector<1x16xf32>,
    }
    %scan3A_96 = arith.constant 8 : i32
    %scan3A_97 = arith.constant 0 : i32
    %scan3A_98 = arith.constant 0 : i32
    %scan3A_99 = arith.constant 40 : i32
    %scan3A_100 = arith.addi %scan3A_98, %scan3A_99 : i32
    %scan3A_101 = arith.constant 1 : i32
    scf.for %scan3A_136 = %scan3A_98 to %scan3A_100 step %scan3A_101  : i32 {
      %mul3A_137 = arith.constant 640 : i32
      %mul3A_138 = arith.muli %arg1, %mul3A_137 : i32
      %mul3A_139 = arith.constant 16 : i32
      %mul3A_140 = arith.muli %scan3A_136, %mul3A_139 : i32
      %add3A_141 = arith.addi %mul3A_138, %mul3A_140 : i32
      "tpu.region"() ({
        %run_scoped3A = tpu.sem_alloc : memref<!tpu.dma_semaphore, #tpu.memory_space<semaphore_mem>>
        %dma_start3A_142 = arith.constant 0 : i32
        %dma_start3A_143 = tpu.memref_slice %arg6[%add3A_141, %dma_start3A_142] : memref<10240x128xf32, #tpu.memory_space<vmem_shared>> -> memref<16x128xf32, #tpu.memory_space<vmem_shared>>
        %dma_start3A_144 = arith.constant 0 : i32
        %dma_start3A_145 = tpu.memref_slice %arg6[%add3A_141, %dma_start3A_144] : memref<10240x128xf32, #tpu.memory_space<vmem_shared>> -> memref<16x128xf32, #tpu.memory_space<vmem_shared>>
        tpu.enqueue_dma source(%arg13 : memref<16x128xf32, #tpu.memory_space<vmem>>) target(%dma_start3A_145 : memref<16x128xf32, #tpu.memory_space<vmem_shared>>) target_semaphore(%run_scoped3A : memref<!tpu.dma_semaphore, #tpu.memory_space<semaphore_mem>>)
        %dma_wait3A_146 = arith.constant 0 : i32
        %dma_wait3A_147 = tpu.memref_slice %arg6[%add3A_141, %dma_wait3A_146] : memref<10240x128xf32, #tpu.memory_space<vmem_shared>> -> memref<16x128xf32, #tpu.memory_space<vmem_shared>>
        %dma_wait3A_148 = arith.constant 0 : i32
        %dma_wait3A_149 = tpu.memref_slice %arg6[%add3A_141, %dma_wait3A_148] : memref<10240x128xf32, #tpu.memory_space<vmem_shared>> -> memref<16x128xf32, #tpu.memory_space<vmem_shared>>
        tpu.wait_dma2 semaphore(%run_scoped3A : memref<!tpu.dma_semaphore, #tpu.memory_space<semaphore_mem>>) src(%arg13 : memref<16x128xf32, #tpu.memory_space<vmem>>) dst(%dma_wait3A_149 : memref<16x128xf32, #tpu.memory_space<vmem_shared>>)
        tpu.yield
      }) : () -> ()
    }
    %scan3A_102 = arith.constant 40 : i32
    %barrier3A = arith.constant 0 : index
    tpu.barrier barrier_id(%barrier3A)
    %mul3A_103 = arith.constant 5000 : i32
    %mul3A_104 = arith.muli %add3A, %mul3A_103 : i32
    %add3A_105 = arith.constant 0 : i32
    %add3A_106 = arith.addi %mul3A_104, %add3A_105 : i32
    %dma_start3A = tpu.memref_slice %arg3[%add3A_106] : memref<160000xi32, #tpu.memory_space<hbm>> -> memref<40xi32, #tpu.memory_space<hbm>>
    %dma_start3A_107 = tpu.memref_slice %arg3[%add3A_106] : memref<160000xi32, #tpu.memory_space<hbm>> -> memref<40xi32, #tpu.memory_space<hbm>>
    tpu.enqueue_dma source(%dma_start3A_107 : memref<40xi32, #tpu.memory_space<hbm>>) target(%arg7 : memref<40xi32, #tpu.memory_space<vmem>>) target_semaphore(%arg14 : memref<!tpu.dma_semaphore, #tpu.memory_space<semaphore_mem>>)
    %dma_start3A_108 = tpu.memref_slice %arg4[%add3A_106] : memref<160000xi32, #tpu.memory_space<hbm>> -> memref<40xi32, #tpu.memory_space<hbm>>
    %dma_start3A_109 = tpu.memref_slice %arg4[%add3A_106] : memref<160000xi32, #tpu.memory_space<hbm>> -> memref<40xi32, #tpu.memory_space<hbm>>
    tpu.enqueue_dma source(%dma_start3A_109 : memref<40xi32, #tpu.memory_space<hbm>>) target(%arg8 : memref<40xi32, #tpu.memory_space<vmem>>) target_semaphore(%arg14 : memref<!tpu.dma_semaphore, #tpu.memory_space<semaphore_mem>>)
    %dma_start3A_110 = arith.constant 0 : i32
    %dma_start3A_111 = tpu.memref_slice %arg2[%add3A_106, %dma_start3A_110] : memref<160000x128xf32, #tpu.memory_space<hbm>> -> memref<40x128xf32, #tpu.memory_space<hbm>>
    %dma_start3A_112 = arith.constant 0 : i32
    %dma_start3A_113 = tpu.memref_slice %arg2[%add3A_106, %dma_start3A_112] : memref<160000x128xf32, #tpu.memory_space<hbm>> -> memref<40x128xf32, #tpu.memory_space<hbm>>
    tpu.enqueue_dma source(%dma_start3A_113 : memref<40x128xf32, #tpu.memory_space<hbm>>) target(%arg9 : memref<40x128xf32, #tpu.memory_space<vmem>>) target_semaphore(%arg14 : memref<!tpu.dma_semaphore, #tpu.memory_space<semaphore_mem>>)
    %scan3A_114 = arith.constant 0 : i32
    %scan3A_115 = arith.constant 0 : i32
    %scan3A_116 = arith.constant 62 : i32
    %scan3A_117 = arith.addi %scan3A_115, %scan3A_116 : i32
    %scan3A_118 = arith.constant 1 : i32
    scf.for %scan3A_136 = %scan3A_115 to %scan3A_117 step %scan3A_118  : i32 {
      %mul3A_137 = arith.constant 2 : i32
      %mul3A_138 = arith.muli %mul3A_137, %scan3A_136 : i32
      %add3A_139 = arith.constant 1 : i32
      %add3A_140 = arith.addi %mul3A_138, %add3A_139 : i32
      %mul3A_141 = arith.constant 5000 : i32
      %mul3A_142 = arith.muli %add3A, %mul3A_141 : i32
      %mul3A_143 = arith.constant 40 : i32
      %mul3A_144 = arith.muli %add3A_140, %mul3A_143 : i32
      %add3A_145 = arith.addi %mul3A_142, %mul3A_144 : i32
      %dma_start3A_146 = tpu.memref_slice %arg3[%add3A_145] : memref<160000xi32, #tpu.memory_space<hbm>> -> memref<40xi32, #tpu.memory_space<hbm>>
      %dma_start3A_147 = tpu.memref_slice %arg3[%add3A_145] : memref<160000xi32, #tpu.memory_space<hbm>> -> memref<40xi32, #tpu.memory_space<hbm>>
      tpu.enqueue_dma source(%dma_start3A_147 : memref<40xi32, #tpu.memory_space<hbm>>) target(%arg10 : memref<40xi32, #tpu.memory_space<vmem>>) target_semaphore(%arg15 : memref<!tpu.dma_semaphore, #tpu.memory_space<semaphore_mem>>)
      %dma_start3A_148 = tpu.memref_slice %arg4[%add3A_145] : memref<160000xi32, #tpu.memory_space<hbm>> -> memref<40xi32, #tpu.memory_space<hbm>>
      %dma_start3A_149 = tpu.memref_slice %arg4[%add3A_145] : memref<160000xi32, #tpu.memory_space<hbm>> -> memref<40xi32, #tpu.memory_space<hbm>>
      tpu.enqueue_dma source(%dma_start3A_149 : memref<40xi32, #tpu.memory_space<hbm>>) target(%arg11 : memref<40xi32, #tpu.memory_space<vmem>>) target_semaphore(%arg15 : memref<!tpu.dma_semaphore, #tpu.memory_space<semaphore_mem>>)
      %dma_start3A_150 = arith.constant 0 : i32
      %dma_start3A_151 = tpu.memref_slice %arg2[%add3A_145, %dma_start3A_150] : memref<160000x128xf32, #tpu.memory_space<hbm>> -> memref<40x128xf32, #tpu.memory_space<hbm>>
      %dma_start3A_152 = arith.constant 0 : i32
      %dma_start3A_153 = tpu.memref_slice %arg2[%add3A_145, %dma_start3A_152] : memref<160000x128xf32, #tpu.memory_space<hbm>> -> memref<40x128xf32, #tpu.memory_space<hbm>>
      tpu.enqueue_dma source(%dma_start3A_153 : memref<40x128xf32, #tpu.memory_space<hbm>>) target(%arg12 : memref<40x128xf32, #tpu.memory_space<vmem>>) target_semaphore(%arg15 : memref<!tpu.dma_semaphore, #tpu.memory_space<semaphore_mem>>)
      %mul3A_154 = arith.constant 5000 : i32
      %mul3A_155 = arith.muli %add3A, %mul3A_154 : i32
      %mul3A_156 = arith.constant 40 : i32
      %mul3A_157 = arith.muli %mul3A_138, %mul3A_156 : i32
      %add3A_158 = arith.addi %mul3A_155, %mul3A_157 : i32
      %dma_wait3A_159 = tpu.memref_slice %arg3[%add3A_158] : memref<160000xi32, #tpu.memory_space<hbm>> -> memref<40xi32, #tpu.memory_space<hbm>>
      %dma_wait3A_160 = tpu.memref_slice %arg3[%add3A_158] : memref<160000xi32, #tpu.memory_space<hbm>> -> memref<40xi32, #tpu.memory_space<hbm>>
      tpu.wait_dma2 semaphore(%arg14 : memref<!tpu.dma_semaphore, #tpu.memory_space<semaphore_mem>>) src(%dma_wait3A_160 : memref<40xi32, #tpu.memory_space<hbm>>) dst(%arg7 : memref<40xi32, #tpu.memory_space<vmem>>)
      %dma_wait3A_161 = tpu.memref_slice %arg4[%add3A_158] : memref<160000xi32, #tpu.memory_space<hbm>> -> memref<40xi32, #tpu.memory_space<hbm>>
      %dma_wait3A_162 = tpu.memref_slice %arg4[%add3A_158] : memref<160000xi32, #tpu.memory_space<hbm>> -> memref<40xi32, #tpu.memory_space<hbm>>
      tpu.wait_dma2 semaphore(%arg14 : memref<!tpu.dma_semaphore, #tpu.memory_space<semaphore_mem>>) src(%dma_wait3A_162 : memref<40xi32, #tpu.memory_space<hbm>>) dst(%arg8 : memref<40xi32, #tpu.memory_space<vmem>>)
      %dma_wait3A_163 = arith.constant 0 : i32
      %dma_wait3A_164 = tpu.memref_slice %arg2[%add3A_158, %dma_wait3A_163] : memref<160000x128xf32, #tpu.memory_space<hbm>> -> memref<40x128xf32, #tpu.memory_space<hbm>>
      %dma_wait3A_165 = arith.constant 0 : i32
      %dma_wait3A_166 = tpu.memref_slice %arg2[%add3A_158, %dma_wait3A_165] : memref<160000x128xf32, #tpu.memory_space<hbm>> -> memref<40x128xf32, #tpu.memory_space<hbm>>
      tpu.wait_dma2 semaphore(%arg14 : memref<!tpu.dma_semaphore, #tpu.memory_space<semaphore_mem>>) src(%dma_wait3A_166 : memref<40x128xf32, #tpu.memory_space<hbm>>) dst(%arg9 : memref<40x128xf32, #tpu.memory_space<vmem>>)
      "tpu.region"() ({
        %run_scoped3A = tpu.sem_alloc : memref<!tpu.dma_semaphore, #tpu.memory_space<semaphore_mem>>
        %dma_start3A_197 = arith.constant 0 : i32
        %dma_start3A_198 = arith.constant 0 : i32
        %dma_start3A_199 = tpu.memref_slice %arg6[%dma_start3A_197, %dma_start3A_198] : memref<10240x128xf32, #tpu.memory_space<vmem_shared>> -> memref<10240x128xf32, #tpu.memory_space<vmem_shared>>
        tpu.enqueue_indirect_dma source(%arg9 : memref<40x128xf32, #tpu.memory_space<vmem>>) target(%dma_start3A_199 : memref<10240x128xf32, #tpu.memory_space<vmem_shared>>) offsets(%arg7 : memref<40xi32, #tpu.memory_space<vmem>>) semaphore(%run_scoped3A : memref<!tpu.dma_semaphore, #tpu.memory_space<semaphore_mem>>) {add = true}
        %dma_wait3A_200 = arith.constant 0 : i32
        %dma_wait3A_201 = arith.constant 0 : i32
        %dma_wait3A_202 = tpu.memref_slice %arg6[%dma_wait3A_200, %dma_wait3A_201] : memref<10240x128xf32, #tpu.memory_space<vmem_shared>> -> memref<10240x128xf32, #tpu.memory_space<vmem_shared>>
        tpu.wait_indirect_dma semaphore(%run_scoped3A : memref<!tpu.dma_semaphore, #tpu.memory_space<semaphore_mem>>) src(%arg9 : memref<40x128xf32, #tpu.memory_space<vmem>>) dst(%dma_wait3A_202 : memref<10240x128xf32, #tpu.memory_space<vmem_shared>>)
        tpu.yield
      }) : () -> ()
      "tpu.region"() ({
        %run_scoped3A = tpu.sem_alloc : memref<!tpu.dma_semaphore, #tpu.memory_space<semaphore_mem>>
        %dma_start3A_197 = arith.constant 0 : i32
        %dma_start3A_198 = arith.constant 0 : i32
        %dma_start3A_199 = tpu.memref_slice %arg6[%dma_start3A_197, %dma_start3A_198] : memref<10240x128xf32, #tpu.memory_space<vmem_shared>> -> memref<10240x128xf32, #tpu.memory_space<vmem_shared>>
        tpu.enqueue_indirect_dma source(%arg9 : memref<40x128xf32, #tpu.memory_space<vmem>>) target(%dma_start3A_199 : memref<10240x128xf32, #tpu.memory_space<vmem_shared>>) offsets(%arg8 : memref<40xi32, #tpu.memory_space<vmem>>) semaphore(%run_scoped3A : memref<!tpu.dma_semaphore, #tpu.memory_space<semaphore_mem>>) {add = true}
        %dma_wait3A_200 = arith.constant 0 : i32
        %dma_wait3A_201 = arith.constant 0 : i32
        %dma_wait3A_202 = tpu.memref_slice %arg6[%dma_wait3A_200, %dma_wait3A_201] : memref<10240x128xf32, #tpu.memory_space<vmem_shared>> -> memref<10240x128xf32, #tpu.memory_space<vmem_shared>>
        tpu.wait_indirect_dma semaphore(%run_scoped3A : memref<!tpu.dma_semaphore, #tpu.memory_space<semaphore_mem>>) src(%arg9 : memref<40x128xf32, #tpu.memory_space<vmem>>) dst(%dma_wait3A_202 : memref<10240x128xf32, #tpu.memory_space<vmem_shared>>)
        tpu.yield
      }) : () -> ()
      %add3A_167 = arith.constant 2 : i32
      %add3A_168 = arith.addi %mul3A_138, %add3A_167 : i32
      %mul3A_169 = arith.constant 5000 : i32
      %mul3A_170 = arith.muli %add3A, %mul3A_169 : i32
      %mul3A_171 = arith.constant 40 : i32
      %mul3A_172 = arith.muli %add3A_168, %mul3A_171 : i32
      %add3A_173 = arith.addi %mul3A_170, %mul3A_172 : i32
      %dma_start3A_174 = tpu.memref_slice %arg3[%add3A_173] : memref<160000xi32, #tpu.memory_space<hbm>> -> memref<40xi32, #tpu.memory_space<hbm>>
      %dma_start3A_175 = tpu.memref_slice %arg3[%add3A_173] : memref<160000xi32, #tpu.memory_space<hbm>> -> memref<40xi32, #tpu.memory_space<hbm>>
      tpu.enqueue_dma source(%dma_start3A_175 : memref<40xi32, #tpu.memory_space<hbm>>) target(%arg7 : memref<40xi32, #tpu.memory_space<vmem>>) target_semaphore(%arg14 : memref<!tpu.dma_semaphore, #tpu.memory_space<semaphore_mem>>)
      %dma_start3A_176 = tpu.memref_slice %arg4[%add3A_173] : memref<160000xi32, #tpu.memory_space<hbm>> -> memref<40xi32, #tpu.memory_space<hbm>>
      %dma_start3A_177 = tpu.memref_slice %arg4[%add3A_173] : memref<160000xi32, #tpu.memory_space<hbm>> -> memref<40xi32, #tpu.memory_space<hbm>>
      tpu.enqueue_dma source(%dma_start3A_177 : memref<40xi32, #tpu.memory_space<hbm>>) target(%arg8 : memref<40xi32, #tpu.memory_space<vmem>>) target_semaphore(%arg14 : memref<!tpu.dma_semaphore, #tpu.memory_space<semaphore_mem>>)
      %dma_start3A_178 = arith.constant 0 : i32
      %dma_start3A_179 = tpu.memref_slice %arg2[%add3A_173, %dma_start3A_178] : memref<160000x128xf32, #tpu.memory_space<hbm>> -> memref<40x128xf32, #tpu.memory_space<hbm>>
      %dma_start3A_180 = arith.constant 0 : i32
      %dma_start3A_181 = tpu.memref_slice %arg2[%add3A_173, %dma_start3A_180] : memref<160000x128xf32, #tpu.memory_space<hbm>> -> memref<40x128xf32, #tpu.memory_space<hbm>>
      tpu.enqueue_dma source(%dma_start3A_181 : memref<40x128xf32, #tpu.memory_space<hbm>>) target(%arg9 : memref<40x128xf32, #tpu.memory_space<vmem>>) target_semaphore(%arg14 : memref<!tpu.dma_semaphore, #tpu.memory_space<semaphore_mem>>)
      %add3A_182 = arith.constant 1 : i32
      %add3A_183 = arith.addi %mul3A_138, %add3A_182 : i32
      %mul3A_184 = arith.constant 5000 : i32
      %mul3A_185 = arith.muli %add3A, %mul3A_184 : i32
      %mul3A_186 = arith.constant 40 : i32
      %mul3A_187 = arith.muli %add3A_183, %mul3A_186 : i32
      %add3A_188 = arith.addi %mul3A_185, %mul3A_187 : i32
      %dma_wait3A_189 = tpu.memref_slice %arg3[%add3A_188] : memref<160000xi32, #tpu.memory_space<hbm>> -> memref<40xi32, #tpu.memory_space<hbm>>
      %dma_wait3A_190 = tpu.memref_slice %arg3[%add3A_188] : memref<160000xi32, #tpu.memory_space<hbm>> -> memref<40xi32, #tpu.memory_space<hbm>>
      tpu.wait_dma2 semaphore(%arg15 : memref<!tpu.dma_semaphore, #tpu.memory_space<semaphore_mem>>) src(%dma_wait3A_190 : memref<40xi32, #tpu.memory_space<hbm>>) dst(%arg10 : memref<40xi32, #tpu.memory_space<vmem>>)
      %dma_wait3A_191 = tpu.memref_slice %arg4[%add3A_188] : memref<160000xi32, #tpu.memory_space<hbm>> -> memref<40xi32, #tpu.memory_space<hbm>>
      %dma_wait3A_192 = tpu.memref_slice %arg4[%add3A_188] : memref<160000xi32, #tpu.memory_space<hbm>> -> memref<40xi32, #tpu.memory_space<hbm>>
      tpu.wait_dma2 semaphore(%arg15 : memref<!tpu.dma_semaphore, #tpu.memory_space<semaphore_mem>>) src(%dma_wait3A_192 : memref<40xi32, #tpu.memory_space<hbm>>) dst(%arg11 : memref<40xi32, #tpu.memory_space<vmem>>)
      %dma_wait3A_193 = arith.constant 0 : i32
      %dma_wait3A_194 = tpu.memref_slice %arg2[%add3A_188, %dma_wait3A_193] : memref<160000x128xf32, #tpu.memory_space<hbm>> -> memref<40x128xf32, #tpu.memory_space<hbm>>
      %dma_wait3A_195 = arith.constant 0 : i32
      %dma_wait3A_196 = tpu.memref_slice %arg2[%add3A_188, %dma_wait3A_195] : memref<160000x128xf32, #tpu.memory_space<hbm>> -> memref<40x128xf32, #tpu.memory_space<hbm>>
      tpu.wait_dma2 semaphore(%arg15 : memref<!tpu.dma_semaphore, #tpu.memory_space<semaphore_mem>>) src(%dma_wait3A_196 : memref<40x128xf32, #tpu.memory_space<hbm>>) dst(%arg12 : memref<40x128xf32, #tpu.memory_space<vmem>>)
      "tpu.region"() ({
        %run_scoped3A = tpu.sem_alloc : memref<!tpu.dma_semaphore, #tpu.memory_space<semaphore_mem>>
        %dma_start3A_197 = arith.constant 0 : i32
        %dma_start3A_198 = arith.constant 0 : i32
        %dma_start3A_199 = tpu.memref_slice %arg6[%dma_start3A_197, %dma_start3A_198] : memref<10240x128xf32, #tpu.memory_space<vmem_shared>> -> memref<10240x128xf32, #tpu.memory_space<vmem_shared>>
        tpu.enqueue_indirect_dma source(%arg12 : memref<40x128xf32, #tpu.memory_space<vmem>>) target(%dma_start3A_199 : memref<10240x128xf32, #tpu.memory_space<vmem_shared>>) offsets(%arg10 : memref<40xi32, #tpu.memory_space<vmem>>) semaphore(%run_scoped3A : memref<!tpu.dma_semaphore, #tpu.memory_space<semaphore_mem>>) {add = true}
        %dma_wait3A_200 = arith.constant 0 : i32
        %dma_wait3A_201 = arith.constant 0 : i32
        %dma_wait3A_202 = tpu.memref_slice %arg6[%dma_wait3A_200, %dma_wait3A_201] : memref<10240x128xf32, #tpu.memory_space<vmem_shared>> -> memref<10240x128xf32, #tpu.memory_space<vmem_shared>>
        tpu.wait_indirect_dma semaphore(%run_scoped3A : memref<!tpu.dma_semaphore, #tpu.memory_space<semaphore_mem>>) src(%arg12 : memref<40x128xf32, #tpu.memory_space<vmem>>) dst(%dma_wait3A_202 : memref<10240x128xf32, #tpu.memory_space<vmem_shared>>)
        tpu.yield
      }) : () -> ()
      "tpu.region"() ({
        %run_scoped3A = tpu.sem_alloc : memref<!tpu.dma_semaphore, #tpu.memory_space<semaphore_mem>>
        %dma_start3A_197 = arith.constant 0 : i32
        %dma_start3A_198 = arith.constant 0 : i32
        %dma_start3A_199 = tpu.memref_slice %arg6[%dma_start3A_197, %dma_start3A_198] : memref<10240x128xf32, #tpu.memory_space<vmem_shared>> -> memref<10240x128xf32, #tpu.memory_space<vmem_shared>>
        tpu.enqueue_indirect_dma source(%arg12 : memref<40x128xf32, #tpu.memory_space<vmem>>) target(%dma_start3A_199 : memref<10240x128xf32, #tpu.memory_space<vmem_shared>>) offsets(%arg11 : memref<40xi32, #tpu.memory_space<vmem>>) semaphore(%run_scoped3A : memref<!tpu.dma_semaphore, #tpu.memory_space<semaphore_mem>>) {add = true}
        %dma_wait3A_200 = arith.constant 0 : i32
        %dma_wait3A_201 = arith.constant 0 : i32
        %dma_wait3A_202 = tpu.memref_slice %arg6[%dma_wait3A_200, %dma_wait3A_201] : memref<10240x128xf32, #tpu.memory_space<vmem_shared>> -> memref<10240x128xf32, #tpu.memory_space<vmem_shared>>
        tpu.wait_indirect_dma semaphore(%run_scoped3A : memref<!tpu.dma_semaphore, #tpu.memory_space<semaphore_mem>>) src(%arg12 : memref<40x128xf32, #tpu.memory_space<vmem>>) dst(%dma_wait3A_202 : memref<10240x128xf32, #tpu.memory_space<vmem_shared>>)
        tpu.yield
      }) : () -> ()
    }
    %scan3A_119 = arith.constant 62 : i32
    %mul3A_120 = arith.constant 5000 : i32
    %mul3A_121 = arith.muli %add3A, %mul3A_120 : i32
    %add3A_122 = arith.constant 4960 : i32
    %add3A_123 = arith.addi %mul3A_121, %add3A_122 : i32
    %dma_wait3A = tpu.memref_slice %arg3[%add3A_123] : memref<160000xi32, #tpu.memory_space<hbm>> -> memref<40xi32, #tpu.memory_space<hbm>>
    %dma_wait3A_124 = tpu.memref_slice %arg3[%add3A_123] : memref<160000xi32, #tpu.memory_space<hbm>> -> memref<40xi32, #tpu.memory_space<hbm>>
    tpu.wait_dma2 semaphore(%arg14 : memref<!tpu.dma_semaphore, #tpu.memory_space<semaphore_mem>>) src(%dma_wait3A_124 : memref<40xi32, #tpu.memory_space<hbm>>) dst(%arg7 : memref<40xi32, #tpu.memory_space<vmem>>)
    %dma_wait3A_125 = tpu.memref_slice %arg4[%add3A_123] : memref<160000xi32, #tpu.memory_space<hbm>> -> memref<40xi32, #tpu.memory_space<hbm>>
    %dma_wait3A_126 = tpu.memref_slice %arg4[%add3A_123] : memref<160000xi32, #tpu.memory_space<hbm>> -> memref<40xi32, #tpu.memory_space<hbm>>
    tpu.wait_dma2 semaphore(%arg14 : memref<!tpu.dma_semaphore, #tpu.memory_space<semaphore_mem>>) src(%dma_wait3A_126 : memref<40xi32, #tpu.memory_space<hbm>>) dst(%arg8 : memref<40xi32, #tpu.memory_space<vmem>>)
    %dma_wait3A_127 = arith.constant 0 : i32
    %dma_wait3A_128 = tpu.memref_slice %arg2[%add3A_123, %dma_wait3A_127] : memref<160000x128xf32, #tpu.memory_space<hbm>> -> memref<40x128xf32, #tpu.memory_space<hbm>>
    %dma_wait3A_129 = arith.constant 0 : i32
    %dma_wait3A_130 = tpu.memref_slice %arg2[%add3A_123, %dma_wait3A_129] : memref<160000x128xf32, #tpu.memory_space<hbm>> -> memref<40x128xf32, #tpu.memory_space<hbm>>
    tpu.wait_dma2 semaphore(%arg14 : memref<!tpu.dma_semaphore, #tpu.memory_space<semaphore_mem>>) src(%dma_wait3A_130 : memref<40x128xf32, #tpu.memory_space<hbm>>) dst(%arg9 : memref<40x128xf32, #tpu.memory_space<vmem>>)
    "tpu.region"() ({
      %run_scoped3A = tpu.sem_alloc : memref<!tpu.dma_semaphore, #tpu.memory_space<semaphore_mem>>
      %dma_start3A_136 = arith.constant 0 : i32
      %dma_start3A_137 = arith.constant 0 : i32
      %dma_start3A_138 = tpu.memref_slice %arg6[%dma_start3A_136, %dma_start3A_137] : memref<10240x128xf32, #tpu.memory_space<vmem_shared>> -> memref<10240x128xf32, #tpu.memory_space<vmem_shared>>
      tpu.enqueue_indirect_dma source(%arg9 : memref<40x128xf32, #tpu.memory_space<vmem>>) target(%dma_start3A_138 : memref<10240x128xf32, #tpu.memory_space<vmem_shared>>) offsets(%arg7 : memref<40xi32, #tpu.memory_space<vmem>>) semaphore(%run_scoped3A : memref<!tpu.dma_semaphore, #tpu.memory_space<semaphore_mem>>) {add = true}
      %dma_wait3A_139 = arith.constant 0 : i32
      %dma_wait3A_140 = arith.constant 0 : i32
      %dma_wait3A_141 = tpu.memref_slice %arg6[%dma_wait3A_139, %dma_wait3A_140] : memref<10240x128xf32, #tpu.memory_space<vmem_shared>> -> memref<10240x128xf32, #tpu.memory_space<vmem_shared>>
      tpu.wait_indirect_dma semaphore(%run_scoped3A : memref<!tpu.dma_semaphore, #tpu.memory_space<semaphore_mem>>) src(%arg9 : memref<40x128xf32, #tpu.memory_space<vmem>>) dst(%dma_wait3A_141 : memref<10240x128xf32, #tpu.memory_space<vmem_shared>>)
      tpu.yield
    }) : () -> ()
    "tpu.region"() ({
      %run_scoped3A = tpu.sem_alloc : memref<!tpu.dma_semaphore, #tpu.memory_space<semaphore_mem>>
      %dma_start3A_136 = arith.constant 0 : i32
      %dma_start3A_137 = arith.constant 0 : i32
      %dma_start3A_138 = tpu.memref_slice %arg6[%dma_start3A_136, %dma_start3A_137] : memref<10240x128xf32, #tpu.memory_space<vmem_shared>> -> memref<10240x128xf32, #tpu.memory_space<vmem_shared>>
      tpu.enqueue_indirect_dma source(%arg9 : memref<40x128xf32, #tpu.memory_space<vmem>>) target(%dma_start3A_138 : memref<10240x128xf32, #tpu.memory_space<vmem_shared>>) offsets(%arg8 : memref<40xi32, #tpu.memory_space<vmem>>) semaphore(%run_scoped3A : memref<!tpu.dma_semaphore, #tpu.memory_space<semaphore_mem>>) {add = true}
      %dma_wait3A_139 = arith.constant 0 : i32
      %dma_wait3A_140 = arith.constant 0 : i32
      %dma_wait3A_141 = tpu.memref_slice %arg6[%dma_wait3A_139, %dma_wait3A_140] : memref<10240x128xf32, #tpu.memory_space<vmem_shared>> -> memref<10240x128xf32, #tpu.memory_space<vmem_shared>>
      tpu.wait_indirect_dma semaphore(%run_scoped3A : memref<!tpu.dma_semaphore, #tpu.memory_space<semaphore_mem>>) src(%arg9 : memref<40x128xf32, #tpu.memory_space<vmem>>) dst(%dma_wait3A_141 : memref<10240x128xf32, #tpu.memory_space<vmem_shared>>)
      tpu.yield
    }) : () -> ()
    %barrier3A_131 = arith.constant 0 : index
    tpu.barrier barrier_id(%barrier3A_131)
    %mul3A_132 = arith.constant 640 : i32
    %mul3A_133 = arith.muli %arg1, %mul3A_132 : i32
    %mul3A_134 = arith.constant 640 : i32
    %mul3A_135 = arith.muli %arg1, %mul3A_134 : i32
    "tpu.region"() ({
      %run_scoped3A = tpu.sem_alloc : memref<!tpu.dma_semaphore, #tpu.memory_space<semaphore_mem>>
      %dma_start3A_136 = arith.constant 0 : i32
      %dma_start3A_137 = tpu.memref_slice %arg5[%arg0, %mul3A_135, %dma_start3A_136] : memref<2x10240x128xf32, #tpu.memory_space<hbm>> -> memref<1x640x128xf32, #tpu.memory_space<hbm>>
      %dma_start3A_138 = tpu.memref_squeeze %dma_start3A_137 : memref<1x640x128xf32, #tpu.memory_space<hbm>> -> memref<640x128xf32, #tpu.memory_space<hbm>>
      %dma_start3A_139 = arith.constant 0 : i32
      %dma_start3A_140 = tpu.memref_slice %arg6[%mul3A_133, %dma_start3A_139] : memref<10240x128xf32, #tpu.memory_space<vmem_shared>> -> memref<640x128xf32, #tpu.memory_space<vmem_shared>>
      tpu.enqueue_dma source(%dma_start3A_140 : memref<640x128xf32, #tpu.memory_space<vmem_shared>>) target(%dma_start3A_138 : memref<640x128xf32, #tpu.memory_space<hbm>>) target_semaphore(%run_scoped3A : memref<!tpu.dma_semaphore, #tpu.memory_space<semaphore_mem>>)
      %dma_wait3A_141 = arith.constant 0 : i32
      %dma_wait3A_142 = tpu.memref_slice %arg5[%arg0, %mul3A_135, %dma_wait3A_141] : memref<2x10240x128xf32, #tpu.memory_space<hbm>> -> memref<1x640x128xf32, #tpu.memory_space<hbm>>
      %dma_wait3A_143 = tpu.memref_squeeze %dma_wait3A_142 : memref<1x640x128xf32, #tpu.memory_space<hbm>> -> memref<640x128xf32, #tpu.memory_space<hbm>>
      %dma_wait3A_144 = arith.constant 0 : i32
      %dma_wait3A_145 = tpu.memref_slice %arg6[%mul3A_133, %dma_wait3A_144] : memref<10240x128xf32, #tpu.memory_space<vmem_shared>> -> memref<640x128xf32, #tpu.memory_space<vmem_shared>>
      tpu.wait_dma2 semaphore(%run_scoped3A : memref<!tpu.dma_semaphore, #tpu.memory_space<semaphore_mem>>) src(%dma_wait3A_145 : memref<640x128xf32, #tpu.memory_space<vmem_shared>>) dst(%dma_wait3A_143 : memref<640x128xf32, #tpu.memory_space<hbm>>)
      tpu.yield
    }) : () -> ()
    return
  }
}

#map = affine_map<(d0, d1) -> (0, 0, 0)>
#map1 = affine_map<(d0, d1) -> (0)>
module attributes {stable_mosaic.version = 14 : i64} {
  func.func @_sc_agg(%arg0: i32, %arg1: i32, %arg2: memref<4x10000x128xf32, #tpu.memory_space<hbm>>, %arg3: memref<160000xi32, #tpu.memory_space<hbm>>, %arg4: memref<160000xi32, #tpu.memory_space<hbm>>, %arg5: memref<4x10240x128xf32, #tpu.memory_space<hbm>>, %arg6: memref<10240x128xf32, #tpu.memory_space<vmem_shared>>, %arg7: memref<10000xi32, #tpu.memory_space<vmem>>, %arg8: memref<10000xi32, #tpu.memory_space<vmem>>, %arg9: memref<80xi32, #tpu.memory_space<vmem>>, %arg10: memref<80x128xf32, #tpu.memory_space<vmem>>, %arg11: memref<80x128xf32, #tpu.memory_space<vmem>>, %arg12: memref<16x128xf32, #tpu.memory_space<vmem>>, %arg13: memref<!tpu.dma_semaphore, #tpu.memory_space<semaphore_mem>>, %arg14: memref<!tpu.dma_semaphore, #tpu.memory_space<semaphore_mem>>) attributes {dimension_semantics = [#tpu.dimension_semantics<core_parallel>, #tpu.dimension_semantics<subcore_parallel>], iteration_bounds = array<i64: 2, 16>, scalar_prefetch = 0 : i64, scratch_operands = 9 : i64, tpu.core_type = #tpu.core_type<sc_vector_subcore>, window_params = [{transform_indices = #map}, {transform_indices = #map1}, {transform_indices = #map1}, {transform_indices = #map}]} {
    %mul3A = arith.constant 10000 : i32
    %mul3A_0 = arith.muli %arg1, %mul3A : i32
    "tpu.region"() ({
      %run_scoped3A = tpu.sem_alloc : memref<!tpu.dma_semaphore, #tpu.memory_space<semaphore_mem>>
      %dma_start3A_243 = tpu.memref_slice %arg3[%mul3A_0] : memref<160000xi32, #tpu.memory_space<hbm>> -> memref<10000xi32, #tpu.memory_space<hbm>>
      %dma_start3A_244 = tpu.memref_slice %arg3[%mul3A_0] : memref<160000xi32, #tpu.memory_space<hbm>> -> memref<10000xi32, #tpu.memory_space<hbm>>
      tpu.enqueue_dma source(%dma_start3A_244 : memref<10000xi32, #tpu.memory_space<hbm>>) target(%arg7 : memref<10000xi32, #tpu.memory_space<vmem>>) target_semaphore(%run_scoped3A : memref<!tpu.dma_semaphore, #tpu.memory_space<semaphore_mem>>)
      %dma_wait3A_245 = tpu.memref_slice %arg3[%mul3A_0] : memref<160000xi32, #tpu.memory_space<hbm>> -> memref<10000xi32, #tpu.memory_space<hbm>>
      %dma_wait3A_246 = tpu.memref_slice %arg3[%mul3A_0] : memref<160000xi32, #tpu.memory_space<hbm>> -> memref<10000xi32, #tpu.memory_space<hbm>>
      tpu.wait_dma2 semaphore(%run_scoped3A : memref<!tpu.dma_semaphore, #tpu.memory_space<semaphore_mem>>) src(%dma_wait3A_246 : memref<10000xi32, #tpu.memory_space<hbm>>) dst(%arg7 : memref<10000xi32, #tpu.memory_space<vmem>>)
      tpu.yield
    }) : () -> ()
    "tpu.region"() ({
      %run_scoped3A = tpu.sem_alloc : memref<!tpu.dma_semaphore, #tpu.memory_space<semaphore_mem>>
      %dma_start3A_243 = tpu.memref_slice %arg4[%mul3A_0] : memref<160000xi32, #tpu.memory_space<hbm>> -> memref<10000xi32, #tpu.memory_space<hbm>>
      %dma_start3A_244 = tpu.memref_slice %arg4[%mul3A_0] : memref<160000xi32, #tpu.memory_space<hbm>> -> memref<10000xi32, #tpu.memory_space<hbm>>
      tpu.enqueue_dma source(%dma_start3A_244 : memref<10000xi32, #tpu.memory_space<hbm>>) target(%arg8 : memref<10000xi32, #tpu.memory_space<vmem>>) target_semaphore(%run_scoped3A : memref<!tpu.dma_semaphore, #tpu.memory_space<semaphore_mem>>)
      %dma_wait3A_245 = tpu.memref_slice %arg4[%mul3A_0] : memref<160000xi32, #tpu.memory_space<hbm>> -> memref<10000xi32, #tpu.memory_space<hbm>>
      %dma_wait3A_246 = tpu.memref_slice %arg4[%mul3A_0] : memref<160000xi32, #tpu.memory_space<hbm>> -> memref<10000xi32, #tpu.memory_space<hbm>>
      tpu.wait_dma2 semaphore(%run_scoped3A : memref<!tpu.dma_semaphore, #tpu.memory_space<semaphore_mem>>) src(%dma_wait3A_246 : memref<10000xi32, #tpu.memory_space<hbm>>) dst(%arg8 : memref<10000xi32, #tpu.memory_space<vmem>>)
      tpu.yield
    }) : () -> ()
    %broadcast_in_dim3A = arith.constant 0.000000e+00 : f32
    %broadcast_in_dim3A_1 = vector.broadcast %broadcast_in_dim3A : f32 to vector<16xf32>
    %scan3A = arith.constant 0 : i32
    %scan3A_2 = arith.constant 0 : i32
    %scan3A_3 = arith.constant 8 : i32
    %scan3A_4 = arith.addi %scan3A_2, %scan3A_3 : i32
    %scan3A_5 = arith.constant 1 : i32
    scf.for %scan3A_243 = %scan3A_2 to %scan3A_4 step %scan3A_5  : i32 {
      %mul3A_244 = arith.constant 16 : i32
      %mul3A_245 = arith.muli %scan3A_243, %mul3A_244 : i32
      %swap3A_246 = arith.constant 0 : i32
      %swap3A_247 = arith.index_cast %swap3A_246 : i32 to index
      %swap3A_248 = arith.index_cast %mul3A_245 : i32 to index
      %swap3A_249 = tpu.vector_load %arg12[%swap3A_247, %swap3A_248] {strides = array<i32>} : memref<16x128xf32, #tpu.memory_space<vmem>>, vector<1x16xf32>,
      %swap3A_250 = vector.shape_cast %swap3A_249 : vector<1x16xf32> to vector<16xf32>
      %swap3A_251 = vector.shape_cast %broadcast_in_dim3A_1 : vector<16xf32> to vector<1x16xf32>
      tpu.vector_store %arg12[%swap3A_247, %swap3A_248], %swap3A_251 {strides = array<i32>} : memref<16x128xf32, #tpu.memory_space<vmem>>, vector<1x16xf32>,
    }
    %scan3A_6 = arith.constant 8 : i32
    %scan3A_7 = arith.constant 0 : i32
    %scan3A_8 = arith.constant 0 : i32
    %scan3A_9 = arith.constant 8 : i32
    %scan3A_10 = arith.addi %scan3A_8, %scan3A_9 : i32
    %scan3A_11 = arith.constant 1 : i32
    scf.for %scan3A_243 = %scan3A_8 to %scan3A_10 step %scan3A_11  : i32 {
      %mul3A_244 = arith.constant 16 : i32
      %mul3A_245 = arith.muli %scan3A_243, %mul3A_244 : i32
      %swap3A_246 = arith.constant 1 : i32
      %swap3A_247 = arith.index_cast %swap3A_246 : i32 to index
      %swap3A_248 = arith.index_cast %mul3A_245 : i32 to index
      %swap3A_249 = tpu.vector_load %arg12[%swap3A_247, %swap3A_248] {strides = array<i32>} : memref<16x128xf32, #tpu.memory_space<vmem>>, vector<1x16xf32>,
      %swap3A_250 = vector.shape_cast %swap3A_249 : vector<1x16xf32> to vector<16xf32>
      %swap3A_251 = vector.shape_cast %broadcast_in_dim3A_1 : vector<16xf32> to vector<1x16xf32>
      tpu.vector_store %arg12[%swap3A_247, %swap3A_248], %swap3A_251 {strides = array<i32>} : memref<16x128xf32, #tpu.memory_space<vmem>>, vector<1x16xf32>,
    }
    %scan3A_12 = arith.constant 8 : i32
    %scan3A_13 = arith.constant 0 : i32
    %scan3A_14 = arith.constant 0 : i32
    %scan3A_15 = arith.constant 8 : i32
    %scan3A_16 = arith.addi %scan3A_14, %scan3A_15 : i32
    %scan3A_17 = arith.constant 1 : i32
    scf.for %scan3A_243 = %scan3A_14 to %scan3A_16 step %scan3A_17  : i32 {
      %mul3A_244 = arith.constant 16 : i32
      %mul3A_245 = arith.muli %scan3A_243, %mul3A_244 : i32
      %swap3A_246 = arith.constant 2 : i32
      %swap3A_247 = arith.index_cast %swap3A_246 : i32 to index
      %swap3A_248 = arith.index_cast %mul3A_245 : i32 to index
      %swap3A_249 = tpu.vector_load %arg12[%swap3A_247, %swap3A_248] {strides = array<i32>} : memref<16x128xf32, #tpu.memory_space<vmem>>, vector<1x16xf32>,
      %swap3A_250 = vector.shape_cast %swap3A_249 : vector<1x16xf32> to vector<16xf32>
      %swap3A_251 = vector.shape_cast %broadcast_in_dim3A_1 : vector<16xf32> to vector<1x16xf32>
      tpu.vector_store %arg12[%swap3A_247, %swap3A_248], %swap3A_251 {strides = array<i32>} : memref<16x128xf32, #tpu.memory_space<vmem>>, vector<1x16xf32>,
    }
    %scan3A_18 = arith.constant 8 : i32
    %scan3A_19 = arith.constant 0 : i32
    %scan3A_20 = arith.constant 0 : i32
    %scan3A_21 = arith.constant 8 : i32
    %scan3A_22 = arith.addi %scan3A_20, %scan3A_21 : i32
    %scan3A_23 = arith.constant 1 : i32
    scf.for %scan3A_243 = %scan3A_20 to %scan3A_22 step %scan3A_23  : i32 {
      %mul3A_244 = arith.constant 16 : i32
      %mul3A_245 = arith.muli %scan3A_243, %mul3A_244 : i32
      %swap3A_246 = arith.constant 3 : i32
      %swap3A_247 = arith.index_cast %swap3A_246 : i32 to index
      %swap3A_248 = arith.index_cast %mul3A_245 : i32 to index
      %swap3A_249 = tpu.vector_load %arg12[%swap3A_247, %swap3A_248] {strides = array<i32>} : memref<16x128xf32, #tpu.memory_space<vmem>>, vector<1x16xf32>,
      %swap3A_250 = vector.shape_cast %swap3A_249 : vector<1x16xf32> to vector<16xf32>
      %swap3A_251 = vector.shape_cast %broadcast_in_dim3A_1 : vector<16xf32> to vector<1x16xf32>
      tpu.vector_store %arg12[%swap3A_247, %swap3A_248], %swap3A_251 {strides = array<i32>} : memref<16x128xf32, #tpu.memory_space<vmem>>, vector<1x16xf32>,
    }
    %scan3A_24 = arith.constant 8 : i32
    %scan3A_25 = arith.constant 0 : i32
    %scan3A_26 = arith.constant 0 : i32
    %scan3A_27 = arith.constant 8 : i32
    %scan3A_28 = arith.addi %scan3A_26, %scan3A_27 : i32
    %scan3A_29 = arith.constant 1 : i32
    scf.for %scan3A_243 = %scan3A_26 to %scan3A_28 step %scan3A_29  : i32 {
      %mul3A_244 = arith.constant 16 : i32
      %mul3A_245 = arith.muli %scan3A_243, %mul3A_244 : i32
      %swap3A_246 = arith.constant 4 : i32
      %swap3A_247 = arith.index_cast %swap3A_246 : i32 to index
      %swap3A_248 = arith.index_cast %mul3A_245 : i32 to index
      %swap3A_249 = tpu.vector_load %arg12[%swap3A_247, %swap3A_248] {strides = array<i32>} : memref<16x128xf32, #tpu.memory_space<vmem>>, vector<1x16xf32>,
      %swap3A_250 = vector.shape_cast %swap3A_249 : vector<1x16xf32> to vector<16xf32>
      %swap3A_251 = vector.shape_cast %broadcast_in_dim3A_1 : vector<16xf32> to vector<1x16xf32>
      tpu.vector_store %arg12[%swap3A_247, %swap3A_248], %swap3A_251 {strides = array<i32>} : memref<16x128xf32, #tpu.memory_space<vmem>>, vector<1x16xf32>,
    }
    %scan3A_30 = arith.constant 8 : i32
    %scan3A_31 = arith.constant 0 : i32
    %scan3A_32 = arith.constant 0 : i32
    %scan3A_33 = arith.constant 8 : i32
    %scan3A_34 = arith.addi %scan3A_32, %scan3A_33 : i32
    %scan3A_35 = arith.constant 1 : i32
    scf.for %scan3A_243 = %scan3A_32 to %scan3A_34 step %scan3A_35  : i32 {
      %mul3A_244 = arith.constant 16 : i32
      %mul3A_245 = arith.muli %scan3A_243, %mul3A_244 : i32
      %swap3A_246 = arith.constant 5 : i32
      %swap3A_247 = arith.index_cast %swap3A_246 : i32 to index
      %swap3A_248 = arith.index_cast %mul3A_245 : i32 to index
      %swap3A_249 = tpu.vector_load %arg12[%swap3A_247, %swap3A_248] {strides = array<i32>} : memref<16x128xf32, #tpu.memory_space<vmem>>, vector<1x16xf32>,
      %swap3A_250 = vector.shape_cast %swap3A_249 : vector<1x16xf32> to vector<16xf32>
      %swap3A_251 = vector.shape_cast %broadcast_in_dim3A_1 : vector<16xf32> to vector<1x16xf32>
      tpu.vector_store %arg12[%swap3A_247, %swap3A_248], %swap3A_251 {strides = array<i32>} : memref<16x128xf32, #tpu.memory_space<vmem>>, vector<1x16xf32>,
    }
    %scan3A_36 = arith.constant 8 : i32
    %scan3A_37 = arith.constant 0 : i32
    %scan3A_38 = arith.constant 0 : i32
    %scan3A_39 = arith.constant 8 : i32
    %scan3A_40 = arith.addi %scan3A_38, %scan3A_39 : i32
    %scan3A_41 = arith.constant 1 : i32
    scf.for %scan3A_243 = %scan3A_38 to %scan3A_40 step %scan3A_41  : i32 {
      %mul3A_244 = arith.constant 16 : i32
      %mul3A_245 = arith.muli %scan3A_243, %mul3A_244 : i32
      %swap3A_246 = arith.constant 6 : i32
      %swap3A_247 = arith.index_cast %swap3A_246 : i32 to index
      %swap3A_248 = arith.index_cast %mul3A_245 : i32 to index
      %swap3A_249 = tpu.vector_load %arg12[%swap3A_247, %swap3A_248] {strides = array<i32>} : memref<16x128xf32, #tpu.memory_space<vmem>>, vector<1x16xf32>,
      %swap3A_250 = vector.shape_cast %swap3A_249 : vector<1x16xf32> to vector<16xf32>
      %swap3A_251 = vector.shape_cast %broadcast_in_dim3A_1 : vector<16xf32> to vector<1x16xf32>
      tpu.vector_store %arg12[%swap3A_247, %swap3A_248], %swap3A_251 {strides = array<i32>} : memref<16x128xf32, #tpu.memory_space<vmem>>, vector<1x16xf32>,
    }
    %scan3A_42 = arith.constant 8 : i32
    %scan3A_43 = arith.constant 0 : i32
    %scan3A_44 = arith.constant 0 : i32
    %scan3A_45 = arith.constant 8 : i32
    %scan3A_46 = arith.addi %scan3A_44, %scan3A_45 : i32
    %scan3A_47 = arith.constant 1 : i32
    scf.for %scan3A_243 = %scan3A_44 to %scan3A_46 step %scan3A_47  : i32 {
      %mul3A_244 = arith.constant 16 : i32
      %mul3A_245 = arith.muli %scan3A_243, %mul3A_244 : i32
      %swap3A_246 = arith.constant 7 : i32
      %swap3A_247 = arith.index_cast %swap3A_246 : i32 to index
      %swap3A_248 = arith.index_cast %mul3A_245 : i32 to index
      %swap3A_249 = tpu.vector_load %arg12[%swap3A_247, %swap3A_248] {strides = array<i32>} : memref<16x128xf32, #tpu.memory_space<vmem>>, vector<1x16xf32>,
      %swap3A_250 = vector.shape_cast %swap3A_249 : vector<1x16xf32> to vector<16xf32>
      %swap3A_251 = vector.shape_cast %broadcast_in_dim3A_1 : vector<16xf32> to vector<1x16xf32>
      tpu.vector_store %arg12[%swap3A_247, %swap3A_248], %swap3A_251 {strides = array<i32>} : memref<16x128xf32, #tpu.memory_space<vmem>>, vector<1x16xf32>,
    }
    %scan3A_48 = arith.constant 8 : i32
    %scan3A_49 = arith.constant 0 : i32
    %scan3A_50 = arith.constant 0 : i32
    %scan3A_51 = arith.constant 8 : i32
    %scan3A_52 = arith.addi %scan3A_50, %scan3A_51 : i32
    %scan3A_53 = arith.constant 1 : i32
    scf.for %scan3A_243 = %scan3A_50 to %scan3A_52 step %scan3A_53  : i32 {
      %mul3A_244 = arith.constant 16 : i32
      %mul3A_245 = arith.muli %scan3A_243, %mul3A_244 : i32
      %swap3A_246 = arith.constant 8 : i32
      %swap3A_247 = arith.index_cast %swap3A_246 : i32 to index
      %swap3A_248 = arith.index_cast %mul3A_245 : i32 to index
      %swap3A_249 = tpu.vector_load %arg12[%swap3A_247, %swap3A_248] {strides = array<i32>} : memref<16x128xf32, #tpu.memory_space<vmem>>, vector<1x16xf32>,
      %swap3A_250 = vector.shape_cast %swap3A_249 : vector<1x16xf32> to vector<16xf32>
      %swap3A_251 = vector.shape_cast %broadcast_in_dim3A_1 : vector<16xf32> to vector<1x16xf32>
      tpu.vector_store %arg12[%swap3A_247, %swap3A_248], %swap3A_251 {strides = array<i32>} : memref<16x128xf32, #tpu.memory_space<vmem>>, vector<1x16xf32>,
    }
    %scan3A_54 = arith.constant 8 : i32
    %scan3A_55 = arith.constant 0 : i32
    %scan3A_56 = arith.constant 0 : i32
    %scan3A_57 = arith.constant 8 : i32
    %scan3A_58 = arith.addi %scan3A_56, %scan3A_57 : i32
    %scan3A_59 = arith.constant 1 : i32
    scf.for %scan3A_243 = %scan3A_56 to %scan3A_58 step %scan3A_59  : i32 {
      %mul3A_244 = arith.constant 16 : i32
      %mul3A_245 = arith.muli %scan3A_243, %mul3A_244 : i32
      %swap3A_246 = arith.constant 9 : i32
      %swap3A_247 = arith.index_cast %swap3A_246 : i32 to index
      %swap3A_248 = arith.index_cast %mul3A_245 : i32 to index
      %swap3A_249 = tpu.vector_load %arg12[%swap3A_247, %swap3A_248] {strides = array<i32>} : memref<16x128xf32, #tpu.memory_space<vmem>>, vector<1x16xf32>,
      %swap3A_250 = vector.shape_cast %swap3A_249 : vector<1x16xf32> to vector<16xf32>
      %swap3A_251 = vector.shape_cast %broadcast_in_dim3A_1 : vector<16xf32> to vector<1x16xf32>
      tpu.vector_store %arg12[%swap3A_247, %swap3A_248], %swap3A_251 {strides = array<i32>} : memref<16x128xf32, #tpu.memory_space<vmem>>, vector<1x16xf32>,
    }
    %scan3A_60 = arith.constant 8 : i32
    %scan3A_61 = arith.constant 0 : i32
    %scan3A_62 = arith.constant 0 : i32
    %scan3A_63 = arith.constant 8 : i32
    %scan3A_64 = arith.addi %scan3A_62, %scan3A_63 : i32
    %scan3A_65 = arith.constant 1 : i32
    scf.for %scan3A_243 = %scan3A_62 to %scan3A_64 step %scan3A_65  : i32 {
      %mul3A_244 = arith.constant 16 : i32
      %mul3A_245 = arith.muli %scan3A_243, %mul3A_244 : i32
      %swap3A_246 = arith.constant 10 : i32
      %swap3A_247 = arith.index_cast %swap3A_246 : i32 to index
      %swap3A_248 = arith.index_cast %mul3A_245 : i32 to index
      %swap3A_249 = tpu.vector_load %arg12[%swap3A_247, %swap3A_248] {strides = array<i32>} : memref<16x128xf32, #tpu.memory_space<vmem>>, vector<1x16xf32>,
      %swap3A_250 = vector.shape_cast %swap3A_249 : vector<1x16xf32> to vector<16xf32>
      %swap3A_251 = vector.shape_cast %broadcast_in_dim3A_1 : vector<16xf32> to vector<1x16xf32>
      tpu.vector_store %arg12[%swap3A_247, %swap3A_248], %swap3A_251 {strides = array<i32>} : memref<16x128xf32, #tpu.memory_space<vmem>>, vector<1x16xf32>,
    }
    %scan3A_66 = arith.constant 8 : i32
    %scan3A_67 = arith.constant 0 : i32
    %scan3A_68 = arith.constant 0 : i32
    %scan3A_69 = arith.constant 8 : i32
    %scan3A_70 = arith.addi %scan3A_68, %scan3A_69 : i32
    %scan3A_71 = arith.constant 1 : i32
    scf.for %scan3A_243 = %scan3A_68 to %scan3A_70 step %scan3A_71  : i32 {
      %mul3A_244 = arith.constant 16 : i32
      %mul3A_245 = arith.muli %scan3A_243, %mul3A_244 : i32
      %swap3A_246 = arith.constant 11 : i32
      %swap3A_247 = arith.index_cast %swap3A_246 : i32 to index
      %swap3A_248 = arith.index_cast %mul3A_245 : i32 to index
      %swap3A_249 = tpu.vector_load %arg12[%swap3A_247, %swap3A_248] {strides = array<i32>} : memref<16x128xf32, #tpu.memory_space<vmem>>, vector<1x16xf32>,
      %swap3A_250 = vector.shape_cast %swap3A_249 : vector<1x16xf32> to vector<16xf32>
      %swap3A_251 = vector.shape_cast %broadcast_in_dim3A_1 : vector<16xf32> to vector<1x16xf32>
      tpu.vector_store %arg12[%swap3A_247, %swap3A_248], %swap3A_251 {strides = array<i32>} : memref<16x128xf32, #tpu.memory_space<vmem>>, vector<1x16xf32>,
    }
    %scan3A_72 = arith.constant 8 : i32
    %scan3A_73 = arith.constant 0 : i32
    %scan3A_74 = arith.constant 0 : i32
    %scan3A_75 = arith.constant 8 : i32
    %scan3A_76 = arith.addi %scan3A_74, %scan3A_75 : i32
    %scan3A_77 = arith.constant 1 : i32
    scf.for %scan3A_243 = %scan3A_74 to %scan3A_76 step %scan3A_77  : i32 {
      %mul3A_244 = arith.constant 16 : i32
      %mul3A_245 = arith.muli %scan3A_243, %mul3A_244 : i32
      %swap3A_246 = arith.constant 12 : i32
      %swap3A_247 = arith.index_cast %swap3A_246 : i32 to index
      %swap3A_248 = arith.index_cast %mul3A_245 : i32 to index
      %swap3A_249 = tpu.vector_load %arg12[%swap3A_247, %swap3A_248] {strides = array<i32>} : memref<16x128xf32, #tpu.memory_space<vmem>>, vector<1x16xf32>,
      %swap3A_250 = vector.shape_cast %swap3A_249 : vector<1x16xf32> to vector<16xf32>
      %swap3A_251 = vector.shape_cast %broadcast_in_dim3A_1 : vector<16xf32> to vector<1x16xf32>
      tpu.vector_store %arg12[%swap3A_247, %swap3A_248], %swap3A_251 {strides = array<i32>} : memref<16x128xf32, #tpu.memory_space<vmem>>, vector<1x16xf32>,
    }
    %scan3A_78 = arith.constant 8 : i32
    %scan3A_79 = arith.constant 0 : i32
    %scan3A_80 = arith.constant 0 : i32
    %scan3A_81 = arith.constant 8 : i32
    %scan3A_82 = arith.addi %scan3A_80, %scan3A_81 : i32
    %scan3A_83 = arith.constant 1 : i32
    scf.for %scan3A_243 = %scan3A_80 to %scan3A_82 step %scan3A_83  : i32 {
      %mul3A_244 = arith.constant 16 : i32
      %mul3A_245 = arith.muli %scan3A_243, %mul3A_244 : i32
      %swap3A_246 = arith.constant 13 : i32
      %swap3A_247 = arith.index_cast %swap3A_246 : i32 to index
      %swap3A_248 = arith.index_cast %mul3A_245 : i32 to index
      %swap3A_249 = tpu.vector_load %arg12[%swap3A_247, %swap3A_248] {strides = array<i32>} : memref<16x128xf32, #tpu.memory_space<vmem>>, vector<1x16xf32>,
      %swap3A_250 = vector.shape_cast %swap3A_249 : vector<1x16xf32> to vector<16xf32>
      %swap3A_251 = vector.shape_cast %broadcast_in_dim3A_1 : vector<16xf32> to vector<1x16xf32>
      tpu.vector_store %arg12[%swap3A_247, %swap3A_248], %swap3A_251 {strides = array<i32>} : memref<16x128xf32, #tpu.memory_space<vmem>>, vector<1x16xf32>,
    }
    %scan3A_84 = arith.constant 8 : i32
    %scan3A_85 = arith.constant 0 : i32
    %scan3A_86 = arith.constant 0 : i32
    %scan3A_87 = arith.constant 8 : i32
    %scan3A_88 = arith.addi %scan3A_86, %scan3A_87 : i32
    %scan3A_89 = arith.constant 1 : i32
    scf.for %scan3A_243 = %scan3A_86 to %scan3A_88 step %scan3A_89  : i32 {
      %mul3A_244 = arith.constant 16 : i32
      %mul3A_245 = arith.muli %scan3A_243, %mul3A_244 : i32
      %swap3A_246 = arith.constant 14 : i32
      %swap3A_247 = arith.index_cast %swap3A_246 : i32 to index
      %swap3A_248 = arith.index_cast %mul3A_245 : i32 to index
      %swap3A_249 = tpu.vector_load %arg12[%swap3A_247, %swap3A_248] {strides = array<i32>} : memref<16x128xf32, #tpu.memory_space<vmem>>, vector<1x16xf32>,
      %swap3A_250 = vector.shape_cast %swap3A_249 : vector<1x16xf32> to vector<16xf32>
      %swap3A_251 = vector.shape_cast %broadcast_in_dim3A_1 : vector<16xf32> to vector<1x16xf32>
      tpu.vector_store %arg12[%swap3A_247, %swap3A_248], %swap3A_251 {strides = array<i32>} : memref<16x128xf32, #tpu.memory_space<vmem>>, vector<1x16xf32>,
    }
    %scan3A_90 = arith.constant 8 : i32
    %scan3A_91 = arith.constant 0 : i32
    %scan3A_92 = arith.constant 0 : i32
    %scan3A_93 = arith.constant 8 : i32
    %scan3A_94 = arith.addi %scan3A_92, %scan3A_93 : i32
    %scan3A_95 = arith.constant 1 : i32
    scf.for %scan3A_243 = %scan3A_92 to %scan3A_94 step %scan3A_95  : i32 {
      %mul3A_244 = arith.constant 16 : i32
      %mul3A_245 = arith.muli %scan3A_243, %mul3A_244 : i32
      %swap3A_246 = arith.constant 15 : i32
      %swap3A_247 = arith.index_cast %swap3A_246 : i32 to index
      %swap3A_248 = arith.index_cast %mul3A_245 : i32 to index
      %swap3A_249 = tpu.vector_load %arg12[%swap3A_247, %swap3A_248] {strides = array<i32>} : memref<16x128xf32, #tpu.memory_space<vmem>>, vector<1x16xf32>,
      %swap3A_250 = vector.shape_cast %swap3A_249 : vector<1x16xf32> to vector<16xf32>
      %swap3A_251 = vector.shape_cast %broadcast_in_dim3A_1 : vector<16xf32> to vector<1x16xf32>
      tpu.vector_store %arg12[%swap3A_247, %swap3A_248], %swap3A_251 {strides = array<i32>} : memref<16x128xf32, #tpu.memory_space<vmem>>, vector<1x16xf32>,
    }
    %scan3A_96 = arith.constant 8 : i32
    %mul3A_97 = arith.constant 2 : i32
    %mul3A_98 = arith.muli %arg0, %mul3A_97 : i32
    %add3A = arith.constant 0 : i32
    %add3A_99 = arith.addi %mul3A_98, %add3A : i32
    %scan3A_100 = arith.constant 0 : i32
    %scan3A_101 = arith.constant 0 : i32
    %scan3A_102 = arith.constant 40 : i32
    %scan3A_103 = arith.addi %scan3A_101, %scan3A_102 : i32
    %scan3A_104 = arith.constant 1 : i32
    scf.for %scan3A_243 = %scan3A_101 to %scan3A_103 step %scan3A_104  : i32 {
      %mul3A_244 = arith.constant 640 : i32
      %mul3A_245 = arith.muli %arg1, %mul3A_244 : i32
      %mul3A_246 = arith.constant 16 : i32
      %mul3A_247 = arith.muli %scan3A_243, %mul3A_246 : i32
      %add3A_248 = arith.addi %mul3A_245, %mul3A_247 : i32
      "tpu.region"() ({
        %run_scoped3A = tpu.sem_alloc : memref<!tpu.dma_semaphore, #tpu.memory_space<semaphore_mem>>
        %dma_start3A_249 = arith.constant 0 : i32
        %dma_start3A_250 = tpu.memref_slice %arg6[%add3A_248, %dma_start3A_249] : memref<10240x128xf32, #tpu.memory_space<vmem_shared>> -> memref<16x128xf32, #tpu.memory_space<vmem_shared>>
        %dma_start3A_251 = arith.constant 0 : i32
        %dma_start3A_252 = tpu.memref_slice %arg6[%add3A_248, %dma_start3A_251] : memref<10240x128xf32, #tpu.memory_space<vmem_shared>> -> memref<16x128xf32, #tpu.memory_space<vmem_shared>>
        tpu.enqueue_dma source(%arg12 : memref<16x128xf32, #tpu.memory_space<vmem>>) target(%dma_start3A_252 : memref<16x128xf32, #tpu.memory_space<vmem_shared>>) target_semaphore(%run_scoped3A : memref<!tpu.dma_semaphore, #tpu.memory_space<semaphore_mem>>)
        %dma_wait3A_253 = arith.constant 0 : i32
        %dma_wait3A_254 = tpu.memref_slice %arg6[%add3A_248, %dma_wait3A_253] : memref<10240x128xf32, #tpu.memory_space<vmem_shared>> -> memref<16x128xf32, #tpu.memory_space<vmem_shared>>
        %dma_wait3A_255 = arith.constant 0 : i32
        %dma_wait3A_256 = tpu.memref_slice %arg6[%add3A_248, %dma_wait3A_255] : memref<10240x128xf32, #tpu.memory_space<vmem_shared>> -> memref<16x128xf32, #tpu.memory_space<vmem_shared>>
        tpu.wait_dma2 semaphore(%run_scoped3A : memref<!tpu.dma_semaphore, #tpu.memory_space<semaphore_mem>>) src(%arg12 : memref<16x128xf32, #tpu.memory_space<vmem>>) dst(%dma_wait3A_256 : memref<16x128xf32, #tpu.memory_space<vmem_shared>>)
        tpu.yield
      }) : () -> ()
    }
    %scan3A_105 = arith.constant 40 : i32
    %barrier3A = arith.constant 0 : index
    tpu.barrier barrier_id(%barrier3A)
    %dma_start3A = arith.constant 0 : i32
    %dma_start3A_106 = tpu.memref_slice %arg7[%dma_start3A] : memref<10000xi32, #tpu.memory_space<vmem>> -> memref<80xi32, #tpu.memory_space<vmem>>
    %dma_start3A_107 = arith.constant 0 : i32
    %dma_start3A_108 = arith.constant 0 : i32
    %dma_start3A_109 = tpu.memref_slice %arg2[%add3A_99, %dma_start3A_107, %dma_start3A_108] : memref<4x10000x128xf32, #tpu.memory_space<hbm>> -> memref<1x10000x128xf32, #tpu.memory_space<hbm>>
    %dma_start3A_110 = tpu.memref_squeeze %dma_start3A_109 : memref<1x10000x128xf32, #tpu.memory_space<hbm>> -> memref<10000x128xf32, #tpu.memory_space<hbm>>
    %dma_start3A_111 = arith.constant 0 : i32
    %dma_start3A_112 = arith.constant 0 : i32
    %dma_start3A_113 = tpu.memref_slice %dma_start3A_110[%dma_start3A_111, %dma_start3A_112] : memref<10000x128xf32, #tpu.memory_space<hbm>> -> memref<10000x128xf32, #tpu.memory_space<hbm>>
    tpu.enqueue_indirect_dma source(%dma_start3A_113 : memref<10000x128xf32, #tpu.memory_space<hbm>>) target(%arg10 : memref<80x128xf32, #tpu.memory_space<vmem>>) offsets(%dma_start3A_106 : memref<80xi32, #tpu.memory_space<vmem>>) semaphore(%arg13 : memref<!tpu.dma_semaphore, #tpu.memory_space<semaphore_mem>>)
    %scan3A_114 = arith.constant 0 : i32
    %scan3A_115 = arith.constant 0 : i32
    %scan3A_116 = arith.constant 62 : i32
    %scan3A_117 = arith.addi %scan3A_115, %scan3A_116 : i32
    %scan3A_118 = arith.constant 1 : i32
    scf.for %scan3A_243 = %scan3A_115 to %scan3A_117 step %scan3A_118  : i32 {
      %mul3A_244 = arith.constant 2 : i32
      %mul3A_245 = arith.muli %mul3A_244, %scan3A_243 : i32
      %add3A_246 = arith.constant 1 : i32
      %add3A_247 = arith.addi %mul3A_245, %add3A_246 : i32
      %mul3A_248 = arith.constant 80 : i32
      %mul3A_249 = arith.muli %add3A_247, %mul3A_248 : i32
      %dma_start3A_250 = tpu.memref_slice %arg7[%mul3A_249] : memref<10000xi32, #tpu.memory_space<vmem>> -> memref<80xi32, #tpu.memory_space<vmem>>
      %dma_start3A_251 = arith.constant 0 : i32
      %dma_start3A_252 = arith.constant 0 : i32
      %dma_start3A_253 = tpu.memref_slice %arg2[%add3A_99, %dma_start3A_251, %dma_start3A_252] : memref<4x10000x128xf32, #tpu.memory_space<hbm>> -> memref<1x10000x128xf32, #tpu.memory_space<hbm>>
      %dma_start3A_254 = tpu.memref_squeeze %dma_start3A_253 : memref<1x10000x128xf32, #tpu.memory_space<hbm>> -> memref<10000x128xf32, #tpu.memory_space<hbm>>
      %dma_start3A_255 = arith.constant 0 : i32
      %dma_start3A_256 = arith.constant 0 : i32
      %dma_start3A_257 = tpu.memref_slice %dma_start3A_254[%dma_start3A_255, %dma_start3A_256] : memref<10000x128xf32, #tpu.memory_space<hbm>> -> memref<10000x128xf32, #tpu.memory_space<hbm>>
      tpu.enqueue_indirect_dma source(%dma_start3A_257 : memref<10000x128xf32, #tpu.memory_space<hbm>>) target(%arg11 : memref<80x128xf32, #tpu.memory_space<vmem>>) offsets(%dma_start3A_250 : memref<80xi32, #tpu.memory_space<vmem>>) semaphore(%arg14 : memref<!tpu.dma_semaphore, #tpu.memory_space<semaphore_mem>>)
      %mul3A_258 = arith.constant 80 : i32
      %mul3A_259 = arith.muli %mul3A_245, %mul3A_258 : i32
      %dma_wait3A_260 = tpu.memref_slice %arg7[%mul3A_259] : memref<10000xi32, #tpu.memory_space<vmem>> -> memref<80xi32, #tpu.memory_space<vmem>>
      %dma_wait3A_261 = arith.constant 0 : i32
      %dma_wait3A_262 = arith.constant 0 : i32
      %dma_wait3A_263 = tpu.memref_slice %arg2[%add3A_99, %dma_wait3A_261, %dma_wait3A_262] : memref<4x10000x128xf32, #tpu.memory_space<hbm>> -> memref<1x10000x128xf32, #tpu.memory_space<hbm>>
      %dma_wait3A_264 = tpu.memref_squeeze %dma_wait3A_263 : memref<1x10000x128xf32, #tpu.memory_space<hbm>> -> memref<10000x128xf32, #tpu.memory_space<hbm>>
      %dma_wait3A_265 = arith.constant 0 : i32
      %dma_wait3A_266 = arith.constant 0 : i32
      %dma_wait3A_267 = tpu.memref_slice %dma_wait3A_264[%dma_wait3A_265, %dma_wait3A_266] : memref<10000x128xf32, #tpu.memory_space<hbm>> -> memref<10000x128xf32, #tpu.memory_space<hbm>>
      tpu.wait_indirect_dma semaphore(%arg13 : memref<!tpu.dma_semaphore, #tpu.memory_space<semaphore_mem>>) src(%dma_wait3A_267 : memref<10000x128xf32, #tpu.memory_space<hbm>>) dst(%arg10 : memref<80x128xf32, #tpu.memory_space<vmem>>)
      %mul3A_268 = arith.constant 80 : i32
      %mul3A_269 = arith.muli %mul3A_245, %mul3A_268 : i32
      %add3A_270 = arith.constant 0 : i32
      %add3A_271 = arith.addi %mul3A_269, %add3A_270 : i32
      %get3A_272 = arith.index_cast %add3A_271 : i32 to index
      %get3A_273 = tpu.vector_load %arg8[%get3A_272] {strides = array<i32>} : memref<10000xi32, #tpu.memory_space<vmem>>, vector<16xi32>,
      %get3A_274 = vector.shape_cast %get3A_273 : vector<16xi32> to vector<16xi32>
      %swap3A_275 = arith.constant 0 : index
      %swap3A_276 = tpu.vector_load %arg9[%swap3A_275] {strides = array<i32>} : memref<80xi32, #tpu.memory_space<vmem>>, vector<16xi32>,
      %swap3A_277 = vector.shape_cast %swap3A_276 : vector<16xi32> to vector<16xi32>
      %swap3A_278 = vector.shape_cast %get3A_274 : vector<16xi32> to vector<16xi32>
      tpu.vector_store %arg9[%swap3A_275], %swap3A_278 {strides = array<i32>} : memref<80xi32, #tpu.memory_space<vmem>>, vector<16xi32>,
      %mul3A_279 = arith.constant 80 : i32
      %mul3A_280 = arith.muli %mul3A_245, %mul3A_279 : i32
      %add3A_281 = arith.constant 16 : i32
      %add3A_282 = arith.addi %mul3A_280, %add3A_281 : i32
      %get3A_283 = arith.index_cast %add3A_282 : i32 to index
      %get3A_284 = tpu.vector_load %arg8[%get3A_283] {strides = array<i32>} : memref<10000xi32, #tpu.memory_space<vmem>>, vector<16xi32>,
      %get3A_285 = vector.shape_cast %get3A_284 : vector<16xi32> to vector<16xi32>
      %swap3A_286 = arith.constant 16 : index
      %swap3A_287 = tpu.vector_load %arg9[%swap3A_286] {strides = array<i32>} : memref<80xi32, #tpu.memory_space<vmem>>, vector<16xi32>,
      %swap3A_288 = vector.shape_cast %swap3A_287 : vector<16xi32> to vector<16xi32>
      %swap3A_289 = vector.shape_cast %get3A_285 : vector<16xi32> to vector<16xi32>
      tpu.vector_store %arg9[%swap3A_286], %swap3A_289 {strides = array<i32>} : memref<80xi32, #tpu.memory_space<vmem>>, vector<16xi32>,
      %mul3A_290 = arith.constant 80 : i32
      %mul3A_291 = arith.muli %mul3A_245, %mul3A_290 : i32
      %add3A_292 = arith.constant 32 : i32
      %add3A_293 = arith.addi %mul3A_291, %add3A_292 : i32
      %get3A_294 = arith.index_cast %add3A_293 : i32 to index
      %get3A_295 = tpu.vector_load %arg8[%get3A_294] {strides = array<i32>} : memref<10000xi32, #tpu.memory_space<vmem>>, vector<16xi32>,
      %get3A_296 = vector.shape_cast %get3A_295 : vector<16xi32> to vector<16xi32>
      %swap3A_297 = arith.constant 32 : index
      %swap3A_298 = tpu.vector_load %arg9[%swap3A_297] {strides = array<i32>} : memref<80xi32, #tpu.memory_space<vmem>>, vector<16xi32>,
      %swap3A_299 = vector.shape_cast %swap3A_298 : vector<16xi32> to vector<16xi32>
      %swap3A_300 = vector.shape_cast %get3A_296 : vector<16xi32> to vector<16xi32>
      tpu.vector_store %arg9[%swap3A_297], %swap3A_300 {strides = array<i32>} : memref<80xi32, #tpu.memory_space<vmem>>, vector<16xi32>,
      %mul3A_301 = arith.constant 80 : i32
      %mul3A_302 = arith.muli %mul3A_245, %mul3A_301 : i32
      %add3A_303 = arith.constant 48 : i32
      %add3A_304 = arith.addi %mul3A_302, %add3A_303 : i32
      %get3A_305 = arith.index_cast %add3A_304 : i32 to index
      %get3A_306 = tpu.vector_load %arg8[%get3A_305] {strides = array<i32>} : memref<10000xi32, #tpu.memory_space<vmem>>, vector<16xi32>,
      %get3A_307 = vector.shape_cast %get3A_306 : vector<16xi32> to vector<16xi32>
      %swap3A_308 = arith.constant 48 : index
      %swap3A_309 = tpu.vector_load %arg9[%swap3A_308] {strides = array<i32>} : memref<80xi32, #tpu.memory_space<vmem>>, vector<16xi32>,
      %swap3A_310 = vector.shape_cast %swap3A_309 : vector<16xi32> to vector<16xi32>
      %swap3A_311 = vector.shape_cast %get3A_307 : vector<16xi32> to vector<16xi32>
      tpu.vector_store %arg9[%swap3A_308], %swap3A_311 {strides = array<i32>} : memref<80xi32, #tpu.memory_space<vmem>>, vector<16xi32>,
      %mul3A_312 = arith.constant 80 : i32
      %mul3A_313 = arith.muli %mul3A_245, %mul3A_312 : i32
      %add3A_314 = arith.constant 64 : i32
      %add3A_315 = arith.addi %mul3A_313, %add3A_314 : i32
      %get3A_316 = arith.index_cast %add3A_315 : i32 to index
      %get3A_317 = tpu.vector_load %arg8[%get3A_316] {strides = array<i32>} : memref<10000xi32, #tpu.memory_space<vmem>>, vector<16xi32>,
      %get3A_318 = vector.shape_cast %get3A_317 : vector<16xi32> to vector<16xi32>
      %swap3A_319 = arith.constant 64 : index
      %swap3A_320 = tpu.vector_load %arg9[%swap3A_319] {strides = array<i32>} : memref<80xi32, #tpu.memory_space<vmem>>, vector<16xi32>,
      %swap3A_321 = vector.shape_cast %swap3A_320 : vector<16xi32> to vector<16xi32>
      %swap3A_322 = vector.shape_cast %get3A_318 : vector<16xi32> to vector<16xi32>
      tpu.vector_store %arg9[%swap3A_319], %swap3A_322 {strides = array<i32>} : memref<80xi32, #tpu.memory_space<vmem>>, vector<16xi32>,
      "tpu.region"() ({
        %run_scoped3A = tpu.sem_alloc : memref<!tpu.dma_semaphore, #tpu.memory_space<semaphore_mem>>
        %dma_start3A_404 = arith.constant 0 : i32
        %dma_start3A_405 = arith.constant 0 : i32
        %dma_start3A_406 = tpu.memref_slice %arg6[%dma_start3A_404, %dma_start3A_405] : memref<10240x128xf32, #tpu.memory_space<vmem_shared>> -> memref<10240x128xf32, #tpu.memory_space<vmem_shared>>
        tpu.enqueue_indirect_dma source(%arg10 : memref<80x128xf32, #tpu.memory_space<vmem>>) target(%dma_start3A_406 : memref<10240x128xf32, #tpu.memory_space<vmem_shared>>) offsets(%arg9 : memref<80xi32, #tpu.memory_space<vmem>>) semaphore(%run_scoped3A : memref<!tpu.dma_semaphore, #tpu.memory_space<semaphore_mem>>) {add = true}
        %dma_wait3A_407 = arith.constant 0 : i32
        %dma_wait3A_408 = arith.constant 0 : i32
        %dma_wait3A_409 = tpu.memref_slice %arg6[%dma_wait3A_407, %dma_wait3A_408] : memref<10240x128xf32, #tpu.memory_space<vmem_shared>> -> memref<10240x128xf32, #tpu.memory_space<vmem_shared>>
        tpu.wait_indirect_dma semaphore(%run_scoped3A : memref<!tpu.dma_semaphore, #tpu.memory_space<semaphore_mem>>) src(%arg10 : memref<80x128xf32, #tpu.memory_space<vmem>>) dst(%dma_wait3A_409 : memref<10240x128xf32, #tpu.memory_space<vmem_shared>>)
        tpu.yield
      }) : () -> ()
      %add3A_323 = arith.constant 2 : i32
      %add3A_324 = arith.addi %mul3A_245, %add3A_323 : i32
      %mul3A_325 = arith.constant 80 : i32
      %mul3A_326 = arith.muli %add3A_324, %mul3A_325 : i32
      %dma_start3A_327 = tpu.memref_slice %arg7[%mul3A_326] : memref<10000xi32, #tpu.memory_space<vmem>> -> memref<80xi32, #tpu.memory_space<vmem>>
      %dma_start3A_328 = arith.constant 0 : i32
      %dma_start3A_329 = arith.constant 0 : i32
      %dma_start3A_330 = tpu.memref_slice %arg2[%add3A_99, %dma_start3A_328, %dma_start3A_329] : memref<4x10000x128xf32, #tpu.memory_space<hbm>> -> memref<1x10000x128xf32, #tpu.memory_space<hbm>>
      %dma_start3A_331 = tpu.memref_squeeze %dma_start3A_330 : memref<1x10000x128xf32, #tpu.memory_space<hbm>> -> memref<10000x128xf32, #tpu.memory_space<hbm>>
      %dma_start3A_332 = arith.constant 0 : i32
      %dma_start3A_333 = arith.constant 0 : i32
      %dma_start3A_334 = tpu.memref_slice %dma_start3A_331[%dma_start3A_332, %dma_start3A_333] : memref<10000x128xf32, #tpu.memory_space<hbm>> -> memref<10000x128xf32, #tpu.memory_space<hbm>>
      tpu.enqueue_indirect_dma source(%dma_start3A_334 : memref<10000x128xf32, #tpu.memory_space<hbm>>) target(%arg10 : memref<80x128xf32, #tpu.memory_space<vmem>>) offsets(%dma_start3A_327 : memref<80xi32, #tpu.memory_space<vmem>>) semaphore(%arg13 : memref<!tpu.dma_semaphore, #tpu.memory_space<semaphore_mem>>)
      %add3A_335 = arith.constant 1 : i32
      %add3A_336 = arith.addi %mul3A_245, %add3A_335 : i32
      %mul3A_337 = arith.constant 80 : i32
      %mul3A_338 = arith.muli %add3A_336, %mul3A_337 : i32
      %dma_wait3A_339 = tpu.memref_slice %arg7[%mul3A_338] : memref<10000xi32, #tpu.memory_space<vmem>> -> memref<80xi32, #tpu.memory_space<vmem>>
      %dma_wait3A_340 = arith.constant 0 : i32
      %dma_wait3A_341 = arith.constant 0 : i32
      %dma_wait3A_342 = tpu.memref_slice %arg2[%add3A_99, %dma_wait3A_340, %dma_wait3A_341] : memref<4x10000x128xf32, #tpu.memory_space<hbm>> -> memref<1x10000x128xf32, #tpu.memory_space<hbm>>
      %dma_wait3A_343 = tpu.memref_squeeze %dma_wait3A_342 : memref<1x10000x128xf32, #tpu.memory_space<hbm>> -> memref<10000x128xf32, #tpu.memory_space<hbm>>
      %dma_wait3A_344 = arith.constant 0 : i32
      %dma_wait3A_345 = arith.constant 0 : i32
      %dma_wait3A_346 = tpu.memref_slice %dma_wait3A_343[%dma_wait3A_344, %dma_wait3A_345] : memref<10000x128xf32, #tpu.memory_space<hbm>> -> memref<10000x128xf32, #tpu.memory_space<hbm>>
      tpu.wait_indirect_dma semaphore(%arg14 : memref<!tpu.dma_semaphore, #tpu.memory_space<semaphore_mem>>) src(%dma_wait3A_346 : memref<10000x128xf32, #tpu.memory_space<hbm>>) dst(%arg11 : memref<80x128xf32, #tpu.memory_space<vmem>>)
      %add3A_347 = arith.constant 1 : i32
      %add3A_348 = arith.addi %mul3A_245, %add3A_347 : i32
      %mul3A_349 = arith.constant 80 : i32
      %mul3A_350 = arith.muli %add3A_348, %mul3A_349 : i32
      %add3A_351 = arith.constant 0 : i32
      %add3A_352 = arith.addi %mul3A_350, %add3A_351 : i32
      %get3A_353 = arith.index_cast %add3A_352 : i32 to index
      %get3A_354 = tpu.vector_load %arg8[%get3A_353] {strides = array<i32>} : memref<10000xi32, #tpu.memory_space<vmem>>, vector<16xi32>,
      %get3A_355 = vector.shape_cast %get3A_354 : vector<16xi32> to vector<16xi32>
      %swap3A_356 = arith.constant 0 : index
      %swap3A_357 = tpu.vector_load %arg9[%swap3A_356] {strides = array<i32>} : memref<80xi32, #tpu.memory_space<vmem>>, vector<16xi32>,
      %swap3A_358 = vector.shape_cast %swap3A_357 : vector<16xi32> to vector<16xi32>
      %swap3A_359 = vector.shape_cast %get3A_355 : vector<16xi32> to vector<16xi32>
      tpu.vector_store %arg9[%swap3A_356], %swap3A_359 {strides = array<i32>} : memref<80xi32, #tpu.memory_space<vmem>>, vector<16xi32>,
      %mul3A_360 = arith.constant 80 : i32
      %mul3A_361 = arith.muli %add3A_348, %mul3A_360 : i32
      %add3A_362 = arith.constant 16 : i32
      %add3A_363 = arith.addi %mul3A_361, %add3A_362 : i32
      %get3A_364 = arith.index_cast %add3A_363 : i32 to index
      %get3A_365 = tpu.vector_load %arg8[%get3A_364] {strides = array<i32>} : memref<10000xi32, #tpu.memory_space<vmem>>, vector<16xi32>,
      %get3A_366 = vector.shape_cast %get3A_365 : vector<16xi32> to vector<16xi32>
      %swap3A_367 = arith.constant 16 : index
      %swap3A_368 = tpu.vector_load %arg9[%swap3A_367] {strides = array<i32>} : memref<80xi32, #tpu.memory_space<vmem>>, vector<16xi32>,
      %swap3A_369 = vector.shape_cast %swap3A_368 : vector<16xi32> to vector<16xi32>
      %swap3A_370 = vector.shape_cast %get3A_366 : vector<16xi32> to vector<16xi32>
      tpu.vector_store %arg9[%swap3A_367], %swap3A_370 {strides = array<i32>} : memref<80xi32, #tpu.memory_space<vmem>>, vector<16xi32>,
      %mul3A_371 = arith.constant 80 : i32
      %mul3A_372 = arith.muli %add3A_348, %mul3A_371 : i32
      %add3A_373 = arith.constant 32 : i32
      %add3A_374 = arith.addi %mul3A_372, %add3A_373 : i32
      %get3A_375 = arith.index_cast %add3A_374 : i32 to index
      %get3A_376 = tpu.vector_load %arg8[%get3A_375] {strides = array<i32>} : memref<10000xi32, #tpu.memory_space<vmem>>, vector<16xi32>,
      %get3A_377 = vector.shape_cast %get3A_376 : vector<16xi32> to vector<16xi32>
      %swap3A_378 = arith.constant 32 : index
      %swap3A_379 = tpu.vector_load %arg9[%swap3A_378] {strides = array<i32>} : memref<80xi32, #tpu.memory_space<vmem>>, vector<16xi32>,
      %swap3A_380 = vector.shape_cast %swap3A_379 : vector<16xi32> to vector<16xi32>
      %swap3A_381 = vector.shape_cast %get3A_377 : vector<16xi32> to vector<16xi32>
      tpu.vector_store %arg9[%swap3A_378], %swap3A_381 {strides = array<i32>} : memref<80xi32, #tpu.memory_space<vmem>>, vector<16xi32>,
      %mul3A_382 = arith.constant 80 : i32
      %mul3A_383 = arith.muli %add3A_348, %mul3A_382 : i32
      %add3A_384 = arith.constant 48 : i32
      %add3A_385 = arith.addi %mul3A_383, %add3A_384 : i32
      %get3A_386 = arith.index_cast %add3A_385 : i32 to index
      %get3A_387 = tpu.vector_load %arg8[%get3A_386] {strides = array<i32>} : memref<10000xi32, #tpu.memory_space<vmem>>, vector<16xi32>,
      %get3A_388 = vector.shape_cast %get3A_387 : vector<16xi32> to vector<16xi32>
      %swap3A_389 = arith.constant 48 : index
      %swap3A_390 = tpu.vector_load %arg9[%swap3A_389] {strides = array<i32>} : memref<80xi32, #tpu.memory_space<vmem>>, vector<16xi32>,
      %swap3A_391 = vector.shape_cast %swap3A_390 : vector<16xi32> to vector<16xi32>
      %swap3A_392 = vector.shape_cast %get3A_388 : vector<16xi32> to vector<16xi32>
      tpu.vector_store %arg9[%swap3A_389], %swap3A_392 {strides = array<i32>} : memref<80xi32, #tpu.memory_space<vmem>>, vector<16xi32>,
      %mul3A_393 = arith.constant 80 : i32
      %mul3A_394 = arith.muli %add3A_348, %mul3A_393 : i32
      %add3A_395 = arith.constant 64 : i32
      %add3A_396 = arith.addi %mul3A_394, %add3A_395 : i32
      %get3A_397 = arith.index_cast %add3A_396 : i32 to index
      %get3A_398 = tpu.vector_load %arg8[%get3A_397] {strides = array<i32>} : memref<10000xi32, #tpu.memory_space<vmem>>, vector<16xi32>,
      %get3A_399 = vector.shape_cast %get3A_398 : vector<16xi32> to vector<16xi32>
      %swap3A_400 = arith.constant 64 : index
      %swap3A_401 = tpu.vector_load %arg9[%swap3A_400] {strides = array<i32>} : memref<80xi32, #tpu.memory_space<vmem>>, vector<16xi32>,
      %swap3A_402 = vector.shape_cast %swap3A_401 : vector<16xi32> to vector<16xi32>
      %swap3A_403 = vector.shape_cast %get3A_399 : vector<16xi32> to vector<16xi32>
      tpu.vector_store %arg9[%swap3A_400], %swap3A_403 {strides = array<i32>} : memref<80xi32, #tpu.memory_space<vmem>>, vector<16xi32>,
      "tpu.region"() ({
        %run_scoped3A = tpu.sem_alloc : memref<!tpu.dma_semaphore, #tpu.memory_space<semaphore_mem>>
        %dma_start3A_404 = arith.constant 0 : i32
        %dma_start3A_405 = arith.constant 0 : i32
        %dma_start3A_406 = tpu.memref_slice %arg6[%dma_start3A_404, %dma_start3A_405] : memref<10240x128xf32, #tpu.memory_space<vmem_shared>> -> memref<10240x128xf32, #tpu.memory_space<vmem_shared>>
        tpu.enqueue_indirect_dma source(%arg11 : memref<80x128xf32, #tpu.memory_space<vmem>>) target(%dma_start3A_406 : memref<10240x128xf32, #tpu.memory_space<vmem_shared>>) offsets(%arg9 : memref<80xi32, #tpu.memory_space<vmem>>) semaphore(%run_scoped3A : memref<!tpu.dma_semaphore, #tpu.memory_space<semaphore_mem>>) {add = true}
        %dma_wait3A_407 = arith.constant 0 : i32
        %dma_wait3A_408 = arith.constant 0 : i32
        %dma_wait3A_409 = tpu.memref_slice %arg6[%dma_wait3A_407, %dma_wait3A_408] : memref<10240x128xf32, #tpu.memory_space<vmem_shared>> -> memref<10240x128xf32, #tpu.memory_space<vmem_shared>>
        tpu.wait_indirect_dma semaphore(%run_scoped3A : memref<!tpu.dma_semaphore, #tpu.memory_space<semaphore_mem>>) src(%arg11 : memref<80x128xf32, #tpu.memory_space<vmem>>) dst(%dma_wait3A_409 : memref<10240x128xf32, #tpu.memory_space<vmem_shared>>)
        tpu.yield
      }) : () -> ()
    }
    %scan3A_119 = arith.constant 62 : i32
    %dma_wait3A = arith.constant 9920 : i32
    %dma_wait3A_120 = tpu.memref_slice %arg7[%dma_wait3A] : memref<10000xi32, #tpu.memory_space<vmem>> -> memref<80xi32, #tpu.memory_space<vmem>>
    %dma_wait3A_121 = arith.constant 0 : i32
    %dma_wait3A_122 = arith.constant 0 : i32
    %dma_wait3A_123 = tpu.memref_slice %arg2[%add3A_99, %dma_wait3A_121, %dma_wait3A_122] : memref<4x10000x128xf32, #tpu.memory_space<hbm>> -> memref<1x10000x128xf32, #tpu.memory_space<hbm>>
    %dma_wait3A_124 = tpu.memref_squeeze %dma_wait3A_123 : memref<1x10000x128xf32, #tpu.memory_space<hbm>> -> memref<10000x128xf32, #tpu.memory_space<hbm>>
    %dma_wait3A_125 = arith.constant 0 : i32
    %dma_wait3A_126 = arith.constant 0 : i32
    %dma_wait3A_127 = tpu.memref_slice %dma_wait3A_124[%dma_wait3A_125, %dma_wait3A_126] : memref<10000x128xf32, #tpu.memory_space<hbm>> -> memref<10000x128xf32, #tpu.memory_space<hbm>>
    tpu.wait_indirect_dma semaphore(%arg13 : memref<!tpu.dma_semaphore, #tpu.memory_space<semaphore_mem>>) src(%dma_wait3A_127 : memref<10000x128xf32, #tpu.memory_space<hbm>>) dst(%arg10 : memref<80x128xf32, #tpu.memory_space<vmem>>)
    %get3A = arith.constant 9920 : index
    %get3A_128 = tpu.vector_load %arg8[%get3A] {strides = array<i32>} : memref<10000xi32, #tpu.memory_space<vmem>>, vector<16xi32>,
    %get3A_129 = vector.shape_cast %get3A_128 : vector<16xi32> to vector<16xi32>
    %swap3A = arith.constant 0 : index
    %swap3A_130 = tpu.vector_load %arg9[%swap3A] {strides = array<i32>} : memref<80xi32, #tpu.memory_space<vmem>>, vector<16xi32>,
    %swap3A_131 = vector.shape_cast %swap3A_130 : vector<16xi32> to vector<16xi32>
    %swap3A_132 = vector.shape_cast %get3A_129 : vector<16xi32> to vector<16xi32>
    tpu.vector_store %arg9[%swap3A], %swap3A_132 {strides = array<i32>} : memref<80xi32, #tpu.memory_space<vmem>>, vector<16xi32>,
    %get3A_133 = arith.constant 9936 : index
    %get3A_134 = tpu.vector_load %arg8[%get3A_133] {strides = array<i32>} : memref<10000xi32, #tpu.memory_space<vmem>>, vector<16xi32>,
    %get3A_135 = vector.shape_cast %get3A_134 : vector<16xi32> to vector<16xi32>
    %swap3A_136 = arith.constant 16 : index
    %swap3A_137 = tpu.vector_load %arg9[%swap3A_136] {strides = array<i32>} : memref<80xi32, #tpu.memory_space<vmem>>, vector<16xi32>,
    %swap3A_138 = vector.shape_cast %swap3A_137 : vector<16xi32> to vector<16xi32>
    %swap3A_139 = vector.shape_cast %get3A_135 : vector<16xi32> to vector<16xi32>
    tpu.vector_store %arg9[%swap3A_136], %swap3A_139 {strides = array<i32>} : memref<80xi32, #tpu.memory_space<vmem>>, vector<16xi32>,
    %get3A_140 = arith.constant 9952 : index
    %get3A_141 = tpu.vector_load %arg8[%get3A_140] {strides = array<i32>} : memref<10000xi32, #tpu.memory_space<vmem>>, vector<16xi32>,
    %get3A_142 = vector.shape_cast %get3A_141 : vector<16xi32> to vector<16xi32>
    %swap3A_143 = arith.constant 32 : index
    %swap3A_144 = tpu.vector_load %arg9[%swap3A_143] {strides = array<i32>} : memref<80xi32, #tpu.memory_space<vmem>>, vector<16xi32>,
    %swap3A_145 = vector.shape_cast %swap3A_144 : vector<16xi32> to vector<16xi32>
    %swap3A_146 = vector.shape_cast %get3A_142 : vector<16xi32> to vector<16xi32>
    tpu.vector_store %arg9[%swap3A_143], %swap3A_146 {strides = array<i32>} : memref<80xi32, #tpu.memory_space<vmem>>, vector<16xi32>,
    %get3A_147 = arith.constant 9968 : index
    %get3A_148 = tpu.vector_load %arg8[%get3A_147] {strides = array<i32>} : memref<10000xi32, #tpu.memory_space<vmem>>, vector<16xi32>,
    %get3A_149 = vector.shape_cast %get3A_148 : vector<16xi32> to vector<16xi32>
    %swap3A_150 = arith.constant 48 : index
    %swap3A_151 = tpu.vector_load %arg9[%swap3A_150] {strides = array<i32>} : memref<80xi32, #tpu.memory_space<vmem>>, vector<16xi32>,
    %swap3A_152 = vector.shape_cast %swap3A_151 : vector<16xi32> to vector<16xi32>
    %swap3A_153 = vector.shape_cast %get3A_149 : vector<16xi32> to vector<16xi32>
    tpu.vector_store %arg9[%swap3A_150], %swap3A_153 {strides = array<i32>} : memref<80xi32, #tpu.memory_space<vmem>>, vector<16xi32>,
    %get3A_154 = arith.constant 9984 : index
    %get3A_155 = tpu.vector_load %arg8[%get3A_154] {strides = array<i32>} : memref<10000xi32, #tpu.memory_space<vmem>>, vector<16xi32>,
    %get3A_156 = vector.shape_cast %get3A_155 : vector<16xi32> to vector<16xi32>
    %swap3A_157 = arith.constant 64 : index
    %swap3A_158 = tpu.vector_load %arg9[%swap3A_157] {strides = array<i32>} : memref<80xi32, #tpu.memory_space<vmem>>, vector<16xi32>,
    %swap3A_159 = vector.shape_cast %swap3A_158 : vector<16xi32> to vector<16xi32>
    %swap3A_160 = vector.shape_cast %get3A_156 : vector<16xi32> to vector<16xi32>
    tpu.vector_store %arg9[%swap3A_157], %swap3A_160 {strides = array<i32>} : memref<80xi32, #tpu.memory_space<vmem>>, vector<16xi32>,
    "tpu.region"() ({
      %run_scoped3A = tpu.sem_alloc : memref<!tpu.dma_semaphore, #tpu.memory_space<semaphore_mem>>
      %dma_start3A_243 = arith.constant 0 : i32
      %dma_start3A_244 = arith.constant 0 : i32
      %dma_start3A_245 = tpu.memref_slice %arg6[%dma_start3A_243, %dma_start3A_244] : memref<10240x128xf32, #tpu.memory_space<vmem_shared>> -> memref<10240x128xf32, #tpu.memory_space<vmem_shared>>
      tpu.enqueue_indirect_dma source(%arg10 : memref<80x128xf32, #tpu.memory_space<vmem>>) target(%dma_start3A_245 : memref<10240x128xf32, #tpu.memory_space<vmem_shared>>) offsets(%arg9 : memref<80xi32, #tpu.memory_space<vmem>>) semaphore(%run_scoped3A : memref<!tpu.dma_semaphore, #tpu.memory_space<semaphore_mem>>) {add = true}
      %dma_wait3A_246 = arith.constant 0 : i32
      %dma_wait3A_247 = arith.constant 0 : i32
      %dma_wait3A_248 = tpu.memref_slice %arg6[%dma_wait3A_246, %dma_wait3A_247] : memref<10240x128xf32, #tpu.memory_space<vmem_shared>> -> memref<10240x128xf32, #tpu.memory_space<vmem_shared>>
      tpu.wait_indirect_dma semaphore(%run_scoped3A : memref<!tpu.dma_semaphore, #tpu.memory_space<semaphore_mem>>) src(%arg10 : memref<80x128xf32, #tpu.memory_space<vmem>>) dst(%dma_wait3A_248 : memref<10240x128xf32, #tpu.memory_space<vmem_shared>>)
      tpu.yield
    }) : () -> ()
    %barrier3A_161 = arith.constant 0 : index
    tpu.barrier barrier_id(%barrier3A_161)
    %mul3A_162 = arith.constant 640 : i32
    %mul3A_163 = arith.muli %arg1, %mul3A_162 : i32
    %mul3A_164 = arith.constant 640 : i32
    %mul3A_165 = arith.muli %arg1, %mul3A_164 : i32
    "tpu.region"() ({
      %run_scoped3A = tpu.sem_alloc : memref<!tpu.dma_semaphore, #tpu.memory_space<semaphore_mem>>
      %dma_start3A_243 = arith.constant 0 : i32
      %dma_start3A_244 = tpu.memref_slice %arg5[%add3A_99, %mul3A_165, %dma_start3A_243] : memref<4x10240x128xf32, #tpu.memory_space<hbm>> -> memref<1x640x128xf32, #tpu.memory_space<hbm>>
      %dma_start3A_245 = tpu.memref_squeeze %dma_start3A_244 : memref<1x640x128xf32, #tpu.memory_space<hbm>> -> memref<640x128xf32, #tpu.memory_space<hbm>>
      %dma_start3A_246 = arith.constant 0 : i32
      %dma_start3A_247 = tpu.memref_slice %arg6[%mul3A_163, %dma_start3A_246] : memref<10240x128xf32, #tpu.memory_space<vmem_shared>> -> memref<640x128xf32, #tpu.memory_space<vmem_shared>>
      tpu.enqueue_dma source(%dma_start3A_247 : memref<640x128xf32, #tpu.memory_space<vmem_shared>>) target(%dma_start3A_245 : memref<640x128xf32, #tpu.memory_space<hbm>>) target_semaphore(%run_scoped3A : memref<!tpu.dma_semaphore, #tpu.memory_space<semaphore_mem>>)
      %dma_wait3A_248 = arith.constant 0 : i32
      %dma_wait3A_249 = tpu.memref_slice %arg5[%add3A_99, %mul3A_165, %dma_wait3A_248] : memref<4x10240x128xf32, #tpu.memory_space<hbm>> -> memref<1x640x128xf32, #tpu.memory_space<hbm>>
      %dma_wait3A_250 = tpu.memref_squeeze %dma_wait3A_249 : memref<1x640x128xf32, #tpu.memory_space<hbm>> -> memref<640x128xf32, #tpu.memory_space<hbm>>
      %dma_wait3A_251 = arith.constant 0 : i32
      %dma_wait3A_252 = tpu.memref_slice %arg6[%mul3A_163, %dma_wait3A_251] : memref<10240x128xf32, #tpu.memory_space<vmem_shared>> -> memref<640x128xf32, #tpu.memory_space<vmem_shared>>
      tpu.wait_dma2 semaphore(%run_scoped3A : memref<!tpu.dma_semaphore, #tpu.memory_space<semaphore_mem>>) src(%dma_wait3A_252 : memref<640x128xf32, #tpu.memory_space<vmem_shared>>) dst(%dma_wait3A_250 : memref<640x128xf32, #tpu.memory_space<hbm>>)
      tpu.yield
    }) : () -> ()
    %barrier3A_166 = arith.constant 0 : index
    tpu.barrier barrier_id(%barrier3A_166)
    %mul3A_167 = arith.constant 2 : i32
    %mul3A_168 = arith.muli %arg0, %mul3A_167 : i32
    %add3A_169 = arith.constant 1 : i32
    %add3A_170 = arith.addi %mul3A_168, %add3A_169 : i32
    %scan3A_171 = arith.constant 0 : i32
    %scan3A_172 = arith.constant 0 : i32
    %scan3A_173 = arith.constant 40 : i32
    %scan3A_174 = arith.addi %scan3A_172, %scan3A_173 : i32
    %scan3A_175 = arith.constant 1 : i32
    scf.for %scan3A_243 = %scan3A_172 to %scan3A_174 step %scan3A_175  : i32 {
      %mul3A_244 = arith.constant 640 : i32
      %mul3A_245 = arith.muli %arg1, %mul3A_244 : i32
      %mul3A_246 = arith.constant 16 : i32
      %mul3A_247 = arith.muli %scan3A_243, %mul3A_246 : i32
      %add3A_248 = arith.addi %mul3A_245, %mul3A_247 : i32
      "tpu.region"() ({
        %run_scoped3A = tpu.sem_alloc : memref<!tpu.dma_semaphore, #tpu.memory_space<semaphore_mem>>
        %dma_start3A_249 = arith.constant 0 : i32
        %dma_start3A_250 = tpu.memref_slice %arg6[%add3A_248, %dma_start3A_249] : memref<10240x128xf32, #tpu.memory_space<vmem_shared>> -> memref<16x128xf32, #tpu.memory_space<vmem_shared>>
        %dma_start3A_251 = arith.constant 0 : i32
        %dma_start3A_252 = tpu.memref_slice %arg6[%add3A_248, %dma_start3A_251] : memref<10240x128xf32, #tpu.memory_space<vmem_shared>> -> memref<16x128xf32, #tpu.memory_space<vmem_shared>>
        tpu.enqueue_dma source(%arg12 : memref<16x128xf32, #tpu.memory_space<vmem>>) target(%dma_start3A_252 : memref<16x128xf32, #tpu.memory_space<vmem_shared>>) target_semaphore(%run_scoped3A : memref<!tpu.dma_semaphore, #tpu.memory_space<semaphore_mem>>)
        %dma_wait3A_253 = arith.constant 0 : i32
        %dma_wait3A_254 = tpu.memref_slice %arg6[%add3A_248, %dma_wait3A_253] : memref<10240x128xf32, #tpu.memory_space<vmem_shared>> -> memref<16x128xf32, #tpu.memory_space<vmem_shared>>
        %dma_wait3A_255 = arith.constant 0 : i32
        %dma_wait3A_256 = tpu.memref_slice %arg6[%add3A_248, %dma_wait3A_255] : memref<10240x128xf32, #tpu.memory_space<vmem_shared>> -> memref<16x128xf32, #tpu.memory_space<vmem_shared>>
        tpu.wait_dma2 semaphore(%run_scoped3A : memref<!tpu.dma_semaphore, #tpu.memory_space<semaphore_mem>>) src(%arg12 : memref<16x128xf32, #tpu.memory_space<vmem>>) dst(%dma_wait3A_256 : memref<16x128xf32, #tpu.memory_space<vmem_shared>>)
        tpu.yield
      }) : () -> ()
    }
    %scan3A_176 = arith.constant 40 : i32
    %barrier3A_177 = arith.constant 0 : index
    tpu.barrier barrier_id(%barrier3A_177)
    %dma_start3A_178 = arith.constant 0 : i32
    %dma_start3A_179 = tpu.memref_slice %arg7[%dma_start3A_178] : memref<10000xi32, #tpu.memory_space<vmem>> -> memref<80xi32, #tpu.memory_space<vmem>>
    %dma_start3A_180 = arith.constant 0 : i32
    %dma_start3A_181 = arith.constant 0 : i32
    %dma_start3A_182 = tpu.memref_slice %arg2[%add3A_170, %dma_start3A_180, %dma_start3A_181] : memref<4x10000x128xf32, #tpu.memory_space<hbm>> -> memref<1x10000x128xf32, #tpu.memory_space<hbm>>
    %dma_start3A_183 = tpu.memref_squeeze %dma_start3A_182 : memref<1x10000x128xf32, #tpu.memory_space<hbm>> -> memref<10000x128xf32, #tpu.memory_space<hbm>>
    %dma_start3A_184 = arith.constant 0 : i32
    %dma_start3A_185 = arith.constant 0 : i32
    %dma_start3A_186 = tpu.memref_slice %dma_start3A_183[%dma_start3A_184, %dma_start3A_185] : memref<10000x128xf32, #tpu.memory_space<hbm>> -> memref<10000x128xf32, #tpu.memory_space<hbm>>
    tpu.enqueue_indirect_dma source(%dma_start3A_186 : memref<10000x128xf32, #tpu.memory_space<hbm>>) target(%arg10 : memref<80x128xf32, #tpu.memory_space<vmem>>) offsets(%dma_start3A_179 : memref<80xi32, #tpu.memory_space<vmem>>) semaphore(%arg13 : memref<!tpu.dma_semaphore, #tpu.memory_space<semaphore_mem>>)
    %scan3A_187 = arith.constant 0 : i32
    %scan3A_188 = arith.constant 0 : i32
    %scan3A_189 = arith.constant 62 : i32
    %scan3A_190 = arith.addi %scan3A_188, %scan3A_189 : i32
    %scan3A_191 = arith.constant 1 : i32
    scf.for %scan3A_243 = %scan3A_188 to %scan3A_190 step %scan3A_191  : i32 {
      %mul3A_244 = arith.constant 2 : i32
      %mul3A_245 = arith.muli %mul3A_244, %scan3A_243 : i32
      %add3A_246 = arith.constant 1 : i32
      %add3A_247 = arith.addi %mul3A_245, %add3A_246 : i32
      %mul3A_248 = arith.constant 80 : i32
      %mul3A_249 = arith.muli %add3A_247, %mul3A_248 : i32
      %dma_start3A_250 = tpu.memref_slice %arg7[%mul3A_249] : memref<10000xi32, #tpu.memory_space<vmem>> -> memref<80xi32, #tpu.memory_space<vmem>>
      %dma_start3A_251 = arith.constant 0 : i32
      %dma_start3A_252 = arith.constant 0 : i32
      %dma_start3A_253 = tpu.memref_slice %arg2[%add3A_170, %dma_start3A_251, %dma_start3A_252] : memref<4x10000x128xf32, #tpu.memory_space<hbm>> -> memref<1x10000x128xf32, #tpu.memory_space<hbm>>
      %dma_start3A_254 = tpu.memref_squeeze %dma_start3A_253 : memref<1x10000x128xf32, #tpu.memory_space<hbm>> -> memref<10000x128xf32, #tpu.memory_space<hbm>>
      %dma_start3A_255 = arith.constant 0 : i32
      %dma_start3A_256 = arith.constant 0 : i32
      %dma_start3A_257 = tpu.memref_slice %dma_start3A_254[%dma_start3A_255, %dma_start3A_256] : memref<10000x128xf32, #tpu.memory_space<hbm>> -> memref<10000x128xf32, #tpu.memory_space<hbm>>
      tpu.enqueue_indirect_dma source(%dma_start3A_257 : memref<10000x128xf32, #tpu.memory_space<hbm>>) target(%arg11 : memref<80x128xf32, #tpu.memory_space<vmem>>) offsets(%dma_start3A_250 : memref<80xi32, #tpu.memory_space<vmem>>) semaphore(%arg14 : memref<!tpu.dma_semaphore, #tpu.memory_space<semaphore_mem>>)
      %mul3A_258 = arith.constant 80 : i32
      %mul3A_259 = arith.muli %mul3A_245, %mul3A_258 : i32
      %dma_wait3A_260 = tpu.memref_slice %arg7[%mul3A_259] : memref<10000xi32, #tpu.memory_space<vmem>> -> memref<80xi32, #tpu.memory_space<vmem>>
      %dma_wait3A_261 = arith.constant 0 : i32
      %dma_wait3A_262 = arith.constant 0 : i32
      %dma_wait3A_263 = tpu.memref_slice %arg2[%add3A_170, %dma_wait3A_261, %dma_wait3A_262] : memref<4x10000x128xf32, #tpu.memory_space<hbm>> -> memref<1x10000x128xf32, #tpu.memory_space<hbm>>
      %dma_wait3A_264 = tpu.memref_squeeze %dma_wait3A_263 : memref<1x10000x128xf32, #tpu.memory_space<hbm>> -> memref<10000x128xf32, #tpu.memory_space<hbm>>
      %dma_wait3A_265 = arith.constant 0 : i32
      %dma_wait3A_266 = arith.constant 0 : i32
      %dma_wait3A_267 = tpu.memref_slice %dma_wait3A_264[%dma_wait3A_265, %dma_wait3A_266] : memref<10000x128xf32, #tpu.memory_space<hbm>> -> memref<10000x128xf32, #tpu.memory_space<hbm>>
      tpu.wait_indirect_dma semaphore(%arg13 : memref<!tpu.dma_semaphore, #tpu.memory_space<semaphore_mem>>) src(%dma_wait3A_267 : memref<10000x128xf32, #tpu.memory_space<hbm>>) dst(%arg10 : memref<80x128xf32, #tpu.memory_space<vmem>>)
      %mul3A_268 = arith.constant 80 : i32
      %mul3A_269 = arith.muli %mul3A_245, %mul3A_268 : i32
      %add3A_270 = arith.constant 0 : i32
      %add3A_271 = arith.addi %mul3A_269, %add3A_270 : i32
      %get3A_272 = arith.index_cast %add3A_271 : i32 to index
      %get3A_273 = tpu.vector_load %arg8[%get3A_272] {strides = array<i32>} : memref<10000xi32, #tpu.memory_space<vmem>>, vector<16xi32>,
      %get3A_274 = vector.shape_cast %get3A_273 : vector<16xi32> to vector<16xi32>
      %swap3A_275 = arith.constant 0 : index
      %swap3A_276 = tpu.vector_load %arg9[%swap3A_275] {strides = array<i32>} : memref<80xi32, #tpu.memory_space<vmem>>, vector<16xi32>,
      %swap3A_277 = vector.shape_cast %swap3A_276 : vector<16xi32> to vector<16xi32>
      %swap3A_278 = vector.shape_cast %get3A_274 : vector<16xi32> to vector<16xi32>
      tpu.vector_store %arg9[%swap3A_275], %swap3A_278 {strides = array<i32>} : memref<80xi32, #tpu.memory_space<vmem>>, vector<16xi32>,
      %mul3A_279 = arith.constant 80 : i32
      %mul3A_280 = arith.muli %mul3A_245, %mul3A_279 : i32
      %add3A_281 = arith.constant 16 : i32
      %add3A_282 = arith.addi %mul3A_280, %add3A_281 : i32
      %get3A_283 = arith.index_cast %add3A_282 : i32 to index
      %get3A_284 = tpu.vector_load %arg8[%get3A_283] {strides = array<i32>} : memref<10000xi32, #tpu.memory_space<vmem>>, vector<16xi32>,
      %get3A_285 = vector.shape_cast %get3A_284 : vector<16xi32> to vector<16xi32>
      %swap3A_286 = arith.constant 16 : index
      %swap3A_287 = tpu.vector_load %arg9[%swap3A_286] {strides = array<i32>} : memref<80xi32, #tpu.memory_space<vmem>>, vector<16xi32>,
      %swap3A_288 = vector.shape_cast %swap3A_287 : vector<16xi32> to vector<16xi32>
      %swap3A_289 = vector.shape_cast %get3A_285 : vector<16xi32> to vector<16xi32>
      tpu.vector_store %arg9[%swap3A_286], %swap3A_289 {strides = array<i32>} : memref<80xi32, #tpu.memory_space<vmem>>, vector<16xi32>,
      %mul3A_290 = arith.constant 80 : i32
      %mul3A_291 = arith.muli %mul3A_245, %mul3A_290 : i32
      %add3A_292 = arith.constant 32 : i32
      %add3A_293 = arith.addi %mul3A_291, %add3A_292 : i32
      %get3A_294 = arith.index_cast %add3A_293 : i32 to index
      %get3A_295 = tpu.vector_load %arg8[%get3A_294] {strides = array<i32>} : memref<10000xi32, #tpu.memory_space<vmem>>, vector<16xi32>,
      %get3A_296 = vector.shape_cast %get3A_295 : vector<16xi32> to vector<16xi32>
      %swap3A_297 = arith.constant 32 : index
      %swap3A_298 = tpu.vector_load %arg9[%swap3A_297] {strides = array<i32>} : memref<80xi32, #tpu.memory_space<vmem>>, vector<16xi32>,
      %swap3A_299 = vector.shape_cast %swap3A_298 : vector<16xi32> to vector<16xi32>
      %swap3A_300 = vector.shape_cast %get3A_296 : vector<16xi32> to vector<16xi32>
      tpu.vector_store %arg9[%swap3A_297], %swap3A_300 {strides = array<i32>} : memref<80xi32, #tpu.memory_space<vmem>>, vector<16xi32>,
      %mul3A_301 = arith.constant 80 : i32
      %mul3A_302 = arith.muli %mul3A_245, %mul3A_301 : i32
      %add3A_303 = arith.constant 48 : i32
      %add3A_304 = arith.addi %mul3A_302, %add3A_303 : i32
      %get3A_305 = arith.index_cast %add3A_304 : i32 to index
      %get3A_306 = tpu.vector_load %arg8[%get3A_305] {strides = array<i32>} : memref<10000xi32, #tpu.memory_space<vmem>>, vector<16xi32>,
      %get3A_307 = vector.shape_cast %get3A_306 : vector<16xi32> to vector<16xi32>
      %swap3A_308 = arith.constant 48 : index
      %swap3A_309 = tpu.vector_load %arg9[%swap3A_308] {strides = array<i32>} : memref<80xi32, #tpu.memory_space<vmem>>, vector<16xi32>,
      %swap3A_310 = vector.shape_cast %swap3A_309 : vector<16xi32> to vector<16xi32>
      %swap3A_311 = vector.shape_cast %get3A_307 : vector<16xi32> to vector<16xi32>
      tpu.vector_store %arg9[%swap3A_308], %swap3A_311 {strides = array<i32>} : memref<80xi32, #tpu.memory_space<vmem>>, vector<16xi32>,
      %mul3A_312 = arith.constant 80 : i32
      %mul3A_313 = arith.muli %mul3A_245, %mul3A_312 : i32
      %add3A_314 = arith.constant 64 : i32
      %add3A_315 = arith.addi %mul3A_313, %add3A_314 : i32
      %get3A_316 = arith.index_cast %add3A_315 : i32 to index
      %get3A_317 = tpu.vector_load %arg8[%get3A_316] {strides = array<i32>} : memref<10000xi32, #tpu.memory_space<vmem>>, vector<16xi32>,
      %get3A_318 = vector.shape_cast %get3A_317 : vector<16xi32> to vector<16xi32>
      %swap3A_319 = arith.constant 64 : index
      %swap3A_320 = tpu.vector_load %arg9[%swap3A_319] {strides = array<i32>} : memref<80xi32, #tpu.memory_space<vmem>>, vector<16xi32>,
      %swap3A_321 = vector.shape_cast %swap3A_320 : vector<16xi32> to vector<16xi32>
      %swap3A_322 = vector.shape_cast %get3A_318 : vector<16xi32> to vector<16xi32>
      tpu.vector_store %arg9[%swap3A_319], %swap3A_322 {strides = array<i32>} : memref<80xi32, #tpu.memory_space<vmem>>, vector<16xi32>,
      "tpu.region"() ({
        %run_scoped3A = tpu.sem_alloc : memref<!tpu.dma_semaphore, #tpu.memory_space<semaphore_mem>>
        %dma_start3A_404 = arith.constant 0 : i32
        %dma_start3A_405 = arith.constant 0 : i32
        %dma_start3A_406 = tpu.memref_slice %arg6[%dma_start3A_404, %dma_start3A_405] : memref<10240x128xf32, #tpu.memory_space<vmem_shared>> -> memref<10240x128xf32, #tpu.memory_space<vmem_shared>>
        tpu.enqueue_indirect_dma source(%arg10 : memref<80x128xf32, #tpu.memory_space<vmem>>) target(%dma_start3A_406 : memref<10240x128xf32, #tpu.memory_space<vmem_shared>>) offsets(%arg9 : memref<80xi32, #tpu.memory_space<vmem>>) semaphore(%run_scoped3A : memref<!tpu.dma_semaphore, #tpu.memory_space<semaphore_mem>>) {add = true}
        %dma_wait3A_407 = arith.constant 0 : i32
        %dma_wait3A_408 = arith.constant 0 : i32
        %dma_wait3A_409 = tpu.memref_slice %arg6[%dma_wait3A_407, %dma_wait3A_408] : memref<10240x128xf32, #tpu.memory_space<vmem_shared>> -> memref<10240x128xf32, #tpu.memory_space<vmem_shared>>
        tpu.wait_indirect_dma semaphore(%run_scoped3A : memref<!tpu.dma_semaphore, #tpu.memory_space<semaphore_mem>>) src(%arg10 : memref<80x128xf32, #tpu.memory_space<vmem>>) dst(%dma_wait3A_409 : memref<10240x128xf32, #tpu.memory_space<vmem_shared>>)
        tpu.yield
      }) : () -> ()
      %add3A_323 = arith.constant 2 : i32
      %add3A_324 = arith.addi %mul3A_245, %add3A_323 : i32
      %mul3A_325 = arith.constant 80 : i32
      %mul3A_326 = arith.muli %add3A_324, %mul3A_325 : i32
      %dma_start3A_327 = tpu.memref_slice %arg7[%mul3A_326] : memref<10000xi32, #tpu.memory_space<vmem>> -> memref<80xi32, #tpu.memory_space<vmem>>
      %dma_start3A_328 = arith.constant 0 : i32
      %dma_start3A_329 = arith.constant 0 : i32
      %dma_start3A_330 = tpu.memref_slice %arg2[%add3A_170, %dma_start3A_328, %dma_start3A_329] : memref<4x10000x128xf32, #tpu.memory_space<hbm>> -> memref<1x10000x128xf32, #tpu.memory_space<hbm>>
      %dma_start3A_331 = tpu.memref_squeeze %dma_start3A_330 : memref<1x10000x128xf32, #tpu.memory_space<hbm>> -> memref<10000x128xf32, #tpu.memory_space<hbm>>
      %dma_start3A_332 = arith.constant 0 : i32
      %dma_start3A_333 = arith.constant 0 : i32
      %dma_start3A_334 = tpu.memref_slice %dma_start3A_331[%dma_start3A_332, %dma_start3A_333] : memref<10000x128xf32, #tpu.memory_space<hbm>> -> memref<10000x128xf32, #tpu.memory_space<hbm>>
      tpu.enqueue_indirect_dma source(%dma_start3A_334 : memref<10000x128xf32, #tpu.memory_space<hbm>>) target(%arg10 : memref<80x128xf32, #tpu.memory_space<vmem>>) offsets(%dma_start3A_327 : memref<80xi32, #tpu.memory_space<vmem>>) semaphore(%arg13 : memref<!tpu.dma_semaphore, #tpu.memory_space<semaphore_mem>>)
      %add3A_335 = arith.constant 1 : i32
      %add3A_336 = arith.addi %mul3A_245, %add3A_335 : i32
      %mul3A_337 = arith.constant 80 : i32
      %mul3A_338 = arith.muli %add3A_336, %mul3A_337 : i32
      %dma_wait3A_339 = tpu.memref_slice %arg7[%mul3A_338] : memref<10000xi32, #tpu.memory_space<vmem>> -> memref<80xi32, #tpu.memory_space<vmem>>
      %dma_wait3A_340 = arith.constant 0 : i32
      %dma_wait3A_341 = arith.constant 0 : i32
      %dma_wait3A_342 = tpu.memref_slice %arg2[%add3A_170, %dma_wait3A_340, %dma_wait3A_341] : memref<4x10000x128xf32, #tpu.memory_space<hbm>> -> memref<1x10000x128xf32, #tpu.memory_space<hbm>>
      %dma_wait3A_343 = tpu.memref_squeeze %dma_wait3A_342 : memref<1x10000x128xf32, #tpu.memory_space<hbm>> -> memref<10000x128xf32, #tpu.memory_space<hbm>>
      %dma_wait3A_344 = arith.constant 0 : i32
      %dma_wait3A_345 = arith.constant 0 : i32
      %dma_wait3A_346 = tpu.memref_slice %dma_wait3A_343[%dma_wait3A_344, %dma_wait3A_345] : memref<10000x128xf32, #tpu.memory_space<hbm>> -> memref<10000x128xf32, #tpu.memory_space<hbm>>
      tpu.wait_indirect_dma semaphore(%arg14 : memref<!tpu.dma_semaphore, #tpu.memory_space<semaphore_mem>>) src(%dma_wait3A_346 : memref<10000x128xf32, #tpu.memory_space<hbm>>) dst(%arg11 : memref<80x128xf32, #tpu.memory_space<vmem>>)
      %add3A_347 = arith.constant 1 : i32
      %add3A_348 = arith.addi %mul3A_245, %add3A_347 : i32
      %mul3A_349 = arith.constant 80 : i32
      %mul3A_350 = arith.muli %add3A_348, %mul3A_349 : i32
      %add3A_351 = arith.constant 0 : i32
      %add3A_352 = arith.addi %mul3A_350, %add3A_351 : i32
      %get3A_353 = arith.index_cast %add3A_352 : i32 to index
      %get3A_354 = tpu.vector_load %arg8[%get3A_353] {strides = array<i32>} : memref<10000xi32, #tpu.memory_space<vmem>>, vector<16xi32>,
      %get3A_355 = vector.shape_cast %get3A_354 : vector<16xi32> to vector<16xi32>
      %swap3A_356 = arith.constant 0 : index
      %swap3A_357 = tpu.vector_load %arg9[%swap3A_356] {strides = array<i32>} : memref<80xi32, #tpu.memory_space<vmem>>, vector<16xi32>,
      %swap3A_358 = vector.shape_cast %swap3A_357 : vector<16xi32> to vector<16xi32>
      %swap3A_359 = vector.shape_cast %get3A_355 : vector<16xi32> to vector<16xi32>
      tpu.vector_store %arg9[%swap3A_356], %swap3A_359 {strides = array<i32>} : memref<80xi32, #tpu.memory_space<vmem>>, vector<16xi32>,
      %mul3A_360 = arith.constant 80 : i32
      %mul3A_361 = arith.muli %add3A_348, %mul3A_360 : i32
      %add3A_362 = arith.constant 16 : i32
      %add3A_363 = arith.addi %mul3A_361, %add3A_362 : i32
      %get3A_364 = arith.index_cast %add3A_363 : i32 to index
      %get3A_365 = tpu.vector_load %arg8[%get3A_364] {strides = array<i32>} : memref<10000xi32, #tpu.memory_space<vmem>>, vector<16xi32>,
      %get3A_366 = vector.shape_cast %get3A_365 : vector<16xi32> to vector<16xi32>
      %swap3A_367 = arith.constant 16 : index
      %swap3A_368 = tpu.vector_load %arg9[%swap3A_367] {strides = array<i32>} : memref<80xi32, #tpu.memory_space<vmem>>, vector<16xi32>,
      %swap3A_369 = vector.shape_cast %swap3A_368 : vector<16xi32> to vector<16xi32>
      %swap3A_370 = vector.shape_cast %get3A_366 : vector<16xi32> to vector<16xi32>
      tpu.vector_store %arg9[%swap3A_367], %swap3A_370 {strides = array<i32>} : memref<80xi32, #tpu.memory_space<vmem>>, vector<16xi32>,
      %mul3A_371 = arith.constant 80 : i32
      %mul3A_372 = arith.muli %add3A_348, %mul3A_371 : i32
      %add3A_373 = arith.constant 32 : i32
      %add3A_374 = arith.addi %mul3A_372, %add3A_373 : i32
      %get3A_375 = arith.index_cast %add3A_374 : i32 to index
      %get3A_376 = tpu.vector_load %arg8[%get3A_375] {strides = array<i32>} : memref<10000xi32, #tpu.memory_space<vmem>>, vector<16xi32>,
      %get3A_377 = vector.shape_cast %get3A_376 : vector<16xi32> to vector<16xi32>
      %swap3A_378 = arith.constant 32 : index
      %swap3A_379 = tpu.vector_load %arg9[%swap3A_378] {strides = array<i32>} : memref<80xi32, #tpu.memory_space<vmem>>, vector<16xi32>,
      %swap3A_380 = vector.shape_cast %swap3A_379 : vector<16xi32> to vector<16xi32>
      %swap3A_381 = vector.shape_cast %get3A_377 : vector<16xi32> to vector<16xi32>
      tpu.vector_store %arg9[%swap3A_378], %swap3A_381 {strides = array<i32>} : memref<80xi32, #tpu.memory_space<vmem>>, vector<16xi32>,
      %mul3A_382 = arith.constant 80 : i32
      %mul3A_383 = arith.muli %add3A_348, %mul3A_382 : i32
      %add3A_384 = arith.constant 48 : i32
      %add3A_385 = arith.addi %mul3A_383, %add3A_384 : i32
      %get3A_386 = arith.index_cast %add3A_385 : i32 to index
      %get3A_387 = tpu.vector_load %arg8[%get3A_386] {strides = array<i32>} : memref<10000xi32, #tpu.memory_space<vmem>>, vector<16xi32>,
      %get3A_388 = vector.shape_cast %get3A_387 : vector<16xi32> to vector<16xi32>
      %swap3A_389 = arith.constant 48 : index
      %swap3A_390 = tpu.vector_load %arg9[%swap3A_389] {strides = array<i32>} : memref<80xi32, #tpu.memory_space<vmem>>, vector<16xi32>,
      %swap3A_391 = vector.shape_cast %swap3A_390 : vector<16xi32> to vector<16xi32>
      %swap3A_392 = vector.shape_cast %get3A_388 : vector<16xi32> to vector<16xi32>
      tpu.vector_store %arg9[%swap3A_389], %swap3A_392 {strides = array<i32>} : memref<80xi32, #tpu.memory_space<vmem>>, vector<16xi32>,
      %mul3A_393 = arith.constant 80 : i32
      %mul3A_394 = arith.muli %add3A_348, %mul3A_393 : i32
      %add3A_395 = arith.constant 64 : i32
      %add3A_396 = arith.addi %mul3A_394, %add3A_395 : i32
      %get3A_397 = arith.index_cast %add3A_396 : i32 to index
      %get3A_398 = tpu.vector_load %arg8[%get3A_397] {strides = array<i32>} : memref<10000xi32, #tpu.memory_space<vmem>>, vector<16xi32>,
      %get3A_399 = vector.shape_cast %get3A_398 : vector<16xi32> to vector<16xi32>
      %swap3A_400 = arith.constant 64 : index
      %swap3A_401 = tpu.vector_load %arg9[%swap3A_400] {strides = array<i32>} : memref<80xi32, #tpu.memory_space<vmem>>, vector<16xi32>,
      %swap3A_402 = vector.shape_cast %swap3A_401 : vector<16xi32> to vector<16xi32>
      %swap3A_403 = vector.shape_cast %get3A_399 : vector<16xi32> to vector<16xi32>
      tpu.vector_store %arg9[%swap3A_400], %swap3A_403 {strides = array<i32>} : memref<80xi32, #tpu.memory_space<vmem>>, vector<16xi32>,
      "tpu.region"() ({
        %run_scoped3A = tpu.sem_alloc : memref<!tpu.dma_semaphore, #tpu.memory_space<semaphore_mem>>
        %dma_start3A_404 = arith.constant 0 : i32
        %dma_start3A_405 = arith.constant 0 : i32
        %dma_start3A_406 = tpu.memref_slice %arg6[%dma_start3A_404, %dma_start3A_405] : memref<10240x128xf32, #tpu.memory_space<vmem_shared>> -> memref<10240x128xf32, #tpu.memory_space<vmem_shared>>
        tpu.enqueue_indirect_dma source(%arg11 : memref<80x128xf32, #tpu.memory_space<vmem>>) target(%dma_start3A_406 : memref<10240x128xf32, #tpu.memory_space<vmem_shared>>) offsets(%arg9 : memref<80xi32, #tpu.memory_space<vmem>>) semaphore(%run_scoped3A : memref<!tpu.dma_semaphore, #tpu.memory_space<semaphore_mem>>) {add = true}
        %dma_wait3A_407 = arith.constant 0 : i32
        %dma_wait3A_408 = arith.constant 0 : i32
        %dma_wait3A_409 = tpu.memref_slice %arg6[%dma_wait3A_407, %dma_wait3A_408] : memref<10240x128xf32, #tpu.memory_space<vmem_shared>> -> memref<10240x128xf32, #tpu.memory_space<vmem_shared>>
        tpu.wait_indirect_dma semaphore(%run_scoped3A : memref<!tpu.dma_semaphore, #tpu.memory_space<semaphore_mem>>) src(%arg11 : memref<80x128xf32, #tpu.memory_space<vmem>>) dst(%dma_wait3A_409 : memref<10240x128xf32, #tpu.memory_space<vmem_shared>>)
        tpu.yield
      }) : () -> ()
    }
    %scan3A_192 = arith.constant 62 : i32
    %dma_wait3A_193 = arith.constant 9920 : i32
    %dma_wait3A_194 = tpu.memref_slice %arg7[%dma_wait3A_193] : memref<10000xi32, #tpu.memory_space<vmem>> -> memref<80xi32, #tpu.memory_space<vmem>>
    %dma_wait3A_195 = arith.constant 0 : i32
    %dma_wait3A_196 = arith.constant 0 : i32
    %dma_wait3A_197 = tpu.memref_slice %arg2[%add3A_170, %dma_wait3A_195, %dma_wait3A_196] : memref<4x10000x128xf32, #tpu.memory_space<hbm>> -> memref<1x10000x128xf32, #tpu.memory_space<hbm>>
    %dma_wait3A_198 = tpu.memref_squeeze %dma_wait3A_197 : memref<1x10000x128xf32, #tpu.memory_space<hbm>> -> memref<10000x128xf32, #tpu.memory_space<hbm>>
    %dma_wait3A_199 = arith.constant 0 : i32
    %dma_wait3A_200 = arith.constant 0 : i32
    %dma_wait3A_201 = tpu.memref_slice %dma_wait3A_198[%dma_wait3A_199, %dma_wait3A_200] : memref<10000x128xf32, #tpu.memory_space<hbm>> -> memref<10000x128xf32, #tpu.memory_space<hbm>>
    tpu.wait_indirect_dma semaphore(%arg13 : memref<!tpu.dma_semaphore, #tpu.memory_space<semaphore_mem>>) src(%dma_wait3A_201 : memref<10000x128xf32, #tpu.memory_space<hbm>>) dst(%arg10 : memref<80x128xf32, #tpu.memory_space<vmem>>)
    %get3A_202 = arith.constant 9920 : index
    %get3A_203 = tpu.vector_load %arg8[%get3A_202] {strides = array<i32>} : memref<10000xi32, #tpu.memory_space<vmem>>, vector<16xi32>,
    %get3A_204 = vector.shape_cast %get3A_203 : vector<16xi32> to vector<16xi32>
    %swap3A_205 = arith.constant 0 : index
    %swap3A_206 = tpu.vector_load %arg9[%swap3A_205] {strides = array<i32>} : memref<80xi32, #tpu.memory_space<vmem>>, vector<16xi32>,
    %swap3A_207 = vector.shape_cast %swap3A_206 : vector<16xi32> to vector<16xi32>
    %swap3A_208 = vector.shape_cast %get3A_204 : vector<16xi32> to vector<16xi32>
    tpu.vector_store %arg9[%swap3A_205], %swap3A_208 {strides = array<i32>} : memref<80xi32, #tpu.memory_space<vmem>>, vector<16xi32>,
    %get3A_209 = arith.constant 9936 : index
    %get3A_210 = tpu.vector_load %arg8[%get3A_209] {strides = array<i32>} : memref<10000xi32, #tpu.memory_space<vmem>>, vector<16xi32>,
    %get3A_211 = vector.shape_cast %get3A_210 : vector<16xi32> to vector<16xi32>
    %swap3A_212 = arith.constant 16 : index
    %swap3A_213 = tpu.vector_load %arg9[%swap3A_212] {strides = array<i32>} : memref<80xi32, #tpu.memory_space<vmem>>, vector<16xi32>,
    %swap3A_214 = vector.shape_cast %swap3A_213 : vector<16xi32> to vector<16xi32>
    %swap3A_215 = vector.shape_cast %get3A_211 : vector<16xi32> to vector<16xi32>
    tpu.vector_store %arg9[%swap3A_212], %swap3A_215 {strides = array<i32>} : memref<80xi32, #tpu.memory_space<vmem>>, vector<16xi32>,
    %get3A_216 = arith.constant 9952 : index
    %get3A_217 = tpu.vector_load %arg8[%get3A_216] {strides = array<i32>} : memref<10000xi32, #tpu.memory_space<vmem>>, vector<16xi32>,
    %get3A_218 = vector.shape_cast %get3A_217 : vector<16xi32> to vector<16xi32>
    %swap3A_219 = arith.constant 32 : index
    %swap3A_220 = tpu.vector_load %arg9[%swap3A_219] {strides = array<i32>} : memref<80xi32, #tpu.memory_space<vmem>>, vector<16xi32>,
    %swap3A_221 = vector.shape_cast %swap3A_220 : vector<16xi32> to vector<16xi32>
    %swap3A_222 = vector.shape_cast %get3A_218 : vector<16xi32> to vector<16xi32>
    tpu.vector_store %arg9[%swap3A_219], %swap3A_222 {strides = array<i32>} : memref<80xi32, #tpu.memory_space<vmem>>, vector<16xi32>,
    %get3A_223 = arith.constant 9968 : index
    %get3A_224 = tpu.vector_load %arg8[%get3A_223] {strides = array<i32>} : memref<10000xi32, #tpu.memory_space<vmem>>, vector<16xi32>,
    %get3A_225 = vector.shape_cast %get3A_224 : vector<16xi32> to vector<16xi32>
    %swap3A_226 = arith.constant 48 : index
    %swap3A_227 = tpu.vector_load %arg9[%swap3A_226] {strides = array<i32>} : memref<80xi32, #tpu.memory_space<vmem>>, vector<16xi32>,
    %swap3A_228 = vector.shape_cast %swap3A_227 : vector<16xi32> to vector<16xi32>
    %swap3A_229 = vector.shape_cast %get3A_225 : vector<16xi32> to vector<16xi32>
    tpu.vector_store %arg9[%swap3A_226], %swap3A_229 {strides = array<i32>} : memref<80xi32, #tpu.memory_space<vmem>>, vector<16xi32>,
    %get3A_230 = arith.constant 9984 : index
    %get3A_231 = tpu.vector_load %arg8[%get3A_230] {strides = array<i32>} : memref<10000xi32, #tpu.memory_space<vmem>>, vector<16xi32>,
    %get3A_232 = vector.shape_cast %get3A_231 : vector<16xi32> to vector<16xi32>
    %swap3A_233 = arith.constant 64 : index
    %swap3A_234 = tpu.vector_load %arg9[%swap3A_233] {strides = array<i32>} : memref<80xi32, #tpu.memory_space<vmem>>, vector<16xi32>,
    %swap3A_235 = vector.shape_cast %swap3A_234 : vector<16xi32> to vector<16xi32>
    %swap3A_236 = vector.shape_cast %get3A_232 : vector<16xi32> to vector<16xi32>
    tpu.vector_store %arg9[%swap3A_233], %swap3A_236 {strides = array<i32>} : memref<80xi32, #tpu.memory_space<vmem>>, vector<16xi32>,
    "tpu.region"() ({
      %run_scoped3A = tpu.sem_alloc : memref<!tpu.dma_semaphore, #tpu.memory_space<semaphore_mem>>
      %dma_start3A_243 = arith.constant 0 : i32
      %dma_start3A_244 = arith.constant 0 : i32
      %dma_start3A_245 = tpu.memref_slice %arg6[%dma_start3A_243, %dma_start3A_244] : memref<10240x128xf32, #tpu.memory_space<vmem_shared>> -> memref<10240x128xf32, #tpu.memory_space<vmem_shared>>
      tpu.enqueue_indirect_dma source(%arg10 : memref<80x128xf32, #tpu.memory_space<vmem>>) target(%dma_start3A_245 : memref<10240x128xf32, #tpu.memory_space<vmem_shared>>) offsets(%arg9 : memref<80xi32, #tpu.memory_space<vmem>>) semaphore(%run_scoped3A : memref<!tpu.dma_semaphore, #tpu.memory_space<semaphore_mem>>) {add = true}
      %dma_wait3A_246 = arith.constant 0 : i32
      %dma_wait3A_247 = arith.constant 0 : i32
      %dma_wait3A_248 = tpu.memref_slice %arg6[%dma_wait3A_246, %dma_wait3A_247] : memref<10240x128xf32, #tpu.memory_space<vmem_shared>> -> memref<10240x128xf32, #tpu.memory_space<vmem_shared>>
      tpu.wait_indirect_dma semaphore(%run_scoped3A : memref<!tpu.dma_semaphore, #tpu.memory_space<semaphore_mem>>) src(%arg10 : memref<80x128xf32, #tpu.memory_space<vmem>>) dst(%dma_wait3A_248 : memref<10240x128xf32, #tpu.memory_space<vmem_shared>>)
      tpu.yield
    }) : () -> ()
    %barrier3A_237 = arith.constant 0 : index
    tpu.barrier barrier_id(%barrier3A_237)
    %mul3A_238 = arith.constant 640 : i32
    %mul3A_239 = arith.muli %arg1, %mul3A_238 : i32
    %mul3A_240 = arith.constant 640 : i32
    %mul3A_241 = arith.muli %arg1, %mul3A_240 : i32
    "tpu.region"() ({
      %run_scoped3A = tpu.sem_alloc : memref<!tpu.dma_semaphore, #tpu.memory_space<semaphore_mem>>
      %dma_start3A_243 = arith.constant 0 : i32
      %dma_start3A_244 = tpu.memref_slice %arg5[%add3A_170, %mul3A_241, %dma_start3A_243] : memref<4x10240x128xf32, #tpu.memory_space<hbm>> -> memref<1x640x128xf32, #tpu.memory_space<hbm>>
      %dma_start3A_245 = tpu.memref_squeeze %dma_start3A_244 : memref<1x640x128xf32, #tpu.memory_space<hbm>> -> memref<640x128xf32, #tpu.memory_space<hbm>>
      %dma_start3A_246 = arith.constant 0 : i32
      %dma_start3A_247 = tpu.memref_slice %arg6[%mul3A_239, %dma_start3A_246] : memref<10240x128xf32, #tpu.memory_space<vmem_shared>> -> memref<640x128xf32, #tpu.memory_space<vmem_shared>>
      tpu.enqueue_dma source(%dma_start3A_247 : memref<640x128xf32, #tpu.memory_space<vmem_shared>>) target(%dma_start3A_245 : memref<640x128xf32, #tpu.memory_space<hbm>>) target_semaphore(%run_scoped3A : memref<!tpu.dma_semaphore, #tpu.memory_space<semaphore_mem>>)
      %dma_wait3A_248 = arith.constant 0 : i32
      %dma_wait3A_249 = tpu.memref_slice %arg5[%add3A_170, %mul3A_241, %dma_wait3A_248] : memref<4x10240x128xf32, #tpu.memory_space<hbm>> -> memref<1x640x128xf32, #tpu.memory_space<hbm>>
      %dma_wait3A_250 = tpu.memref_squeeze %dma_wait3A_249 : memref<1x640x128xf32, #tpu.memory_space<hbm>> -> memref<640x128xf32, #tpu.memory_space<hbm>>
      %dma_wait3A_251 = arith.constant 0 : i32
      %dma_wait3A_252 = tpu.memref_slice %arg6[%mul3A_239, %dma_wait3A_251] : memref<10240x128xf32, #tpu.memory_space<vmem_shared>> -> memref<640x128xf32, #tpu.memory_space<vmem_shared>>
      tpu.wait_dma2 semaphore(%run_scoped3A : memref<!tpu.dma_semaphore, #tpu.memory_space<semaphore_mem>>) src(%dma_wait3A_252 : memref<640x128xf32, #tpu.memory_space<vmem_shared>>) dst(%dma_wait3A_250 : memref<640x128xf32, #tpu.memory_space<hbm>>)
      tpu.yield
    }) : () -> ()
    %barrier3A_242 = arith.constant 0 : index
    tpu.barrier barrier_id(%barrier3A_242)
    return
  }
}

#map = affine_map<(d0, d1) -> (0, 0, 0)>
#map1 = affine_map<(d0, d1) -> (0)>
module attributes {stable_mosaic.version = 14 : i64} {
  func.func @_sc_agg(%arg0: i32, %arg1: i32, %arg2: memref<4x10000x128xf32, #tpu.memory_space<hbm>>, %arg3: memref<160000xi32, #tpu.memory_space<hbm>>, %arg4: memref<160000xi32, #tpu.memory_space<hbm>>, %arg5: memref<4x10240x128xf32, #tpu.memory_space<hbm>>, %arg6: memref<10240x128xf32, #tpu.memory_space<vmem_shared>>, %arg7: memref<10000xi32, #tpu.memory_space<vmem>>, %arg8: memref<10000xi32, #tpu.memory_space<vmem>>, %arg9: memref<80xi32, #tpu.memory_space<vmem>>, %arg10: memref<80x128xf32, #tpu.memory_space<vmem>>, %arg11: memref<80x128xf32, #tpu.memory_space<vmem>>, %arg12: memref<16x128xf32, #tpu.memory_space<vmem>>, %arg13: memref<!tpu.dma_semaphore, #tpu.memory_space<semaphore_mem>>, %arg14: memref<!tpu.dma_semaphore, #tpu.memory_space<semaphore_mem>>) attributes {dimension_semantics = [#tpu.dimension_semantics<core_parallel>, #tpu.dimension_semantics<subcore_parallel>], iteration_bounds = array<i64: 2, 16>, scalar_prefetch = 0 : i64, scratch_operands = 9 : i64, tpu.core_type = #tpu.core_type<sc_vector_subcore>, window_params = [{transform_indices = #map}, {transform_indices = #map1}, {transform_indices = #map1}, {transform_indices = #map}]} {
    %mul3A = arith.constant 10000 : i32
    %mul3A_0 = arith.muli %arg1, %mul3A : i32
    "tpu.region"() ({
      %run_scoped3A = tpu.sem_alloc : memref<!tpu.dma_semaphore, #tpu.memory_space<semaphore_mem>>
      %dma_start3A_243 = tpu.memref_slice %arg3[%mul3A_0] : memref<160000xi32, #tpu.memory_space<hbm>> -> memref<10000xi32, #tpu.memory_space<hbm>>
      %dma_start3A_244 = tpu.memref_slice %arg3[%mul3A_0] : memref<160000xi32, #tpu.memory_space<hbm>> -> memref<10000xi32, #tpu.memory_space<hbm>>
      tpu.enqueue_dma source(%dma_start3A_244 : memref<10000xi32, #tpu.memory_space<hbm>>) target(%arg7 : memref<10000xi32, #tpu.memory_space<vmem>>) target_semaphore(%run_scoped3A : memref<!tpu.dma_semaphore, #tpu.memory_space<semaphore_mem>>)
      %dma_wait3A_245 = tpu.memref_slice %arg3[%mul3A_0] : memref<160000xi32, #tpu.memory_space<hbm>> -> memref<10000xi32, #tpu.memory_space<hbm>>
      %dma_wait3A_246 = tpu.memref_slice %arg3[%mul3A_0] : memref<160000xi32, #tpu.memory_space<hbm>> -> memref<10000xi32, #tpu.memory_space<hbm>>
      tpu.wait_dma2 semaphore(%run_scoped3A : memref<!tpu.dma_semaphore, #tpu.memory_space<semaphore_mem>>) src(%dma_wait3A_246 : memref<10000xi32, #tpu.memory_space<hbm>>) dst(%arg7 : memref<10000xi32, #tpu.memory_space<vmem>>)
      tpu.yield
    }) : () -> ()
    "tpu.region"() ({
      %run_scoped3A = tpu.sem_alloc : memref<!tpu.dma_semaphore, #tpu.memory_space<semaphore_mem>>
      %dma_start3A_243 = tpu.memref_slice %arg4[%mul3A_0] : memref<160000xi32, #tpu.memory_space<hbm>> -> memref<10000xi32, #tpu.memory_space<hbm>>
      %dma_start3A_244 = tpu.memref_slice %arg4[%mul3A_0] : memref<160000xi32, #tpu.memory_space<hbm>> -> memref<10000xi32, #tpu.memory_space<hbm>>
      tpu.enqueue_dma source(%dma_start3A_244 : memref<10000xi32, #tpu.memory_space<hbm>>) target(%arg8 : memref<10000xi32, #tpu.memory_space<vmem>>) target_semaphore(%run_scoped3A : memref<!tpu.dma_semaphore, #tpu.memory_space<semaphore_mem>>)
      %dma_wait3A_245 = tpu.memref_slice %arg4[%mul3A_0] : memref<160000xi32, #tpu.memory_space<hbm>> -> memref<10000xi32, #tpu.memory_space<hbm>>
      %dma_wait3A_246 = tpu.memref_slice %arg4[%mul3A_0] : memref<160000xi32, #tpu.memory_space<hbm>> -> memref<10000xi32, #tpu.memory_space<hbm>>
      tpu.wait_dma2 semaphore(%run_scoped3A : memref<!tpu.dma_semaphore, #tpu.memory_space<semaphore_mem>>) src(%dma_wait3A_246 : memref<10000xi32, #tpu.memory_space<hbm>>) dst(%arg8 : memref<10000xi32, #tpu.memory_space<vmem>>)
      tpu.yield
    }) : () -> ()
    %broadcast_in_dim3A = arith.constant 0.000000e+00 : f32
    %broadcast_in_dim3A_1 = vector.broadcast %broadcast_in_dim3A : f32 to vector<16xf32>
    %scan3A = arith.constant 0 : i32
    %scan3A_2 = arith.constant 0 : i32
    %scan3A_3 = arith.constant 8 : i32
    %scan3A_4 = arith.addi %scan3A_2, %scan3A_3 : i32
    %scan3A_5 = arith.constant 1 : i32
    scf.for %scan3A_243 = %scan3A_2 to %scan3A_4 step %scan3A_5  : i32 {
      %mul3A_244 = arith.constant 16 : i32
      %mul3A_245 = arith.muli %scan3A_243, %mul3A_244 : i32
      %swap3A_246 = arith.constant 0 : i32
      %swap3A_247 = arith.index_cast %swap3A_246 : i32 to index
      %swap3A_248 = arith.index_cast %mul3A_245 : i32 to index
      %swap3A_249 = tpu.vector_load %arg12[%swap3A_247, %swap3A_248] {strides = array<i32>} : memref<16x128xf32, #tpu.memory_space<vmem>>, vector<1x16xf32>,
      %swap3A_250 = vector.shape_cast %swap3A_249 : vector<1x16xf32> to vector<16xf32>
      %swap3A_251 = vector.shape_cast %broadcast_in_dim3A_1 : vector<16xf32> to vector<1x16xf32>
      tpu.vector_store %arg12[%swap3A_247, %swap3A_248], %swap3A_251 {strides = array<i32>} : memref<16x128xf32, #tpu.memory_space<vmem>>, vector<1x16xf32>,
    }
    %scan3A_6 = arith.constant 8 : i32
    %scan3A_7 = arith.constant 0 : i32
    %scan3A_8 = arith.constant 0 : i32
    %scan3A_9 = arith.constant 8 : i32
    %scan3A_10 = arith.addi %scan3A_8, %scan3A_9 : i32
    %scan3A_11 = arith.constant 1 : i32
    scf.for %scan3A_243 = %scan3A_8 to %scan3A_10 step %scan3A_11  : i32 {
      %mul3A_244 = arith.constant 16 : i32
      %mul3A_245 = arith.muli %scan3A_243, %mul3A_244 : i32
      %swap3A_246 = arith.constant 1 : i32
      %swap3A_247 = arith.index_cast %swap3A_246 : i32 to index
      %swap3A_248 = arith.index_cast %mul3A_245 : i32 to index
      %swap3A_249 = tpu.vector_load %arg12[%swap3A_247, %swap3A_248] {strides = array<i32>} : memref<16x128xf32, #tpu.memory_space<vmem>>, vector<1x16xf32>,
      %swap3A_250 = vector.shape_cast %swap3A_249 : vector<1x16xf32> to vector<16xf32>
      %swap3A_251 = vector.shape_cast %broadcast_in_dim3A_1 : vector<16xf32> to vector<1x16xf32>
      tpu.vector_store %arg12[%swap3A_247, %swap3A_248], %swap3A_251 {strides = array<i32>} : memref<16x128xf32, #tpu.memory_space<vmem>>, vector<1x16xf32>,
    }
    %scan3A_12 = arith.constant 8 : i32
    %scan3A_13 = arith.constant 0 : i32
    %scan3A_14 = arith.constant 0 : i32
    %scan3A_15 = arith.constant 8 : i32
    %scan3A_16 = arith.addi %scan3A_14, %scan3A_15 : i32
    %scan3A_17 = arith.constant 1 : i32
    scf.for %scan3A_243 = %scan3A_14 to %scan3A_16 step %scan3A_17  : i32 {
      %mul3A_244 = arith.constant 16 : i32
      %mul3A_245 = arith.muli %scan3A_243, %mul3A_244 : i32
      %swap3A_246 = arith.constant 2 : i32
      %swap3A_247 = arith.index_cast %swap3A_246 : i32 to index
      %swap3A_248 = arith.index_cast %mul3A_245 : i32 to index
      %swap3A_249 = tpu.vector_load %arg12[%swap3A_247, %swap3A_248] {strides = array<i32>} : memref<16x128xf32, #tpu.memory_space<vmem>>, vector<1x16xf32>,
      %swap3A_250 = vector.shape_cast %swap3A_249 : vector<1x16xf32> to vector<16xf32>
      %swap3A_251 = vector.shape_cast %broadcast_in_dim3A_1 : vector<16xf32> to vector<1x16xf32>
      tpu.vector_store %arg12[%swap3A_247, %swap3A_248], %swap3A_251 {strides = array<i32>} : memref<16x128xf32, #tpu.memory_space<vmem>>, vector<1x16xf32>,
    }
    %scan3A_18 = arith.constant 8 : i32
    %scan3A_19 = arith.constant 0 : i32
    %scan3A_20 = arith.constant 0 : i32
    %scan3A_21 = arith.constant 8 : i32
    %scan3A_22 = arith.addi %scan3A_20, %scan3A_21 : i32
    %scan3A_23 = arith.constant 1 : i32
    scf.for %scan3A_243 = %scan3A_20 to %scan3A_22 step %scan3A_23  : i32 {
      %mul3A_244 = arith.constant 16 : i32
      %mul3A_245 = arith.muli %scan3A_243, %mul3A_244 : i32
      %swap3A_246 = arith.constant 3 : i32
      %swap3A_247 = arith.index_cast %swap3A_246 : i32 to index
      %swap3A_248 = arith.index_cast %mul3A_245 : i32 to index
      %swap3A_249 = tpu.vector_load %arg12[%swap3A_247, %swap3A_248] {strides = array<i32>} : memref<16x128xf32, #tpu.memory_space<vmem>>, vector<1x16xf32>,
      %swap3A_250 = vector.shape_cast %swap3A_249 : vector<1x16xf32> to vector<16xf32>
      %swap3A_251 = vector.shape_cast %broadcast_in_dim3A_1 : vector<16xf32> to vector<1x16xf32>
      tpu.vector_store %arg12[%swap3A_247, %swap3A_248], %swap3A_251 {strides = array<i32>} : memref<16x128xf32, #tpu.memory_space<vmem>>, vector<1x16xf32>,
    }
    %scan3A_24 = arith.constant 8 : i32
    %scan3A_25 = arith.constant 0 : i32
    %scan3A_26 = arith.constant 0 : i32
    %scan3A_27 = arith.constant 8 : i32
    %scan3A_28 = arith.addi %scan3A_26, %scan3A_27 : i32
    %scan3A_29 = arith.constant 1 : i32
    scf.for %scan3A_243 = %scan3A_26 to %scan3A_28 step %scan3A_29  : i32 {
      %mul3A_244 = arith.constant 16 : i32
      %mul3A_245 = arith.muli %scan3A_243, %mul3A_244 : i32
      %swap3A_246 = arith.constant 4 : i32
      %swap3A_247 = arith.index_cast %swap3A_246 : i32 to index
      %swap3A_248 = arith.index_cast %mul3A_245 : i32 to index
      %swap3A_249 = tpu.vector_load %arg12[%swap3A_247, %swap3A_248] {strides = array<i32>} : memref<16x128xf32, #tpu.memory_space<vmem>>, vector<1x16xf32>,
      %swap3A_250 = vector.shape_cast %swap3A_249 : vector<1x16xf32> to vector<16xf32>
      %swap3A_251 = vector.shape_cast %broadcast_in_dim3A_1 : vector<16xf32> to vector<1x16xf32>
      tpu.vector_store %arg12[%swap3A_247, %swap3A_248], %swap3A_251 {strides = array<i32>} : memref<16x128xf32, #tpu.memory_space<vmem>>, vector<1x16xf32>,
    }
    %scan3A_30 = arith.constant 8 : i32
    %scan3A_31 = arith.constant 0 : i32
    %scan3A_32 = arith.constant 0 : i32
    %scan3A_33 = arith.constant 8 : i32
    %scan3A_34 = arith.addi %scan3A_32, %scan3A_33 : i32
    %scan3A_35 = arith.constant 1 : i32
    scf.for %scan3A_243 = %scan3A_32 to %scan3A_34 step %scan3A_35  : i32 {
      %mul3A_244 = arith.constant 16 : i32
      %mul3A_245 = arith.muli %scan3A_243, %mul3A_244 : i32
      %swap3A_246 = arith.constant 5 : i32
      %swap3A_247 = arith.index_cast %swap3A_246 : i32 to index
      %swap3A_248 = arith.index_cast %mul3A_245 : i32 to index
      %swap3A_249 = tpu.vector_load %arg12[%swap3A_247, %swap3A_248] {strides = array<i32>} : memref<16x128xf32, #tpu.memory_space<vmem>>, vector<1x16xf32>,
      %swap3A_250 = vector.shape_cast %swap3A_249 : vector<1x16xf32> to vector<16xf32>
      %swap3A_251 = vector.shape_cast %broadcast_in_dim3A_1 : vector<16xf32> to vector<1x16xf32>
      tpu.vector_store %arg12[%swap3A_247, %swap3A_248], %swap3A_251 {strides = array<i32>} : memref<16x128xf32, #tpu.memory_space<vmem>>, vector<1x16xf32>,
    }
    %scan3A_36 = arith.constant 8 : i32
    %scan3A_37 = arith.constant 0 : i32
    %scan3A_38 = arith.constant 0 : i32
    %scan3A_39 = arith.constant 8 : i32
    %scan3A_40 = arith.addi %scan3A_38, %scan3A_39 : i32
    %scan3A_41 = arith.constant 1 : i32
    scf.for %scan3A_243 = %scan3A_38 to %scan3A_40 step %scan3A_41  : i32 {
      %mul3A_244 = arith.constant 16 : i32
      %mul3A_245 = arith.muli %scan3A_243, %mul3A_244 : i32
      %swap3A_246 = arith.constant 6 : i32
      %swap3A_247 = arith.index_cast %swap3A_246 : i32 to index
      %swap3A_248 = arith.index_cast %mul3A_245 : i32 to index
      %swap3A_249 = tpu.vector_load %arg12[%swap3A_247, %swap3A_248] {strides = array<i32>} : memref<16x128xf32, #tpu.memory_space<vmem>>, vector<1x16xf32>,
      %swap3A_250 = vector.shape_cast %swap3A_249 : vector<1x16xf32> to vector<16xf32>
      %swap3A_251 = vector.shape_cast %broadcast_in_dim3A_1 : vector<16xf32> to vector<1x16xf32>
      tpu.vector_store %arg12[%swap3A_247, %swap3A_248], %swap3A_251 {strides = array<i32>} : memref<16x128xf32, #tpu.memory_space<vmem>>, vector<1x16xf32>,
    }
    %scan3A_42 = arith.constant 8 : i32
    %scan3A_43 = arith.constant 0 : i32
    %scan3A_44 = arith.constant 0 : i32
    %scan3A_45 = arith.constant 8 : i32
    %scan3A_46 = arith.addi %scan3A_44, %scan3A_45 : i32
    %scan3A_47 = arith.constant 1 : i32
    scf.for %scan3A_243 = %scan3A_44 to %scan3A_46 step %scan3A_47  : i32 {
      %mul3A_244 = arith.constant 16 : i32
      %mul3A_245 = arith.muli %scan3A_243, %mul3A_244 : i32
      %swap3A_246 = arith.constant 7 : i32
      %swap3A_247 = arith.index_cast %swap3A_246 : i32 to index
      %swap3A_248 = arith.index_cast %mul3A_245 : i32 to index
      %swap3A_249 = tpu.vector_load %arg12[%swap3A_247, %swap3A_248] {strides = array<i32>} : memref<16x128xf32, #tpu.memory_space<vmem>>, vector<1x16xf32>,
      %swap3A_250 = vector.shape_cast %swap3A_249 : vector<1x16xf32> to vector<16xf32>
      %swap3A_251 = vector.shape_cast %broadcast_in_dim3A_1 : vector<16xf32> to vector<1x16xf32>
      tpu.vector_store %arg12[%swap3A_247, %swap3A_248], %swap3A_251 {strides = array<i32>} : memref<16x128xf32, #tpu.memory_space<vmem>>, vector<1x16xf32>,
    }
    %scan3A_48 = arith.constant 8 : i32
    %scan3A_49 = arith.constant 0 : i32
    %scan3A_50 = arith.constant 0 : i32
    %scan3A_51 = arith.constant 8 : i32
    %scan3A_52 = arith.addi %scan3A_50, %scan3A_51 : i32
    %scan3A_53 = arith.constant 1 : i32
    scf.for %scan3A_243 = %scan3A_50 to %scan3A_52 step %scan3A_53  : i32 {
      %mul3A_244 = arith.constant 16 : i32
      %mul3A_245 = arith.muli %scan3A_243, %mul3A_244 : i32
      %swap3A_246 = arith.constant 8 : i32
      %swap3A_247 = arith.index_cast %swap3A_246 : i32 to index
      %swap3A_248 = arith.index_cast %mul3A_245 : i32 to index
      %swap3A_249 = tpu.vector_load %arg12[%swap3A_247, %swap3A_248] {strides = array<i32>} : memref<16x128xf32, #tpu.memory_space<vmem>>, vector<1x16xf32>,
      %swap3A_250 = vector.shape_cast %swap3A_249 : vector<1x16xf32> to vector<16xf32>
      %swap3A_251 = vector.shape_cast %broadcast_in_dim3A_1 : vector<16xf32> to vector<1x16xf32>
      tpu.vector_store %arg12[%swap3A_247, %swap3A_248], %swap3A_251 {strides = array<i32>} : memref<16x128xf32, #tpu.memory_space<vmem>>, vector<1x16xf32>,
    }
    %scan3A_54 = arith.constant 8 : i32
    %scan3A_55 = arith.constant 0 : i32
    %scan3A_56 = arith.constant 0 : i32
    %scan3A_57 = arith.constant 8 : i32
    %scan3A_58 = arith.addi %scan3A_56, %scan3A_57 : i32
    %scan3A_59 = arith.constant 1 : i32
    scf.for %scan3A_243 = %scan3A_56 to %scan3A_58 step %scan3A_59  : i32 {
      %mul3A_244 = arith.constant 16 : i32
      %mul3A_245 = arith.muli %scan3A_243, %mul3A_244 : i32
      %swap3A_246 = arith.constant 9 : i32
      %swap3A_247 = arith.index_cast %swap3A_246 : i32 to index
      %swap3A_248 = arith.index_cast %mul3A_245 : i32 to index
      %swap3A_249 = tpu.vector_load %arg12[%swap3A_247, %swap3A_248] {strides = array<i32>} : memref<16x128xf32, #tpu.memory_space<vmem>>, vector<1x16xf32>,
      %swap3A_250 = vector.shape_cast %swap3A_249 : vector<1x16xf32> to vector<16xf32>
      %swap3A_251 = vector.shape_cast %broadcast_in_dim3A_1 : vector<16xf32> to vector<1x16xf32>
      tpu.vector_store %arg12[%swap3A_247, %swap3A_248], %swap3A_251 {strides = array<i32>} : memref<16x128xf32, #tpu.memory_space<vmem>>, vector<1x16xf32>,
    }
    %scan3A_60 = arith.constant 8 : i32
    %scan3A_61 = arith.constant 0 : i32
    %scan3A_62 = arith.constant 0 : i32
    %scan3A_63 = arith.constant 8 : i32
    %scan3A_64 = arith.addi %scan3A_62, %scan3A_63 : i32
    %scan3A_65 = arith.constant 1 : i32
    scf.for %scan3A_243 = %scan3A_62 to %scan3A_64 step %scan3A_65  : i32 {
      %mul3A_244 = arith.constant 16 : i32
      %mul3A_245 = arith.muli %scan3A_243, %mul3A_244 : i32
      %swap3A_246 = arith.constant 10 : i32
      %swap3A_247 = arith.index_cast %swap3A_246 : i32 to index
      %swap3A_248 = arith.index_cast %mul3A_245 : i32 to index
      %swap3A_249 = tpu.vector_load %arg12[%swap3A_247, %swap3A_248] {strides = array<i32>} : memref<16x128xf32, #tpu.memory_space<vmem>>, vector<1x16xf32>,
      %swap3A_250 = vector.shape_cast %swap3A_249 : vector<1x16xf32> to vector<16xf32>
      %swap3A_251 = vector.shape_cast %broadcast_in_dim3A_1 : vector<16xf32> to vector<1x16xf32>
      tpu.vector_store %arg12[%swap3A_247, %swap3A_248], %swap3A_251 {strides = array<i32>} : memref<16x128xf32, #tpu.memory_space<vmem>>, vector<1x16xf32>,
    }
    %scan3A_66 = arith.constant 8 : i32
    %scan3A_67 = arith.constant 0 : i32
    %scan3A_68 = arith.constant 0 : i32
    %scan3A_69 = arith.constant 8 : i32
    %scan3A_70 = arith.addi %scan3A_68, %scan3A_69 : i32
    %scan3A_71 = arith.constant 1 : i32
    scf.for %scan3A_243 = %scan3A_68 to %scan3A_70 step %scan3A_71  : i32 {
      %mul3A_244 = arith.constant 16 : i32
      %mul3A_245 = arith.muli %scan3A_243, %mul3A_244 : i32
      %swap3A_246 = arith.constant 11 : i32
      %swap3A_247 = arith.index_cast %swap3A_246 : i32 to index
      %swap3A_248 = arith.index_cast %mul3A_245 : i32 to index
      %swap3A_249 = tpu.vector_load %arg12[%swap3A_247, %swap3A_248] {strides = array<i32>} : memref<16x128xf32, #tpu.memory_space<vmem>>, vector<1x16xf32>,
      %swap3A_250 = vector.shape_cast %swap3A_249 : vector<1x16xf32> to vector<16xf32>
      %swap3A_251 = vector.shape_cast %broadcast_in_dim3A_1 : vector<16xf32> to vector<1x16xf32>
      tpu.vector_store %arg12[%swap3A_247, %swap3A_248], %swap3A_251 {strides = array<i32>} : memref<16x128xf32, #tpu.memory_space<vmem>>, vector<1x16xf32>,
    }
    %scan3A_72 = arith.constant 8 : i32
    %scan3A_73 = arith.constant 0 : i32
    %scan3A_74 = arith.constant 0 : i32
    %scan3A_75 = arith.constant 8 : i32
    %scan3A_76 = arith.addi %scan3A_74, %scan3A_75 : i32
    %scan3A_77 = arith.constant 1 : i32
    scf.for %scan3A_243 = %scan3A_74 to %scan3A_76 step %scan3A_77  : i32 {
      %mul3A_244 = arith.constant 16 : i32
      %mul3A_245 = arith.muli %scan3A_243, %mul3A_244 : i32
      %swap3A_246 = arith.constant 12 : i32
      %swap3A_247 = arith.index_cast %swap3A_246 : i32 to index
      %swap3A_248 = arith.index_cast %mul3A_245 : i32 to index
      %swap3A_249 = tpu.vector_load %arg12[%swap3A_247, %swap3A_248] {strides = array<i32>} : memref<16x128xf32, #tpu.memory_space<vmem>>, vector<1x16xf32>,
      %swap3A_250 = vector.shape_cast %swap3A_249 : vector<1x16xf32> to vector<16xf32>
      %swap3A_251 = vector.shape_cast %broadcast_in_dim3A_1 : vector<16xf32> to vector<1x16xf32>
      tpu.vector_store %arg12[%swap3A_247, %swap3A_248], %swap3A_251 {strides = array<i32>} : memref<16x128xf32, #tpu.memory_space<vmem>>, vector<1x16xf32>,
    }
    %scan3A_78 = arith.constant 8 : i32
    %scan3A_79 = arith.constant 0 : i32
    %scan3A_80 = arith.constant 0 : i32
    %scan3A_81 = arith.constant 8 : i32
    %scan3A_82 = arith.addi %scan3A_80, %scan3A_81 : i32
    %scan3A_83 = arith.constant 1 : i32
    scf.for %scan3A_243 = %scan3A_80 to %scan3A_82 step %scan3A_83  : i32 {
      %mul3A_244 = arith.constant 16 : i32
      %mul3A_245 = arith.muli %scan3A_243, %mul3A_244 : i32
      %swap3A_246 = arith.constant 13 : i32
      %swap3A_247 = arith.index_cast %swap3A_246 : i32 to index
      %swap3A_248 = arith.index_cast %mul3A_245 : i32 to index
      %swap3A_249 = tpu.vector_load %arg12[%swap3A_247, %swap3A_248] {strides = array<i32>} : memref<16x128xf32, #tpu.memory_space<vmem>>, vector<1x16xf32>,
      %swap3A_250 = vector.shape_cast %swap3A_249 : vector<1x16xf32> to vector<16xf32>
      %swap3A_251 = vector.shape_cast %broadcast_in_dim3A_1 : vector<16xf32> to vector<1x16xf32>
      tpu.vector_store %arg12[%swap3A_247, %swap3A_248], %swap3A_251 {strides = array<i32>} : memref<16x128xf32, #tpu.memory_space<vmem>>, vector<1x16xf32>,
    }
    %scan3A_84 = arith.constant 8 : i32
    %scan3A_85 = arith.constant 0 : i32
    %scan3A_86 = arith.constant 0 : i32
    %scan3A_87 = arith.constant 8 : i32
    %scan3A_88 = arith.addi %scan3A_86, %scan3A_87 : i32
    %scan3A_89 = arith.constant 1 : i32
    scf.for %scan3A_243 = %scan3A_86 to %scan3A_88 step %scan3A_89  : i32 {
      %mul3A_244 = arith.constant 16 : i32
      %mul3A_245 = arith.muli %scan3A_243, %mul3A_244 : i32
      %swap3A_246 = arith.constant 14 : i32
      %swap3A_247 = arith.index_cast %swap3A_246 : i32 to index
      %swap3A_248 = arith.index_cast %mul3A_245 : i32 to index
      %swap3A_249 = tpu.vector_load %arg12[%swap3A_247, %swap3A_248] {strides = array<i32>} : memref<16x128xf32, #tpu.memory_space<vmem>>, vector<1x16xf32>,
      %swap3A_250 = vector.shape_cast %swap3A_249 : vector<1x16xf32> to vector<16xf32>
      %swap3A_251 = vector.shape_cast %broadcast_in_dim3A_1 : vector<16xf32> to vector<1x16xf32>
      tpu.vector_store %arg12[%swap3A_247, %swap3A_248], %swap3A_251 {strides = array<i32>} : memref<16x128xf32, #tpu.memory_space<vmem>>, vector<1x16xf32>,
    }
    %scan3A_90 = arith.constant 8 : i32
    %scan3A_91 = arith.constant 0 : i32
    %scan3A_92 = arith.constant 0 : i32
    %scan3A_93 = arith.constant 8 : i32
    %scan3A_94 = arith.addi %scan3A_92, %scan3A_93 : i32
    %scan3A_95 = arith.constant 1 : i32
    scf.for %scan3A_243 = %scan3A_92 to %scan3A_94 step %scan3A_95  : i32 {
      %mul3A_244 = arith.constant 16 : i32
      %mul3A_245 = arith.muli %scan3A_243, %mul3A_244 : i32
      %swap3A_246 = arith.constant 15 : i32
      %swap3A_247 = arith.index_cast %swap3A_246 : i32 to index
      %swap3A_248 = arith.index_cast %mul3A_245 : i32 to index
      %swap3A_249 = tpu.vector_load %arg12[%swap3A_247, %swap3A_248] {strides = array<i32>} : memref<16x128xf32, #tpu.memory_space<vmem>>, vector<1x16xf32>,
      %swap3A_250 = vector.shape_cast %swap3A_249 : vector<1x16xf32> to vector<16xf32>
      %swap3A_251 = vector.shape_cast %broadcast_in_dim3A_1 : vector<16xf32> to vector<1x16xf32>
      tpu.vector_store %arg12[%swap3A_247, %swap3A_248], %swap3A_251 {strides = array<i32>} : memref<16x128xf32, #tpu.memory_space<vmem>>, vector<1x16xf32>,
    }
    %scan3A_96 = arith.constant 8 : i32
    %mul3A_97 = arith.constant 2 : i32
    %mul3A_98 = arith.muli %arg0, %mul3A_97 : i32
    %add3A = arith.constant 0 : i32
    %add3A_99 = arith.addi %mul3A_98, %add3A : i32
    %scan3A_100 = arith.constant 0 : i32
    %scan3A_101 = arith.constant 0 : i32
    %scan3A_102 = arith.constant 40 : i32
    %scan3A_103 = arith.addi %scan3A_101, %scan3A_102 : i32
    %scan3A_104 = arith.constant 1 : i32
    scf.for %scan3A_243 = %scan3A_101 to %scan3A_103 step %scan3A_104  : i32 {
      %mul3A_244 = arith.constant 640 : i32
      %mul3A_245 = arith.muli %arg1, %mul3A_244 : i32
      %mul3A_246 = arith.constant 16 : i32
      %mul3A_247 = arith.muli %scan3A_243, %mul3A_246 : i32
      %add3A_248 = arith.addi %mul3A_245, %mul3A_247 : i32
      "tpu.region"() ({
        %run_scoped3A = tpu.sem_alloc : memref<!tpu.dma_semaphore, #tpu.memory_space<semaphore_mem>>
        %dma_start3A_249 = arith.constant 0 : i32
        %dma_start3A_250 = tpu.memref_slice %arg6[%add3A_248, %dma_start3A_249] : memref<10240x128xf32, #tpu.memory_space<vmem_shared>> -> memref<16x128xf32, #tpu.memory_space<vmem_shared>>
        %dma_start3A_251 = arith.constant 0 : i32
        %dma_start3A_252 = tpu.memref_slice %arg6[%add3A_248, %dma_start3A_251] : memref<10240x128xf32, #tpu.memory_space<vmem_shared>> -> memref<16x128xf32, #tpu.memory_space<vmem_shared>>
        tpu.enqueue_dma source(%arg12 : memref<16x128xf32, #tpu.memory_space<vmem>>) target(%dma_start3A_252 : memref<16x128xf32, #tpu.memory_space<vmem_shared>>) target_semaphore(%run_scoped3A : memref<!tpu.dma_semaphore, #tpu.memory_space<semaphore_mem>>)
        %dma_wait3A_253 = arith.constant 0 : i32
        %dma_wait3A_254 = tpu.memref_slice %arg6[%add3A_248, %dma_wait3A_253] : memref<10240x128xf32, #tpu.memory_space<vmem_shared>> -> memref<16x128xf32, #tpu.memory_space<vmem_shared>>
        %dma_wait3A_255 = arith.constant 0 : i32
        %dma_wait3A_256 = tpu.memref_slice %arg6[%add3A_248, %dma_wait3A_255] : memref<10240x128xf32, #tpu.memory_space<vmem_shared>> -> memref<16x128xf32, #tpu.memory_space<vmem_shared>>
        tpu.wait_dma2 semaphore(%run_scoped3A : memref<!tpu.dma_semaphore, #tpu.memory_space<semaphore_mem>>) src(%arg12 : memref<16x128xf32, #tpu.memory_space<vmem>>) dst(%dma_wait3A_256 : memref<16x128xf32, #tpu.memory_space<vmem_shared>>)
        tpu.yield
      }) : () -> ()
    }
    %scan3A_105 = arith.constant 40 : i32
    %barrier3A = arith.constant 0 : index
    tpu.barrier barrier_id(%barrier3A)
    %dma_start3A = arith.constant 0 : i32
    %dma_start3A_106 = tpu.memref_slice %arg7[%dma_start3A] : memref<10000xi32, #tpu.memory_space<vmem>> -> memref<80xi32, #tpu.memory_space<vmem>>
    %dma_start3A_107 = arith.constant 0 : i32
    %dma_start3A_108 = arith.constant 0 : i32
    %dma_start3A_109 = tpu.memref_slice %arg2[%add3A_99, %dma_start3A_107, %dma_start3A_108] : memref<4x10000x128xf32, #tpu.memory_space<hbm>> -> memref<1x10000x128xf32, #tpu.memory_space<hbm>>
    %dma_start3A_110 = tpu.memref_squeeze %dma_start3A_109 : memref<1x10000x128xf32, #tpu.memory_space<hbm>> -> memref<10000x128xf32, #tpu.memory_space<hbm>>
    %dma_start3A_111 = arith.constant 0 : i32
    %dma_start3A_112 = arith.constant 0 : i32
    %dma_start3A_113 = tpu.memref_slice %dma_start3A_110[%dma_start3A_111, %dma_start3A_112] : memref<10000x128xf32, #tpu.memory_space<hbm>> -> memref<10000x128xf32, #tpu.memory_space<hbm>>
    tpu.enqueue_indirect_dma source(%dma_start3A_113 : memref<10000x128xf32, #tpu.memory_space<hbm>>) target(%arg10 : memref<80x128xf32, #tpu.memory_space<vmem>>) offsets(%dma_start3A_106 : memref<80xi32, #tpu.memory_space<vmem>>) semaphore(%arg13 : memref<!tpu.dma_semaphore, #tpu.memory_space<semaphore_mem>>)
    %scan3A_114 = arith.constant 0 : i32
    %scan3A_115 = arith.constant 0 : i32
    %scan3A_116 = arith.constant 62 : i32
    %scan3A_117 = arith.addi %scan3A_115, %scan3A_116 : i32
    %scan3A_118 = arith.constant 1 : i32
    scf.for %scan3A_243 = %scan3A_115 to %scan3A_117 step %scan3A_118  : i32 {
      %mul3A_244 = arith.constant 2 : i32
      %mul3A_245 = arith.muli %mul3A_244, %scan3A_243 : i32
      %add3A_246 = arith.constant 1 : i32
      %add3A_247 = arith.addi %mul3A_245, %add3A_246 : i32
      %mul3A_248 = arith.constant 80 : i32
      %mul3A_249 = arith.muli %add3A_247, %mul3A_248 : i32
      %dma_start3A_250 = tpu.memref_slice %arg7[%mul3A_249] : memref<10000xi32, #tpu.memory_space<vmem>> -> memref<80xi32, #tpu.memory_space<vmem>>
      %dma_start3A_251 = arith.constant 0 : i32
      %dma_start3A_252 = arith.constant 0 : i32
      %dma_start3A_253 = tpu.memref_slice %arg2[%add3A_99, %dma_start3A_251, %dma_start3A_252] : memref<4x10000x128xf32, #tpu.memory_space<hbm>> -> memref<1x10000x128xf32, #tpu.memory_space<hbm>>
      %dma_start3A_254 = tpu.memref_squeeze %dma_start3A_253 : memref<1x10000x128xf32, #tpu.memory_space<hbm>> -> memref<10000x128xf32, #tpu.memory_space<hbm>>
      %dma_start3A_255 = arith.constant 0 : i32
      %dma_start3A_256 = arith.constant 0 : i32
      %dma_start3A_257 = tpu.memref_slice %dma_start3A_254[%dma_start3A_255, %dma_start3A_256] : memref<10000x128xf32, #tpu.memory_space<hbm>> -> memref<10000x128xf32, #tpu.memory_space<hbm>>
      tpu.enqueue_indirect_dma source(%dma_start3A_257 : memref<10000x128xf32, #tpu.memory_space<hbm>>) target(%arg11 : memref<80x128xf32, #tpu.memory_space<vmem>>) offsets(%dma_start3A_250 : memref<80xi32, #tpu.memory_space<vmem>>) semaphore(%arg14 : memref<!tpu.dma_semaphore, #tpu.memory_space<semaphore_mem>>)
      %mul3A_258 = arith.constant 80 : i32
      %mul3A_259 = arith.muli %mul3A_245, %mul3A_258 : i32
      %dma_wait3A_260 = tpu.memref_slice %arg7[%mul3A_259] : memref<10000xi32, #tpu.memory_space<vmem>> -> memref<80xi32, #tpu.memory_space<vmem>>
      %dma_wait3A_261 = arith.constant 0 : i32
      %dma_wait3A_262 = arith.constant 0 : i32
      %dma_wait3A_263 = tpu.memref_slice %arg2[%add3A_99, %dma_wait3A_261, %dma_wait3A_262] : memref<4x10000x128xf32, #tpu.memory_space<hbm>> -> memref<1x10000x128xf32, #tpu.memory_space<hbm>>
      %dma_wait3A_264 = tpu.memref_squeeze %dma_wait3A_263 : memref<1x10000x128xf32, #tpu.memory_space<hbm>> -> memref<10000x128xf32, #tpu.memory_space<hbm>>
      %dma_wait3A_265 = arith.constant 0 : i32
      %dma_wait3A_266 = arith.constant 0 : i32
      %dma_wait3A_267 = tpu.memref_slice %dma_wait3A_264[%dma_wait3A_265, %dma_wait3A_266] : memref<10000x128xf32, #tpu.memory_space<hbm>> -> memref<10000x128xf32, #tpu.memory_space<hbm>>
      tpu.wait_indirect_dma semaphore(%arg13 : memref<!tpu.dma_semaphore, #tpu.memory_space<semaphore_mem>>) src(%dma_wait3A_267 : memref<10000x128xf32, #tpu.memory_space<hbm>>) dst(%arg10 : memref<80x128xf32, #tpu.memory_space<vmem>>)
      %mul3A_268 = arith.constant 80 : i32
      %mul3A_269 = arith.muli %mul3A_245, %mul3A_268 : i32
      %add3A_270 = arith.constant 0 : i32
      %add3A_271 = arith.addi %mul3A_269, %add3A_270 : i32
      %get3A_272 = arith.index_cast %add3A_271 : i32 to index
      %get3A_273 = tpu.vector_load %arg8[%get3A_272] {strides = array<i32>} : memref<10000xi32, #tpu.memory_space<vmem>>, vector<16xi32>,
      %get3A_274 = vector.shape_cast %get3A_273 : vector<16xi32> to vector<16xi32>
      %swap3A_275 = arith.constant 0 : index
      %swap3A_276 = tpu.vector_load %arg9[%swap3A_275] {strides = array<i32>} : memref<80xi32, #tpu.memory_space<vmem>>, vector<16xi32>,
      %swap3A_277 = vector.shape_cast %swap3A_276 : vector<16xi32> to vector<16xi32>
      %swap3A_278 = vector.shape_cast %get3A_274 : vector<16xi32> to vector<16xi32>
      tpu.vector_store %arg9[%swap3A_275], %swap3A_278 {strides = array<i32>} : memref<80xi32, #tpu.memory_space<vmem>>, vector<16xi32>,
      %mul3A_279 = arith.constant 80 : i32
      %mul3A_280 = arith.muli %mul3A_245, %mul3A_279 : i32
      %add3A_281 = arith.constant 16 : i32
      %add3A_282 = arith.addi %mul3A_280, %add3A_281 : i32
      %get3A_283 = arith.index_cast %add3A_282 : i32 to index
      %get3A_284 = tpu.vector_load %arg8[%get3A_283] {strides = array<i32>} : memref<10000xi32, #tpu.memory_space<vmem>>, vector<16xi32>,
      %get3A_285 = vector.shape_cast %get3A_284 : vector<16xi32> to vector<16xi32>
      %swap3A_286 = arith.constant 16 : index
      %swap3A_287 = tpu.vector_load %arg9[%swap3A_286] {strides = array<i32>} : memref<80xi32, #tpu.memory_space<vmem>>, vector<16xi32>,
      %swap3A_288 = vector.shape_cast %swap3A_287 : vector<16xi32> to vector<16xi32>
      %swap3A_289 = vector.shape_cast %get3A_285 : vector<16xi32> to vector<16xi32>
      tpu.vector_store %arg9[%swap3A_286], %swap3A_289 {strides = array<i32>} : memref<80xi32, #tpu.memory_space<vmem>>, vector<16xi32>,
      %mul3A_290 = arith.constant 80 : i32
      %mul3A_291 = arith.muli %mul3A_245, %mul3A_290 : i32
      %add3A_292 = arith.constant 32 : i32
      %add3A_293 = arith.addi %mul3A_291, %add3A_292 : i32
      %get3A_294 = arith.index_cast %add3A_293 : i32 to index
      %get3A_295 = tpu.vector_load %arg8[%get3A_294] {strides = array<i32>} : memref<10000xi32, #tpu.memory_space<vmem>>, vector<16xi32>,
      %get3A_296 = vector.shape_cast %get3A_295 : vector<16xi32> to vector<16xi32>
      %swap3A_297 = arith.constant 32 : index
      %swap3A_298 = tpu.vector_load %arg9[%swap3A_297] {strides = array<i32>} : memref<80xi32, #tpu.memory_space<vmem>>, vector<16xi32>,
      %swap3A_299 = vector.shape_cast %swap3A_298 : vector<16xi32> to vector<16xi32>
      %swap3A_300 = vector.shape_cast %get3A_296 : vector<16xi32> to vector<16xi32>
      tpu.vector_store %arg9[%swap3A_297], %swap3A_300 {strides = array<i32>} : memref<80xi32, #tpu.memory_space<vmem>>, vector<16xi32>,
      %mul3A_301 = arith.constant 80 : i32
      %mul3A_302 = arith.muli %mul3A_245, %mul3A_301 : i32
      %add3A_303 = arith.constant 48 : i32
      %add3A_304 = arith.addi %mul3A_302, %add3A_303 : i32
      %get3A_305 = arith.index_cast %add3A_304 : i32 to index
      %get3A_306 = tpu.vector_load %arg8[%get3A_305] {strides = array<i32>} : memref<10000xi32, #tpu.memory_space<vmem>>, vector<16xi32>,
      %get3A_307 = vector.shape_cast %get3A_306 : vector<16xi32> to vector<16xi32>
      %swap3A_308 = arith.constant 48 : index
      %swap3A_309 = tpu.vector_load %arg9[%swap3A_308] {strides = array<i32>} : memref<80xi32, #tpu.memory_space<vmem>>, vector<16xi32>,
      %swap3A_310 = vector.shape_cast %swap3A_309 : vector<16xi32> to vector<16xi32>
      %swap3A_311 = vector.shape_cast %get3A_307 : vector<16xi32> to vector<16xi32>
      tpu.vector_store %arg9[%swap3A_308], %swap3A_311 {strides = array<i32>} : memref<80xi32, #tpu.memory_space<vmem>>, vector<16xi32>,
      %mul3A_312 = arith.constant 80 : i32
      %mul3A_313 = arith.muli %mul3A_245, %mul3A_312 : i32
      %add3A_314 = arith.constant 64 : i32
      %add3A_315 = arith.addi %mul3A_313, %add3A_314 : i32
      %get3A_316 = arith.index_cast %add3A_315 : i32 to index
      %get3A_317 = tpu.vector_load %arg8[%get3A_316] {strides = array<i32>} : memref<10000xi32, #tpu.memory_space<vmem>>, vector<16xi32>,
      %get3A_318 = vector.shape_cast %get3A_317 : vector<16xi32> to vector<16xi32>
      %swap3A_319 = arith.constant 64 : index
      %swap3A_320 = tpu.vector_load %arg9[%swap3A_319] {strides = array<i32>} : memref<80xi32, #tpu.memory_space<vmem>>, vector<16xi32>,
      %swap3A_321 = vector.shape_cast %swap3A_320 : vector<16xi32> to vector<16xi32>
      %swap3A_322 = vector.shape_cast %get3A_318 : vector<16xi32> to vector<16xi32>
      tpu.vector_store %arg9[%swap3A_319], %swap3A_322 {strides = array<i32>} : memref<80xi32, #tpu.memory_space<vmem>>, vector<16xi32>,
      "tpu.region"() ({
        %run_scoped3A = tpu.sem_alloc : memref<!tpu.dma_semaphore, #tpu.memory_space<semaphore_mem>>
        %dma_start3A_404 = arith.constant 0 : i32
        %dma_start3A_405 = arith.constant 0 : i32
        %dma_start3A_406 = tpu.memref_slice %arg6[%dma_start3A_404, %dma_start3A_405] : memref<10240x128xf32, #tpu.memory_space<vmem_shared>> -> memref<10240x128xf32, #tpu.memory_space<vmem_shared>>
        tpu.enqueue_indirect_dma source(%arg10 : memref<80x128xf32, #tpu.memory_space<vmem>>) target(%dma_start3A_406 : memref<10240x128xf32, #tpu.memory_space<vmem_shared>>) offsets(%arg9 : memref<80xi32, #tpu.memory_space<vmem>>) semaphore(%run_scoped3A : memref<!tpu.dma_semaphore, #tpu.memory_space<semaphore_mem>>) {add = true}
        %dma_wait3A_407 = arith.constant 0 : i32
        %dma_wait3A_408 = arith.constant 0 : i32
        %dma_wait3A_409 = tpu.memref_slice %arg6[%dma_wait3A_407, %dma_wait3A_408] : memref<10240x128xf32, #tpu.memory_space<vmem_shared>> -> memref<10240x128xf32, #tpu.memory_space<vmem_shared>>
        tpu.wait_indirect_dma semaphore(%run_scoped3A : memref<!tpu.dma_semaphore, #tpu.memory_space<semaphore_mem>>) src(%arg10 : memref<80x128xf32, #tpu.memory_space<vmem>>) dst(%dma_wait3A_409 : memref<10240x128xf32, #tpu.memory_space<vmem_shared>>)
        tpu.yield
      }) : () -> ()
      %add3A_323 = arith.constant 2 : i32
      %add3A_324 = arith.addi %mul3A_245, %add3A_323 : i32
      %mul3A_325 = arith.constant 80 : i32
      %mul3A_326 = arith.muli %add3A_324, %mul3A_325 : i32
      %dma_start3A_327 = tpu.memref_slice %arg7[%mul3A_326] : memref<10000xi32, #tpu.memory_space<vmem>> -> memref<80xi32, #tpu.memory_space<vmem>>
      %dma_start3A_328 = arith.constant 0 : i32
      %dma_start3A_329 = arith.constant 0 : i32
      %dma_start3A_330 = tpu.memref_slice %arg2[%add3A_99, %dma_start3A_328, %dma_start3A_329] : memref<4x10000x128xf32, #tpu.memory_space<hbm>> -> memref<1x10000x128xf32, #tpu.memory_space<hbm>>
      %dma_start3A_331 = tpu.memref_squeeze %dma_start3A_330 : memref<1x10000x128xf32, #tpu.memory_space<hbm>> -> memref<10000x128xf32, #tpu.memory_space<hbm>>
      %dma_start3A_332 = arith.constant 0 : i32
      %dma_start3A_333 = arith.constant 0 : i32
      %dma_start3A_334 = tpu.memref_slice %dma_start3A_331[%dma_start3A_332, %dma_start3A_333] : memref<10000x128xf32, #tpu.memory_space<hbm>> -> memref<10000x128xf32, #tpu.memory_space<hbm>>
      tpu.enqueue_indirect_dma source(%dma_start3A_334 : memref<10000x128xf32, #tpu.memory_space<hbm>>) target(%arg10 : memref<80x128xf32, #tpu.memory_space<vmem>>) offsets(%dma_start3A_327 : memref<80xi32, #tpu.memory_space<vmem>>) semaphore(%arg13 : memref<!tpu.dma_semaphore, #tpu.memory_space<semaphore_mem>>)
      %add3A_335 = arith.constant 1 : i32
      %add3A_336 = arith.addi %mul3A_245, %add3A_335 : i32
      %mul3A_337 = arith.constant 80 : i32
      %mul3A_338 = arith.muli %add3A_336, %mul3A_337 : i32
      %dma_wait3A_339 = tpu.memref_slice %arg7[%mul3A_338] : memref<10000xi32, #tpu.memory_space<vmem>> -> memref<80xi32, #tpu.memory_space<vmem>>
      %dma_wait3A_340 = arith.constant 0 : i32
      %dma_wait3A_341 = arith.constant 0 : i32
      %dma_wait3A_342 = tpu.memref_slice %arg2[%add3A_99, %dma_wait3A_340, %dma_wait3A_341] : memref<4x10000x128xf32, #tpu.memory_space<hbm>> -> memref<1x10000x128xf32, #tpu.memory_space<hbm>>
      %dma_wait3A_343 = tpu.memref_squeeze %dma_wait3A_342 : memref<1x10000x128xf32, #tpu.memory_space<hbm>> -> memref<10000x128xf32, #tpu.memory_space<hbm>>
      %dma_wait3A_344 = arith.constant 0 : i32
      %dma_wait3A_345 = arith.constant 0 : i32
      %dma_wait3A_346 = tpu.memref_slice %dma_wait3A_343[%dma_wait3A_344, %dma_wait3A_345] : memref<10000x128xf32, #tpu.memory_space<hbm>> -> memref<10000x128xf32, #tpu.memory_space<hbm>>
      tpu.wait_indirect_dma semaphore(%arg14 : memref<!tpu.dma_semaphore, #tpu.memory_space<semaphore_mem>>) src(%dma_wait3A_346 : memref<10000x128xf32, #tpu.memory_space<hbm>>) dst(%arg11 : memref<80x128xf32, #tpu.memory_space<vmem>>)
      %add3A_347 = arith.constant 1 : i32
      %add3A_348 = arith.addi %mul3A_245, %add3A_347 : i32
      %mul3A_349 = arith.constant 80 : i32
      %mul3A_350 = arith.muli %add3A_348, %mul3A_349 : i32
      %add3A_351 = arith.constant 0 : i32
      %add3A_352 = arith.addi %mul3A_350, %add3A_351 : i32
      %get3A_353 = arith.index_cast %add3A_352 : i32 to index
      %get3A_354 = tpu.vector_load %arg8[%get3A_353] {strides = array<i32>} : memref<10000xi32, #tpu.memory_space<vmem>>, vector<16xi32>,
      %get3A_355 = vector.shape_cast %get3A_354 : vector<16xi32> to vector<16xi32>
      %swap3A_356 = arith.constant 0 : index
      %swap3A_357 = tpu.vector_load %arg9[%swap3A_356] {strides = array<i32>} : memref<80xi32, #tpu.memory_space<vmem>>, vector<16xi32>,
      %swap3A_358 = vector.shape_cast %swap3A_357 : vector<16xi32> to vector<16xi32>
      %swap3A_359 = vector.shape_cast %get3A_355 : vector<16xi32> to vector<16xi32>
      tpu.vector_store %arg9[%swap3A_356], %swap3A_359 {strides = array<i32>} : memref<80xi32, #tpu.memory_space<vmem>>, vector<16xi32>,
      %mul3A_360 = arith.constant 80 : i32
      %mul3A_361 = arith.muli %add3A_348, %mul3A_360 : i32
      %add3A_362 = arith.constant 16 : i32
      %add3A_363 = arith.addi %mul3A_361, %add3A_362 : i32
      %get3A_364 = arith.index_cast %add3A_363 : i32 to index
      %get3A_365 = tpu.vector_load %arg8[%get3A_364] {strides = array<i32>} : memref<10000xi32, #tpu.memory_space<vmem>>, vector<16xi32>,
      %get3A_366 = vector.shape_cast %get3A_365 : vector<16xi32> to vector<16xi32>
      %swap3A_367 = arith.constant 16 : index
      %swap3A_368 = tpu.vector_load %arg9[%swap3A_367] {strides = array<i32>} : memref<80xi32, #tpu.memory_space<vmem>>, vector<16xi32>,
      %swap3A_369 = vector.shape_cast %swap3A_368 : vector<16xi32> to vector<16xi32>
      %swap3A_370 = vector.shape_cast %get3A_366 : vector<16xi32> to vector<16xi32>
      tpu.vector_store %arg9[%swap3A_367], %swap3A_370 {strides = array<i32>} : memref<80xi32, #tpu.memory_space<vmem>>, vector<16xi32>,
      %mul3A_371 = arith.constant 80 : i32
      %mul3A_372 = arith.muli %add3A_348, %mul3A_371 : i32
      %add3A_373 = arith.constant 32 : i32
      %add3A_374 = arith.addi %mul3A_372, %add3A_373 : i32
      %get3A_375 = arith.index_cast %add3A_374 : i32 to index
      %get3A_376 = tpu.vector_load %arg8[%get3A_375] {strides = array<i32>} : memref<10000xi32, #tpu.memory_space<vmem>>, vector<16xi32>,
      %get3A_377 = vector.shape_cast %get3A_376 : vector<16xi32> to vector<16xi32>
      %swap3A_378 = arith.constant 32 : index
      %swap3A_379 = tpu.vector_load %arg9[%swap3A_378] {strides = array<i32>} : memref<80xi32, #tpu.memory_space<vmem>>, vector<16xi32>,
      %swap3A_380 = vector.shape_cast %swap3A_379 : vector<16xi32> to vector<16xi32>
      %swap3A_381 = vector.shape_cast %get3A_377 : vector<16xi32> to vector<16xi32>
      tpu.vector_store %arg9[%swap3A_378], %swap3A_381 {strides = array<i32>} : memref<80xi32, #tpu.memory_space<vmem>>, vector<16xi32>,
      %mul3A_382 = arith.constant 80 : i32
      %mul3A_383 = arith.muli %add3A_348, %mul3A_382 : i32
      %add3A_384 = arith.constant 48 : i32
      %add3A_385 = arith.addi %mul3A_383, %add3A_384 : i32
      %get3A_386 = arith.index_cast %add3A_385 : i32 to index
      %get3A_387 = tpu.vector_load %arg8[%get3A_386] {strides = array<i32>} : memref<10000xi32, #tpu.memory_space<vmem>>, vector<16xi32>,
      %get3A_388 = vector.shape_cast %get3A_387 : vector<16xi32> to vector<16xi32>
      %swap3A_389 = arith.constant 48 : index
      %swap3A_390 = tpu.vector_load %arg9[%swap3A_389] {strides = array<i32>} : memref<80xi32, #tpu.memory_space<vmem>>, vector<16xi32>,
      %swap3A_391 = vector.shape_cast %swap3A_390 : vector<16xi32> to vector<16xi32>
      %swap3A_392 = vector.shape_cast %get3A_388 : vector<16xi32> to vector<16xi32>
      tpu.vector_store %arg9[%swap3A_389], %swap3A_392 {strides = array<i32>} : memref<80xi32, #tpu.memory_space<vmem>>, vector<16xi32>,
      %mul3A_393 = arith.constant 80 : i32
      %mul3A_394 = arith.muli %add3A_348, %mul3A_393 : i32
      %add3A_395 = arith.constant 64 : i32
      %add3A_396 = arith.addi %mul3A_394, %add3A_395 : i32
      %get3A_397 = arith.index_cast %add3A_396 : i32 to index
      %get3A_398 = tpu.vector_load %arg8[%get3A_397] {strides = array<i32>} : memref<10000xi32, #tpu.memory_space<vmem>>, vector<16xi32>,
      %get3A_399 = vector.shape_cast %get3A_398 : vector<16xi32> to vector<16xi32>
      %swap3A_400 = arith.constant 64 : index
      %swap3A_401 = tpu.vector_load %arg9[%swap3A_400] {strides = array<i32>} : memref<80xi32, #tpu.memory_space<vmem>>, vector<16xi32>,
      %swap3A_402 = vector.shape_cast %swap3A_401 : vector<16xi32> to vector<16xi32>
      %swap3A_403 = vector.shape_cast %get3A_399 : vector<16xi32> to vector<16xi32>
      tpu.vector_store %arg9[%swap3A_400], %swap3A_403 {strides = array<i32>} : memref<80xi32, #tpu.memory_space<vmem>>, vector<16xi32>,
      "tpu.region"() ({
        %run_scoped3A = tpu.sem_alloc : memref<!tpu.dma_semaphore, #tpu.memory_space<semaphore_mem>>
        %dma_start3A_404 = arith.constant 0 : i32
        %dma_start3A_405 = arith.constant 0 : i32
        %dma_start3A_406 = tpu.memref_slice %arg6[%dma_start3A_404, %dma_start3A_405] : memref<10240x128xf32, #tpu.memory_space<vmem_shared>> -> memref<10240x128xf32, #tpu.memory_space<vmem_shared>>
        tpu.enqueue_indirect_dma source(%arg11 : memref<80x128xf32, #tpu.memory_space<vmem>>) target(%dma_start3A_406 : memref<10240x128xf32, #tpu.memory_space<vmem_shared>>) offsets(%arg9 : memref<80xi32, #tpu.memory_space<vmem>>) semaphore(%run_scoped3A : memref<!tpu.dma_semaphore, #tpu.memory_space<semaphore_mem>>) {add = true}
        %dma_wait3A_407 = arith.constant 0 : i32
        %dma_wait3A_408 = arith.constant 0 : i32
        %dma_wait3A_409 = tpu.memref_slice %arg6[%dma_wait3A_407, %dma_wait3A_408] : memref<10240x128xf32, #tpu.memory_space<vmem_shared>> -> memref<10240x128xf32, #tpu.memory_space<vmem_shared>>
        tpu.wait_indirect_dma semaphore(%run_scoped3A : memref<!tpu.dma_semaphore, #tpu.memory_space<semaphore_mem>>) src(%arg11 : memref<80x128xf32, #tpu.memory_space<vmem>>) dst(%dma_wait3A_409 : memref<10240x128xf32, #tpu.memory_space<vmem_shared>>)
        tpu.yield
      }) : () -> ()
    }
    %scan3A_119 = arith.constant 62 : i32
    %dma_wait3A = arith.constant 9920 : i32
    %dma_wait3A_120 = tpu.memref_slice %arg7[%dma_wait3A] : memref<10000xi32, #tpu.memory_space<vmem>> -> memref<80xi32, #tpu.memory_space<vmem>>
    %dma_wait3A_121 = arith.constant 0 : i32
    %dma_wait3A_122 = arith.constant 0 : i32
    %dma_wait3A_123 = tpu.memref_slice %arg2[%add3A_99, %dma_wait3A_121, %dma_wait3A_122] : memref<4x10000x128xf32, #tpu.memory_space<hbm>> -> memref<1x10000x128xf32, #tpu.memory_space<hbm>>
    %dma_wait3A_124 = tpu.memref_squeeze %dma_wait3A_123 : memref<1x10000x128xf32, #tpu.memory_space<hbm>> -> memref<10000x128xf32, #tpu.memory_space<hbm>>
    %dma_wait3A_125 = arith.constant 0 : i32
    %dma_wait3A_126 = arith.constant 0 : i32
    %dma_wait3A_127 = tpu.memref_slice %dma_wait3A_124[%dma_wait3A_125, %dma_wait3A_126] : memref<10000x128xf32, #tpu.memory_space<hbm>> -> memref<10000x128xf32, #tpu.memory_space<hbm>>
    tpu.wait_indirect_dma semaphore(%arg13 : memref<!tpu.dma_semaphore, #tpu.memory_space<semaphore_mem>>) src(%dma_wait3A_127 : memref<10000x128xf32, #tpu.memory_space<hbm>>) dst(%arg10 : memref<80x128xf32, #tpu.memory_space<vmem>>)
    %get3A = arith.constant 9920 : index
    %get3A_128 = tpu.vector_load %arg8[%get3A] {strides = array<i32>} : memref<10000xi32, #tpu.memory_space<vmem>>, vector<16xi32>,
    %get3A_129 = vector.shape_cast %get3A_128 : vector<16xi32> to vector<16xi32>
    %swap3A = arith.constant 0 : index
    %swap3A_130 = tpu.vector_load %arg9[%swap3A] {strides = array<i32>} : memref<80xi32, #tpu.memory_space<vmem>>, vector<16xi32>,
    %swap3A_131 = vector.shape_cast %swap3A_130 : vector<16xi32> to vector<16xi32>
    %swap3A_132 = vector.shape_cast %get3A_129 : vector<16xi32> to vector<16xi32>
    tpu.vector_store %arg9[%swap3A], %swap3A_132 {strides = array<i32>} : memref<80xi32, #tpu.memory_space<vmem>>, vector<16xi32>,
    %get3A_133 = arith.constant 9936 : index
    %get3A_134 = tpu.vector_load %arg8[%get3A_133] {strides = array<i32>} : memref<10000xi32, #tpu.memory_space<vmem>>, vector<16xi32>,
    %get3A_135 = vector.shape_cast %get3A_134 : vector<16xi32> to vector<16xi32>
    %swap3A_136 = arith.constant 16 : index
    %swap3A_137 = tpu.vector_load %arg9[%swap3A_136] {strides = array<i32>} : memref<80xi32, #tpu.memory_space<vmem>>, vector<16xi32>,
    %swap3A_138 = vector.shape_cast %swap3A_137 : vector<16xi32> to vector<16xi32>
    %swap3A_139 = vector.shape_cast %get3A_135 : vector<16xi32> to vector<16xi32>
    tpu.vector_store %arg9[%swap3A_136], %swap3A_139 {strides = array<i32>} : memref<80xi32, #tpu.memory_space<vmem>>, vector<16xi32>,
    %get3A_140 = arith.constant 9952 : index
    %get3A_141 = tpu.vector_load %arg8[%get3A_140] {strides = array<i32>} : memref<10000xi32, #tpu.memory_space<vmem>>, vector<16xi32>,
    %get3A_142 = vector.shape_cast %get3A_141 : vector<16xi32> to vector<16xi32>
    %swap3A_143 = arith.constant 32 : index
    %swap3A_144 = tpu.vector_load %arg9[%swap3A_143] {strides = array<i32>} : memref<80xi32, #tpu.memory_space<vmem>>, vector<16xi32>,
    %swap3A_145 = vector.shape_cast %swap3A_144 : vector<16xi32> to vector<16xi32>
    %swap3A_146 = vector.shape_cast %get3A_142 : vector<16xi32> to vector<16xi32>
    tpu.vector_store %arg9[%swap3A_143], %swap3A_146 {strides = array<i32>} : memref<80xi32, #tpu.memory_space<vmem>>, vector<16xi32>,
    %get3A_147 = arith.constant 9968 : index
    %get3A_148 = tpu.vector_load %arg8[%get3A_147] {strides = array<i32>} : memref<10000xi32, #tpu.memory_space<vmem>>, vector<16xi32>,
    %get3A_149 = vector.shape_cast %get3A_148 : vector<16xi32> to vector<16xi32>
    %swap3A_150 = arith.constant 48 : index
    %swap3A_151 = tpu.vector_load %arg9[%swap3A_150] {strides = array<i32>} : memref<80xi32, #tpu.memory_space<vmem>>, vector<16xi32>,
    %swap3A_152 = vector.shape_cast %swap3A_151 : vector<16xi32> to vector<16xi32>
    %swap3A_153 = vector.shape_cast %get3A_149 : vector<16xi32> to vector<16xi32>
    tpu.vector_store %arg9[%swap3A_150], %swap3A_153 {strides = array<i32>} : memref<80xi32, #tpu.memory_space<vmem>>, vector<16xi32>,
    %get3A_154 = arith.constant 9984 : index
    %get3A_155 = tpu.vector_load %arg8[%get3A_154] {strides = array<i32>} : memref<10000xi32, #tpu.memory_space<vmem>>, vector<16xi32>,
    %get3A_156 = vector.shape_cast %get3A_155 : vector<16xi32> to vector<16xi32>
    %swap3A_157 = arith.constant 64 : index
    %swap3A_158 = tpu.vector_load %arg9[%swap3A_157] {strides = array<i32>} : memref<80xi32, #tpu.memory_space<vmem>>, vector<16xi32>,
    %swap3A_159 = vector.shape_cast %swap3A_158 : vector<16xi32> to vector<16xi32>
    %swap3A_160 = vector.shape_cast %get3A_156 : vector<16xi32> to vector<16xi32>
    tpu.vector_store %arg9[%swap3A_157], %swap3A_160 {strides = array<i32>} : memref<80xi32, #tpu.memory_space<vmem>>, vector<16xi32>,
    "tpu.region"() ({
      %run_scoped3A = tpu.sem_alloc : memref<!tpu.dma_semaphore, #tpu.memory_space<semaphore_mem>>
      %dma_start3A_243 = arith.constant 0 : i32
      %dma_start3A_244 = arith.constant 0 : i32
      %dma_start3A_245 = tpu.memref_slice %arg6[%dma_start3A_243, %dma_start3A_244] : memref<10240x128xf32, #tpu.memory_space<vmem_shared>> -> memref<10240x128xf32, #tpu.memory_space<vmem_shared>>
      tpu.enqueue_indirect_dma source(%arg10 : memref<80x128xf32, #tpu.memory_space<vmem>>) target(%dma_start3A_245 : memref<10240x128xf32, #tpu.memory_space<vmem_shared>>) offsets(%arg9 : memref<80xi32, #tpu.memory_space<vmem>>) semaphore(%run_scoped3A : memref<!tpu.dma_semaphore, #tpu.memory_space<semaphore_mem>>) {add = true}
      %dma_wait3A_246 = arith.constant 0 : i32
      %dma_wait3A_247 = arith.constant 0 : i32
      %dma_wait3A_248 = tpu.memref_slice %arg6[%dma_wait3A_246, %dma_wait3A_247] : memref<10240x128xf32, #tpu.memory_space<vmem_shared>> -> memref<10240x128xf32, #tpu.memory_space<vmem_shared>>
      tpu.wait_indirect_dma semaphore(%run_scoped3A : memref<!tpu.dma_semaphore, #tpu.memory_space<semaphore_mem>>) src(%arg10 : memref<80x128xf32, #tpu.memory_space<vmem>>) dst(%dma_wait3A_248 : memref<10240x128xf32, #tpu.memory_space<vmem_shared>>)
      tpu.yield
    }) : () -> ()
    %barrier3A_161 = arith.constant 0 : index
    tpu.barrier barrier_id(%barrier3A_161)
    %mul3A_162 = arith.constant 640 : i32
    %mul3A_163 = arith.muli %arg1, %mul3A_162 : i32
    %mul3A_164 = arith.constant 640 : i32
    %mul3A_165 = arith.muli %arg1, %mul3A_164 : i32
    "tpu.region"() ({
      %run_scoped3A = tpu.sem_alloc : memref<!tpu.dma_semaphore, #tpu.memory_space<semaphore_mem>>
      %dma_start3A_243 = arith.constant 0 : i32
      %dma_start3A_244 = tpu.memref_slice %arg5[%add3A_99, %mul3A_165, %dma_start3A_243] : memref<4x10240x128xf32, #tpu.memory_space<hbm>> -> memref<1x640x128xf32, #tpu.memory_space<hbm>>
      %dma_start3A_245 = tpu.memref_squeeze %dma_start3A_244 : memref<1x640x128xf32, #tpu.memory_space<hbm>> -> memref<640x128xf32, #tpu.memory_space<hbm>>
      %dma_start3A_246 = arith.constant 0 : i32
      %dma_start3A_247 = tpu.memref_slice %arg6[%mul3A_163, %dma_start3A_246] : memref<10240x128xf32, #tpu.memory_space<vmem_shared>> -> memref<640x128xf32, #tpu.memory_space<vmem_shared>>
      tpu.enqueue_dma source(%dma_start3A_247 : memref<640x128xf32, #tpu.memory_space<vmem_shared>>) target(%dma_start3A_245 : memref<640x128xf32, #tpu.memory_space<hbm>>) target_semaphore(%run_scoped3A : memref<!tpu.dma_semaphore, #tpu.memory_space<semaphore_mem>>)
      %dma_wait3A_248 = arith.constant 0 : i32
      %dma_wait3A_249 = tpu.memref_slice %arg5[%add3A_99, %mul3A_165, %dma_wait3A_248] : memref<4x10240x128xf32, #tpu.memory_space<hbm>> -> memref<1x640x128xf32, #tpu.memory_space<hbm>>
      %dma_wait3A_250 = tpu.memref_squeeze %dma_wait3A_249 : memref<1x640x128xf32, #tpu.memory_space<hbm>> -> memref<640x128xf32, #tpu.memory_space<hbm>>
      %dma_wait3A_251 = arith.constant 0 : i32
      %dma_wait3A_252 = tpu.memref_slice %arg6[%mul3A_163, %dma_wait3A_251] : memref<10240x128xf32, #tpu.memory_space<vmem_shared>> -> memref<640x128xf32, #tpu.memory_space<vmem_shared>>
      tpu.wait_dma2 semaphore(%run_scoped3A : memref<!tpu.dma_semaphore, #tpu.memory_space<semaphore_mem>>) src(%dma_wait3A_252 : memref<640x128xf32, #tpu.memory_space<vmem_shared>>) dst(%dma_wait3A_250 : memref<640x128xf32, #tpu.memory_space<hbm>>)
      tpu.yield
    }) : () -> ()
    %barrier3A_166 = arith.constant 0 : index
    tpu.barrier barrier_id(%barrier3A_166)
    %mul3A_167 = arith.constant 2 : i32
    %mul3A_168 = arith.muli %arg0, %mul3A_167 : i32
    %add3A_169 = arith.constant 1 : i32
    %add3A_170 = arith.addi %mul3A_168, %add3A_169 : i32
    %scan3A_171 = arith.constant 0 : i32
    %scan3A_172 = arith.constant 0 : i32
    %scan3A_173 = arith.constant 40 : i32
    %scan3A_174 = arith.addi %scan3A_172, %scan3A_173 : i32
    %scan3A_175 = arith.constant 1 : i32
    scf.for %scan3A_243 = %scan3A_172 to %scan3A_174 step %scan3A_175  : i32 {
      %mul3A_244 = arith.constant 640 : i32
      %mul3A_245 = arith.muli %arg1, %mul3A_244 : i32
      %mul3A_246 = arith.constant 16 : i32
      %mul3A_247 = arith.muli %scan3A_243, %mul3A_246 : i32
      %add3A_248 = arith.addi %mul3A_245, %mul3A_247 : i32
      "tpu.region"() ({
        %run_scoped3A = tpu.sem_alloc : memref<!tpu.dma_semaphore, #tpu.memory_space<semaphore_mem>>
        %dma_start3A_249 = arith.constant 0 : i32
        %dma_start3A_250 = tpu.memref_slice %arg6[%add3A_248, %dma_start3A_249] : memref<10240x128xf32, #tpu.memory_space<vmem_shared>> -> memref<16x128xf32, #tpu.memory_space<vmem_shared>>
        %dma_start3A_251 = arith.constant 0 : i32
        %dma_start3A_252 = tpu.memref_slice %arg6[%add3A_248, %dma_start3A_251] : memref<10240x128xf32, #tpu.memory_space<vmem_shared>> -> memref<16x128xf32, #tpu.memory_space<vmem_shared>>
        tpu.enqueue_dma source(%arg12 : memref<16x128xf32, #tpu.memory_space<vmem>>) target(%dma_start3A_252 : memref<16x128xf32, #tpu.memory_space<vmem_shared>>) target_semaphore(%run_scoped3A : memref<!tpu.dma_semaphore, #tpu.memory_space<semaphore_mem>>)
        %dma_wait3A_253 = arith.constant 0 : i32
        %dma_wait3A_254 = tpu.memref_slice %arg6[%add3A_248, %dma_wait3A_253] : memref<10240x128xf32, #tpu.memory_space<vmem_shared>> -> memref<16x128xf32, #tpu.memory_space<vmem_shared>>
        %dma_wait3A_255 = arith.constant 0 : i32
        %dma_wait3A_256 = tpu.memref_slice %arg6[%add3A_248, %dma_wait3A_255] : memref<10240x128xf32, #tpu.memory_space<vmem_shared>> -> memref<16x128xf32, #tpu.memory_space<vmem_shared>>
        tpu.wait_dma2 semaphore(%run_scoped3A : memref<!tpu.dma_semaphore, #tpu.memory_space<semaphore_mem>>) src(%arg12 : memref<16x128xf32, #tpu.memory_space<vmem>>) dst(%dma_wait3A_256 : memref<16x128xf32, #tpu.memory_space<vmem_shared>>)
        tpu.yield
      }) : () -> ()
    }
    %scan3A_176 = arith.constant 40 : i32
    %barrier3A_177 = arith.constant 0 : index
    tpu.barrier barrier_id(%barrier3A_177)
    %dma_start3A_178 = arith.constant 0 : i32
    %dma_start3A_179 = tpu.memref_slice %arg7[%dma_start3A_178] : memref<10000xi32, #tpu.memory_space<vmem>> -> memref<80xi32, #tpu.memory_space<vmem>>
    %dma_start3A_180 = arith.constant 0 : i32
    %dma_start3A_181 = arith.constant 0 : i32
    %dma_start3A_182 = tpu.memref_slice %arg2[%add3A_170, %dma_start3A_180, %dma_start3A_181] : memref<4x10000x128xf32, #tpu.memory_space<hbm>> -> memref<1x10000x128xf32, #tpu.memory_space<hbm>>
    %dma_start3A_183 = tpu.memref_squeeze %dma_start3A_182 : memref<1x10000x128xf32, #tpu.memory_space<hbm>> -> memref<10000x128xf32, #tpu.memory_space<hbm>>
    %dma_start3A_184 = arith.constant 0 : i32
    %dma_start3A_185 = arith.constant 0 : i32
    %dma_start3A_186 = tpu.memref_slice %dma_start3A_183[%dma_start3A_184, %dma_start3A_185] : memref<10000x128xf32, #tpu.memory_space<hbm>> -> memref<10000x128xf32, #tpu.memory_space<hbm>>
    tpu.enqueue_indirect_dma source(%dma_start3A_186 : memref<10000x128xf32, #tpu.memory_space<hbm>>) target(%arg10 : memref<80x128xf32, #tpu.memory_space<vmem>>) offsets(%dma_start3A_179 : memref<80xi32, #tpu.memory_space<vmem>>) semaphore(%arg13 : memref<!tpu.dma_semaphore, #tpu.memory_space<semaphore_mem>>)
    %scan3A_187 = arith.constant 0 : i32
    %scan3A_188 = arith.constant 0 : i32
    %scan3A_189 = arith.constant 62 : i32
    %scan3A_190 = arith.addi %scan3A_188, %scan3A_189 : i32
    %scan3A_191 = arith.constant 1 : i32
    scf.for %scan3A_243 = %scan3A_188 to %scan3A_190 step %scan3A_191  : i32 {
      %mul3A_244 = arith.constant 2 : i32
      %mul3A_245 = arith.muli %mul3A_244, %scan3A_243 : i32
      %add3A_246 = arith.constant 1 : i32
      %add3A_247 = arith.addi %mul3A_245, %add3A_246 : i32
      %mul3A_248 = arith.constant 80 : i32
      %mul3A_249 = arith.muli %add3A_247, %mul3A_248 : i32
      %dma_start3A_250 = tpu.memref_slice %arg7[%mul3A_249] : memref<10000xi32, #tpu.memory_space<vmem>> -> memref<80xi32, #tpu.memory_space<vmem>>
      %dma_start3A_251 = arith.constant 0 : i32
      %dma_start3A_252 = arith.constant 0 : i32
      %dma_start3A_253 = tpu.memref_slice %arg2[%add3A_170, %dma_start3A_251, %dma_start3A_252] : memref<4x10000x128xf32, #tpu.memory_space<hbm>> -> memref<1x10000x128xf32, #tpu.memory_space<hbm>>
      %dma_start3A_254 = tpu.memref_squeeze %dma_start3A_253 : memref<1x10000x128xf32, #tpu.memory_space<hbm>> -> memref<10000x128xf32, #tpu.memory_space<hbm>>
      %dma_start3A_255 = arith.constant 0 : i32
      %dma_start3A_256 = arith.constant 0 : i32
      %dma_start3A_257 = tpu.memref_slice %dma_start3A_254[%dma_start3A_255, %dma_start3A_256] : memref<10000x128xf32, #tpu.memory_space<hbm>> -> memref<10000x128xf32, #tpu.memory_space<hbm>>
      tpu.enqueue_indirect_dma source(%dma_start3A_257 : memref<10000x128xf32, #tpu.memory_space<hbm>>) target(%arg11 : memref<80x128xf32, #tpu.memory_space<vmem>>) offsets(%dma_start3A_250 : memref<80xi32, #tpu.memory_space<vmem>>) semaphore(%arg14 : memref<!tpu.dma_semaphore, #tpu.memory_space<semaphore_mem>>)
      %mul3A_258 = arith.constant 80 : i32
      %mul3A_259 = arith.muli %mul3A_245, %mul3A_258 : i32
      %dma_wait3A_260 = tpu.memref_slice %arg7[%mul3A_259] : memref<10000xi32, #tpu.memory_space<vmem>> -> memref<80xi32, #tpu.memory_space<vmem>>
      %dma_wait3A_261 = arith.constant 0 : i32
      %dma_wait3A_262 = arith.constant 0 : i32
      %dma_wait3A_263 = tpu.memref_slice %arg2[%add3A_170, %dma_wait3A_261, %dma_wait3A_262] : memref<4x10000x128xf32, #tpu.memory_space<hbm>> -> memref<1x10000x128xf32, #tpu.memory_space<hbm>>
      %dma_wait3A_264 = tpu.memref_squeeze %dma_wait3A_263 : memref<1x10000x128xf32, #tpu.memory_space<hbm>> -> memref<10000x128xf32, #tpu.memory_space<hbm>>
      %dma_wait3A_265 = arith.constant 0 : i32
      %dma_wait3A_266 = arith.constant 0 : i32
      %dma_wait3A_267 = tpu.memref_slice %dma_wait3A_264[%dma_wait3A_265, %dma_wait3A_266] : memref<10000x128xf32, #tpu.memory_space<hbm>> -> memref<10000x128xf32, #tpu.memory_space<hbm>>
      tpu.wait_indirect_dma semaphore(%arg13 : memref<!tpu.dma_semaphore, #tpu.memory_space<semaphore_mem>>) src(%dma_wait3A_267 : memref<10000x128xf32, #tpu.memory_space<hbm>>) dst(%arg10 : memref<80x128xf32, #tpu.memory_space<vmem>>)
      %mul3A_268 = arith.constant 80 : i32
      %mul3A_269 = arith.muli %mul3A_245, %mul3A_268 : i32
      %add3A_270 = arith.constant 0 : i32
      %add3A_271 = arith.addi %mul3A_269, %add3A_270 : i32
      %get3A_272 = arith.index_cast %add3A_271 : i32 to index
      %get3A_273 = tpu.vector_load %arg8[%get3A_272] {strides = array<i32>} : memref<10000xi32, #tpu.memory_space<vmem>>, vector<16xi32>,
      %get3A_274 = vector.shape_cast %get3A_273 : vector<16xi32> to vector<16xi32>
      %swap3A_275 = arith.constant 0 : index
      %swap3A_276 = tpu.vector_load %arg9[%swap3A_275] {strides = array<i32>} : memref<80xi32, #tpu.memory_space<vmem>>, vector<16xi32>,
      %swap3A_277 = vector.shape_cast %swap3A_276 : vector<16xi32> to vector<16xi32>
      %swap3A_278 = vector.shape_cast %get3A_274 : vector<16xi32> to vector<16xi32>
      tpu.vector_store %arg9[%swap3A_275], %swap3A_278 {strides = array<i32>} : memref<80xi32, #tpu.memory_space<vmem>>, vector<16xi32>,
      %mul3A_279 = arith.constant 80 : i32
      %mul3A_280 = arith.muli %mul3A_245, %mul3A_279 : i32
      %add3A_281 = arith.constant 16 : i32
      %add3A_282 = arith.addi %mul3A_280, %add3A_281 : i32
      %get3A_283 = arith.index_cast %add3A_282 : i32 to index
      %get3A_284 = tpu.vector_load %arg8[%get3A_283] {strides = array<i32>} : memref<10000xi32, #tpu.memory_space<vmem>>, vector<16xi32>,
      %get3A_285 = vector.shape_cast %get3A_284 : vector<16xi32> to vector<16xi32>
      %swap3A_286 = arith.constant 16 : index
      %swap3A_287 = tpu.vector_load %arg9[%swap3A_286] {strides = array<i32>} : memref<80xi32, #tpu.memory_space<vmem>>, vector<16xi32>,
      %swap3A_288 = vector.shape_cast %swap3A_287 : vector<16xi32> to vector<16xi32>
      %swap3A_289 = vector.shape_cast %get3A_285 : vector<16xi32> to vector<16xi32>
      tpu.vector_store %arg9[%swap3A_286], %swap3A_289 {strides = array<i32>} : memref<80xi32, #tpu.memory_space<vmem>>, vector<16xi32>,
      %mul3A_290 = arith.constant 80 : i32
      %mul3A_291 = arith.muli %mul3A_245, %mul3A_290 : i32
      %add3A_292 = arith.constant 32 : i32
      %add3A_293 = arith.addi %mul3A_291, %add3A_292 : i32
      %get3A_294 = arith.index_cast %add3A_293 : i32 to index
      %get3A_295 = tpu.vector_load %arg8[%get3A_294] {strides = array<i32>} : memref<10000xi32, #tpu.memory_space<vmem>>, vector<16xi32>,
      %get3A_296 = vector.shape_cast %get3A_295 : vector<16xi32> to vector<16xi32>
      %swap3A_297 = arith.constant 32 : index
      %swap3A_298 = tpu.vector_load %arg9[%swap3A_297] {strides = array<i32>} : memref<80xi32, #tpu.memory_space<vmem>>, vector<16xi32>,
      %swap3A_299 = vector.shape_cast %swap3A_298 : vector<16xi32> to vector<16xi32>
      %swap3A_300 = vector.shape_cast %get3A_296 : vector<16xi32> to vector<16xi32>
      tpu.vector_store %arg9[%swap3A_297], %swap3A_300 {strides = array<i32>} : memref<80xi32, #tpu.memory_space<vmem>>, vector<16xi32>,
      %mul3A_301 = arith.constant 80 : i32
      %mul3A_302 = arith.muli %mul3A_245, %mul3A_301 : i32
      %add3A_303 = arith.constant 48 : i32
      %add3A_304 = arith.addi %mul3A_302, %add3A_303 : i32
      %get3A_305 = arith.index_cast %add3A_304 : i32 to index
      %get3A_306 = tpu.vector_load %arg8[%get3A_305] {strides = array<i32>} : memref<10000xi32, #tpu.memory_space<vmem>>, vector<16xi32>,
      %get3A_307 = vector.shape_cast %get3A_306 : vector<16xi32> to vector<16xi32>
      %swap3A_308 = arith.constant 48 : index
      %swap3A_309 = tpu.vector_load %arg9[%swap3A_308] {strides = array<i32>} : memref<80xi32, #tpu.memory_space<vmem>>, vector<16xi32>,
      %swap3A_310 = vector.shape_cast %swap3A_309 : vector<16xi32> to vector<16xi32>
      %swap3A_311 = vector.shape_cast %get3A_307 : vector<16xi32> to vector<16xi32>
      tpu.vector_store %arg9[%swap3A_308], %swap3A_311 {strides = array<i32>} : memref<80xi32, #tpu.memory_space<vmem>>, vector<16xi32>,
      %mul3A_312 = arith.constant 80 : i32
      %mul3A_313 = arith.muli %mul3A_245, %mul3A_312 : i32
      %add3A_314 = arith.constant 64 : i32
      %add3A_315 = arith.addi %mul3A_313, %add3A_314 : i32
      %get3A_316 = arith.index_cast %add3A_315 : i32 to index
      %get3A_317 = tpu.vector_load %arg8[%get3A_316] {strides = array<i32>} : memref<10000xi32, #tpu.memory_space<vmem>>, vector<16xi32>,
      %get3A_318 = vector.shape_cast %get3A_317 : vector<16xi32> to vector<16xi32>
      %swap3A_319 = arith.constant 64 : index
      %swap3A_320 = tpu.vector_load %arg9[%swap3A_319] {strides = array<i32>} : memref<80xi32, #tpu.memory_space<vmem>>, vector<16xi32>,
      %swap3A_321 = vector.shape_cast %swap3A_320 : vector<16xi32> to vector<16xi32>
      %swap3A_322 = vector.shape_cast %get3A_318 : vector<16xi32> to vector<16xi32>
      tpu.vector_store %arg9[%swap3A_319], %swap3A_322 {strides = array<i32>} : memref<80xi32, #tpu.memory_space<vmem>>, vector<16xi32>,
      "tpu.region"() ({
        %run_scoped3A = tpu.sem_alloc : memref<!tpu.dma_semaphore, #tpu.memory_space<semaphore_mem>>
        %dma_start3A_404 = arith.constant 0 : i32
        %dma_start3A_405 = arith.constant 0 : i32
        %dma_start3A_406 = tpu.memref_slice %arg6[%dma_start3A_404, %dma_start3A_405] : memref<10240x128xf32, #tpu.memory_space<vmem_shared>> -> memref<10240x128xf32, #tpu.memory_space<vmem_shared>>
        tpu.enqueue_indirect_dma source(%arg10 : memref<80x128xf32, #tpu.memory_space<vmem>>) target(%dma_start3A_406 : memref<10240x128xf32, #tpu.memory_space<vmem_shared>>) offsets(%arg9 : memref<80xi32, #tpu.memory_space<vmem>>) semaphore(%run_scoped3A : memref<!tpu.dma_semaphore, #tpu.memory_space<semaphore_mem>>) {add = true}
        %dma_wait3A_407 = arith.constant 0 : i32
        %dma_wait3A_408 = arith.constant 0 : i32
        %dma_wait3A_409 = tpu.memref_slice %arg6[%dma_wait3A_407, %dma_wait3A_408] : memref<10240x128xf32, #tpu.memory_space<vmem_shared>> -> memref<10240x128xf32, #tpu.memory_space<vmem_shared>>
        tpu.wait_indirect_dma semaphore(%run_scoped3A : memref<!tpu.dma_semaphore, #tpu.memory_space<semaphore_mem>>) src(%arg10 : memref<80x128xf32, #tpu.memory_space<vmem>>) dst(%dma_wait3A_409 : memref<10240x128xf32, #tpu.memory_space<vmem_shared>>)
        tpu.yield
      }) : () -> ()
      %add3A_323 = arith.constant 2 : i32
      %add3A_324 = arith.addi %mul3A_245, %add3A_323 : i32
      %mul3A_325 = arith.constant 80 : i32
      %mul3A_326 = arith.muli %add3A_324, %mul3A_325 : i32
      %dma_start3A_327 = tpu.memref_slice %arg7[%mul3A_326] : memref<10000xi32, #tpu.memory_space<vmem>> -> memref<80xi32, #tpu.memory_space<vmem>>
      %dma_start3A_328 = arith.constant 0 : i32
      %dma_start3A_329 = arith.constant 0 : i32
      %dma_start3A_330 = tpu.memref_slice %arg2[%add3A_170, %dma_start3A_328, %dma_start3A_329] : memref<4x10000x128xf32, #tpu.memory_space<hbm>> -> memref<1x10000x128xf32, #tpu.memory_space<hbm>>
      %dma_start3A_331 = tpu.memref_squeeze %dma_start3A_330 : memref<1x10000x128xf32, #tpu.memory_space<hbm>> -> memref<10000x128xf32, #tpu.memory_space<hbm>>
      %dma_start3A_332 = arith.constant 0 : i32
      %dma_start3A_333 = arith.constant 0 : i32
      %dma_start3A_334 = tpu.memref_slice %dma_start3A_331[%dma_start3A_332, %dma_start3A_333] : memref<10000x128xf32, #tpu.memory_space<hbm>> -> memref<10000x128xf32, #tpu.memory_space<hbm>>
      tpu.enqueue_indirect_dma source(%dma_start3A_334 : memref<10000x128xf32, #tpu.memory_space<hbm>>) target(%arg10 : memref<80x128xf32, #tpu.memory_space<vmem>>) offsets(%dma_start3A_327 : memref<80xi32, #tpu.memory_space<vmem>>) semaphore(%arg13 : memref<!tpu.dma_semaphore, #tpu.memory_space<semaphore_mem>>)
      %add3A_335 = arith.constant 1 : i32
      %add3A_336 = arith.addi %mul3A_245, %add3A_335 : i32
      %mul3A_337 = arith.constant 80 : i32
      %mul3A_338 = arith.muli %add3A_336, %mul3A_337 : i32
      %dma_wait3A_339 = tpu.memref_slice %arg7[%mul3A_338] : memref<10000xi32, #tpu.memory_space<vmem>> -> memref<80xi32, #tpu.memory_space<vmem>>
      %dma_wait3A_340 = arith.constant 0 : i32
      %dma_wait3A_341 = arith.constant 0 : i32
      %dma_wait3A_342 = tpu.memref_slice %arg2[%add3A_170, %dma_wait3A_340, %dma_wait3A_341] : memref<4x10000x128xf32, #tpu.memory_space<hbm>> -> memref<1x10000x128xf32, #tpu.memory_space<hbm>>
      %dma_wait3A_343 = tpu.memref_squeeze %dma_wait3A_342 : memref<1x10000x128xf32, #tpu.memory_space<hbm>> -> memref<10000x128xf32, #tpu.memory_space<hbm>>
      %dma_wait3A_344 = arith.constant 0 : i32
      %dma_wait3A_345 = arith.constant 0 : i32
      %dma_wait3A_346 = tpu.memref_slice %dma_wait3A_343[%dma_wait3A_344, %dma_wait3A_345] : memref<10000x128xf32, #tpu.memory_space<hbm>> -> memref<10000x128xf32, #tpu.memory_space<hbm>>
      tpu.wait_indirect_dma semaphore(%arg14 : memref<!tpu.dma_semaphore, #tpu.memory_space<semaphore_mem>>) src(%dma_wait3A_346 : memref<10000x128xf32, #tpu.memory_space<hbm>>) dst(%arg11 : memref<80x128xf32, #tpu.memory_space<vmem>>)
      %add3A_347 = arith.constant 1 : i32
      %add3A_348 = arith.addi %mul3A_245, %add3A_347 : i32
      %mul3A_349 = arith.constant 80 : i32
      %mul3A_350 = arith.muli %add3A_348, %mul3A_349 : i32
      %add3A_351 = arith.constant 0 : i32
      %add3A_352 = arith.addi %mul3A_350, %add3A_351 : i32
      %get3A_353 = arith.index_cast %add3A_352 : i32 to index
      %get3A_354 = tpu.vector_load %arg8[%get3A_353] {strides = array<i32>} : memref<10000xi32, #tpu.memory_space<vmem>>, vector<16xi32>,
      %get3A_355 = vector.shape_cast %get3A_354 : vector<16xi32> to vector<16xi32>
      %swap3A_356 = arith.constant 0 : index
      %swap3A_357 = tpu.vector_load %arg9[%swap3A_356] {strides = array<i32>} : memref<80xi32, #tpu.memory_space<vmem>>, vector<16xi32>,
      %swap3A_358 = vector.shape_cast %swap3A_357 : vector<16xi32> to vector<16xi32>
      %swap3A_359 = vector.shape_cast %get3A_355 : vector<16xi32> to vector<16xi32>
      tpu.vector_store %arg9[%swap3A_356], %swap3A_359 {strides = array<i32>} : memref<80xi32, #tpu.memory_space<vmem>>, vector<16xi32>,
      %mul3A_360 = arith.constant 80 : i32
      %mul3A_361 = arith.muli %add3A_348, %mul3A_360 : i32
      %add3A_362 = arith.constant 16 : i32
      %add3A_363 = arith.addi %mul3A_361, %add3A_362 : i32
      %get3A_364 = arith.index_cast %add3A_363 : i32 to index
      %get3A_365 = tpu.vector_load %arg8[%get3A_364] {strides = array<i32>} : memref<10000xi32, #tpu.memory_space<vmem>>, vector<16xi32>,
      %get3A_366 = vector.shape_cast %get3A_365 : vector<16xi32> to vector<16xi32>
      %swap3A_367 = arith.constant 16 : index
      %swap3A_368 = tpu.vector_load %arg9[%swap3A_367] {strides = array<i32>} : memref<80xi32, #tpu.memory_space<vmem>>, vector<16xi32>,
      %swap3A_369 = vector.shape_cast %swap3A_368 : vector<16xi32> to vector<16xi32>
      %swap3A_370 = vector.shape_cast %get3A_366 : vector<16xi32> to vector<16xi32>
      tpu.vector_store %arg9[%swap3A_367], %swap3A_370 {strides = array<i32>} : memref<80xi32, #tpu.memory_space<vmem>>, vector<16xi32>,
      %mul3A_371 = arith.constant 80 : i32
      %mul3A_372 = arith.muli %add3A_348, %mul3A_371 : i32
      %add3A_373 = arith.constant 32 : i32
      %add3A_374 = arith.addi %mul3A_372, %add3A_373 : i32
      %get3A_375 = arith.index_cast %add3A_374 : i32 to index
      %get3A_376 = tpu.vector_load %arg8[%get3A_375] {strides = array<i32>} : memref<10000xi32, #tpu.memory_space<vmem>>, vector<16xi32>,
      %get3A_377 = vector.shape_cast %get3A_376 : vector<16xi32> to vector<16xi32>
      %swap3A_378 = arith.constant 32 : index
      %swap3A_379 = tpu.vector_load %arg9[%swap3A_378] {strides = array<i32>} : memref<80xi32, #tpu.memory_space<vmem>>, vector<16xi32>,
      %swap3A_380 = vector.shape_cast %swap3A_379 : vector<16xi32> to vector<16xi32>
      %swap3A_381 = vector.shape_cast %get3A_377 : vector<16xi32> to vector<16xi32>
      tpu.vector_store %arg9[%swap3A_378], %swap3A_381 {strides = array<i32>} : memref<80xi32, #tpu.memory_space<vmem>>, vector<16xi32>,
      %mul3A_382 = arith.constant 80 : i32
      %mul3A_383 = arith.muli %add3A_348, %mul3A_382 : i32
      %add3A_384 = arith.constant 48 : i32
      %add3A_385 = arith.addi %mul3A_383, %add3A_384 : i32
      %get3A_386 = arith.index_cast %add3A_385 : i32 to index
      %get3A_387 = tpu.vector_load %arg8[%get3A_386] {strides = array<i32>} : memref<10000xi32, #tpu.memory_space<vmem>>, vector<16xi32>,
      %get3A_388 = vector.shape_cast %get3A_387 : vector<16xi32> to vector<16xi32>
      %swap3A_389 = arith.constant 48 : index
      %swap3A_390 = tpu.vector_load %arg9[%swap3A_389] {strides = array<i32>} : memref<80xi32, #tpu.memory_space<vmem>>, vector<16xi32>,
      %swap3A_391 = vector.shape_cast %swap3A_390 : vector<16xi32> to vector<16xi32>
      %swap3A_392 = vector.shape_cast %get3A_388 : vector<16xi32> to vector<16xi32>
      tpu.vector_store %arg9[%swap3A_389], %swap3A_392 {strides = array<i32>} : memref<80xi32, #tpu.memory_space<vmem>>, vector<16xi32>,
      %mul3A_393 = arith.constant 80 : i32
      %mul3A_394 = arith.muli %add3A_348, %mul3A_393 : i32
      %add3A_395 = arith.constant 64 : i32
      %add3A_396 = arith.addi %mul3A_394, %add3A_395 : i32
      %get3A_397 = arith.index_cast %add3A_396 : i32 to index
      %get3A_398 = tpu.vector_load %arg8[%get3A_397] {strides = array<i32>} : memref<10000xi32, #tpu.memory_space<vmem>>, vector<16xi32>,
      %get3A_399 = vector.shape_cast %get3A_398 : vector<16xi32> to vector<16xi32>
      %swap3A_400 = arith.constant 64 : index
      %swap3A_401 = tpu.vector_load %arg9[%swap3A_400] {strides = array<i32>} : memref<80xi32, #tpu.memory_space<vmem>>, vector<16xi32>,
      %swap3A_402 = vector.shape_cast %swap3A_401 : vector<16xi32> to vector<16xi32>
      %swap3A_403 = vector.shape_cast %get3A_399 : vector<16xi32> to vector<16xi32>
      tpu.vector_store %arg9[%swap3A_400], %swap3A_403 {strides = array<i32>} : memref<80xi32, #tpu.memory_space<vmem>>, vector<16xi32>,
      "tpu.region"() ({
        %run_scoped3A = tpu.sem_alloc : memref<!tpu.dma_semaphore, #tpu.memory_space<semaphore_mem>>
        %dma_start3A_404 = arith.constant 0 : i32
        %dma_start3A_405 = arith.constant 0 : i32
        %dma_start3A_406 = tpu.memref_slice %arg6[%dma_start3A_404, %dma_start3A_405] : memref<10240x128xf32, #tpu.memory_space<vmem_shared>> -> memref<10240x128xf32, #tpu.memory_space<vmem_shared>>
        tpu.enqueue_indirect_dma source(%arg11 : memref<80x128xf32, #tpu.memory_space<vmem>>) target(%dma_start3A_406 : memref<10240x128xf32, #tpu.memory_space<vmem_shared>>) offsets(%arg9 : memref<80xi32, #tpu.memory_space<vmem>>) semaphore(%run_scoped3A : memref<!tpu.dma_semaphore, #tpu.memory_space<semaphore_mem>>) {add = true}
        %dma_wait3A_407 = arith.constant 0 : i32
        %dma_wait3A_408 = arith.constant 0 : i32
        %dma_wait3A_409 = tpu.memref_slice %arg6[%dma_wait3A_407, %dma_wait3A_408] : memref<10240x128xf32, #tpu.memory_space<vmem_shared>> -> memref<10240x128xf32, #tpu.memory_space<vmem_shared>>
        tpu.wait_indirect_dma semaphore(%run_scoped3A : memref<!tpu.dma_semaphore, #tpu.memory_space<semaphore_mem>>) src(%arg11 : memref<80x128xf32, #tpu.memory_space<vmem>>) dst(%dma_wait3A_409 : memref<10240x128xf32, #tpu.memory_space<vmem_shared>>)
        tpu.yield
      }) : () -> ()
    }
    %scan3A_192 = arith.constant 62 : i32
    %dma_wait3A_193 = arith.constant 9920 : i32
    %dma_wait3A_194 = tpu.memref_slice %arg7[%dma_wait3A_193] : memref<10000xi32, #tpu.memory_space<vmem>> -> memref<80xi32, #tpu.memory_space<vmem>>
    %dma_wait3A_195 = arith.constant 0 : i32
    %dma_wait3A_196 = arith.constant 0 : i32
    %dma_wait3A_197 = tpu.memref_slice %arg2[%add3A_170, %dma_wait3A_195, %dma_wait3A_196] : memref<4x10000x128xf32, #tpu.memory_space<hbm>> -> memref<1x10000x128xf32, #tpu.memory_space<hbm>>
    %dma_wait3A_198 = tpu.memref_squeeze %dma_wait3A_197 : memref<1x10000x128xf32, #tpu.memory_space<hbm>> -> memref<10000x128xf32, #tpu.memory_space<hbm>>
    %dma_wait3A_199 = arith.constant 0 : i32
    %dma_wait3A_200 = arith.constant 0 : i32
    %dma_wait3A_201 = tpu.memref_slice %dma_wait3A_198[%dma_wait3A_199, %dma_wait3A_200] : memref<10000x128xf32, #tpu.memory_space<hbm>> -> memref<10000x128xf32, #tpu.memory_space<hbm>>
    tpu.wait_indirect_dma semaphore(%arg13 : memref<!tpu.dma_semaphore, #tpu.memory_space<semaphore_mem>>) src(%dma_wait3A_201 : memref<10000x128xf32, #tpu.memory_space<hbm>>) dst(%arg10 : memref<80x128xf32, #tpu.memory_space<vmem>>)
    %get3A_202 = arith.constant 9920 : index
    %get3A_203 = tpu.vector_load %arg8[%get3A_202] {strides = array<i32>} : memref<10000xi32, #tpu.memory_space<vmem>>, vector<16xi32>,
    %get3A_204 = vector.shape_cast %get3A_203 : vector<16xi32> to vector<16xi32>
    %swap3A_205 = arith.constant 0 : index
    %swap3A_206 = tpu.vector_load %arg9[%swap3A_205] {strides = array<i32>} : memref<80xi32, #tpu.memory_space<vmem>>, vector<16xi32>,
    %swap3A_207 = vector.shape_cast %swap3A_206 : vector<16xi32> to vector<16xi32>
    %swap3A_208 = vector.shape_cast %get3A_204 : vector<16xi32> to vector<16xi32>
    tpu.vector_store %arg9[%swap3A_205], %swap3A_208 {strides = array<i32>} : memref<80xi32, #tpu.memory_space<vmem>>, vector<16xi32>,
    %get3A_209 = arith.constant 9936 : index
    %get3A_210 = tpu.vector_load %arg8[%get3A_209] {strides = array<i32>} : memref<10000xi32, #tpu.memory_space<vmem>>, vector<16xi32>,
    %get3A_211 = vector.shape_cast %get3A_210 : vector<16xi32> to vector<16xi32>
    %swap3A_212 = arith.constant 16 : index
    %swap3A_213 = tpu.vector_load %arg9[%swap3A_212] {strides = array<i32>} : memref<80xi32, #tpu.memory_space<vmem>>, vector<16xi32>,
    %swap3A_214 = vector.shape_cast %swap3A_213 : vector<16xi32> to vector<16xi32>
    %swap3A_215 = vector.shape_cast %get3A_211 : vector<16xi32> to vector<16xi32>
    tpu.vector_store %arg9[%swap3A_212], %swap3A_215 {strides = array<i32>} : memref<80xi32, #tpu.memory_space<vmem>>, vector<16xi32>,
    %get3A_216 = arith.constant 9952 : index
    %get3A_217 = tpu.vector_load %arg8[%get3A_216] {strides = array<i32>} : memref<10000xi32, #tpu.memory_space<vmem>>, vector<16xi32>,
    %get3A_218 = vector.shape_cast %get3A_217 : vector<16xi32> to vector<16xi32>
    %swap3A_219 = arith.constant 32 : index
    %swap3A_220 = tpu.vector_load %arg9[%swap3A_219] {strides = array<i32>} : memref<80xi32, #tpu.memory_space<vmem>>, vector<16xi32>,
    %swap3A_221 = vector.shape_cast %swap3A_220 : vector<16xi32> to vector<16xi32>
    %swap3A_222 = vector.shape_cast %get3A_218 : vector<16xi32> to vector<16xi32>
    tpu.vector_store %arg9[%swap3A_219], %swap3A_222 {strides = array<i32>} : memref<80xi32, #tpu.memory_space<vmem>>, vector<16xi32>,
    %get3A_223 = arith.constant 9968 : index
    %get3A_224 = tpu.vector_load %arg8[%get3A_223] {strides = array<i32>} : memref<10000xi32, #tpu.memory_space<vmem>>, vector<16xi32>,
    %get3A_225 = vector.shape_cast %get3A_224 : vector<16xi32> to vector<16xi32>
    %swap3A_226 = arith.constant 48 : index
    %swap3A_227 = tpu.vector_load %arg9[%swap3A_226] {strides = array<i32>} : memref<80xi32, #tpu.memory_space<vmem>>, vector<16xi32>,
    %swap3A_228 = vector.shape_cast %swap3A_227 : vector<16xi32> to vector<16xi32>
    %swap3A_229 = vector.shape_cast %get3A_225 : vector<16xi32> to vector<16xi32>
    tpu.vector_store %arg9[%swap3A_226], %swap3A_229 {strides = array<i32>} : memref<80xi32, #tpu.memory_space<vmem>>, vector<16xi32>,
    %get3A_230 = arith.constant 9984 : index
    %get3A_231 = tpu.vector_load %arg8[%get3A_230] {strides = array<i32>} : memref<10000xi32, #tpu.memory_space<vmem>>, vector<16xi32>,
    %get3A_232 = vector.shape_cast %get3A_231 : vector<16xi32> to vector<16xi32>
    %swap3A_233 = arith.constant 64 : index
    %swap3A_234 = tpu.vector_load %arg9[%swap3A_233] {strides = array<i32>} : memref<80xi32, #tpu.memory_space<vmem>>, vector<16xi32>,
    %swap3A_235 = vector.shape_cast %swap3A_234 : vector<16xi32> to vector<16xi32>
    %swap3A_236 = vector.shape_cast %get3A_232 : vector<16xi32> to vector<16xi32>
    tpu.vector_store %arg9[%swap3A_233], %swap3A_236 {strides = array<i32>} : memref<80xi32, #tpu.memory_space<vmem>>, vector<16xi32>,
    "tpu.region"() ({
      %run_scoped3A = tpu.sem_alloc : memref<!tpu.dma_semaphore, #tpu.memory_space<semaphore_mem>>
      %dma_start3A_243 = arith.constant 0 : i32
      %dma_start3A_244 = arith.constant 0 : i32
      %dma_start3A_245 = tpu.memref_slice %arg6[%dma_start3A_243, %dma_start3A_244] : memref<10240x128xf32, #tpu.memory_space<vmem_shared>> -> memref<10240x128xf32, #tpu.memory_space<vmem_shared>>
      tpu.enqueue_indirect_dma source(%arg10 : memref<80x128xf32, #tpu.memory_space<vmem>>) target(%dma_start3A_245 : memref<10240x128xf32, #tpu.memory_space<vmem_shared>>) offsets(%arg9 : memref<80xi32, #tpu.memory_space<vmem>>) semaphore(%run_scoped3A : memref<!tpu.dma_semaphore, #tpu.memory_space<semaphore_mem>>) {add = true}
      %dma_wait3A_246 = arith.constant 0 : i32
      %dma_wait3A_247 = arith.constant 0 : i32
      %dma_wait3A_248 = tpu.memref_slice %arg6[%dma_wait3A_246, %dma_wait3A_247] : memref<10240x128xf32, #tpu.memory_space<vmem_shared>> -> memref<10240x128xf32, #tpu.memory_space<vmem_shared>>
      tpu.wait_indirect_dma semaphore(%run_scoped3A : memref<!tpu.dma_semaphore, #tpu.memory_space<semaphore_mem>>) src(%arg10 : memref<80x128xf32, #tpu.memory_space<vmem>>) dst(%dma_wait3A_248 : memref<10240x128xf32, #tpu.memory_space<vmem_shared>>)
      tpu.yield
    }) : () -> ()
    %barrier3A_237 = arith.constant 0 : index
    tpu.barrier barrier_id(%barrier3A_237)
    %mul3A_238 = arith.constant 640 : i32
    %mul3A_239 = arith.muli %arg1, %mul3A_238 : i32
    %mul3A_240 = arith.constant 640 : i32
    %mul3A_241 = arith.muli %arg1, %mul3A_240 : i32
    "tpu.region"() ({
      %run_scoped3A = tpu.sem_alloc : memref<!tpu.dma_semaphore, #tpu.memory_space<semaphore_mem>>
      %dma_start3A_243 = arith.constant 0 : i32
      %dma_start3A_244 = tpu.memref_slice %arg5[%add3A_170, %mul3A_241, %dma_start3A_243] : memref<4x10240x128xf32, #tpu.memory_space<hbm>> -> memref<1x640x128xf32, #tpu.memory_space<hbm>>
      %dma_start3A_245 = tpu.memref_squeeze %dma_start3A_244 : memref<1x640x128xf32, #tpu.memory_space<hbm>> -> memref<640x128xf32, #tpu.memory_space<hbm>>
      %dma_start3A_246 = arith.constant 0 : i32
      %dma_start3A_247 = tpu.memref_slice %arg6[%mul3A_239, %dma_start3A_246] : memref<10240x128xf32, #tpu.memory_space<vmem_shared>> -> memref<640x128xf32, #tpu.memory_space<vmem_shared>>
      tpu.enqueue_dma source(%dma_start3A_247 : memref<640x128xf32, #tpu.memory_space<vmem_shared>>) target(%dma_start3A_245 : memref<640x128xf32, #tpu.memory_space<hbm>>) target_semaphore(%run_scoped3A : memref<!tpu.dma_semaphore, #tpu.memory_space<semaphore_mem>>)
      %dma_wait3A_248 = arith.constant 0 : i32
      %dma_wait3A_249 = tpu.memref_slice %arg5[%add3A_170, %mul3A_241, %dma_wait3A_248] : memref<4x10240x128xf32, #tpu.memory_space<hbm>> -> memref<1x640x128xf32, #tpu.memory_space<hbm>>
      %dma_wait3A_250 = tpu.memref_squeeze %dma_wait3A_249 : memref<1x640x128xf32, #tpu.memory_space<hbm>> -> memref<640x128xf32, #tpu.memory_space<hbm>>
      %dma_wait3A_251 = arith.constant 0 : i32
      %dma_wait3A_252 = tpu.memref_slice %arg6[%mul3A_239, %dma_wait3A_251] : memref<10240x128xf32, #tpu.memory_space<vmem_shared>> -> memref<640x128xf32, #tpu.memory_space<vmem_shared>>
      tpu.wait_dma2 semaphore(%run_scoped3A : memref<!tpu.dma_semaphore, #tpu.memory_space<semaphore_mem>>) src(%dma_wait3A_252 : memref<640x128xf32, #tpu.memory_space<vmem_shared>>) dst(%dma_wait3A_250 : memref<640x128xf32, #tpu.memory_space<hbm>>)
      tpu.yield
    }) : () -> ()
    %barrier3A_242 = arith.constant 0 : index
    tpu.barrier barrier_id(%barrier3A_242)
    return
  }
}

#map = affine_map<(d0, d1) -> (0, 0, 0)>
#map1 = affine_map<(d0, d1) -> (0)>
module attributes {stable_mosaic.version = 14 : i64} {
  func.func @_sc_agg(%arg0: i32, %arg1: i32, %arg2: memref<4x10000x128xf32, #tpu.memory_space<hbm>>, %arg3: memref<160000xi32, #tpu.memory_space<hbm>>, %arg4: memref<160000xi32, #tpu.memory_space<hbm>>, %arg5: memref<4x10240x128xf32, #tpu.memory_space<hbm>>, %arg6: memref<10240x128xf32, #tpu.memory_space<vmem_shared>>, %arg7: memref<10000xi32, #tpu.memory_space<vmem>>, %arg8: memref<10000xi32, #tpu.memory_space<vmem>>, %arg9: memref<80xi32, #tpu.memory_space<vmem>>, %arg10: memref<80x128xf32, #tpu.memory_space<vmem>>, %arg11: memref<80x128xf32, #tpu.memory_space<vmem>>, %arg12: memref<16x128xf32, #tpu.memory_space<vmem>>, %arg13: memref<!tpu.dma_semaphore, #tpu.memory_space<semaphore_mem>>, %arg14: memref<!tpu.dma_semaphore, #tpu.memory_space<semaphore_mem>>) attributes {dimension_semantics = [#tpu.dimension_semantics<core_parallel>, #tpu.dimension_semantics<subcore_parallel>], iteration_bounds = array<i64: 2, 16>, scalar_prefetch = 0 : i64, scratch_operands = 9 : i64, tpu.core_type = #tpu.core_type<sc_vector_subcore>, window_params = [{transform_indices = #map}, {transform_indices = #map1}, {transform_indices = #map1}, {transform_indices = #map}]} {
    %mul3A = arith.constant 10000 : i32
    %mul3A_0 = arith.muli %arg1, %mul3A : i32
    "tpu.region"() ({
      %run_scoped3A = tpu.sem_alloc : memref<!tpu.dma_semaphore, #tpu.memory_space<semaphore_mem>>
      %dma_start3A_243 = tpu.memref_slice %arg3[%mul3A_0] : memref<160000xi32, #tpu.memory_space<hbm>> -> memref<10000xi32, #tpu.memory_space<hbm>>
      %dma_start3A_244 = tpu.memref_slice %arg3[%mul3A_0] : memref<160000xi32, #tpu.memory_space<hbm>> -> memref<10000xi32, #tpu.memory_space<hbm>>
      tpu.enqueue_dma source(%dma_start3A_244 : memref<10000xi32, #tpu.memory_space<hbm>>) target(%arg7 : memref<10000xi32, #tpu.memory_space<vmem>>) target_semaphore(%run_scoped3A : memref<!tpu.dma_semaphore, #tpu.memory_space<semaphore_mem>>)
      %dma_wait3A_245 = tpu.memref_slice %arg3[%mul3A_0] : memref<160000xi32, #tpu.memory_space<hbm>> -> memref<10000xi32, #tpu.memory_space<hbm>>
      %dma_wait3A_246 = tpu.memref_slice %arg3[%mul3A_0] : memref<160000xi32, #tpu.memory_space<hbm>> -> memref<10000xi32, #tpu.memory_space<hbm>>
      tpu.wait_dma2 semaphore(%run_scoped3A : memref<!tpu.dma_semaphore, #tpu.memory_space<semaphore_mem>>) src(%dma_wait3A_246 : memref<10000xi32, #tpu.memory_space<hbm>>) dst(%arg7 : memref<10000xi32, #tpu.memory_space<vmem>>)
      tpu.yield
    }) : () -> ()
    "tpu.region"() ({
      %run_scoped3A = tpu.sem_alloc : memref<!tpu.dma_semaphore, #tpu.memory_space<semaphore_mem>>
      %dma_start3A_243 = tpu.memref_slice %arg4[%mul3A_0] : memref<160000xi32, #tpu.memory_space<hbm>> -> memref<10000xi32, #tpu.memory_space<hbm>>
      %dma_start3A_244 = tpu.memref_slice %arg4[%mul3A_0] : memref<160000xi32, #tpu.memory_space<hbm>> -> memref<10000xi32, #tpu.memory_space<hbm>>
      tpu.enqueue_dma source(%dma_start3A_244 : memref<10000xi32, #tpu.memory_space<hbm>>) target(%arg8 : memref<10000xi32, #tpu.memory_space<vmem>>) target_semaphore(%run_scoped3A : memref<!tpu.dma_semaphore, #tpu.memory_space<semaphore_mem>>)
      %dma_wait3A_245 = tpu.memref_slice %arg4[%mul3A_0] : memref<160000xi32, #tpu.memory_space<hbm>> -> memref<10000xi32, #tpu.memory_space<hbm>>
      %dma_wait3A_246 = tpu.memref_slice %arg4[%mul3A_0] : memref<160000xi32, #tpu.memory_space<hbm>> -> memref<10000xi32, #tpu.memory_space<hbm>>
      tpu.wait_dma2 semaphore(%run_scoped3A : memref<!tpu.dma_semaphore, #tpu.memory_space<semaphore_mem>>) src(%dma_wait3A_246 : memref<10000xi32, #tpu.memory_space<hbm>>) dst(%arg8 : memref<10000xi32, #tpu.memory_space<vmem>>)
      tpu.yield
    }) : () -> ()
    %broadcast_in_dim3A = arith.constant 0.000000e+00 : f32
    %broadcast_in_dim3A_1 = vector.broadcast %broadcast_in_dim3A : f32 to vector<16xf32>
    %scan3A = arith.constant 0 : i32
    %scan3A_2 = arith.constant 0 : i32
    %scan3A_3 = arith.constant 8 : i32
    %scan3A_4 = arith.addi %scan3A_2, %scan3A_3 : i32
    %scan3A_5 = arith.constant 1 : i32
    scf.for %scan3A_243 = %scan3A_2 to %scan3A_4 step %scan3A_5  : i32 {
      %mul3A_244 = arith.constant 16 : i32
      %mul3A_245 = arith.muli %scan3A_243, %mul3A_244 : i32
      %swap3A_246 = arith.constant 0 : i32
      %swap3A_247 = arith.index_cast %swap3A_246 : i32 to index
      %swap3A_248 = arith.index_cast %mul3A_245 : i32 to index
      %swap3A_249 = tpu.vector_load %arg12[%swap3A_247, %swap3A_248] {strides = array<i32>} : memref<16x128xf32, #tpu.memory_space<vmem>>, vector<1x16xf32>,
      %swap3A_250 = vector.shape_cast %swap3A_249 : vector<1x16xf32> to vector<16xf32>
      %swap3A_251 = vector.shape_cast %broadcast_in_dim3A_1 : vector<16xf32> to vector<1x16xf32>
      tpu.vector_store %arg12[%swap3A_247, %swap3A_248], %swap3A_251 {strides = array<i32>} : memref<16x128xf32, #tpu.memory_space<vmem>>, vector<1x16xf32>,
    }
    %scan3A_6 = arith.constant 8 : i32
    %scan3A_7 = arith.constant 0 : i32
    %scan3A_8 = arith.constant 0 : i32
    %scan3A_9 = arith.constant 8 : i32
    %scan3A_10 = arith.addi %scan3A_8, %scan3A_9 : i32
    %scan3A_11 = arith.constant 1 : i32
    scf.for %scan3A_243 = %scan3A_8 to %scan3A_10 step %scan3A_11  : i32 {
      %mul3A_244 = arith.constant 16 : i32
      %mul3A_245 = arith.muli %scan3A_243, %mul3A_244 : i32
      %swap3A_246 = arith.constant 1 : i32
      %swap3A_247 = arith.index_cast %swap3A_246 : i32 to index
      %swap3A_248 = arith.index_cast %mul3A_245 : i32 to index
      %swap3A_249 = tpu.vector_load %arg12[%swap3A_247, %swap3A_248] {strides = array<i32>} : memref<16x128xf32, #tpu.memory_space<vmem>>, vector<1x16xf32>,
      %swap3A_250 = vector.shape_cast %swap3A_249 : vector<1x16xf32> to vector<16xf32>
      %swap3A_251 = vector.shape_cast %broadcast_in_dim3A_1 : vector<16xf32> to vector<1x16xf32>
      tpu.vector_store %arg12[%swap3A_247, %swap3A_248], %swap3A_251 {strides = array<i32>} : memref<16x128xf32, #tpu.memory_space<vmem>>, vector<1x16xf32>,
    }
    %scan3A_12 = arith.constant 8 : i32
    %scan3A_13 = arith.constant 0 : i32
    %scan3A_14 = arith.constant 0 : i32
    %scan3A_15 = arith.constant 8 : i32
    %scan3A_16 = arith.addi %scan3A_14, %scan3A_15 : i32
    %scan3A_17 = arith.constant 1 : i32
    scf.for %scan3A_243 = %scan3A_14 to %scan3A_16 step %scan3A_17  : i32 {
      %mul3A_244 = arith.constant 16 : i32
      %mul3A_245 = arith.muli %scan3A_243, %mul3A_244 : i32
      %swap3A_246 = arith.constant 2 : i32
      %swap3A_247 = arith.index_cast %swap3A_246 : i32 to index
      %swap3A_248 = arith.index_cast %mul3A_245 : i32 to index
      %swap3A_249 = tpu.vector_load %arg12[%swap3A_247, %swap3A_248] {strides = array<i32>} : memref<16x128xf32, #tpu.memory_space<vmem>>, vector<1x16xf32>,
      %swap3A_250 = vector.shape_cast %swap3A_249 : vector<1x16xf32> to vector<16xf32>
      %swap3A_251 = vector.shape_cast %broadcast_in_dim3A_1 : vector<16xf32> to vector<1x16xf32>
      tpu.vector_store %arg12[%swap3A_247, %swap3A_248], %swap3A_251 {strides = array<i32>} : memref<16x128xf32, #tpu.memory_space<vmem>>, vector<1x16xf32>,
    }
    %scan3A_18 = arith.constant 8 : i32
    %scan3A_19 = arith.constant 0 : i32
    %scan3A_20 = arith.constant 0 : i32
    %scan3A_21 = arith.constant 8 : i32
    %scan3A_22 = arith.addi %scan3A_20, %scan3A_21 : i32
    %scan3A_23 = arith.constant 1 : i32
    scf.for %scan3A_243 = %scan3A_20 to %scan3A_22 step %scan3A_23  : i32 {
      %mul3A_244 = arith.constant 16 : i32
      %mul3A_245 = arith.muli %scan3A_243, %mul3A_244 : i32
      %swap3A_246 = arith.constant 3 : i32
      %swap3A_247 = arith.index_cast %swap3A_246 : i32 to index
      %swap3A_248 = arith.index_cast %mul3A_245 : i32 to index
      %swap3A_249 = tpu.vector_load %arg12[%swap3A_247, %swap3A_248] {strides = array<i32>} : memref<16x128xf32, #tpu.memory_space<vmem>>, vector<1x16xf32>,
      %swap3A_250 = vector.shape_cast %swap3A_249 : vector<1x16xf32> to vector<16xf32>
      %swap3A_251 = vector.shape_cast %broadcast_in_dim3A_1 : vector<16xf32> to vector<1x16xf32>
      tpu.vector_store %arg12[%swap3A_247, %swap3A_248], %swap3A_251 {strides = array<i32>} : memref<16x128xf32, #tpu.memory_space<vmem>>, vector<1x16xf32>,
    }
    %scan3A_24 = arith.constant 8 : i32
    %scan3A_25 = arith.constant 0 : i32
    %scan3A_26 = arith.constant 0 : i32
    %scan3A_27 = arith.constant 8 : i32
    %scan3A_28 = arith.addi %scan3A_26, %scan3A_27 : i32
    %scan3A_29 = arith.constant 1 : i32
    scf.for %scan3A_243 = %scan3A_26 to %scan3A_28 step %scan3A_29  : i32 {
      %mul3A_244 = arith.constant 16 : i32
      %mul3A_245 = arith.muli %scan3A_243, %mul3A_244 : i32
      %swap3A_246 = arith.constant 4 : i32
      %swap3A_247 = arith.index_cast %swap3A_246 : i32 to index
      %swap3A_248 = arith.index_cast %mul3A_245 : i32 to index
      %swap3A_249 = tpu.vector_load %arg12[%swap3A_247, %swap3A_248] {strides = array<i32>} : memref<16x128xf32, #tpu.memory_space<vmem>>, vector<1x16xf32>,
      %swap3A_250 = vector.shape_cast %swap3A_249 : vector<1x16xf32> to vector<16xf32>
      %swap3A_251 = vector.shape_cast %broadcast_in_dim3A_1 : vector<16xf32> to vector<1x16xf32>
      tpu.vector_store %arg12[%swap3A_247, %swap3A_248], %swap3A_251 {strides = array<i32>} : memref<16x128xf32, #tpu.memory_space<vmem>>, vector<1x16xf32>,
    }
    %scan3A_30 = arith.constant 8 : i32
    %scan3A_31 = arith.constant 0 : i32
    %scan3A_32 = arith.constant 0 : i32
    %scan3A_33 = arith.constant 8 : i32
    %scan3A_34 = arith.addi %scan3A_32, %scan3A_33 : i32
    %scan3A_35 = arith.constant 1 : i32
    scf.for %scan3A_243 = %scan3A_32 to %scan3A_34 step %scan3A_35  : i32 {
      %mul3A_244 = arith.constant 16 : i32
      %mul3A_245 = arith.muli %scan3A_243, %mul3A_244 : i32
      %swap3A_246 = arith.constant 5 : i32
      %swap3A_247 = arith.index_cast %swap3A_246 : i32 to index
      %swap3A_248 = arith.index_cast %mul3A_245 : i32 to index
      %swap3A_249 = tpu.vector_load %arg12[%swap3A_247, %swap3A_248] {strides = array<i32>} : memref<16x128xf32, #tpu.memory_space<vmem>>, vector<1x16xf32>,
      %swap3A_250 = vector.shape_cast %swap3A_249 : vector<1x16xf32> to vector<16xf32>
      %swap3A_251 = vector.shape_cast %broadcast_in_dim3A_1 : vector<16xf32> to vector<1x16xf32>
      tpu.vector_store %arg12[%swap3A_247, %swap3A_248], %swap3A_251 {strides = array<i32>} : memref<16x128xf32, #tpu.memory_space<vmem>>, vector<1x16xf32>,
    }
    %scan3A_36 = arith.constant 8 : i32
    %scan3A_37 = arith.constant 0 : i32
    %scan3A_38 = arith.constant 0 : i32
    %scan3A_39 = arith.constant 8 : i32
    %scan3A_40 = arith.addi %scan3A_38, %scan3A_39 : i32
    %scan3A_41 = arith.constant 1 : i32
    scf.for %scan3A_243 = %scan3A_38 to %scan3A_40 step %scan3A_41  : i32 {
      %mul3A_244 = arith.constant 16 : i32
      %mul3A_245 = arith.muli %scan3A_243, %mul3A_244 : i32
      %swap3A_246 = arith.constant 6 : i32
      %swap3A_247 = arith.index_cast %swap3A_246 : i32 to index
      %swap3A_248 = arith.index_cast %mul3A_245 : i32 to index
      %swap3A_249 = tpu.vector_load %arg12[%swap3A_247, %swap3A_248] {strides = array<i32>} : memref<16x128xf32, #tpu.memory_space<vmem>>, vector<1x16xf32>,
      %swap3A_250 = vector.shape_cast %swap3A_249 : vector<1x16xf32> to vector<16xf32>
      %swap3A_251 = vector.shape_cast %broadcast_in_dim3A_1 : vector<16xf32> to vector<1x16xf32>
      tpu.vector_store %arg12[%swap3A_247, %swap3A_248], %swap3A_251 {strides = array<i32>} : memref<16x128xf32, #tpu.memory_space<vmem>>, vector<1x16xf32>,
    }
    %scan3A_42 = arith.constant 8 : i32
    %scan3A_43 = arith.constant 0 : i32
    %scan3A_44 = arith.constant 0 : i32
    %scan3A_45 = arith.constant 8 : i32
    %scan3A_46 = arith.addi %scan3A_44, %scan3A_45 : i32
    %scan3A_47 = arith.constant 1 : i32
    scf.for %scan3A_243 = %scan3A_44 to %scan3A_46 step %scan3A_47  : i32 {
      %mul3A_244 = arith.constant 16 : i32
      %mul3A_245 = arith.muli %scan3A_243, %mul3A_244 : i32
      %swap3A_246 = arith.constant 7 : i32
      %swap3A_247 = arith.index_cast %swap3A_246 : i32 to index
      %swap3A_248 = arith.index_cast %mul3A_245 : i32 to index
      %swap3A_249 = tpu.vector_load %arg12[%swap3A_247, %swap3A_248] {strides = array<i32>} : memref<16x128xf32, #tpu.memory_space<vmem>>, vector<1x16xf32>,
      %swap3A_250 = vector.shape_cast %swap3A_249 : vector<1x16xf32> to vector<16xf32>
      %swap3A_251 = vector.shape_cast %broadcast_in_dim3A_1 : vector<16xf32> to vector<1x16xf32>
      tpu.vector_store %arg12[%swap3A_247, %swap3A_248], %swap3A_251 {strides = array<i32>} : memref<16x128xf32, #tpu.memory_space<vmem>>, vector<1x16xf32>,
    }
    %scan3A_48 = arith.constant 8 : i32
    %scan3A_49 = arith.constant 0 : i32
    %scan3A_50 = arith.constant 0 : i32
    %scan3A_51 = arith.constant 8 : i32
    %scan3A_52 = arith.addi %scan3A_50, %scan3A_51 : i32
    %scan3A_53 = arith.constant 1 : i32
    scf.for %scan3A_243 = %scan3A_50 to %scan3A_52 step %scan3A_53  : i32 {
      %mul3A_244 = arith.constant 16 : i32
      %mul3A_245 = arith.muli %scan3A_243, %mul3A_244 : i32
      %swap3A_246 = arith.constant 8 : i32
      %swap3A_247 = arith.index_cast %swap3A_246 : i32 to index
      %swap3A_248 = arith.index_cast %mul3A_245 : i32 to index
      %swap3A_249 = tpu.vector_load %arg12[%swap3A_247, %swap3A_248] {strides = array<i32>} : memref<16x128xf32, #tpu.memory_space<vmem>>, vector<1x16xf32>,
      %swap3A_250 = vector.shape_cast %swap3A_249 : vector<1x16xf32> to vector<16xf32>
      %swap3A_251 = vector.shape_cast %broadcast_in_dim3A_1 : vector<16xf32> to vector<1x16xf32>
      tpu.vector_store %arg12[%swap3A_247, %swap3A_248], %swap3A_251 {strides = array<i32>} : memref<16x128xf32, #tpu.memory_space<vmem>>, vector<1x16xf32>,
    }
    %scan3A_54 = arith.constant 8 : i32
    %scan3A_55 = arith.constant 0 : i32
    %scan3A_56 = arith.constant 0 : i32
    %scan3A_57 = arith.constant 8 : i32
    %scan3A_58 = arith.addi %scan3A_56, %scan3A_57 : i32
    %scan3A_59 = arith.constant 1 : i32
    scf.for %scan3A_243 = %scan3A_56 to %scan3A_58 step %scan3A_59  : i32 {
      %mul3A_244 = arith.constant 16 : i32
      %mul3A_245 = arith.muli %scan3A_243, %mul3A_244 : i32
      %swap3A_246 = arith.constant 9 : i32
      %swap3A_247 = arith.index_cast %swap3A_246 : i32 to index
      %swap3A_248 = arith.index_cast %mul3A_245 : i32 to index
      %swap3A_249 = tpu.vector_load %arg12[%swap3A_247, %swap3A_248] {strides = array<i32>} : memref<16x128xf32, #tpu.memory_space<vmem>>, vector<1x16xf32>,
      %swap3A_250 = vector.shape_cast %swap3A_249 : vector<1x16xf32> to vector<16xf32>
      %swap3A_251 = vector.shape_cast %broadcast_in_dim3A_1 : vector<16xf32> to vector<1x16xf32>
      tpu.vector_store %arg12[%swap3A_247, %swap3A_248], %swap3A_251 {strides = array<i32>} : memref<16x128xf32, #tpu.memory_space<vmem>>, vector<1x16xf32>,
    }
    %scan3A_60 = arith.constant 8 : i32
    %scan3A_61 = arith.constant 0 : i32
    %scan3A_62 = arith.constant 0 : i32
    %scan3A_63 = arith.constant 8 : i32
    %scan3A_64 = arith.addi %scan3A_62, %scan3A_63 : i32
    %scan3A_65 = arith.constant 1 : i32
    scf.for %scan3A_243 = %scan3A_62 to %scan3A_64 step %scan3A_65  : i32 {
      %mul3A_244 = arith.constant 16 : i32
      %mul3A_245 = arith.muli %scan3A_243, %mul3A_244 : i32
      %swap3A_246 = arith.constant 10 : i32
      %swap3A_247 = arith.index_cast %swap3A_246 : i32 to index
      %swap3A_248 = arith.index_cast %mul3A_245 : i32 to index
      %swap3A_249 = tpu.vector_load %arg12[%swap3A_247, %swap3A_248] {strides = array<i32>} : memref<16x128xf32, #tpu.memory_space<vmem>>, vector<1x16xf32>,
      %swap3A_250 = vector.shape_cast %swap3A_249 : vector<1x16xf32> to vector<16xf32>
      %swap3A_251 = vector.shape_cast %broadcast_in_dim3A_1 : vector<16xf32> to vector<1x16xf32>
      tpu.vector_store %arg12[%swap3A_247, %swap3A_248], %swap3A_251 {strides = array<i32>} : memref<16x128xf32, #tpu.memory_space<vmem>>, vector<1x16xf32>,
    }
    %scan3A_66 = arith.constant 8 : i32
    %scan3A_67 = arith.constant 0 : i32
    %scan3A_68 = arith.constant 0 : i32
    %scan3A_69 = arith.constant 8 : i32
    %scan3A_70 = arith.addi %scan3A_68, %scan3A_69 : i32
    %scan3A_71 = arith.constant 1 : i32
    scf.for %scan3A_243 = %scan3A_68 to %scan3A_70 step %scan3A_71  : i32 {
      %mul3A_244 = arith.constant 16 : i32
      %mul3A_245 = arith.muli %scan3A_243, %mul3A_244 : i32
      %swap3A_246 = arith.constant 11 : i32
      %swap3A_247 = arith.index_cast %swap3A_246 : i32 to index
      %swap3A_248 = arith.index_cast %mul3A_245 : i32 to index
      %swap3A_249 = tpu.vector_load %arg12[%swap3A_247, %swap3A_248] {strides = array<i32>} : memref<16x128xf32, #tpu.memory_space<vmem>>, vector<1x16xf32>,
      %swap3A_250 = vector.shape_cast %swap3A_249 : vector<1x16xf32> to vector<16xf32>
      %swap3A_251 = vector.shape_cast %broadcast_in_dim3A_1 : vector<16xf32> to vector<1x16xf32>
      tpu.vector_store %arg12[%swap3A_247, %swap3A_248], %swap3A_251 {strides = array<i32>} : memref<16x128xf32, #tpu.memory_space<vmem>>, vector<1x16xf32>,
    }
    %scan3A_72 = arith.constant 8 : i32
    %scan3A_73 = arith.constant 0 : i32
    %scan3A_74 = arith.constant 0 : i32
    %scan3A_75 = arith.constant 8 : i32
    %scan3A_76 = arith.addi %scan3A_74, %scan3A_75 : i32
    %scan3A_77 = arith.constant 1 : i32
    scf.for %scan3A_243 = %scan3A_74 to %scan3A_76 step %scan3A_77  : i32 {
      %mul3A_244 = arith.constant 16 : i32
      %mul3A_245 = arith.muli %scan3A_243, %mul3A_244 : i32
      %swap3A_246 = arith.constant 12 : i32
      %swap3A_247 = arith.index_cast %swap3A_246 : i32 to index
      %swap3A_248 = arith.index_cast %mul3A_245 : i32 to index
      %swap3A_249 = tpu.vector_load %arg12[%swap3A_247, %swap3A_248] {strides = array<i32>} : memref<16x128xf32, #tpu.memory_space<vmem>>, vector<1x16xf32>,
      %swap3A_250 = vector.shape_cast %swap3A_249 : vector<1x16xf32> to vector<16xf32>
      %swap3A_251 = vector.shape_cast %broadcast_in_dim3A_1 : vector<16xf32> to vector<1x16xf32>
      tpu.vector_store %arg12[%swap3A_247, %swap3A_248], %swap3A_251 {strides = array<i32>} : memref<16x128xf32, #tpu.memory_space<vmem>>, vector<1x16xf32>,
    }
    %scan3A_78 = arith.constant 8 : i32
    %scan3A_79 = arith.constant 0 : i32
    %scan3A_80 = arith.constant 0 : i32
    %scan3A_81 = arith.constant 8 : i32
    %scan3A_82 = arith.addi %scan3A_80, %scan3A_81 : i32
    %scan3A_83 = arith.constant 1 : i32
    scf.for %scan3A_243 = %scan3A_80 to %scan3A_82 step %scan3A_83  : i32 {
      %mul3A_244 = arith.constant 16 : i32
      %mul3A_245 = arith.muli %scan3A_243, %mul3A_244 : i32
      %swap3A_246 = arith.constant 13 : i32
      %swap3A_247 = arith.index_cast %swap3A_246 : i32 to index
      %swap3A_248 = arith.index_cast %mul3A_245 : i32 to index
      %swap3A_249 = tpu.vector_load %arg12[%swap3A_247, %swap3A_248] {strides = array<i32>} : memref<16x128xf32, #tpu.memory_space<vmem>>, vector<1x16xf32>,
      %swap3A_250 = vector.shape_cast %swap3A_249 : vector<1x16xf32> to vector<16xf32>
      %swap3A_251 = vector.shape_cast %broadcast_in_dim3A_1 : vector<16xf32> to vector<1x16xf32>
      tpu.vector_store %arg12[%swap3A_247, %swap3A_248], %swap3A_251 {strides = array<i32>} : memref<16x128xf32, #tpu.memory_space<vmem>>, vector<1x16xf32>,
    }
    %scan3A_84 = arith.constant 8 : i32
    %scan3A_85 = arith.constant 0 : i32
    %scan3A_86 = arith.constant 0 : i32
    %scan3A_87 = arith.constant 8 : i32
    %scan3A_88 = arith.addi %scan3A_86, %scan3A_87 : i32
    %scan3A_89 = arith.constant 1 : i32
    scf.for %scan3A_243 = %scan3A_86 to %scan3A_88 step %scan3A_89  : i32 {
      %mul3A_244 = arith.constant 16 : i32
      %mul3A_245 = arith.muli %scan3A_243, %mul3A_244 : i32
      %swap3A_246 = arith.constant 14 : i32
      %swap3A_247 = arith.index_cast %swap3A_246 : i32 to index
      %swap3A_248 = arith.index_cast %mul3A_245 : i32 to index
      %swap3A_249 = tpu.vector_load %arg12[%swap3A_247, %swap3A_248] {strides = array<i32>} : memref<16x128xf32, #tpu.memory_space<vmem>>, vector<1x16xf32>,
      %swap3A_250 = vector.shape_cast %swap3A_249 : vector<1x16xf32> to vector<16xf32>
      %swap3A_251 = vector.shape_cast %broadcast_in_dim3A_1 : vector<16xf32> to vector<1x16xf32>
      tpu.vector_store %arg12[%swap3A_247, %swap3A_248], %swap3A_251 {strides = array<i32>} : memref<16x128xf32, #tpu.memory_space<vmem>>, vector<1x16xf32>,
    }
    %scan3A_90 = arith.constant 8 : i32
    %scan3A_91 = arith.constant 0 : i32
    %scan3A_92 = arith.constant 0 : i32
    %scan3A_93 = arith.constant 8 : i32
    %scan3A_94 = arith.addi %scan3A_92, %scan3A_93 : i32
    %scan3A_95 = arith.constant 1 : i32
    scf.for %scan3A_243 = %scan3A_92 to %scan3A_94 step %scan3A_95  : i32 {
      %mul3A_244 = arith.constant 16 : i32
      %mul3A_245 = arith.muli %scan3A_243, %mul3A_244 : i32
      %swap3A_246 = arith.constant 15 : i32
      %swap3A_247 = arith.index_cast %swap3A_246 : i32 to index
      %swap3A_248 = arith.index_cast %mul3A_245 : i32 to index
      %swap3A_249 = tpu.vector_load %arg12[%swap3A_247, %swap3A_248] {strides = array<i32>} : memref<16x128xf32, #tpu.memory_space<vmem>>, vector<1x16xf32>,
      %swap3A_250 = vector.shape_cast %swap3A_249 : vector<1x16xf32> to vector<16xf32>
      %swap3A_251 = vector.shape_cast %broadcast_in_dim3A_1 : vector<16xf32> to vector<1x16xf32>
      tpu.vector_store %arg12[%swap3A_247, %swap3A_248], %swap3A_251 {strides = array<i32>} : memref<16x128xf32, #tpu.memory_space<vmem>>, vector<1x16xf32>,
    }
    %scan3A_96 = arith.constant 8 : i32
    %mul3A_97 = arith.constant 2 : i32
    %mul3A_98 = arith.muli %arg0, %mul3A_97 : i32
    %add3A = arith.constant 0 : i32
    %add3A_99 = arith.addi %mul3A_98, %add3A : i32
    %scan3A_100 = arith.constant 0 : i32
    %scan3A_101 = arith.constant 0 : i32
    %scan3A_102 = arith.constant 40 : i32
    %scan3A_103 = arith.addi %scan3A_101, %scan3A_102 : i32
    %scan3A_104 = arith.constant 1 : i32
    scf.for %scan3A_243 = %scan3A_101 to %scan3A_103 step %scan3A_104  : i32 {
      %mul3A_244 = arith.constant 640 : i32
      %mul3A_245 = arith.muli %arg1, %mul3A_244 : i32
      %mul3A_246 = arith.constant 16 : i32
      %mul3A_247 = arith.muli %scan3A_243, %mul3A_246 : i32
      %add3A_248 = arith.addi %mul3A_245, %mul3A_247 : i32
      "tpu.region"() ({
        %run_scoped3A = tpu.sem_alloc : memref<!tpu.dma_semaphore, #tpu.memory_space<semaphore_mem>>
        %dma_start3A_249 = arith.constant 0 : i32
        %dma_start3A_250 = tpu.memref_slice %arg6[%add3A_248, %dma_start3A_249] : memref<10240x128xf32, #tpu.memory_space<vmem_shared>> -> memref<16x128xf32, #tpu.memory_space<vmem_shared>>
        %dma_start3A_251 = arith.constant 0 : i32
        %dma_start3A_252 = tpu.memref_slice %arg6[%add3A_248, %dma_start3A_251] : memref<10240x128xf32, #tpu.memory_space<vmem_shared>> -> memref<16x128xf32, #tpu.memory_space<vmem_shared>>
        tpu.enqueue_dma source(%arg12 : memref<16x128xf32, #tpu.memory_space<vmem>>) target(%dma_start3A_252 : memref<16x128xf32, #tpu.memory_space<vmem_shared>>) target_semaphore(%run_scoped3A : memref<!tpu.dma_semaphore, #tpu.memory_space<semaphore_mem>>)
        %dma_wait3A_253 = arith.constant 0 : i32
        %dma_wait3A_254 = tpu.memref_slice %arg6[%add3A_248, %dma_wait3A_253] : memref<10240x128xf32, #tpu.memory_space<vmem_shared>> -> memref<16x128xf32, #tpu.memory_space<vmem_shared>>
        %dma_wait3A_255 = arith.constant 0 : i32
        %dma_wait3A_256 = tpu.memref_slice %arg6[%add3A_248, %dma_wait3A_255] : memref<10240x128xf32, #tpu.memory_space<vmem_shared>> -> memref<16x128xf32, #tpu.memory_space<vmem_shared>>
        tpu.wait_dma2 semaphore(%run_scoped3A : memref<!tpu.dma_semaphore, #tpu.memory_space<semaphore_mem>>) src(%arg12 : memref<16x128xf32, #tpu.memory_space<vmem>>) dst(%dma_wait3A_256 : memref<16x128xf32, #tpu.memory_space<vmem_shared>>)
        tpu.yield
      }) : () -> ()
    }
    %scan3A_105 = arith.constant 40 : i32
    %barrier3A = arith.constant 0 : index
    tpu.barrier barrier_id(%barrier3A)
    %dma_start3A = arith.constant 0 : i32
    %dma_start3A_106 = tpu.memref_slice %arg7[%dma_start3A] : memref<10000xi32, #tpu.memory_space<vmem>> -> memref<80xi32, #tpu.memory_space<vmem>>
    %dma_start3A_107 = arith.constant 0 : i32
    %dma_start3A_108 = arith.constant 0 : i32
    %dma_start3A_109 = tpu.memref_slice %arg2[%add3A_99, %dma_start3A_107, %dma_start3A_108] : memref<4x10000x128xf32, #tpu.memory_space<hbm>> -> memref<1x10000x128xf32, #tpu.memory_space<hbm>>
    %dma_start3A_110 = tpu.memref_squeeze %dma_start3A_109 : memref<1x10000x128xf32, #tpu.memory_space<hbm>> -> memref<10000x128xf32, #tpu.memory_space<hbm>>
    %dma_start3A_111 = arith.constant 0 : i32
    %dma_start3A_112 = arith.constant 0 : i32
    %dma_start3A_113 = tpu.memref_slice %dma_start3A_110[%dma_start3A_111, %dma_start3A_112] : memref<10000x128xf32, #tpu.memory_space<hbm>> -> memref<10000x128xf32, #tpu.memory_space<hbm>>
    tpu.enqueue_indirect_dma source(%dma_start3A_113 : memref<10000x128xf32, #tpu.memory_space<hbm>>) target(%arg10 : memref<80x128xf32, #tpu.memory_space<vmem>>) offsets(%dma_start3A_106 : memref<80xi32, #tpu.memory_space<vmem>>) semaphore(%arg13 : memref<!tpu.dma_semaphore, #tpu.memory_space<semaphore_mem>>)
    %scan3A_114 = arith.constant 0 : i32
    %scan3A_115 = arith.constant 0 : i32
    %scan3A_116 = arith.constant 62 : i32
    %scan3A_117 = arith.addi %scan3A_115, %scan3A_116 : i32
    %scan3A_118 = arith.constant 1 : i32
    scf.for %scan3A_243 = %scan3A_115 to %scan3A_117 step %scan3A_118  : i32 {
      %mul3A_244 = arith.constant 2 : i32
      %mul3A_245 = arith.muli %mul3A_244, %scan3A_243 : i32
      %add3A_246 = arith.constant 1 : i32
      %add3A_247 = arith.addi %mul3A_245, %add3A_246 : i32
      %mul3A_248 = arith.constant 80 : i32
      %mul3A_249 = arith.muli %add3A_247, %mul3A_248 : i32
      %dma_start3A_250 = tpu.memref_slice %arg7[%mul3A_249] : memref<10000xi32, #tpu.memory_space<vmem>> -> memref<80xi32, #tpu.memory_space<vmem>>
      %dma_start3A_251 = arith.constant 0 : i32
      %dma_start3A_252 = arith.constant 0 : i32
      %dma_start3A_253 = tpu.memref_slice %arg2[%add3A_99, %dma_start3A_251, %dma_start3A_252] : memref<4x10000x128xf32, #tpu.memory_space<hbm>> -> memref<1x10000x128xf32, #tpu.memory_space<hbm>>
      %dma_start3A_254 = tpu.memref_squeeze %dma_start3A_253 : memref<1x10000x128xf32, #tpu.memory_space<hbm>> -> memref<10000x128xf32, #tpu.memory_space<hbm>>
      %dma_start3A_255 = arith.constant 0 : i32
      %dma_start3A_256 = arith.constant 0 : i32
      %dma_start3A_257 = tpu.memref_slice %dma_start3A_254[%dma_start3A_255, %dma_start3A_256] : memref<10000x128xf32, #tpu.memory_space<hbm>> -> memref<10000x128xf32, #tpu.memory_space<hbm>>
      tpu.enqueue_indirect_dma source(%dma_start3A_257 : memref<10000x128xf32, #tpu.memory_space<hbm>>) target(%arg11 : memref<80x128xf32, #tpu.memory_space<vmem>>) offsets(%dma_start3A_250 : memref<80xi32, #tpu.memory_space<vmem>>) semaphore(%arg14 : memref<!tpu.dma_semaphore, #tpu.memory_space<semaphore_mem>>)
      %mul3A_258 = arith.constant 80 : i32
      %mul3A_259 = arith.muli %mul3A_245, %mul3A_258 : i32
      %dma_wait3A_260 = tpu.memref_slice %arg7[%mul3A_259] : memref<10000xi32, #tpu.memory_space<vmem>> -> memref<80xi32, #tpu.memory_space<vmem>>
      %dma_wait3A_261 = arith.constant 0 : i32
      %dma_wait3A_262 = arith.constant 0 : i32
      %dma_wait3A_263 = tpu.memref_slice %arg2[%add3A_99, %dma_wait3A_261, %dma_wait3A_262] : memref<4x10000x128xf32, #tpu.memory_space<hbm>> -> memref<1x10000x128xf32, #tpu.memory_space<hbm>>
      %dma_wait3A_264 = tpu.memref_squeeze %dma_wait3A_263 : memref<1x10000x128xf32, #tpu.memory_space<hbm>> -> memref<10000x128xf32, #tpu.memory_space<hbm>>
      %dma_wait3A_265 = arith.constant 0 : i32
      %dma_wait3A_266 = arith.constant 0 : i32
      %dma_wait3A_267 = tpu.memref_slice %dma_wait3A_264[%dma_wait3A_265, %dma_wait3A_266] : memref<10000x128xf32, #tpu.memory_space<hbm>> -> memref<10000x128xf32, #tpu.memory_space<hbm>>
      tpu.wait_indirect_dma semaphore(%arg13 : memref<!tpu.dma_semaphore, #tpu.memory_space<semaphore_mem>>) src(%dma_wait3A_267 : memref<10000x128xf32, #tpu.memory_space<hbm>>) dst(%arg10 : memref<80x128xf32, #tpu.memory_space<vmem>>)
      %mul3A_268 = arith.constant 80 : i32
      %mul3A_269 = arith.muli %mul3A_245, %mul3A_268 : i32
      %add3A_270 = arith.constant 0 : i32
      %add3A_271 = arith.addi %mul3A_269, %add3A_270 : i32
      %get3A_272 = arith.index_cast %add3A_271 : i32 to index
      %get3A_273 = tpu.vector_load %arg8[%get3A_272] {strides = array<i32>} : memref<10000xi32, #tpu.memory_space<vmem>>, vector<16xi32>,
      %get3A_274 = vector.shape_cast %get3A_273 : vector<16xi32> to vector<16xi32>
      %swap3A_275 = arith.constant 0 : index
      %swap3A_276 = tpu.vector_load %arg9[%swap3A_275] {strides = array<i32>} : memref<80xi32, #tpu.memory_space<vmem>>, vector<16xi32>,
      %swap3A_277 = vector.shape_cast %swap3A_276 : vector<16xi32> to vector<16xi32>
      %swap3A_278 = vector.shape_cast %get3A_274 : vector<16xi32> to vector<16xi32>
      tpu.vector_store %arg9[%swap3A_275], %swap3A_278 {strides = array<i32>} : memref<80xi32, #tpu.memory_space<vmem>>, vector<16xi32>,
      %mul3A_279 = arith.constant 80 : i32
      %mul3A_280 = arith.muli %mul3A_245, %mul3A_279 : i32
      %add3A_281 = arith.constant 16 : i32
      %add3A_282 = arith.addi %mul3A_280, %add3A_281 : i32
      %get3A_283 = arith.index_cast %add3A_282 : i32 to index
      %get3A_284 = tpu.vector_load %arg8[%get3A_283] {strides = array<i32>} : memref<10000xi32, #tpu.memory_space<vmem>>, vector<16xi32>,
      %get3A_285 = vector.shape_cast %get3A_284 : vector<16xi32> to vector<16xi32>
      %swap3A_286 = arith.constant 16 : index
      %swap3A_287 = tpu.vector_load %arg9[%swap3A_286] {strides = array<i32>} : memref<80xi32, #tpu.memory_space<vmem>>, vector<16xi32>,
      %swap3A_288 = vector.shape_cast %swap3A_287 : vector<16xi32> to vector<16xi32>
      %swap3A_289 = vector.shape_cast %get3A_285 : vector<16xi32> to vector<16xi32>
      tpu.vector_store %arg9[%swap3A_286], %swap3A_289 {strides = array<i32>} : memref<80xi32, #tpu.memory_space<vmem>>, vector<16xi32>,
      %mul3A_290 = arith.constant 80 : i32
      %mul3A_291 = arith.muli %mul3A_245, %mul3A_290 : i32
      %add3A_292 = arith.constant 32 : i32
      %add3A_293 = arith.addi %mul3A_291, %add3A_292 : i32
      %get3A_294 = arith.index_cast %add3A_293 : i32 to index
      %get3A_295 = tpu.vector_load %arg8[%get3A_294] {strides = array<i32>} : memref<10000xi32, #tpu.memory_space<vmem>>, vector<16xi32>,
      %get3A_296 = vector.shape_cast %get3A_295 : vector<16xi32> to vector<16xi32>
      %swap3A_297 = arith.constant 32 : index
      %swap3A_298 = tpu.vector_load %arg9[%swap3A_297] {strides = array<i32>} : memref<80xi32, #tpu.memory_space<vmem>>, vector<16xi32>,
      %swap3A_299 = vector.shape_cast %swap3A_298 : vector<16xi32> to vector<16xi32>
      %swap3A_300 = vector.shape_cast %get3A_296 : vector<16xi32> to vector<16xi32>
      tpu.vector_store %arg9[%swap3A_297], %swap3A_300 {strides = array<i32>} : memref<80xi32, #tpu.memory_space<vmem>>, vector<16xi32>,
      %mul3A_301 = arith.constant 80 : i32
      %mul3A_302 = arith.muli %mul3A_245, %mul3A_301 : i32
      %add3A_303 = arith.constant 48 : i32
      %add3A_304 = arith.addi %mul3A_302, %add3A_303 : i32
      %get3A_305 = arith.index_cast %add3A_304 : i32 to index
      %get3A_306 = tpu.vector_load %arg8[%get3A_305] {strides = array<i32>} : memref<10000xi32, #tpu.memory_space<vmem>>, vector<16xi32>,
      %get3A_307 = vector.shape_cast %get3A_306 : vector<16xi32> to vector<16xi32>
      %swap3A_308 = arith.constant 48 : index
      %swap3A_309 = tpu.vector_load %arg9[%swap3A_308] {strides = array<i32>} : memref<80xi32, #tpu.memory_space<vmem>>, vector<16xi32>,
      %swap3A_310 = vector.shape_cast %swap3A_309 : vector<16xi32> to vector<16xi32>
      %swap3A_311 = vector.shape_cast %get3A_307 : vector<16xi32> to vector<16xi32>
      tpu.vector_store %arg9[%swap3A_308], %swap3A_311 {strides = array<i32>} : memref<80xi32, #tpu.memory_space<vmem>>, vector<16xi32>,
      %mul3A_312 = arith.constant 80 : i32
      %mul3A_313 = arith.muli %mul3A_245, %mul3A_312 : i32
      %add3A_314 = arith.constant 64 : i32
      %add3A_315 = arith.addi %mul3A_313, %add3A_314 : i32
      %get3A_316 = arith.index_cast %add3A_315 : i32 to index
      %get3A_317 = tpu.vector_load %arg8[%get3A_316] {strides = array<i32>} : memref<10000xi32, #tpu.memory_space<vmem>>, vector<16xi32>,
      %get3A_318 = vector.shape_cast %get3A_317 : vector<16xi32> to vector<16xi32>
      %swap3A_319 = arith.constant 64 : index
      %swap3A_320 = tpu.vector_load %arg9[%swap3A_319] {strides = array<i32>} : memref<80xi32, #tpu.memory_space<vmem>>, vector<16xi32>,
      %swap3A_321 = vector.shape_cast %swap3A_320 : vector<16xi32> to vector<16xi32>
      %swap3A_322 = vector.shape_cast %get3A_318 : vector<16xi32> to vector<16xi32>
      tpu.vector_store %arg9[%swap3A_319], %swap3A_322 {strides = array<i32>} : memref<80xi32, #tpu.memory_space<vmem>>, vector<16xi32>,
      "tpu.region"() ({
        %run_scoped3A = tpu.sem_alloc : memref<!tpu.dma_semaphore, #tpu.memory_space<semaphore_mem>>
        %dma_start3A_404 = arith.constant 0 : i32
        %dma_start3A_405 = arith.constant 0 : i32
        %dma_start3A_406 = tpu.memref_slice %arg6[%dma_start3A_404, %dma_start3A_405] : memref<10240x128xf32, #tpu.memory_space<vmem_shared>> -> memref<10240x128xf32, #tpu.memory_space<vmem_shared>>
        tpu.enqueue_indirect_dma source(%arg10 : memref<80x128xf32, #tpu.memory_space<vmem>>) target(%dma_start3A_406 : memref<10240x128xf32, #tpu.memory_space<vmem_shared>>) offsets(%arg9 : memref<80xi32, #tpu.memory_space<vmem>>) semaphore(%run_scoped3A : memref<!tpu.dma_semaphore, #tpu.memory_space<semaphore_mem>>) {add = true}
        %dma_wait3A_407 = arith.constant 0 : i32
        %dma_wait3A_408 = arith.constant 0 : i32
        %dma_wait3A_409 = tpu.memref_slice %arg6[%dma_wait3A_407, %dma_wait3A_408] : memref<10240x128xf32, #tpu.memory_space<vmem_shared>> -> memref<10240x128xf32, #tpu.memory_space<vmem_shared>>
        tpu.wait_indirect_dma semaphore(%run_scoped3A : memref<!tpu.dma_semaphore, #tpu.memory_space<semaphore_mem>>) src(%arg10 : memref<80x128xf32, #tpu.memory_space<vmem>>) dst(%dma_wait3A_409 : memref<10240x128xf32, #tpu.memory_space<vmem_shared>>)
        tpu.yield
      }) : () -> ()
      %add3A_323 = arith.constant 2 : i32
      %add3A_324 = arith.addi %mul3A_245, %add3A_323 : i32
      %mul3A_325 = arith.constant 80 : i32
      %mul3A_326 = arith.muli %add3A_324, %mul3A_325 : i32
      %dma_start3A_327 = tpu.memref_slice %arg7[%mul3A_326] : memref<10000xi32, #tpu.memory_space<vmem>> -> memref<80xi32, #tpu.memory_space<vmem>>
      %dma_start3A_328 = arith.constant 0 : i32
      %dma_start3A_329 = arith.constant 0 : i32
      %dma_start3A_330 = tpu.memref_slice %arg2[%add3A_99, %dma_start3A_328, %dma_start3A_329] : memref<4x10000x128xf32, #tpu.memory_space<hbm>> -> memref<1x10000x128xf32, #tpu.memory_space<hbm>>
      %dma_start3A_331 = tpu.memref_squeeze %dma_start3A_330 : memref<1x10000x128xf32, #tpu.memory_space<hbm>> -> memref<10000x128xf32, #tpu.memory_space<hbm>>
      %dma_start3A_332 = arith.constant 0 : i32
      %dma_start3A_333 = arith.constant 0 : i32
      %dma_start3A_334 = tpu.memref_slice %dma_start3A_331[%dma_start3A_332, %dma_start3A_333] : memref<10000x128xf32, #tpu.memory_space<hbm>> -> memref<10000x128xf32, #tpu.memory_space<hbm>>
      tpu.enqueue_indirect_dma source(%dma_start3A_334 : memref<10000x128xf32, #tpu.memory_space<hbm>>) target(%arg10 : memref<80x128xf32, #tpu.memory_space<vmem>>) offsets(%dma_start3A_327 : memref<80xi32, #tpu.memory_space<vmem>>) semaphore(%arg13 : memref<!tpu.dma_semaphore, #tpu.memory_space<semaphore_mem>>)
      %add3A_335 = arith.constant 1 : i32
      %add3A_336 = arith.addi %mul3A_245, %add3A_335 : i32
      %mul3A_337 = arith.constant 80 : i32
      %mul3A_338 = arith.muli %add3A_336, %mul3A_337 : i32
      %dma_wait3A_339 = tpu.memref_slice %arg7[%mul3A_338] : memref<10000xi32, #tpu.memory_space<vmem>> -> memref<80xi32, #tpu.memory_space<vmem>>
      %dma_wait3A_340 = arith.constant 0 : i32
      %dma_wait3A_341 = arith.constant 0 : i32
      %dma_wait3A_342 = tpu.memref_slice %arg2[%add3A_99, %dma_wait3A_340, %dma_wait3A_341] : memref<4x10000x128xf32, #tpu.memory_space<hbm>> -> memref<1x10000x128xf32, #tpu.memory_space<hbm>>
      %dma_wait3A_343 = tpu.memref_squeeze %dma_wait3A_342 : memref<1x10000x128xf32, #tpu.memory_space<hbm>> -> memref<10000x128xf32, #tpu.memory_space<hbm>>
      %dma_wait3A_344 = arith.constant 0 : i32
      %dma_wait3A_345 = arith.constant 0 : i32
      %dma_wait3A_346 = tpu.memref_slice %dma_wait3A_343[%dma_wait3A_344, %dma_wait3A_345] : memref<10000x128xf32, #tpu.memory_space<hbm>> -> memref<10000x128xf32, #tpu.memory_space<hbm>>
      tpu.wait_indirect_dma semaphore(%arg14 : memref<!tpu.dma_semaphore, #tpu.memory_space<semaphore_mem>>) src(%dma_wait3A_346 : memref<10000x128xf32, #tpu.memory_space<hbm>>) dst(%arg11 : memref<80x128xf32, #tpu.memory_space<vmem>>)
      %add3A_347 = arith.constant 1 : i32
      %add3A_348 = arith.addi %mul3A_245, %add3A_347 : i32
      %mul3A_349 = arith.constant 80 : i32
      %mul3A_350 = arith.muli %add3A_348, %mul3A_349 : i32
      %add3A_351 = arith.constant 0 : i32
      %add3A_352 = arith.addi %mul3A_350, %add3A_351 : i32
      %get3A_353 = arith.index_cast %add3A_352 : i32 to index
      %get3A_354 = tpu.vector_load %arg8[%get3A_353] {strides = array<i32>} : memref<10000xi32, #tpu.memory_space<vmem>>, vector<16xi32>,
      %get3A_355 = vector.shape_cast %get3A_354 : vector<16xi32> to vector<16xi32>
      %swap3A_356 = arith.constant 0 : index
      %swap3A_357 = tpu.vector_load %arg9[%swap3A_356] {strides = array<i32>} : memref<80xi32, #tpu.memory_space<vmem>>, vector<16xi32>,
      %swap3A_358 = vector.shape_cast %swap3A_357 : vector<16xi32> to vector<16xi32>
      %swap3A_359 = vector.shape_cast %get3A_355 : vector<16xi32> to vector<16xi32>
      tpu.vector_store %arg9[%swap3A_356], %swap3A_359 {strides = array<i32>} : memref<80xi32, #tpu.memory_space<vmem>>, vector<16xi32>,
      %mul3A_360 = arith.constant 80 : i32
      %mul3A_361 = arith.muli %add3A_348, %mul3A_360 : i32
      %add3A_362 = arith.constant 16 : i32
      %add3A_363 = arith.addi %mul3A_361, %add3A_362 : i32
      %get3A_364 = arith.index_cast %add3A_363 : i32 to index
      %get3A_365 = tpu.vector_load %arg8[%get3A_364] {strides = array<i32>} : memref<10000xi32, #tpu.memory_space<vmem>>, vector<16xi32>,
      %get3A_366 = vector.shape_cast %get3A_365 : vector<16xi32> to vector<16xi32>
      %swap3A_367 = arith.constant 16 : index
      %swap3A_368 = tpu.vector_load %arg9[%swap3A_367] {strides = array<i32>} : memref<80xi32, #tpu.memory_space<vmem>>, vector<16xi32>,
      %swap3A_369 = vector.shape_cast %swap3A_368 : vector<16xi32> to vector<16xi32>
      %swap3A_370 = vector.shape_cast %get3A_366 : vector<16xi32> to vector<16xi32>
      tpu.vector_store %arg9[%swap3A_367], %swap3A_370 {strides = array<i32>} : memref<80xi32, #tpu.memory_space<vmem>>, vector<16xi32>,
      %mul3A_371 = arith.constant 80 : i32
      %mul3A_372 = arith.muli %add3A_348, %mul3A_371 : i32
      %add3A_373 = arith.constant 32 : i32
      %add3A_374 = arith.addi %mul3A_372, %add3A_373 : i32
      %get3A_375 = arith.index_cast %add3A_374 : i32 to index
      %get3A_376 = tpu.vector_load %arg8[%get3A_375] {strides = array<i32>} : memref<10000xi32, #tpu.memory_space<vmem>>, vector<16xi32>,
      %get3A_377 = vector.shape_cast %get3A_376 : vector<16xi32> to vector<16xi32>
      %swap3A_378 = arith.constant 32 : index
      %swap3A_379 = tpu.vector_load %arg9[%swap3A_378] {strides = array<i32>} : memref<80xi32, #tpu.memory_space<vmem>>, vector<16xi32>,
      %swap3A_380 = vector.shape_cast %swap3A_379 : vector<16xi32> to vector<16xi32>
      %swap3A_381 = vector.shape_cast %get3A_377 : vector<16xi32> to vector<16xi32>
      tpu.vector_store %arg9[%swap3A_378], %swap3A_381 {strides = array<i32>} : memref<80xi32, #tpu.memory_space<vmem>>, vector<16xi32>,
      %mul3A_382 = arith.constant 80 : i32
      %mul3A_383 = arith.muli %add3A_348, %mul3A_382 : i32
      %add3A_384 = arith.constant 48 : i32
      %add3A_385 = arith.addi %mul3A_383, %add3A_384 : i32
      %get3A_386 = arith.index_cast %add3A_385 : i32 to index
      %get3A_387 = tpu.vector_load %arg8[%get3A_386] {strides = array<i32>} : memref<10000xi32, #tpu.memory_space<vmem>>, vector<16xi32>,
      %get3A_388 = vector.shape_cast %get3A_387 : vector<16xi32> to vector<16xi32>
      %swap3A_389 = arith.constant 48 : index
      %swap3A_390 = tpu.vector_load %arg9[%swap3A_389] {strides = array<i32>} : memref<80xi32, #tpu.memory_space<vmem>>, vector<16xi32>,
      %swap3A_391 = vector.shape_cast %swap3A_390 : vector<16xi32> to vector<16xi32>
      %swap3A_392 = vector.shape_cast %get3A_388 : vector<16xi32> to vector<16xi32>
      tpu.vector_store %arg9[%swap3A_389], %swap3A_392 {strides = array<i32>} : memref<80xi32, #tpu.memory_space<vmem>>, vector<16xi32>,
      %mul3A_393 = arith.constant 80 : i32
      %mul3A_394 = arith.muli %add3A_348, %mul3A_393 : i32
      %add3A_395 = arith.constant 64 : i32
      %add3A_396 = arith.addi %mul3A_394, %add3A_395 : i32
      %get3A_397 = arith.index_cast %add3A_396 : i32 to index
      %get3A_398 = tpu.vector_load %arg8[%get3A_397] {strides = array<i32>} : memref<10000xi32, #tpu.memory_space<vmem>>, vector<16xi32>,
      %get3A_399 = vector.shape_cast %get3A_398 : vector<16xi32> to vector<16xi32>
      %swap3A_400 = arith.constant 64 : index
      %swap3A_401 = tpu.vector_load %arg9[%swap3A_400] {strides = array<i32>} : memref<80xi32, #tpu.memory_space<vmem>>, vector<16xi32>,
      %swap3A_402 = vector.shape_cast %swap3A_401 : vector<16xi32> to vector<16xi32>
      %swap3A_403 = vector.shape_cast %get3A_399 : vector<16xi32> to vector<16xi32>
      tpu.vector_store %arg9[%swap3A_400], %swap3A_403 {strides = array<i32>} : memref<80xi32, #tpu.memory_space<vmem>>, vector<16xi32>,
      "tpu.region"() ({
        %run_scoped3A = tpu.sem_alloc : memref<!tpu.dma_semaphore, #tpu.memory_space<semaphore_mem>>
        %dma_start3A_404 = arith.constant 0 : i32
        %dma_start3A_405 = arith.constant 0 : i32
        %dma_start3A_406 = tpu.memref_slice %arg6[%dma_start3A_404, %dma_start3A_405] : memref<10240x128xf32, #tpu.memory_space<vmem_shared>> -> memref<10240x128xf32, #tpu.memory_space<vmem_shared>>
        tpu.enqueue_indirect_dma source(%arg11 : memref<80x128xf32, #tpu.memory_space<vmem>>) target(%dma_start3A_406 : memref<10240x128xf32, #tpu.memory_space<vmem_shared>>) offsets(%arg9 : memref<80xi32, #tpu.memory_space<vmem>>) semaphore(%run_scoped3A : memref<!tpu.dma_semaphore, #tpu.memory_space<semaphore_mem>>) {add = true}
        %dma_wait3A_407 = arith.constant 0 : i32
        %dma_wait3A_408 = arith.constant 0 : i32
        %dma_wait3A_409 = tpu.memref_slice %arg6[%dma_wait3A_407, %dma_wait3A_408] : memref<10240x128xf32, #tpu.memory_space<vmem_shared>> -> memref<10240x128xf32, #tpu.memory_space<vmem_shared>>
        tpu.wait_indirect_dma semaphore(%run_scoped3A : memref<!tpu.dma_semaphore, #tpu.memory_space<semaphore_mem>>) src(%arg11 : memref<80x128xf32, #tpu.memory_space<vmem>>) dst(%dma_wait3A_409 : memref<10240x128xf32, #tpu.memory_space<vmem_shared>>)
        tpu.yield
      }) : () -> ()
    }
    %scan3A_119 = arith.constant 62 : i32
    %dma_wait3A = arith.constant 9920 : i32
    %dma_wait3A_120 = tpu.memref_slice %arg7[%dma_wait3A] : memref<10000xi32, #tpu.memory_space<vmem>> -> memref<80xi32, #tpu.memory_space<vmem>>
    %dma_wait3A_121 = arith.constant 0 : i32
    %dma_wait3A_122 = arith.constant 0 : i32
    %dma_wait3A_123 = tpu.memref_slice %arg2[%add3A_99, %dma_wait3A_121, %dma_wait3A_122] : memref<4x10000x128xf32, #tpu.memory_space<hbm>> -> memref<1x10000x128xf32, #tpu.memory_space<hbm>>
    %dma_wait3A_124 = tpu.memref_squeeze %dma_wait3A_123 : memref<1x10000x128xf32, #tpu.memory_space<hbm>> -> memref<10000x128xf32, #tpu.memory_space<hbm>>
    %dma_wait3A_125 = arith.constant 0 : i32
    %dma_wait3A_126 = arith.constant 0 : i32
    %dma_wait3A_127 = tpu.memref_slice %dma_wait3A_124[%dma_wait3A_125, %dma_wait3A_126] : memref<10000x128xf32, #tpu.memory_space<hbm>> -> memref<10000x128xf32, #tpu.memory_space<hbm>>
    tpu.wait_indirect_dma semaphore(%arg13 : memref<!tpu.dma_semaphore, #tpu.memory_space<semaphore_mem>>) src(%dma_wait3A_127 : memref<10000x128xf32, #tpu.memory_space<hbm>>) dst(%arg10 : memref<80x128xf32, #tpu.memory_space<vmem>>)
    %get3A = arith.constant 9920 : index
    %get3A_128 = tpu.vector_load %arg8[%get3A] {strides = array<i32>} : memref<10000xi32, #tpu.memory_space<vmem>>, vector<16xi32>,
    %get3A_129 = vector.shape_cast %get3A_128 : vector<16xi32> to vector<16xi32>
    %swap3A = arith.constant 0 : index
    %swap3A_130 = tpu.vector_load %arg9[%swap3A] {strides = array<i32>} : memref<80xi32, #tpu.memory_space<vmem>>, vector<16xi32>,
    %swap3A_131 = vector.shape_cast %swap3A_130 : vector<16xi32> to vector<16xi32>
    %swap3A_132 = vector.shape_cast %get3A_129 : vector<16xi32> to vector<16xi32>
    tpu.vector_store %arg9[%swap3A], %swap3A_132 {strides = array<i32>} : memref<80xi32, #tpu.memory_space<vmem>>, vector<16xi32>,
    %get3A_133 = arith.constant 9936 : index
    %get3A_134 = tpu.vector_load %arg8[%get3A_133] {strides = array<i32>} : memref<10000xi32, #tpu.memory_space<vmem>>, vector<16xi32>,
    %get3A_135 = vector.shape_cast %get3A_134 : vector<16xi32> to vector<16xi32>
    %swap3A_136 = arith.constant 16 : index
    %swap3A_137 = tpu.vector_load %arg9[%swap3A_136] {strides = array<i32>} : memref<80xi32, #tpu.memory_space<vmem>>, vector<16xi32>,
    %swap3A_138 = vector.shape_cast %swap3A_137 : vector<16xi32> to vector<16xi32>
    %swap3A_139 = vector.shape_cast %get3A_135 : vector<16xi32> to vector<16xi32>
    tpu.vector_store %arg9[%swap3A_136], %swap3A_139 {strides = array<i32>} : memref<80xi32, #tpu.memory_space<vmem>>, vector<16xi32>,
    %get3A_140 = arith.constant 9952 : index
    %get3A_141 = tpu.vector_load %arg8[%get3A_140] {strides = array<i32>} : memref<10000xi32, #tpu.memory_space<vmem>>, vector<16xi32>,
    %get3A_142 = vector.shape_cast %get3A_141 : vector<16xi32> to vector<16xi32>
    %swap3A_143 = arith.constant 32 : index
    %swap3A_144 = tpu.vector_load %arg9[%swap3A_143] {strides = array<i32>} : memref<80xi32, #tpu.memory_space<vmem>>, vector<16xi32>,
    %swap3A_145 = vector.shape_cast %swap3A_144 : vector<16xi32> to vector<16xi32>
    %swap3A_146 = vector.shape_cast %get3A_142 : vector<16xi32> to vector<16xi32>
    tpu.vector_store %arg9[%swap3A_143], %swap3A_146 {strides = array<i32>} : memref<80xi32, #tpu.memory_space<vmem>>, vector<16xi32>,
    %get3A_147 = arith.constant 9968 : index
    %get3A_148 = tpu.vector_load %arg8[%get3A_147] {strides = array<i32>} : memref<10000xi32, #tpu.memory_space<vmem>>, vector<16xi32>,
    %get3A_149 = vector.shape_cast %get3A_148 : vector<16xi32> to vector<16xi32>
    %swap3A_150 = arith.constant 48 : index
    %swap3A_151 = tpu.vector_load %arg9[%swap3A_150] {strides = array<i32>} : memref<80xi32, #tpu.memory_space<vmem>>, vector<16xi32>,
    %swap3A_152 = vector.shape_cast %swap3A_151 : vector<16xi32> to vector<16xi32>
    %swap3A_153 = vector.shape_cast %get3A_149 : vector<16xi32> to vector<16xi32>
    tpu.vector_store %arg9[%swap3A_150], %swap3A_153 {strides = array<i32>} : memref<80xi32, #tpu.memory_space<vmem>>, vector<16xi32>,
    %get3A_154 = arith.constant 9984 : index
    %get3A_155 = tpu.vector_load %arg8[%get3A_154] {strides = array<i32>} : memref<10000xi32, #tpu.memory_space<vmem>>, vector<16xi32>,
    %get3A_156 = vector.shape_cast %get3A_155 : vector<16xi32> to vector<16xi32>
    %swap3A_157 = arith.constant 64 : index
    %swap3A_158 = tpu.vector_load %arg9[%swap3A_157] {strides = array<i32>} : memref<80xi32, #tpu.memory_space<vmem>>, vector<16xi32>,
    %swap3A_159 = vector.shape_cast %swap3A_158 : vector<16xi32> to vector<16xi32>
    %swap3A_160 = vector.shape_cast %get3A_156 : vector<16xi32> to vector<16xi32>
    tpu.vector_store %arg9[%swap3A_157], %swap3A_160 {strides = array<i32>} : memref<80xi32, #tpu.memory_space<vmem>>, vector<16xi32>,
    "tpu.region"() ({
      %run_scoped3A = tpu.sem_alloc : memref<!tpu.dma_semaphore, #tpu.memory_space<semaphore_mem>>
      %dma_start3A_243 = arith.constant 0 : i32
      %dma_start3A_244 = arith.constant 0 : i32
      %dma_start3A_245 = tpu.memref_slice %arg6[%dma_start3A_243, %dma_start3A_244] : memref<10240x128xf32, #tpu.memory_space<vmem_shared>> -> memref<10240x128xf32, #tpu.memory_space<vmem_shared>>
      tpu.enqueue_indirect_dma source(%arg10 : memref<80x128xf32, #tpu.memory_space<vmem>>) target(%dma_start3A_245 : memref<10240x128xf32, #tpu.memory_space<vmem_shared>>) offsets(%arg9 : memref<80xi32, #tpu.memory_space<vmem>>) semaphore(%run_scoped3A : memref<!tpu.dma_semaphore, #tpu.memory_space<semaphore_mem>>) {add = true}
      %dma_wait3A_246 = arith.constant 0 : i32
      %dma_wait3A_247 = arith.constant 0 : i32
      %dma_wait3A_248 = tpu.memref_slice %arg6[%dma_wait3A_246, %dma_wait3A_247] : memref<10240x128xf32, #tpu.memory_space<vmem_shared>> -> memref<10240x128xf32, #tpu.memory_space<vmem_shared>>
      tpu.wait_indirect_dma semaphore(%run_scoped3A : memref<!tpu.dma_semaphore, #tpu.memory_space<semaphore_mem>>) src(%arg10 : memref<80x128xf32, #tpu.memory_space<vmem>>) dst(%dma_wait3A_248 : memref<10240x128xf32, #tpu.memory_space<vmem_shared>>)
      tpu.yield
    }) : () -> ()
    %barrier3A_161 = arith.constant 0 : index
    tpu.barrier barrier_id(%barrier3A_161)
    %mul3A_162 = arith.constant 640 : i32
    %mul3A_163 = arith.muli %arg1, %mul3A_162 : i32
    %mul3A_164 = arith.constant 640 : i32
    %mul3A_165 = arith.muli %arg1, %mul3A_164 : i32
    "tpu.region"() ({
      %run_scoped3A = tpu.sem_alloc : memref<!tpu.dma_semaphore, #tpu.memory_space<semaphore_mem>>
      %dma_start3A_243 = arith.constant 0 : i32
      %dma_start3A_244 = tpu.memref_slice %arg5[%add3A_99, %mul3A_165, %dma_start3A_243] : memref<4x10240x128xf32, #tpu.memory_space<hbm>> -> memref<1x640x128xf32, #tpu.memory_space<hbm>>
      %dma_start3A_245 = tpu.memref_squeeze %dma_start3A_244 : memref<1x640x128xf32, #tpu.memory_space<hbm>> -> memref<640x128xf32, #tpu.memory_space<hbm>>
      %dma_start3A_246 = arith.constant 0 : i32
      %dma_start3A_247 = tpu.memref_slice %arg6[%mul3A_163, %dma_start3A_246] : memref<10240x128xf32, #tpu.memory_space<vmem_shared>> -> memref<640x128xf32, #tpu.memory_space<vmem_shared>>
      tpu.enqueue_dma source(%dma_start3A_247 : memref<640x128xf32, #tpu.memory_space<vmem_shared>>) target(%dma_start3A_245 : memref<640x128xf32, #tpu.memory_space<hbm>>) target_semaphore(%run_scoped3A : memref<!tpu.dma_semaphore, #tpu.memory_space<semaphore_mem>>)
      %dma_wait3A_248 = arith.constant 0 : i32
      %dma_wait3A_249 = tpu.memref_slice %arg5[%add3A_99, %mul3A_165, %dma_wait3A_248] : memref<4x10240x128xf32, #tpu.memory_space<hbm>> -> memref<1x640x128xf32, #tpu.memory_space<hbm>>
      %dma_wait3A_250 = tpu.memref_squeeze %dma_wait3A_249 : memref<1x640x128xf32, #tpu.memory_space<hbm>> -> memref<640x128xf32, #tpu.memory_space<hbm>>
      %dma_wait3A_251 = arith.constant 0 : i32
      %dma_wait3A_252 = tpu.memref_slice %arg6[%mul3A_163, %dma_wait3A_251] : memref<10240x128xf32, #tpu.memory_space<vmem_shared>> -> memref<640x128xf32, #tpu.memory_space<vmem_shared>>
      tpu.wait_dma2 semaphore(%run_scoped3A : memref<!tpu.dma_semaphore, #tpu.memory_space<semaphore_mem>>) src(%dma_wait3A_252 : memref<640x128xf32, #tpu.memory_space<vmem_shared>>) dst(%dma_wait3A_250 : memref<640x128xf32, #tpu.memory_space<hbm>>)
      tpu.yield
    }) : () -> ()
    %barrier3A_166 = arith.constant 0 : index
    tpu.barrier barrier_id(%barrier3A_166)
    %mul3A_167 = arith.constant 2 : i32
    %mul3A_168 = arith.muli %arg0, %mul3A_167 : i32
    %add3A_169 = arith.constant 1 : i32
    %add3A_170 = arith.addi %mul3A_168, %add3A_169 : i32
    %scan3A_171 = arith.constant 0 : i32
    %scan3A_172 = arith.constant 0 : i32
    %scan3A_173 = arith.constant 40 : i32
    %scan3A_174 = arith.addi %scan3A_172, %scan3A_173 : i32
    %scan3A_175 = arith.constant 1 : i32
    scf.for %scan3A_243 = %scan3A_172 to %scan3A_174 step %scan3A_175  : i32 {
      %mul3A_244 = arith.constant 640 : i32
      %mul3A_245 = arith.muli %arg1, %mul3A_244 : i32
      %mul3A_246 = arith.constant 16 : i32
      %mul3A_247 = arith.muli %scan3A_243, %mul3A_246 : i32
      %add3A_248 = arith.addi %mul3A_245, %mul3A_247 : i32
      "tpu.region"() ({
        %run_scoped3A = tpu.sem_alloc : memref<!tpu.dma_semaphore, #tpu.memory_space<semaphore_mem>>
        %dma_start3A_249 = arith.constant 0 : i32
        %dma_start3A_250 = tpu.memref_slice %arg6[%add3A_248, %dma_start3A_249] : memref<10240x128xf32, #tpu.memory_space<vmem_shared>> -> memref<16x128xf32, #tpu.memory_space<vmem_shared>>
        %dma_start3A_251 = arith.constant 0 : i32
        %dma_start3A_252 = tpu.memref_slice %arg6[%add3A_248, %dma_start3A_251] : memref<10240x128xf32, #tpu.memory_space<vmem_shared>> -> memref<16x128xf32, #tpu.memory_space<vmem_shared>>
        tpu.enqueue_dma source(%arg12 : memref<16x128xf32, #tpu.memory_space<vmem>>) target(%dma_start3A_252 : memref<16x128xf32, #tpu.memory_space<vmem_shared>>) target_semaphore(%run_scoped3A : memref<!tpu.dma_semaphore, #tpu.memory_space<semaphore_mem>>)
        %dma_wait3A_253 = arith.constant 0 : i32
        %dma_wait3A_254 = tpu.memref_slice %arg6[%add3A_248, %dma_wait3A_253] : memref<10240x128xf32, #tpu.memory_space<vmem_shared>> -> memref<16x128xf32, #tpu.memory_space<vmem_shared>>
        %dma_wait3A_255 = arith.constant 0 : i32
        %dma_wait3A_256 = tpu.memref_slice %arg6[%add3A_248, %dma_wait3A_255] : memref<10240x128xf32, #tpu.memory_space<vmem_shared>> -> memref<16x128xf32, #tpu.memory_space<vmem_shared>>
        tpu.wait_dma2 semaphore(%run_scoped3A : memref<!tpu.dma_semaphore, #tpu.memory_space<semaphore_mem>>) src(%arg12 : memref<16x128xf32, #tpu.memory_space<vmem>>) dst(%dma_wait3A_256 : memref<16x128xf32, #tpu.memory_space<vmem_shared>>)
        tpu.yield
      }) : () -> ()
    }
    %scan3A_176 = arith.constant 40 : i32
    %barrier3A_177 = arith.constant 0 : index
    tpu.barrier barrier_id(%barrier3A_177)
    %dma_start3A_178 = arith.constant 0 : i32
    %dma_start3A_179 = tpu.memref_slice %arg7[%dma_start3A_178] : memref<10000xi32, #tpu.memory_space<vmem>> -> memref<80xi32, #tpu.memory_space<vmem>>
    %dma_start3A_180 = arith.constant 0 : i32
    %dma_start3A_181 = arith.constant 0 : i32
    %dma_start3A_182 = tpu.memref_slice %arg2[%add3A_170, %dma_start3A_180, %dma_start3A_181] : memref<4x10000x128xf32, #tpu.memory_space<hbm>> -> memref<1x10000x128xf32, #tpu.memory_space<hbm>>
    %dma_start3A_183 = tpu.memref_squeeze %dma_start3A_182 : memref<1x10000x128xf32, #tpu.memory_space<hbm>> -> memref<10000x128xf32, #tpu.memory_space<hbm>>
    %dma_start3A_184 = arith.constant 0 : i32
    %dma_start3A_185 = arith.constant 0 : i32
    %dma_start3A_186 = tpu.memref_slice %dma_start3A_183[%dma_start3A_184, %dma_start3A_185] : memref<10000x128xf32, #tpu.memory_space<hbm>> -> memref<10000x128xf32, #tpu.memory_space<hbm>>
    tpu.enqueue_indirect_dma source(%dma_start3A_186 : memref<10000x128xf32, #tpu.memory_space<hbm>>) target(%arg10 : memref<80x128xf32, #tpu.memory_space<vmem>>) offsets(%dma_start3A_179 : memref<80xi32, #tpu.memory_space<vmem>>) semaphore(%arg13 : memref<!tpu.dma_semaphore, #tpu.memory_space<semaphore_mem>>)
    %scan3A_187 = arith.constant 0 : i32
    %scan3A_188 = arith.constant 0 : i32
    %scan3A_189 = arith.constant 62 : i32
    %scan3A_190 = arith.addi %scan3A_188, %scan3A_189 : i32
    %scan3A_191 = arith.constant 1 : i32
    scf.for %scan3A_243 = %scan3A_188 to %scan3A_190 step %scan3A_191  : i32 {
      %mul3A_244 = arith.constant 2 : i32
      %mul3A_245 = arith.muli %mul3A_244, %scan3A_243 : i32
      %add3A_246 = arith.constant 1 : i32
      %add3A_247 = arith.addi %mul3A_245, %add3A_246 : i32
      %mul3A_248 = arith.constant 80 : i32
      %mul3A_249 = arith.muli %add3A_247, %mul3A_248 : i32
      %dma_start3A_250 = tpu.memref_slice %arg7[%mul3A_249] : memref<10000xi32, #tpu.memory_space<vmem>> -> memref<80xi32, #tpu.memory_space<vmem>>
      %dma_start3A_251 = arith.constant 0 : i32
      %dma_start3A_252 = arith.constant 0 : i32
      %dma_start3A_253 = tpu.memref_slice %arg2[%add3A_170, %dma_start3A_251, %dma_start3A_252] : memref<4x10000x128xf32, #tpu.memory_space<hbm>> -> memref<1x10000x128xf32, #tpu.memory_space<hbm>>
      %dma_start3A_254 = tpu.memref_squeeze %dma_start3A_253 : memref<1x10000x128xf32, #tpu.memory_space<hbm>> -> memref<10000x128xf32, #tpu.memory_space<hbm>>
      %dma_start3A_255 = arith.constant 0 : i32
      %dma_start3A_256 = arith.constant 0 : i32
      %dma_start3A_257 = tpu.memref_slice %dma_start3A_254[%dma_start3A_255, %dma_start3A_256] : memref<10000x128xf32, #tpu.memory_space<hbm>> -> memref<10000x128xf32, #tpu.memory_space<hbm>>
      tpu.enqueue_indirect_dma source(%dma_start3A_257 : memref<10000x128xf32, #tpu.memory_space<hbm>>) target(%arg11 : memref<80x128xf32, #tpu.memory_space<vmem>>) offsets(%dma_start3A_250 : memref<80xi32, #tpu.memory_space<vmem>>) semaphore(%arg14 : memref<!tpu.dma_semaphore, #tpu.memory_space<semaphore_mem>>)
      %mul3A_258 = arith.constant 80 : i32
      %mul3A_259 = arith.muli %mul3A_245, %mul3A_258 : i32
      %dma_wait3A_260 = tpu.memref_slice %arg7[%mul3A_259] : memref<10000xi32, #tpu.memory_space<vmem>> -> memref<80xi32, #tpu.memory_space<vmem>>
      %dma_wait3A_261 = arith.constant 0 : i32
      %dma_wait3A_262 = arith.constant 0 : i32
      %dma_wait3A_263 = tpu.memref_slice %arg2[%add3A_170, %dma_wait3A_261, %dma_wait3A_262] : memref<4x10000x128xf32, #tpu.memory_space<hbm>> -> memref<1x10000x128xf32, #tpu.memory_space<hbm>>
      %dma_wait3A_264 = tpu.memref_squeeze %dma_wait3A_263 : memref<1x10000x128xf32, #tpu.memory_space<hbm>> -> memref<10000x128xf32, #tpu.memory_space<hbm>>
      %dma_wait3A_265 = arith.constant 0 : i32
      %dma_wait3A_266 = arith.constant 0 : i32
      %dma_wait3A_267 = tpu.memref_slice %dma_wait3A_264[%dma_wait3A_265, %dma_wait3A_266] : memref<10000x128xf32, #tpu.memory_space<hbm>> -> memref<10000x128xf32, #tpu.memory_space<hbm>>
      tpu.wait_indirect_dma semaphore(%arg13 : memref<!tpu.dma_semaphore, #tpu.memory_space<semaphore_mem>>) src(%dma_wait3A_267 : memref<10000x128xf32, #tpu.memory_space<hbm>>) dst(%arg10 : memref<80x128xf32, #tpu.memory_space<vmem>>)
      %mul3A_268 = arith.constant 80 : i32
      %mul3A_269 = arith.muli %mul3A_245, %mul3A_268 : i32
      %add3A_270 = arith.constant 0 : i32
      %add3A_271 = arith.addi %mul3A_269, %add3A_270 : i32
      %get3A_272 = arith.index_cast %add3A_271 : i32 to index
      %get3A_273 = tpu.vector_load %arg8[%get3A_272] {strides = array<i32>} : memref<10000xi32, #tpu.memory_space<vmem>>, vector<16xi32>,
      %get3A_274 = vector.shape_cast %get3A_273 : vector<16xi32> to vector<16xi32>
      %swap3A_275 = arith.constant 0 : index
      %swap3A_276 = tpu.vector_load %arg9[%swap3A_275] {strides = array<i32>} : memref<80xi32, #tpu.memory_space<vmem>>, vector<16xi32>,
      %swap3A_277 = vector.shape_cast %swap3A_276 : vector<16xi32> to vector<16xi32>
      %swap3A_278 = vector.shape_cast %get3A_274 : vector<16xi32> to vector<16xi32>
      tpu.vector_store %arg9[%swap3A_275], %swap3A_278 {strides = array<i32>} : memref<80xi32, #tpu.memory_space<vmem>>, vector<16xi32>,
      %mul3A_279 = arith.constant 80 : i32
      %mul3A_280 = arith.muli %mul3A_245, %mul3A_279 : i32
      %add3A_281 = arith.constant 16 : i32
      %add3A_282 = arith.addi %mul3A_280, %add3A_281 : i32
      %get3A_283 = arith.index_cast %add3A_282 : i32 to index
      %get3A_284 = tpu.vector_load %arg8[%get3A_283] {strides = array<i32>} : memref<10000xi32, #tpu.memory_space<vmem>>, vector<16xi32>,
      %get3A_285 = vector.shape_cast %get3A_284 : vector<16xi32> to vector<16xi32>
      %swap3A_286 = arith.constant 16 : index
      %swap3A_287 = tpu.vector_load %arg9[%swap3A_286] {strides = array<i32>} : memref<80xi32, #tpu.memory_space<vmem>>, vector<16xi32>,
      %swap3A_288 = vector.shape_cast %swap3A_287 : vector<16xi32> to vector<16xi32>
      %swap3A_289 = vector.shape_cast %get3A_285 : vector<16xi32> to vector<16xi32>
      tpu.vector_store %arg9[%swap3A_286], %swap3A_289 {strides = array<i32>} : memref<80xi32, #tpu.memory_space<vmem>>, vector<16xi32>,
      %mul3A_290 = arith.constant 80 : i32
      %mul3A_291 = arith.muli %mul3A_245, %mul3A_290 : i32
      %add3A_292 = arith.constant 32 : i32
      %add3A_293 = arith.addi %mul3A_291, %add3A_292 : i32
      %get3A_294 = arith.index_cast %add3A_293 : i32 to index
      %get3A_295 = tpu.vector_load %arg8[%get3A_294] {strides = array<i32>} : memref<10000xi32, #tpu.memory_space<vmem>>, vector<16xi32>,
      %get3A_296 = vector.shape_cast %get3A_295 : vector<16xi32> to vector<16xi32>
      %swap3A_297 = arith.constant 32 : index
      %swap3A_298 = tpu.vector_load %arg9[%swap3A_297] {strides = array<i32>} : memref<80xi32, #tpu.memory_space<vmem>>, vector<16xi32>,
      %swap3A_299 = vector.shape_cast %swap3A_298 : vector<16xi32> to vector<16xi32>
      %swap3A_300 = vector.shape_cast %get3A_296 : vector<16xi32> to vector<16xi32>
      tpu.vector_store %arg9[%swap3A_297], %swap3A_300 {strides = array<i32>} : memref<80xi32, #tpu.memory_space<vmem>>, vector<16xi32>,
      %mul3A_301 = arith.constant 80 : i32
      %mul3A_302 = arith.muli %mul3A_245, %mul3A_301 : i32
      %add3A_303 = arith.constant 48 : i32
      %add3A_304 = arith.addi %mul3A_302, %add3A_303 : i32
      %get3A_305 = arith.index_cast %add3A_304 : i32 to index
      %get3A_306 = tpu.vector_load %arg8[%get3A_305] {strides = array<i32>} : memref<10000xi32, #tpu.memory_space<vmem>>, vector<16xi32>,
      %get3A_307 = vector.shape_cast %get3A_306 : vector<16xi32> to vector<16xi32>
      %swap3A_308 = arith.constant 48 : index
      %swap3A_309 = tpu.vector_load %arg9[%swap3A_308] {strides = array<i32>} : memref<80xi32, #tpu.memory_space<vmem>>, vector<16xi32>,
      %swap3A_310 = vector.shape_cast %swap3A_309 : vector<16xi32> to vector<16xi32>
      %swap3A_311 = vector.shape_cast %get3A_307 : vector<16xi32> to vector<16xi32>
      tpu.vector_store %arg9[%swap3A_308], %swap3A_311 {strides = array<i32>} : memref<80xi32, #tpu.memory_space<vmem>>, vector<16xi32>,
      %mul3A_312 = arith.constant 80 : i32
      %mul3A_313 = arith.muli %mul3A_245, %mul3A_312 : i32
      %add3A_314 = arith.constant 64 : i32
      %add3A_315 = arith.addi %mul3A_313, %add3A_314 : i32
      %get3A_316 = arith.index_cast %add3A_315 : i32 to index
      %get3A_317 = tpu.vector_load %arg8[%get3A_316] {strides = array<i32>} : memref<10000xi32, #tpu.memory_space<vmem>>, vector<16xi32>,
      %get3A_318 = vector.shape_cast %get3A_317 : vector<16xi32> to vector<16xi32>
      %swap3A_319 = arith.constant 64 : index
      %swap3A_320 = tpu.vector_load %arg9[%swap3A_319] {strides = array<i32>} : memref<80xi32, #tpu.memory_space<vmem>>, vector<16xi32>,
      %swap3A_321 = vector.shape_cast %swap3A_320 : vector<16xi32> to vector<16xi32>
      %swap3A_322 = vector.shape_cast %get3A_318 : vector<16xi32> to vector<16xi32>
      tpu.vector_store %arg9[%swap3A_319], %swap3A_322 {strides = array<i32>} : memref<80xi32, #tpu.memory_space<vmem>>, vector<16xi32>,
      "tpu.region"() ({
        %run_scoped3A = tpu.sem_alloc : memref<!tpu.dma_semaphore, #tpu.memory_space<semaphore_mem>>
        %dma_start3A_404 = arith.constant 0 : i32
        %dma_start3A_405 = arith.constant 0 : i32
        %dma_start3A_406 = tpu.memref_slice %arg6[%dma_start3A_404, %dma_start3A_405] : memref<10240x128xf32, #tpu.memory_space<vmem_shared>> -> memref<10240x128xf32, #tpu.memory_space<vmem_shared>>
        tpu.enqueue_indirect_dma source(%arg10 : memref<80x128xf32, #tpu.memory_space<vmem>>) target(%dma_start3A_406 : memref<10240x128xf32, #tpu.memory_space<vmem_shared>>) offsets(%arg9 : memref<80xi32, #tpu.memory_space<vmem>>) semaphore(%run_scoped3A : memref<!tpu.dma_semaphore, #tpu.memory_space<semaphore_mem>>) {add = true}
        %dma_wait3A_407 = arith.constant 0 : i32
        %dma_wait3A_408 = arith.constant 0 : i32
        %dma_wait3A_409 = tpu.memref_slice %arg6[%dma_wait3A_407, %dma_wait3A_408] : memref<10240x128xf32, #tpu.memory_space<vmem_shared>> -> memref<10240x128xf32, #tpu.memory_space<vmem_shared>>
        tpu.wait_indirect_dma semaphore(%run_scoped3A : memref<!tpu.dma_semaphore, #tpu.memory_space<semaphore_mem>>) src(%arg10 : memref<80x128xf32, #tpu.memory_space<vmem>>) dst(%dma_wait3A_409 : memref<10240x128xf32, #tpu.memory_space<vmem_shared>>)
        tpu.yield
      }) : () -> ()
      %add3A_323 = arith.constant 2 : i32
      %add3A_324 = arith.addi %mul3A_245, %add3A_323 : i32
      %mul3A_325 = arith.constant 80 : i32
      %mul3A_326 = arith.muli %add3A_324, %mul3A_325 : i32
      %dma_start3A_327 = tpu.memref_slice %arg7[%mul3A_326] : memref<10000xi32, #tpu.memory_space<vmem>> -> memref<80xi32, #tpu.memory_space<vmem>>
      %dma_start3A_328 = arith.constant 0 : i32
      %dma_start3A_329 = arith.constant 0 : i32
      %dma_start3A_330 = tpu.memref_slice %arg2[%add3A_170, %dma_start3A_328, %dma_start3A_329] : memref<4x10000x128xf32, #tpu.memory_space<hbm>> -> memref<1x10000x128xf32, #tpu.memory_space<hbm>>
      %dma_start3A_331 = tpu.memref_squeeze %dma_start3A_330 : memref<1x10000x128xf32, #tpu.memory_space<hbm>> -> memref<10000x128xf32, #tpu.memory_space<hbm>>
      %dma_start3A_332 = arith.constant 0 : i32
      %dma_start3A_333 = arith.constant 0 : i32
      %dma_start3A_334 = tpu.memref_slice %dma_start3A_331[%dma_start3A_332, %dma_start3A_333] : memref<10000x128xf32, #tpu.memory_space<hbm>> -> memref<10000x128xf32, #tpu.memory_space<hbm>>
      tpu.enqueue_indirect_dma source(%dma_start3A_334 : memref<10000x128xf32, #tpu.memory_space<hbm>>) target(%arg10 : memref<80x128xf32, #tpu.memory_space<vmem>>) offsets(%dma_start3A_327 : memref<80xi32, #tpu.memory_space<vmem>>) semaphore(%arg13 : memref<!tpu.dma_semaphore, #tpu.memory_space<semaphore_mem>>)
      %add3A_335 = arith.constant 1 : i32
      %add3A_336 = arith.addi %mul3A_245, %add3A_335 : i32
      %mul3A_337 = arith.constant 80 : i32
      %mul3A_338 = arith.muli %add3A_336, %mul3A_337 : i32
      %dma_wait3A_339 = tpu.memref_slice %arg7[%mul3A_338] : memref<10000xi32, #tpu.memory_space<vmem>> -> memref<80xi32, #tpu.memory_space<vmem>>
      %dma_wait3A_340 = arith.constant 0 : i32
      %dma_wait3A_341 = arith.constant 0 : i32
      %dma_wait3A_342 = tpu.memref_slice %arg2[%add3A_170, %dma_wait3A_340, %dma_wait3A_341] : memref<4x10000x128xf32, #tpu.memory_space<hbm>> -> memref<1x10000x128xf32, #tpu.memory_space<hbm>>
      %dma_wait3A_343 = tpu.memref_squeeze %dma_wait3A_342 : memref<1x10000x128xf32, #tpu.memory_space<hbm>> -> memref<10000x128xf32, #tpu.memory_space<hbm>>
      %dma_wait3A_344 = arith.constant 0 : i32
      %dma_wait3A_345 = arith.constant 0 : i32
      %dma_wait3A_346 = tpu.memref_slice %dma_wait3A_343[%dma_wait3A_344, %dma_wait3A_345] : memref<10000x128xf32, #tpu.memory_space<hbm>> -> memref<10000x128xf32, #tpu.memory_space<hbm>>
      tpu.wait_indirect_dma semaphore(%arg14 : memref<!tpu.dma_semaphore, #tpu.memory_space<semaphore_mem>>) src(%dma_wait3A_346 : memref<10000x128xf32, #tpu.memory_space<hbm>>) dst(%arg11 : memref<80x128xf32, #tpu.memory_space<vmem>>)
      %add3A_347 = arith.constant 1 : i32
      %add3A_348 = arith.addi %mul3A_245, %add3A_347 : i32
      %mul3A_349 = arith.constant 80 : i32
      %mul3A_350 = arith.muli %add3A_348, %mul3A_349 : i32
      %add3A_351 = arith.constant 0 : i32
      %add3A_352 = arith.addi %mul3A_350, %add3A_351 : i32
      %get3A_353 = arith.index_cast %add3A_352 : i32 to index
      %get3A_354 = tpu.vector_load %arg8[%get3A_353] {strides = array<i32>} : memref<10000xi32, #tpu.memory_space<vmem>>, vector<16xi32>,
      %get3A_355 = vector.shape_cast %get3A_354 : vector<16xi32> to vector<16xi32>
      %swap3A_356 = arith.constant 0 : index
      %swap3A_357 = tpu.vector_load %arg9[%swap3A_356] {strides = array<i32>} : memref<80xi32, #tpu.memory_space<vmem>>, vector<16xi32>,
      %swap3A_358 = vector.shape_cast %swap3A_357 : vector<16xi32> to vector<16xi32>
      %swap3A_359 = vector.shape_cast %get3A_355 : vector<16xi32> to vector<16xi32>
      tpu.vector_store %arg9[%swap3A_356], %swap3A_359 {strides = array<i32>} : memref<80xi32, #tpu.memory_space<vmem>>, vector<16xi32>,
      %mul3A_360 = arith.constant 80 : i32
      %mul3A_361 = arith.muli %add3A_348, %mul3A_360 : i32
      %add3A_362 = arith.constant 16 : i32
      %add3A_363 = arith.addi %mul3A_361, %add3A_362 : i32
      %get3A_364 = arith.index_cast %add3A_363 : i32 to index
      %get3A_365 = tpu.vector_load %arg8[%get3A_364] {strides = array<i32>} : memref<10000xi32, #tpu.memory_space<vmem>>, vector<16xi32>,
      %get3A_366 = vector.shape_cast %get3A_365 : vector<16xi32> to vector<16xi32>
      %swap3A_367 = arith.constant 16 : index
      %swap3A_368 = tpu.vector_load %arg9[%swap3A_367] {strides = array<i32>} : memref<80xi32, #tpu.memory_space<vmem>>, vector<16xi32>,
      %swap3A_369 = vector.shape_cast %swap3A_368 : vector<16xi32> to vector<16xi32>
      %swap3A_370 = vector.shape_cast %get3A_366 : vector<16xi32> to vector<16xi32>
      tpu.vector_store %arg9[%swap3A_367], %swap3A_370 {strides = array<i32>} : memref<80xi32, #tpu.memory_space<vmem>>, vector<16xi32>,
      %mul3A_371 = arith.constant 80 : i32
      %mul3A_372 = arith.muli %add3A_348, %mul3A_371 : i32
      %add3A_373 = arith.constant 32 : i32
      %add3A_374 = arith.addi %mul3A_372, %add3A_373 : i32
      %get3A_375 = arith.index_cast %add3A_374 : i32 to index
      %get3A_376 = tpu.vector_load %arg8[%get3A_375] {strides = array<i32>} : memref<10000xi32, #tpu.memory_space<vmem>>, vector<16xi32>,
      %get3A_377 = vector.shape_cast %get3A_376 : vector<16xi32> to vector<16xi32>
      %swap3A_378 = arith.constant 32 : index
      %swap3A_379 = tpu.vector_load %arg9[%swap3A_378] {strides = array<i32>} : memref<80xi32, #tpu.memory_space<vmem>>, vector<16xi32>,
      %swap3A_380 = vector.shape_cast %swap3A_379 : vector<16xi32> to vector<16xi32>
      %swap3A_381 = vector.shape_cast %get3A_377 : vector<16xi32> to vector<16xi32>
      tpu.vector_store %arg9[%swap3A_378], %swap3A_381 {strides = array<i32>} : memref<80xi32, #tpu.memory_space<vmem>>, vector<16xi32>,
      %mul3A_382 = arith.constant 80 : i32
      %mul3A_383 = arith.muli %add3A_348, %mul3A_382 : i32
      %add3A_384 = arith.constant 48 : i32
      %add3A_385 = arith.addi %mul3A_383, %add3A_384 : i32
      %get3A_386 = arith.index_cast %add3A_385 : i32 to index
      %get3A_387 = tpu.vector_load %arg8[%get3A_386] {strides = array<i32>} : memref<10000xi32, #tpu.memory_space<vmem>>, vector<16xi32>,
      %get3A_388 = vector.shape_cast %get3A_387 : vector<16xi32> to vector<16xi32>
      %swap3A_389 = arith.constant 48 : index
      %swap3A_390 = tpu.vector_load %arg9[%swap3A_389] {strides = array<i32>} : memref<80xi32, #tpu.memory_space<vmem>>, vector<16xi32>,
      %swap3A_391 = vector.shape_cast %swap3A_390 : vector<16xi32> to vector<16xi32>
      %swap3A_392 = vector.shape_cast %get3A_388 : vector<16xi32> to vector<16xi32>
      tpu.vector_store %arg9[%swap3A_389], %swap3A_392 {strides = array<i32>} : memref<80xi32, #tpu.memory_space<vmem>>, vector<16xi32>,
      %mul3A_393 = arith.constant 80 : i32
      %mul3A_394 = arith.muli %add3A_348, %mul3A_393 : i32
      %add3A_395 = arith.constant 64 : i32
      %add3A_396 = arith.addi %mul3A_394, %add3A_395 : i32
      %get3A_397 = arith.index_cast %add3A_396 : i32 to index
      %get3A_398 = tpu.vector_load %arg8[%get3A_397] {strides = array<i32>} : memref<10000xi32, #tpu.memory_space<vmem>>, vector<16xi32>,
      %get3A_399 = vector.shape_cast %get3A_398 : vector<16xi32> to vector<16xi32>
      %swap3A_400 = arith.constant 64 : index
      %swap3A_401 = tpu.vector_load %arg9[%swap3A_400] {strides = array<i32>} : memref<80xi32, #tpu.memory_space<vmem>>, vector<16xi32>,
      %swap3A_402 = vector.shape_cast %swap3A_401 : vector<16xi32> to vector<16xi32>
      %swap3A_403 = vector.shape_cast %get3A_399 : vector<16xi32> to vector<16xi32>
      tpu.vector_store %arg9[%swap3A_400], %swap3A_403 {strides = array<i32>} : memref<80xi32, #tpu.memory_space<vmem>>, vector<16xi32>,
      "tpu.region"() ({
        %run_scoped3A = tpu.sem_alloc : memref<!tpu.dma_semaphore, #tpu.memory_space<semaphore_mem>>
        %dma_start3A_404 = arith.constant 0 : i32
        %dma_start3A_405 = arith.constant 0 : i32
        %dma_start3A_406 = tpu.memref_slice %arg6[%dma_start3A_404, %dma_start3A_405] : memref<10240x128xf32, #tpu.memory_space<vmem_shared>> -> memref<10240x128xf32, #tpu.memory_space<vmem_shared>>
        tpu.enqueue_indirect_dma source(%arg11 : memref<80x128xf32, #tpu.memory_space<vmem>>) target(%dma_start3A_406 : memref<10240x128xf32, #tpu.memory_space<vmem_shared>>) offsets(%arg9 : memref<80xi32, #tpu.memory_space<vmem>>) semaphore(%run_scoped3A : memref<!tpu.dma_semaphore, #tpu.memory_space<semaphore_mem>>) {add = true}
        %dma_wait3A_407 = arith.constant 0 : i32
        %dma_wait3A_408 = arith.constant 0 : i32
        %dma_wait3A_409 = tpu.memref_slice %arg6[%dma_wait3A_407, %dma_wait3A_408] : memref<10240x128xf32, #tpu.memory_space<vmem_shared>> -> memref<10240x128xf32, #tpu.memory_space<vmem_shared>>
        tpu.wait_indirect_dma semaphore(%run_scoped3A : memref<!tpu.dma_semaphore, #tpu.memory_space<semaphore_mem>>) src(%arg11 : memref<80x128xf32, #tpu.memory_space<vmem>>) dst(%dma_wait3A_409 : memref<10240x128xf32, #tpu.memory_space<vmem_shared>>)
        tpu.yield
      }) : () -> ()
    }
    %scan3A_192 = arith.constant 62 : i32
    %dma_wait3A_193 = arith.constant 9920 : i32
    %dma_wait3A_194 = tpu.memref_slice %arg7[%dma_wait3A_193] : memref<10000xi32, #tpu.memory_space<vmem>> -> memref<80xi32, #tpu.memory_space<vmem>>
    %dma_wait3A_195 = arith.constant 0 : i32
    %dma_wait3A_196 = arith.constant 0 : i32
    %dma_wait3A_197 = tpu.memref_slice %arg2[%add3A_170, %dma_wait3A_195, %dma_wait3A_196] : memref<4x10000x128xf32, #tpu.memory_space<hbm>> -> memref<1x10000x128xf32, #tpu.memory_space<hbm>>
    %dma_wait3A_198 = tpu.memref_squeeze %dma_wait3A_197 : memref<1x10000x128xf32, #tpu.memory_space<hbm>> -> memref<10000x128xf32, #tpu.memory_space<hbm>>
    %dma_wait3A_199 = arith.constant 0 : i32
    %dma_wait3A_200 = arith.constant 0 : i32
    %dma_wait3A_201 = tpu.memref_slice %dma_wait3A_198[%dma_wait3A_199, %dma_wait3A_200] : memref<10000x128xf32, #tpu.memory_space<hbm>> -> memref<10000x128xf32, #tpu.memory_space<hbm>>
    tpu.wait_indirect_dma semaphore(%arg13 : memref<!tpu.dma_semaphore, #tpu.memory_space<semaphore_mem>>) src(%dma_wait3A_201 : memref<10000x128xf32, #tpu.memory_space<hbm>>) dst(%arg10 : memref<80x128xf32, #tpu.memory_space<vmem>>)
    %get3A_202 = arith.constant 9920 : index
    %get3A_203 = tpu.vector_load %arg8[%get3A_202] {strides = array<i32>} : memref<10000xi32, #tpu.memory_space<vmem>>, vector<16xi32>,
    %get3A_204 = vector.shape_cast %get3A_203 : vector<16xi32> to vector<16xi32>
    %swap3A_205 = arith.constant 0 : index
    %swap3A_206 = tpu.vector_load %arg9[%swap3A_205] {strides = array<i32>} : memref<80xi32, #tpu.memory_space<vmem>>, vector<16xi32>,
    %swap3A_207 = vector.shape_cast %swap3A_206 : vector<16xi32> to vector<16xi32>
    %swap3A_208 = vector.shape_cast %get3A_204 : vector<16xi32> to vector<16xi32>
    tpu.vector_store %arg9[%swap3A_205], %swap3A_208 {strides = array<i32>} : memref<80xi32, #tpu.memory_space<vmem>>, vector<16xi32>,
    %get3A_209 = arith.constant 9936 : index
    %get3A_210 = tpu.vector_load %arg8[%get3A_209] {strides = array<i32>} : memref<10000xi32, #tpu.memory_space<vmem>>, vector<16xi32>,
    %get3A_211 = vector.shape_cast %get3A_210 : vector<16xi32> to vector<16xi32>
    %swap3A_212 = arith.constant 16 : index
    %swap3A_213 = tpu.vector_load %arg9[%swap3A_212] {strides = array<i32>} : memref<80xi32, #tpu.memory_space<vmem>>, vector<16xi32>,
    %swap3A_214 = vector.shape_cast %swap3A_213 : vector<16xi32> to vector<16xi32>
    %swap3A_215 = vector.shape_cast %get3A_211 : vector<16xi32> to vector<16xi32>
    tpu.vector_store %arg9[%swap3A_212], %swap3A_215 {strides = array<i32>} : memref<80xi32, #tpu.memory_space<vmem>>, vector<16xi32>,
    %get3A_216 = arith.constant 9952 : index
    %get3A_217 = tpu.vector_load %arg8[%get3A_216] {strides = array<i32>} : memref<10000xi32, #tpu.memory_space<vmem>>, vector<16xi32>,
    %get3A_218 = vector.shape_cast %get3A_217 : vector<16xi32> to vector<16xi32>
    %swap3A_219 = arith.constant 32 : index
    %swap3A_220 = tpu.vector_load %arg9[%swap3A_219] {strides = array<i32>} : memref<80xi32, #tpu.memory_space<vmem>>, vector<16xi32>,
    %swap3A_221 = vector.shape_cast %swap3A_220 : vector<16xi32> to vector<16xi32>
    %swap3A_222 = vector.shape_cast %get3A_218 : vector<16xi32> to vector<16xi32>
    tpu.vector_store %arg9[%swap3A_219], %swap3A_222 {strides = array<i32>} : memref<80xi32, #tpu.memory_space<vmem>>, vector<16xi32>,
    %get3A_223 = arith.constant 9968 : index
    %get3A_224 = tpu.vector_load %arg8[%get3A_223] {strides = array<i32>} : memref<10000xi32, #tpu.memory_space<vmem>>, vector<16xi32>,
    %get3A_225 = vector.shape_cast %get3A_224 : vector<16xi32> to vector<16xi32>
    %swap3A_226 = arith.constant 48 : index
    %swap3A_227 = tpu.vector_load %arg9[%swap3A_226] {strides = array<i32>} : memref<80xi32, #tpu.memory_space<vmem>>, vector<16xi32>,
    %swap3A_228 = vector.shape_cast %swap3A_227 : vector<16xi32> to vector<16xi32>
    %swap3A_229 = vector.shape_cast %get3A_225 : vector<16xi32> to vector<16xi32>
    tpu.vector_store %arg9[%swap3A_226], %swap3A_229 {strides = array<i32>} : memref<80xi32, #tpu.memory_space<vmem>>, vector<16xi32>,
    %get3A_230 = arith.constant 9984 : index
    %get3A_231 = tpu.vector_load %arg8[%get3A_230] {strides = array<i32>} : memref<10000xi32, #tpu.memory_space<vmem>>, vector<16xi32>,
    %get3A_232 = vector.shape_cast %get3A_231 : vector<16xi32> to vector<16xi32>
    %swap3A_233 = arith.constant 64 : index
    %swap3A_234 = tpu.vector_load %arg9[%swap3A_233] {strides = array<i32>} : memref<80xi32, #tpu.memory_space<vmem>>, vector<16xi32>,
    %swap3A_235 = vector.shape_cast %swap3A_234 : vector<16xi32> to vector<16xi32>
    %swap3A_236 = vector.shape_cast %get3A_232 : vector<16xi32> to vector<16xi32>
    tpu.vector_store %arg9[%swap3A_233], %swap3A_236 {strides = array<i32>} : memref<80xi32, #tpu.memory_space<vmem>>, vector<16xi32>,
    "tpu.region"() ({
      %run_scoped3A = tpu.sem_alloc : memref<!tpu.dma_semaphore, #tpu.memory_space<semaphore_mem>>
      %dma_start3A_243 = arith.constant 0 : i32
      %dma_start3A_244 = arith.constant 0 : i32
      %dma_start3A_245 = tpu.memref_slice %arg6[%dma_start3A_243, %dma_start3A_244] : memref<10240x128xf32, #tpu.memory_space<vmem_shared>> -> memref<10240x128xf32, #tpu.memory_space<vmem_shared>>
      tpu.enqueue_indirect_dma source(%arg10 : memref<80x128xf32, #tpu.memory_space<vmem>>) target(%dma_start3A_245 : memref<10240x128xf32, #tpu.memory_space<vmem_shared>>) offsets(%arg9 : memref<80xi32, #tpu.memory_space<vmem>>) semaphore(%run_scoped3A : memref<!tpu.dma_semaphore, #tpu.memory_space<semaphore_mem>>) {add = true}
      %dma_wait3A_246 = arith.constant 0 : i32
      %dma_wait3A_247 = arith.constant 0 : i32
      %dma_wait3A_248 = tpu.memref_slice %arg6[%dma_wait3A_246, %dma_wait3A_247] : memref<10240x128xf32, #tpu.memory_space<vmem_shared>> -> memref<10240x128xf32, #tpu.memory_space<vmem_shared>>
      tpu.wait_indirect_dma semaphore(%run_scoped3A : memref<!tpu.dma_semaphore, #tpu.memory_space<semaphore_mem>>) src(%arg10 : memref<80x128xf32, #tpu.memory_space<vmem>>) dst(%dma_wait3A_248 : memref<10240x128xf32, #tpu.memory_space<vmem_shared>>)
      tpu.yield
    }) : () -> ()
    %barrier3A_237 = arith.constant 0 : index
    tpu.barrier barrier_id(%barrier3A_237)
    %mul3A_238 = arith.constant 640 : i32
    %mul3A_239 = arith.muli %arg1, %mul3A_238 : i32
    %mul3A_240 = arith.constant 640 : i32
    %mul3A_241 = arith.muli %arg1, %mul3A_240 : i32
    "tpu.region"() ({
      %run_scoped3A = tpu.sem_alloc : memref<!tpu.dma_semaphore, #tpu.memory_space<semaphore_mem>>
      %dma_start3A_243 = arith.constant 0 : i32
      %dma_start3A_244 = tpu.memref_slice %arg5[%add3A_170, %mul3A_241, %dma_start3A_243] : memref<4x10240x128xf32, #tpu.memory_space<hbm>> -> memref<1x640x128xf32, #tpu.memory_space<hbm>>
      %dma_start3A_245 = tpu.memref_squeeze %dma_start3A_244 : memref<1x640x128xf32, #tpu.memory_space<hbm>> -> memref<640x128xf32, #tpu.memory_space<hbm>>
      %dma_start3A_246 = arith.constant 0 : i32
      %dma_start3A_247 = tpu.memref_slice %arg6[%mul3A_239, %dma_start3A_246] : memref<10240x128xf32, #tpu.memory_space<vmem_shared>> -> memref<640x128xf32, #tpu.memory_space<vmem_shared>>
      tpu.enqueue_dma source(%dma_start3A_247 : memref<640x128xf32, #tpu.memory_space<vmem_shared>>) target(%dma_start3A_245 : memref<640x128xf32, #tpu.memory_space<hbm>>) target_semaphore(%run_scoped3A : memref<!tpu.dma_semaphore, #tpu.memory_space<semaphore_mem>>)
      %dma_wait3A_248 = arith.constant 0 : i32
      %dma_wait3A_249 = tpu.memref_slice %arg5[%add3A_170, %mul3A_241, %dma_wait3A_248] : memref<4x10240x128xf32, #tpu.memory_space<hbm>> -> memref<1x640x128xf32, #tpu.memory_space<hbm>>
      %dma_wait3A_250 = tpu.memref_squeeze %dma_wait3A_249 : memref<1x640x128xf32, #tpu.memory_space<hbm>> -> memref<640x128xf32, #tpu.memory_space<hbm>>
      %dma_wait3A_251 = arith.constant 0 : i32
      %dma_wait3A_252 = tpu.memref_slice %arg6[%mul3A_239, %dma_wait3A_251] : memref<10240x128xf32, #tpu.memory_space<vmem_shared>> -> memref<640x128xf32, #tpu.memory_space<vmem_shared>>
      tpu.wait_dma2 semaphore(%run_scoped3A : memref<!tpu.dma_semaphore, #tpu.memory_space<semaphore_mem>>) src(%dma_wait3A_252 : memref<640x128xf32, #tpu.memory_space<vmem_shared>>) dst(%dma_wait3A_250 : memref<640x128xf32, #tpu.memory_space<hbm>>)
      tpu.yield
    }) : () -> ()
    %barrier3A_242 = arith.constant 0 : index
    tpu.barrier barrier_id(%barrier3A_242)
    return
  }
}

module attributes {stable_mosaic.version = 14 : i64} {
  func.func @_pre_body(%arg0: i32, %arg1: memref<1000x256xf32, #tpu.memory_space<vmem>>, %arg2: memref<256x512xf32, #tpu.memory_space<vmem>>, %arg3: memref<1x512xf32, #tpu.memory_space<vmem>>, %arg4: memref<2x1000x128xf32, #tpu.memory_space<vmem>>, %arg5: memref<128x512xf32, #tpu.memory_space<vmem>>, %arg6: memref<4x1000x128xf32, #tpu.memory_space<vmem>>, %arg7: memref<1000x512xf32, #tpu.memory_space<vmem>>) attributes {dimension_semantics = [#tpu.dimension_semantics<arbitrary>], iteration_bounds = array<i64: 10>, scalar_prefetch = 0 : i64, scratch_operands = 0 : i64, tpu.core_type = #tpu.core_type<tc>, window_params = [{transform_indices = @transform_0, window_bounds = array<i64: 1000, 256>}, {pipeline_mode = #tpu.pipeline_mode<synchronous>, transform_indices = @transform_1, window_bounds = array<i64: 256, 512>}, {pipeline_mode = #tpu.pipeline_mode<synchronous>, transform_indices = @transform_2, window_bounds = array<i64: 1, 512>}, {transform_indices = @transform_3, window_bounds = array<i64: 2, 1000, 128>}, {pipeline_mode = #tpu.pipeline_mode<synchronous>, transform_indices = @transform_4, window_bounds = array<i64: 128, 512>}, {transform_indices = @transform_5, window_bounds = array<i64: 4, 1000, 128>}, {transform_indices = @transform_6, window_bounds = array<i64: 1000, 512>}]} {
    %get3A = arith.constant 0 : index
    %get3A_0 = arith.constant 0 : index
    %get3A_1 = vector.load %arg1[%get3A, %get3A_0] : memref<1000x256xf32, #tpu.memory_space<vmem>>, vector<1000x256xf32>
    %get3A_2 = arith.constant 0 : index
    %get3A_3 = arith.constant 0 : index
    %get3A_4 = vector.load %arg2[%get3A_2, %get3A_3] : memref<256x512xf32, #tpu.memory_space<vmem>>, vector<256x512xf32>
    %dot_general3A = arith.constant dense<0.000000e+00> : vector<1000x512xf32>
    %dot_general3A_5 = tpu.matmul %get3A_1, %get3A_4, %dot_general3A {dimension_numbers = #tpu.dot_dimension_numbers<[1], [0], [0], [1], [0, 0, 1, 1], [], []>, transpose_lhs_hint = false} : vector<1000x256xf32>, vector<256x512xf32>, vector<1000x512xf32> -> vector<1000x512xf32>
    %get3A_6 = arith.constant 0 : index
    %get3A_7 = arith.constant 0 : index
    %get3A_8 = vector.load %arg3[%get3A_6, %get3A_7] : memref<1x512xf32, #tpu.memory_space<vmem>>, vector<1x512xf32>
    %add3A = vector.broadcast %get3A_8 : vector<1x512xf32> to vector<1000x512xf32>
    %add3A_9 = arith.addf %dot_general3A_5, %add3A : vector<1000x512xf32>
    %max3A = arith.constant 0.000000e+00 : f32
    %max3A_10 = vector.broadcast %max3A : f32 to vector<1000x512xf32>
    %max3A_11 = arith.maximumf %add3A_9, %max3A_10 : vector<1000x512xf32>
    %get3A_12 = arith.constant 0 : index
    %get3A_13 = arith.constant 0 : index
    %get3A_14 = arith.constant 0 : index
    %get3A_15 = vector.load %arg4[%get3A_12, %get3A_13, %get3A_14] : memref<2x1000x128xf32, #tpu.memory_space<vmem>>, vector<1x1000x128xf32>
    %get3A_16 = vector.shape_cast %get3A_15 : vector<1x1000x128xf32> to vector<1000x128xf32>
    %get3A_17 = arith.constant 1 : index
    %get3A_18 = arith.constant 0 : index
    %get3A_19 = arith.constant 0 : index
    %get3A_20 = vector.load %arg4[%get3A_17, %get3A_18, %get3A_19] : memref<2x1000x128xf32, #tpu.memory_space<vmem>>, vector<1x1000x128xf32>
    %get3A_21 = vector.shape_cast %get3A_20 : vector<1x1000x128xf32> to vector<1000x128xf32>
    %add3A_22 = arith.addf %get3A_16, %get3A_21 : vector<1000x128xf32>
    %get3A_23 = arith.constant 0 : index
    %get3A_24 = arith.constant 0 : index
    %get3A_25 = vector.load %arg5[%get3A_23, %get3A_24] : memref<128x512xf32, #tpu.memory_space<vmem>>, vector<128x512xf32>
    %dot_general3A_26 = arith.constant dense<0.000000e+00> : vector<1000x512xf32>
    %dot_general3A_27 = tpu.matmul %add3A_22, %get3A_25, %dot_general3A_26 {dimension_numbers = #tpu.dot_dimension_numbers<[1], [0], [0], [1], [0, 0, 1, 1], [], []>, transpose_lhs_hint = false} : vector<1000x128xf32>, vector<128x512xf32>, vector<1000x512xf32> -> vector<1000x512xf32>
    %swap3A = arith.constant 0 : index
    %swap3A_28 = arith.constant 0 : index
    %swap3A_29 = vector.load %arg7[%swap3A, %swap3A_28] : memref<1000x512xf32, #tpu.memory_space<vmem>>, vector<1000x512xf32>
    tpu.vector_store %arg7[%swap3A, %swap3A_28], %dot_general3A_27 {strides = array<i32>} : memref<1000x512xf32, #tpu.memory_space<vmem>>, vector<1000x512xf32>,
    %add3A_30 = arith.addf %max3A_11, %dot_general3A_27 : vector<1000x512xf32>
    %slice3A = vector.extract_strided_slice %add3A_30 {offsets = [0, 0], sizes = [1000, 128], strides = [1, 1]} : vector<1000x512xf32> to vector<1000x128xf32>
    %swap3A_31 = arith.constant 0 : index
    %swap3A_32 = arith.constant 0 : index
    %swap3A_33 = arith.constant 0 : index
    %swap3A_34 = vector.load %arg6[%swap3A_31, %swap3A_32, %swap3A_33] : memref<4x1000x128xf32, #tpu.memory_space<vmem>>, vector<1x1000x128xf32>
    %swap3A_35 = vector.shape_cast %swap3A_34 : vector<1x1000x128xf32> to vector<1000x128xf32>
    %swap3A_36 = vector.shape_cast %slice3A : vector<1000x128xf32> to vector<1x1000x128xf32>
    tpu.vector_store %arg6[%swap3A_31, %swap3A_32, %swap3A_33], %swap3A_36 {strides = array<i32>} : memref<4x1000x128xf32, #tpu.memory_space<vmem>>, vector<1x1000x128xf32>,
    %slice3A_37 = vector.extract_strided_slice %add3A_30 {offsets = [0, 128], sizes = [1000, 128], strides = [1, 1]} : vector<1000x512xf32> to vector<1000x128xf32>
    %swap3A_38 = arith.constant 1 : index
    %swap3A_39 = arith.constant 0 : index
    %swap3A_40 = arith.constant 0 : index
    %swap3A_41 = vector.load %arg6[%swap3A_38, %swap3A_39, %swap3A_40] : memref<4x1000x128xf32, #tpu.memory_space<vmem>>, vector<1x1000x128xf32>
    %swap3A_42 = vector.shape_cast %swap3A_41 : vector<1x1000x128xf32> to vector<1000x128xf32>
    %swap3A_43 = vector.shape_cast %slice3A_37 : vector<1000x128xf32> to vector<1x1000x128xf32>
    tpu.vector_store %arg6[%swap3A_38, %swap3A_39, %swap3A_40], %swap3A_43 {strides = array<i32>} : memref<4x1000x128xf32, #tpu.memory_space<vmem>>, vector<1x1000x128xf32>,
    %slice3A_44 = vector.extract_strided_slice %add3A_30 {offsets = [0, 256], sizes = [1000, 128], strides = [1, 1]} : vector<1000x512xf32> to vector<1000x128xf32>
    %swap3A_45 = arith.constant 2 : index
    %swap3A_46 = arith.constant 0 : index
    %swap3A_47 = arith.constant 0 : index
    %swap3A_48 = vector.load %arg6[%swap3A_45, %swap3A_46, %swap3A_47] : memref<4x1000x128xf32, #tpu.memory_space<vmem>>, vector<1x1000x128xf32>
    %swap3A_49 = vector.shape_cast %swap3A_48 : vector<1x1000x128xf32> to vector<1000x128xf32>
    %swap3A_50 = vector.shape_cast %slice3A_44 : vector<1000x128xf32> to vector<1x1000x128xf32>
    tpu.vector_store %arg6[%swap3A_45, %swap3A_46, %swap3A_47], %swap3A_50 {strides = array<i32>} : memref<4x1000x128xf32, #tpu.memory_space<vmem>>, vector<1x1000x128xf32>,
    %slice3A_51 = vector.extract_strided_slice %add3A_30 {offsets = [0, 384], sizes = [1000, 128], strides = [1, 1]} : vector<1000x512xf32> to vector<1000x128xf32>
    %swap3A_52 = arith.constant 3 : index
    %swap3A_53 = arith.constant 0 : index
    %swap3A_54 = arith.constant 0 : index
    %swap3A_55 = vector.load %arg6[%swap3A_52, %swap3A_53, %swap3A_54] : memref<4x1000x128xf32, #tpu.memory_space<vmem>>, vector<1x1000x128xf32>
    %swap3A_56 = vector.shape_cast %swap3A_55 : vector<1x1000x128xf32> to vector<1000x128xf32>
    %swap3A_57 = vector.shape_cast %slice3A_51 : vector<1000x128xf32> to vector<1x1000x128xf32>
    tpu.vector_store %arg6[%swap3A_52, %swap3A_53, %swap3A_54], %swap3A_57 {strides = array<i32>} : memref<4x1000x128xf32, #tpu.memory_space<vmem>>, vector<1x1000x128xf32>,
    return
  }
  func.func @transform_0(%arg0: i32) -> (i32, i32) {
    %c0_i32 = arith.constant 0 : i32
    %c0_i32_0 = arith.constant 0 : i32
    return %arg0, %c0_i32 : i32, i32
  }
  func.func @transform_1(%arg0: i32) -> (i32, i32) {
    %c0_i32 = arith.constant 0 : i32
    %c0_i32_0 = arith.constant 0 : i32
    %c0_i32_1 = arith.constant 0 : i32
    return %c0_i32, %c0_i32_0 : i32, i32
  }
  func.func @transform_2(%arg0: i32) -> (i32, i32) {
    %c0_i32 = arith.constant 0 : i32
    %c0_i32_0 = arith.constant 0 : i32
    %c0_i32_1 = arith.constant 0 : i32
    return %c0_i32, %c0_i32_0 : i32, i32
  }
  func.func @transform_3(%arg0: i32) -> (i32, i32, i32) {
    %c0_i32 = arith.constant 0 : i32
    %c0_i32_0 = arith.constant 0 : i32
    %c0_i32_1 = arith.constant 0 : i32
    return %c0_i32, %arg0, %c0_i32_0 : i32, i32, i32
  }
  func.func @transform_4(%arg0: i32) -> (i32, i32) {
    %c0_i32 = arith.constant 0 : i32
    %c0_i32_0 = arith.constant 0 : i32
    %c0_i32_1 = arith.constant 0 : i32
    return %c0_i32, %c0_i32_0 : i32, i32
  }
  func.func @transform_5(%arg0: i32) -> (i32, i32, i32) {
    %c0_i32 = arith.constant 0 : i32
    %c0_i32_0 = arith.constant 0 : i32
    %c0_i32_1 = arith.constant 0 : i32
    return %c0_i32, %arg0, %c0_i32_0 : i32, i32, i32
  }
  func.func @transform_6(%arg0: i32) -> (i32, i32) {
    %c0_i32 = arith.constant 0 : i32
    %c0_i32_0 = arith.constant 0 : i32
    return %arg0, %c0_i32 : i32, i32
  }
}

module attributes {stable_mosaic.version = 14 : i64} {
  func.func @_ka_body(%arg0: i32, %arg1: memref<1x1xf32, #tpu.memory_space<vmem>>, %arg2: memref<4x1000x128xf32, #tpu.memory_space<vmem>>, %arg3: memref<4x1000x128xf32, #tpu.memory_space<vmem>>, %arg4: memref<512x1024xf32, #tpu.memory_space<vmem>>, %arg5: memref<1x1024xf32, #tpu.memory_space<vmem>>, %arg6: memref<1000x1024xbf16, #tpu.memory_space<vmem>>, %arg7: memref<8x1024xf32, #tpu.memory_space<vmem>>, %arg8: memref<8x1024xf32, #tpu.memory_space<vmem>>) attributes {dimension_semantics = [#tpu.dimension_semantics<arbitrary>], iteration_bounds = array<i64: 10>, scalar_prefetch = 0 : i64, scratch_operands = 1 : i64, tpu.core_type = #tpu.core_type<tc>, window_params = [{pipeline_mode = #tpu.pipeline_mode<synchronous>, transform_indices = @transform_0, window_bounds = array<i64: 1, 1>}, {transform_indices = @transform_1, window_bounds = array<i64: 4, 1000, 128>}, {transform_indices = @transform_2, window_bounds = array<i64: 4, 1000, 128>}, {pipeline_mode = #tpu.pipeline_mode<synchronous>, transform_indices = @transform_3, window_bounds = array<i64: 512, 1024>}, {pipeline_mode = #tpu.pipeline_mode<synchronous>, transform_indices = @transform_4, window_bounds = array<i64: 1, 1024>}, {transform_indices = @transform_5, window_bounds = array<i64: 1000, 1024>}, {pipeline_mode = #tpu.pipeline_mode<synchronous>, transform_indices = @transform_6, window_bounds = array<i64: 8, 1024>}]} {
    %eq3A = arith.constant 0 : i32
    %eq3A_0 = arith.cmpi eq, %arg0, %eq3A : i32
    %convert_element_type3A = arith.extui %eq3A_0 : i1 to i32
    %cond3A = arith.constant 0 : i32
    %cond3A_1 = arith.cmpi ne, %convert_element_type3A, %cond3A : i32
    scf.if %cond3A_1 {
      %broadcast_in_dim3A_83 = arith.constant 0.000000e+00 : f32
      %broadcast_in_dim3A_84 = vector.broadcast %broadcast_in_dim3A_83 : f32 to vector<8x1024xf32>
      %swap3A_85 = arith.constant 0 : index
      %swap3A_86 = arith.constant 0 : index
      %swap3A_87 = vector.load %arg8[%swap3A_85, %swap3A_86] : memref<8x1024xf32, #tpu.memory_space<vmem>>, vector<8x1024xf32>
      tpu.vector_store %arg8[%swap3A_85, %swap3A_86], %broadcast_in_dim3A_84 {strides = array<i32>} : memref<8x1024xf32, #tpu.memory_space<vmem>>, vector<8x1024xf32>,
    } else {
    }
    %get3A = arith.constant 0 : index
    %get3A_2 = arith.constant 0 : index
    %get3A_3 = vector.load %arg1[%get3A, %get3A_2] : memref<1x1xf32, #tpu.memory_space<vmem>>, vector<1x1xf32>
    %get3A_4 = vector.extract %get3A_3[0, 0] : f32 from vector<1x1xf32>
    %get3A_5 = arith.constant 0 : index
    %get3A_6 = arith.constant 0 : index
    %get3A_7 = arith.constant 0 : index
    %get3A_8 = vector.load %arg2[%get3A_5, %get3A_6, %get3A_7] : memref<4x1000x128xf32, #tpu.memory_space<vmem>>, vector<1x1000x128xf32>
    %get3A_9 = vector.shape_cast %get3A_8 : vector<1x1000x128xf32> to vector<1000x128xf32>
    %get3A_10 = arith.constant 1 : index
    %get3A_11 = arith.constant 0 : index
    %get3A_12 = arith.constant 0 : index
    %get3A_13 = vector.load %arg2[%get3A_10, %get3A_11, %get3A_12] : memref<4x1000x128xf32, #tpu.memory_space<vmem>>, vector<1x1000x128xf32>
    %get3A_14 = vector.shape_cast %get3A_13 : vector<1x1000x128xf32> to vector<1000x128xf32>
    %get3A_15 = arith.constant 2 : index
    %get3A_16 = arith.constant 0 : index
    %get3A_17 = arith.constant 0 : index
    %get3A_18 = vector.load %arg2[%get3A_15, %get3A_16, %get3A_17] : memref<4x1000x128xf32, #tpu.memory_space<vmem>>, vector<1x1000x128xf32>
    %get3A_19 = vector.shape_cast %get3A_18 : vector<1x1000x128xf32> to vector<1000x128xf32>
    %get3A_20 = arith.constant 3 : index
    %get3A_21 = arith.constant 0 : index
    %get3A_22 = arith.constant 0 : index
    %get3A_23 = vector.load %arg2[%get3A_20, %get3A_21, %get3A_22] : memref<4x1000x128xf32, #tpu.memory_space<vmem>>, vector<1x1000x128xf32>
    %get3A_24 = vector.shape_cast %get3A_23 : vector<1x1000x128xf32> to vector<1000x128xf32>
    %concatenate3A = tpu.concatenate %get3A_9, %get3A_14, %get3A_19, %get3A_24 in 1 : vector<1000x128xf32>, vector<1000x128xf32>, vector<1000x128xf32>, vector<1000x128xf32> -> vector<1000x512xf32>
    %mul3A = vector.broadcast %get3A_4 : f32 to vector<1000x512xf32>
    %mul3A_25 = arith.mulf %mul3A, %concatenate3A : vector<1000x512xf32>
    %get3A_26 = arith.constant 0 : index
    %get3A_27 = arith.constant 0 : index
    %get3A_28 = arith.constant 0 : index
    %get3A_29 = vector.load %arg3[%get3A_26, %get3A_27, %get3A_28] : memref<4x1000x128xf32, #tpu.memory_space<vmem>>, vector<1x1000x128xf32>
    %get3A_30 = vector.shape_cast %get3A_29 : vector<1x1000x128xf32> to vector<1000x128xf32>
    %get3A_31 = arith.constant 1 : index
    %get3A_32 = arith.constant 0 : index
    %get3A_33 = arith.constant 0 : index
    %get3A_34 = vector.load %arg3[%get3A_31, %get3A_32, %get3A_33] : memref<4x1000x128xf32, #tpu.memory_space<vmem>>, vector<1x1000x128xf32>
    %get3A_35 = vector.shape_cast %get3A_34 : vector<1x1000x128xf32> to vector<1000x128xf32>
    %get3A_36 = arith.constant 2 : index
    %get3A_37 = arith.constant 0 : index
    %get3A_38 = arith.constant 0 : index
    %get3A_39 = vector.load %arg3[%get3A_36, %get3A_37, %get3A_38] : memref<4x1000x128xf32, #tpu.memory_space<vmem>>, vector<1x1000x128xf32>
    %get3A_40 = vector.shape_cast %get3A_39 : vector<1x1000x128xf32> to vector<1000x128xf32>
    %get3A_41 = arith.constant 3 : index
    %get3A_42 = arith.constant 0 : index
    %get3A_43 = arith.constant 0 : index
    %get3A_44 = vector.load %arg3[%get3A_41, %get3A_42, %get3A_43] : memref<4x1000x128xf32, #tpu.memory_space<vmem>>, vector<1x1000x128xf32>
    %get3A_45 = vector.shape_cast %get3A_44 : vector<1x1000x128xf32> to vector<1000x128xf32>
    %concatenate3A_46 = tpu.concatenate %get3A_30, %get3A_35, %get3A_40, %get3A_45 in 1 : vector<1000x128xf32>, vector<1000x128xf32>, vector<1000x128xf32>, vector<1000x128xf32> -> vector<1000x512xf32>
    %add3A = arith.addf %mul3A_25, %concatenate3A_46 : vector<1000x512xf32>
    %get3A_47 = arith.constant 0 : index
    %get3A_48 = arith.constant 0 : index
    %get3A_49 = vector.load %arg4[%get3A_47, %get3A_48] : memref<512x1024xf32, #tpu.memory_space<vmem>>, vector<512x1024xf32>
    %dot_general3A = arith.constant dense<0.000000e+00> : vector<1000x1024xf32>
    %dot_general3A_50 = tpu.matmul %add3A, %get3A_49, %dot_general3A {dimension_numbers = #tpu.dot_dimension_numbers<[1], [0], [0], [1], [0, 0, 1, 1], [], []>, transpose_lhs_hint = false} : vector<1000x512xf32>, vector<512x1024xf32>, vector<1000x1024xf32> -> vector<1000x1024xf32>
    %get3A_51 = arith.constant 0 : index
    %get3A_52 = arith.constant 0 : index
    %get3A_53 = vector.load %arg5[%get3A_51, %get3A_52] : memref<1x1024xf32, #tpu.memory_space<vmem>>, vector<1x1024xf32>
    %add3A_54 = vector.broadcast %get3A_53 : vector<1x1024xf32> to vector<1000x1024xf32>
    %add3A_55 = arith.addf %dot_general3A_50, %add3A_54 : vector<1000x1024xf32>
    %convert_element_type3A_56 = arith.truncf %add3A_55 : vector<1000x1024xf32> to vector<1000x1024xbf16>
    %swap3A = arith.constant 0 : index
    %swap3A_57 = arith.constant 0 : index
    %swap3A_58 = vector.load %arg6[%swap3A, %swap3A_57] : memref<1000x1024xbf16, #tpu.memory_space<vmem>>, vector<1000x1024xbf16>
    tpu.vector_store %arg6[%swap3A, %swap3A_57], %convert_element_type3A_56 {strides = array<i32>} : memref<1000x1024xbf16, #tpu.memory_space<vmem>>, vector<1000x1024xbf16>,
    %get3A_59 = arith.constant 0 : index
    %get3A_60 = arith.constant 0 : index
    %get3A_61 = vector.load %arg8[%get3A_59, %get3A_60] : memref<8x1024xf32, #tpu.memory_space<vmem>>, vector<1x1024xf32>
    %reduce_sum3A = arith.constant dense<0.000000e+00> : vector<1024xf32>
    %reduce_sum3A_62 = vector.multi_reduction <add>, %add3A_55, %reduce_sum3A [0] : vector<1000x1024xf32> to vector<1024xf32>
    %broadcast_in_dim3A = vector.shape_cast %reduce_sum3A_62 : vector<1024xf32> to vector<1x1024xf32>
    %add3A_63 = arith.addf %get3A_61, %broadcast_in_dim3A : vector<1x1024xf32>
    %swap3A_64 = arith.constant 0 : index
    %swap3A_65 = arith.constant 0 : index
    %swap3A_66 = vector.load %arg8[%swap3A_64, %swap3A_65] : memref<8x1024xf32, #tpu.memory_space<vmem>>, vector<1x1024xf32>
    tpu.vector_store %arg8[%swap3A_64, %swap3A_65], %add3A_63 {strides = array<i32>} : memref<8x1024xf32, #tpu.memory_space<vmem>>, vector<1x1024xf32>,
    %get3A_67 = arith.constant 1 : index
    %get3A_68 = arith.constant 0 : index
    %get3A_69 = vector.load %arg8[%get3A_67, %get3A_68] : memref<8x1024xf32, #tpu.memory_space<vmem>>, vector<1x1024xf32>
    %mul3A_70 = arith.mulf %add3A_55, %add3A_55 : vector<1000x1024xf32>
    %reduce_sum3A_71 = arith.constant dense<0.000000e+00> : vector<1024xf32>
    %reduce_sum3A_72 = vector.multi_reduction <add>, %mul3A_70, %reduce_sum3A_71 [0] : vector<1000x1024xf32> to vector<1024xf32>
    %broadcast_in_dim3A_73 = vector.shape_cast %reduce_sum3A_72 : vector<1024xf32> to vector<1x1024xf32>
    %add3A_74 = arith.addf %get3A_69, %broadcast_in_dim3A_73 : vector<1x1024xf32>
    %swap3A_75 = arith.constant 1 : index
    %swap3A_76 = arith.constant 0 : index
    %swap3A_77 = vector.load %arg8[%swap3A_75, %swap3A_76] : memref<8x1024xf32, #tpu.memory_space<vmem>>, vector<1x1024xf32>
    tpu.vector_store %arg8[%swap3A_75, %swap3A_76], %add3A_74 {strides = array<i32>} : memref<8x1024xf32, #tpu.memory_space<vmem>>, vector<1x1024xf32>,
    %eq3A_78 = arith.constant 9 : i32
    %eq3A_79 = arith.cmpi eq, %arg0, %eq3A_78 : i32
    %convert_element_type3A_80 = arith.extui %eq3A_79 : i1 to i32
    %cond3A_81 = arith.constant 0 : i32
    %cond3A_82 = arith.cmpi ne, %convert_element_type3A_80, %cond3A_81 : i32
    scf.if %cond3A_82 {
      %get3A_83 = arith.constant 0 : index
      %get3A_84 = arith.constant 0 : index
      %get3A_85 = vector.load %arg8[%get3A_83, %get3A_84] : memref<8x1024xf32, #tpu.memory_space<vmem>>, vector<8x1024xf32>
      %swap3A_86 = arith.constant 0 : index
      %swap3A_87 = arith.constant 0 : index
      %swap3A_88 = vector.load %arg7[%swap3A_86, %swap3A_87] : memref<8x1024xf32, #tpu.memory_space<vmem>>, vector<8x1024xf32>
      tpu.vector_store %arg7[%swap3A_86, %swap3A_87], %get3A_85 {strides = array<i32>} : memref<8x1024xf32, #tpu.memory_space<vmem>>, vector<8x1024xf32>,
    } else {
    }
    return
  }
  func.func @transform_0(%arg0: i32) -> (i32, i32) {
    %c0_i32 = arith.constant 0 : i32
    %c0_i32_0 = arith.constant 0 : i32
    %c0_i32_1 = arith.constant 0 : i32
    return %c0_i32, %c0_i32_0 : i32, i32
  }
  func.func @transform_1(%arg0: i32) -> (i32, i32, i32) {
    %c0_i32 = arith.constant 0 : i32
    %c0_i32_0 = arith.constant 0 : i32
    %c0_i32_1 = arith.constant 0 : i32
    return %c0_i32, %arg0, %c0_i32_0 : i32, i32, i32
  }
  func.func @transform_2(%arg0: i32) -> (i32, i32, i32) {
    %c0_i32 = arith.constant 0 : i32
    %c0_i32_0 = arith.constant 0 : i32
    %c0_i32_1 = arith.constant 0 : i32
    return %c0_i32, %arg0, %c0_i32_0 : i32, i32, i32
  }
  func.func @transform_3(%arg0: i32) -> (i32, i32) {
    %c0_i32 = arith.constant 0 : i32
    %c0_i32_0 = arith.constant 0 : i32
    %c0_i32_1 = arith.constant 0 : i32
    return %c0_i32, %c0_i32_0 : i32, i32
  }
  func.func @transform_4(%arg0: i32) -> (i32, i32) {
    %c0_i32 = arith.constant 0 : i32
    %c0_i32_0 = arith.constant 0 : i32
    %c0_i32_1 = arith.constant 0 : i32
    return %c0_i32, %c0_i32_0 : i32, i32
  }
  func.func @transform_5(%arg0: i32) -> (i32, i32) {
    %c0_i32 = arith.constant 0 : i32
    %c0_i32_0 = arith.constant 0 : i32
    return %arg0, %c0_i32 : i32, i32
  }
  func.func @transform_6(%arg0: i32) -> (i32, i32) {
    %c0_i32 = arith.constant 0 : i32
    %c0_i32_0 = arith.constant 0 : i32
    %c0_i32_1 = arith.constant 0 : i32
    return %c0_i32, %c0_i32_0 : i32, i32
  }
}

module attributes {stable_mosaic.version = 14 : i64} {
  func.func @_kb_body(%arg0: i32, %arg1: memref<1000x1024xbf16, #tpu.memory_space<vmem>>, %arg2: memref<8x1024xf32, #tpu.memory_space<vmem>>, %arg3: memref<1x1024xf32, #tpu.memory_space<vmem>>, %arg4: memref<1x1024xf32, #tpu.memory_space<vmem>>, %arg5: memref<1024x512xf32, #tpu.memory_space<vmem>>, %arg6: memref<1x512xf32, #tpu.memory_space<vmem>>, %arg7: memref<1000x512xf32, #tpu.memory_space<vmem>>, %arg8: memref<8x512xf32, #tpu.memory_space<vmem>>, %arg9: memref<8x512xf32, #tpu.memory_space<vmem>>) attributes {dimension_semantics = [#tpu.dimension_semantics<arbitrary>], iteration_bounds = array<i64: 10>, scalar_prefetch = 0 : i64, scratch_operands = 1 : i64, tpu.core_type = #tpu.core_type<tc>, window_params = [{transform_indices = @transform_0, window_bounds = array<i64: 1000, 1024>}, {pipeline_mode = #tpu.pipeline_mode<synchronous>, transform_indices = @transform_1, window_bounds = array<i64: 8, 1024>}, {pipeline_mode = #tpu.pipeline_mode<synchronous>, transform_indices = @transform_2, window_bounds = array<i64: 1, 1024>}, {pipeline_mode = #tpu.pipeline_mode<synchronous>, transform_indices = @transform_3, window_bounds = array<i64: 1, 1024>}, {pipeline_mode = #tpu.pipeline_mode<synchronous>, transform_indices = @transform_4, window_bounds = array<i64: 1024, 512>}, {pipeline_mode = #tpu.pipeline_mode<synchronous>, transform_indices = @transform_5, window_bounds = array<i64: 1, 512>}, {transform_indices = @transform_6, window_bounds = array<i64: 1000, 512>}, {pipeline_mode = #tpu.pipeline_mode<synchronous>, transform_indices = @transform_7, window_bounds = array<i64: 8, 512>}]} {
    %eq3A = arith.constant 0 : i32
    %eq3A_0 = arith.cmpi eq, %arg0, %eq3A : i32
    %convert_element_type3A = arith.extui %eq3A_0 : i1 to i32
    %cond3A = arith.constant 0 : i32
    %cond3A_1 = arith.cmpi ne, %convert_element_type3A, %cond3A : i32
    scf.if %cond3A_1 {
      %broadcast_in_dim3A_69 = arith.constant 0.000000e+00 : f32
      %broadcast_in_dim3A_70 = vector.broadcast %broadcast_in_dim3A_69 : f32 to vector<8x512xf32>
      %swap3A_71 = arith.constant 0 : index
      %swap3A_72 = arith.constant 0 : index
      %swap3A_73 = vector.load %arg9[%swap3A_71, %swap3A_72] : memref<8x512xf32, #tpu.memory_space<vmem>>, vector<8x512xf32>
      tpu.vector_store %arg9[%swap3A_71, %swap3A_72], %broadcast_in_dim3A_70 {strides = array<i32>} : memref<8x512xf32, #tpu.memory_space<vmem>>, vector<8x512xf32>,
    } else {
    }
    %get3A = arith.constant 0 : index
    %get3A_2 = arith.constant 0 : index
    %get3A_3 = vector.load %arg2[%get3A, %get3A_2] : memref<8x1024xf32, #tpu.memory_space<vmem>>, vector<1x1024xf32>
    %mul3A = arith.constant 9.99999974E-5 : f32
    %mul3A_4 = vector.broadcast %mul3A : f32 to vector<1x1024xf32>
    %mul3A_5 = arith.mulf %get3A_3, %mul3A_4 : vector<1x1024xf32>
    %get3A_6 = arith.constant 1 : index
    %get3A_7 = arith.constant 0 : index
    %get3A_8 = vector.load %arg2[%get3A_6, %get3A_7] : memref<8x1024xf32, #tpu.memory_space<vmem>>, vector<1x1024xf32>
    %mul3A_9 = arith.constant 9.99999974E-5 : f32
    %mul3A_10 = vector.broadcast %mul3A_9 : f32 to vector<1x1024xf32>
    %mul3A_11 = arith.mulf %get3A_8, %mul3A_10 : vector<1x1024xf32>
    %mul3A_12 = arith.mulf %mul3A_5, %mul3A_5 : vector<1x1024xf32>
    %sub3A = arith.subf %mul3A_11, %mul3A_12 : vector<1x1024xf32>
    %get3A_13 = arith.constant 0 : index
    %get3A_14 = arith.constant 0 : index
    %get3A_15 = vector.load %arg3[%get3A_13, %get3A_14] : memref<1x1024xf32, #tpu.memory_space<vmem>>, vector<1x1024xf32>
    %add3A = arith.constant 9.99999974E-6 : f32
    %add3A_16 = vector.broadcast %add3A : f32 to vector<1x1024xf32>
    %add3A_17 = arith.addf %sub3A, %add3A_16 : vector<1x1024xf32>
    %rsqrt3A = math.rsqrt %add3A_17 : vector<1x1024xf32>
    %mul3A_18 = arith.mulf %get3A_15, %rsqrt3A : vector<1x1024xf32>
    %get3A_19 = arith.constant 0 : index
    %get3A_20 = arith.constant 0 : index
    %get3A_21 = vector.load %arg4[%get3A_19, %get3A_20] : memref<1x1024xf32, #tpu.memory_space<vmem>>, vector<1x1024xf32>
    %mul3A_22 = arith.mulf %mul3A_5, %mul3A_18 : vector<1x1024xf32>
    %sub3A_23 = arith.subf %get3A_21, %mul3A_22 : vector<1x1024xf32>
    %get3A_24 = arith.constant 0 : index
    %get3A_25 = arith.constant 0 : index
    %get3A_26 = vector.load %arg1[%get3A_24, %get3A_25] : memref<1000x1024xbf16, #tpu.memory_space<vmem>>, vector<1000x1024xbf16>
    %convert_element_type3A_27 = arith.extf %get3A_26 : vector<1000x1024xbf16> to vector<1000x1024xf32>
    %mul3A_28 = vector.broadcast %mul3A_18 : vector<1x1024xf32> to vector<1000x1024xf32>
    %mul3A_29 = arith.mulf %convert_element_type3A_27, %mul3A_28 : vector<1000x1024xf32>
    %add3A_30 = vector.broadcast %sub3A_23 : vector<1x1024xf32> to vector<1000x1024xf32>
    %add3A_31 = arith.addf %mul3A_29, %add3A_30 : vector<1000x1024xf32>
    %max3A = arith.constant 0.000000e+00 : f32
    %max3A_32 = vector.broadcast %max3A : f32 to vector<1000x1024xf32>
    %max3A_33 = arith.maximumf %add3A_31, %max3A_32 : vector<1000x1024xf32>
    %get3A_34 = arith.constant 0 : index
    %get3A_35 = arith.constant 0 : index
    %get3A_36 = vector.load %arg5[%get3A_34, %get3A_35] : memref<1024x512xf32, #tpu.memory_space<vmem>>, vector<1024x512xf32>
    %dot_general3A = arith.constant dense<0.000000e+00> : vector<1000x512xf32>
    %dot_general3A_37 = tpu.matmul %max3A_33, %get3A_36, %dot_general3A {dimension_numbers = #tpu.dot_dimension_numbers<[1], [0], [0], [1], [0, 0, 1, 1], [], []>, transpose_lhs_hint = false} : vector<1000x1024xf32>, vector<1024x512xf32>, vector<1000x512xf32> -> vector<1000x512xf32>
    %get3A_38 = arith.constant 0 : index
    %get3A_39 = arith.constant 0 : index
    %get3A_40 = vector.load %arg6[%get3A_38, %get3A_39] : memref<1x512xf32, #tpu.memory_space<vmem>>, vector<1x512xf32>
    %add3A_41 = vector.broadcast %get3A_40 : vector<1x512xf32> to vector<1000x512xf32>
    %add3A_42 = arith.addf %dot_general3A_37, %add3A_41 : vector<1000x512xf32>
    %swap3A = arith.constant 0 : index
    %swap3A_43 = arith.constant 0 : index
    %swap3A_44 = vector.load %arg7[%swap3A, %swap3A_43] : memref<1000x512xf32, #tpu.memory_space<vmem>>, vector<1000x512xf32>
    tpu.vector_store %arg7[%swap3A, %swap3A_43], %add3A_42 {strides = array<i32>} : memref<1000x512xf32, #tpu.memory_space<vmem>>, vector<1000x512xf32>,
    %get3A_45 = arith.constant 0 : index
    %get3A_46 = arith.constant 0 : index
    %get3A_47 = vector.load %arg9[%get3A_45, %get3A_46] : memref<8x512xf32, #tpu.memory_space<vmem>>, vector<1x512xf32>
    %reduce_sum3A = arith.constant dense<0.000000e+00> : vector<512xf32>
    %reduce_sum3A_48 = vector.multi_reduction <add>, %add3A_42, %reduce_sum3A [0] : vector<1000x512xf32> to vector<512xf32>
    %broadcast_in_dim3A = vector.shape_cast %reduce_sum3A_48 : vector<512xf32> to vector<1x512xf32>
    %add3A_49 = arith.addf %get3A_47, %broadcast_in_dim3A : vector<1x512xf32>
    %swap3A_50 = arith.constant 0 : index
    %swap3A_51 = arith.constant 0 : index
    %swap3A_52 = vector.load %arg9[%swap3A_50, %swap3A_51] : memref<8x512xf32, #tpu.memory_space<vmem>>, vector<1x512xf32>
    tpu.vector_store %arg9[%swap3A_50, %swap3A_51], %add3A_49 {strides = array<i32>} : memref<8x512xf32, #tpu.memory_space<vmem>>, vector<1x512xf32>,
    %get3A_53 = arith.constant 1 : index
    %get3A_54 = arith.constant 0 : index
    %get3A_55 = vector.load %arg9[%get3A_53, %get3A_54] : memref<8x512xf32, #tpu.memory_space<vmem>>, vector<1x512xf32>
    %mul3A_56 = arith.mulf %add3A_42, %add3A_42 : vector<1000x512xf32>
    %reduce_sum3A_57 = arith.constant dense<0.000000e+00> : vector<512xf32>
    %reduce_sum3A_58 = vector.multi_reduction <add>, %mul3A_56, %reduce_sum3A_57 [0] : vector<1000x512xf32> to vector<512xf32>
    %broadcast_in_dim3A_59 = vector.shape_cast %reduce_sum3A_58 : vector<512xf32> to vector<1x512xf32>
    %add3A_60 = arith.addf %get3A_55, %broadcast_in_dim3A_59 : vector<1x512xf32>
    %swap3A_61 = arith.constant 1 : index
    %swap3A_62 = arith.constant 0 : index
    %swap3A_63 = vector.load %arg9[%swap3A_61, %swap3A_62] : memref<8x512xf32, #tpu.memory_space<vmem>>, vector<1x512xf32>
    tpu.vector_store %arg9[%swap3A_61, %swap3A_62], %add3A_60 {strides = array<i32>} : memref<8x512xf32, #tpu.memory_space<vmem>>, vector<1x512xf32>,
    %eq3A_64 = arith.constant 9 : i32
    %eq3A_65 = arith.cmpi eq, %arg0, %eq3A_64 : i32
    %convert_element_type3A_66 = arith.extui %eq3A_65 : i1 to i32
    %cond3A_67 = arith.constant 0 : i32
    %cond3A_68 = arith.cmpi ne, %convert_element_type3A_66, %cond3A_67 : i32
    scf.if %cond3A_68 {
      %get3A_69 = arith.constant 0 : index
      %get3A_70 = arith.constant 0 : index
      %get3A_71 = vector.load %arg9[%get3A_69, %get3A_70] : memref<8x512xf32, #tpu.memory_space<vmem>>, vector<8x512xf32>
      %swap3A_72 = arith.constant 0 : index
      %swap3A_73 = arith.constant 0 : index
      %swap3A_74 = vector.load %arg8[%swap3A_72, %swap3A_73] : memref<8x512xf32, #tpu.memory_space<vmem>>, vector<8x512xf32>
      tpu.vector_store %arg8[%swap3A_72, %swap3A_73], %get3A_71 {strides = array<i32>} : memref<8x512xf32, #tpu.memory_space<vmem>>, vector<8x512xf32>,
    } else {
    }
    return
  }
  func.func @transform_0(%arg0: i32) -> (i32, i32) {
    %c0_i32 = arith.constant 0 : i32
    %c0_i32_0 = arith.constant 0 : i32
    return %arg0, %c0_i32 : i32, i32
  }
  func.func @transform_1(%arg0: i32) -> (i32, i32) {
    %c0_i32 = arith.constant 0 : i32
    %c0_i32_0 = arith.constant 0 : i32
    %c0_i32_1 = arith.constant 0 : i32
    return %c0_i32, %c0_i32_0 : i32, i32
  }
  func.func @transform_2(%arg0: i32) -> (i32, i32) {
    %c0_i32 = arith.constant 0 : i32
    %c0_i32_0 = arith.constant 0 : i32
    %c0_i32_1 = arith.constant 0 : i32
    return %c0_i32, %c0_i32_0 : i32, i32
  }
  func.func @transform_3(%arg0: i32) -> (i32, i32) {
    %c0_i32 = arith.constant 0 : i32
    %c0_i32_0 = arith.constant 0 : i32
    %c0_i32_1 = arith.constant 0 : i32
    return %c0_i32, %c0_i32_0 : i32, i32
  }
  func.func @transform_4(%arg0: i32) -> (i32, i32) {
    %c0_i32 = arith.constant 0 : i32
    %c0_i32_0 = arith.constant 0 : i32
    %c0_i32_1 = arith.constant 0 : i32
    return %c0_i32, %c0_i32_0 : i32, i32
  }
  func.func @transform_5(%arg0: i32) -> (i32, i32) {
    %c0_i32 = arith.constant 0 : i32
    %c0_i32_0 = arith.constant 0 : i32
    %c0_i32_1 = arith.constant 0 : i32
    return %c0_i32, %c0_i32_0 : i32, i32
  }
  func.func @transform_6(%arg0: i32) -> (i32, i32) {
    %c0_i32 = arith.constant 0 : i32
    %c0_i32_0 = arith.constant 0 : i32
    return %arg0, %c0_i32 : i32, i32
  }
  func.func @transform_7(%arg0: i32) -> (i32, i32) {
    %c0_i32 = arith.constant 0 : i32
    %c0_i32_0 = arith.constant 0 : i32
    %c0_i32_1 = arith.constant 0 : i32
    return %c0_i32, %c0_i32_0 : i32, i32
  }
}

module attributes {stable_mosaic.version = 14 : i64} {
  func.func @_kc_body(%arg0: i32, %arg1: memref<1000x512xf32, #tpu.memory_space<vmem>>, %arg2: memref<8x512xf32, #tpu.memory_space<vmem>>, %arg3: memref<1x512xf32, #tpu.memory_space<vmem>>, %arg4: memref<1x512xf32, #tpu.memory_space<vmem>>, %arg5: memref<1000x512xf32, #tpu.memory_space<vmem>>, %arg6: memref<4x1000x128xf32, #tpu.memory_space<vmem>>) attributes {dimension_semantics = [#tpu.dimension_semantics<arbitrary>], iteration_bounds = array<i64: 10>, scalar_prefetch = 0 : i64, scratch_operands = 0 : i64, tpu.core_type = #tpu.core_type<tc>, window_params = [{transform_indices = @transform_0, window_bounds = array<i64: 1000, 512>}, {pipeline_mode = #tpu.pipeline_mode<synchronous>, transform_indices = @transform_1, window_bounds = array<i64: 8, 512>}, {pipeline_mode = #tpu.pipeline_mode<synchronous>, transform_indices = @transform_2, window_bounds = array<i64: 1, 512>}, {pipeline_mode = #tpu.pipeline_mode<synchronous>, transform_indices = @transform_3, window_bounds = array<i64: 1, 512>}, {transform_indices = @transform_4, window_bounds = array<i64: 1000, 512>}, {transform_indices = @transform_5, window_bounds = array<i64: 4, 1000, 128>}]} {
    %get3A = arith.constant 0 : index
    %get3A_0 = arith.constant 0 : index
    %get3A_1 = vector.load %arg2[%get3A, %get3A_0] : memref<8x512xf32, #tpu.memory_space<vmem>>, vector<1x512xf32>
    %mul3A = arith.constant 9.99999974E-5 : f32
    %mul3A_2 = vector.broadcast %mul3A : f32 to vector<1x512xf32>
    %mul3A_3 = arith.mulf %get3A_1, %mul3A_2 : vector<1x512xf32>
    %get3A_4 = arith.constant 1 : index
    %get3A_5 = arith.constant 0 : index
    %get3A_6 = vector.load %arg2[%get3A_4, %get3A_5] : memref<8x512xf32, #tpu.memory_space<vmem>>, vector<1x512xf32>
    %mul3A_7 = arith.constant 9.99999974E-5 : f32
    %mul3A_8 = vector.broadcast %mul3A_7 : f32 to vector<1x512xf32>
    %mul3A_9 = arith.mulf %get3A_6, %mul3A_8 : vector<1x512xf32>
    %mul3A_10 = arith.mulf %mul3A_3, %mul3A_3 : vector<1x512xf32>
    %sub3A = arith.subf %mul3A_9, %mul3A_10 : vector<1x512xf32>
    %get3A_11 = arith.constant 0 : index
    %get3A_12 = arith.constant 0 : index
    %get3A_13 = vector.load %arg3[%get3A_11, %get3A_12] : memref<1x512xf32, #tpu.memory_space<vmem>>, vector<1x512xf32>
    %add3A = arith.constant 9.99999974E-6 : f32
    %add3A_14 = vector.broadcast %add3A : f32 to vector<1x512xf32>
    %add3A_15 = arith.addf %sub3A, %add3A_14 : vector<1x512xf32>
    %rsqrt3A = math.rsqrt %add3A_15 : vector<1x512xf32>
    %mul3A_16 = arith.mulf %get3A_13, %rsqrt3A : vector<1x512xf32>
    %get3A_17 = arith.constant 0 : index
    %get3A_18 = arith.constant 0 : index
    %get3A_19 = vector.load %arg4[%get3A_17, %get3A_18] : memref<1x512xf32, #tpu.memory_space<vmem>>, vector<1x512xf32>
    %mul3A_20 = arith.mulf %mul3A_3, %mul3A_16 : vector<1x512xf32>
    %sub3A_21 = arith.subf %get3A_19, %mul3A_20 : vector<1x512xf32>
    %get3A_22 = arith.constant 0 : index
    %get3A_23 = arith.constant 0 : index
    %get3A_24 = vector.load %arg1[%get3A_22, %get3A_23] : memref<1000x512xf32, #tpu.memory_space<vmem>>, vector<1000x512xf32>
    %mul3A_25 = vector.broadcast %mul3A_16 : vector<1x512xf32> to vector<1000x512xf32>
    %mul3A_26 = arith.mulf %get3A_24, %mul3A_25 : vector<1000x512xf32>
    %add3A_27 = vector.broadcast %sub3A_21 : vector<1x512xf32> to vector<1000x512xf32>
    %add3A_28 = arith.addf %mul3A_26, %add3A_27 : vector<1000x512xf32>
    %max3A = arith.constant 0.000000e+00 : f32
    %max3A_29 = vector.broadcast %max3A : f32 to vector<1000x512xf32>
    %max3A_30 = arith.maximumf %add3A_28, %max3A_29 : vector<1000x512xf32>
    %get3A_31 = arith.constant 0 : index
    %get3A_32 = arith.constant 0 : index
    %get3A_33 = vector.load %arg5[%get3A_31, %get3A_32] : memref<1000x512xf32, #tpu.memory_space<vmem>>, vector<1000x512xf32>
    %add3A_34 = arith.addf %max3A_30, %get3A_33 : vector<1000x512xf32>
    %slice3A = vector.extract_strided_slice %add3A_34 {offsets = [0, 0], sizes = [1000, 128], strides = [1, 1]} : vector<1000x512xf32> to vector<1000x128xf32>
    %swap3A = arith.constant 0 : index
    %swap3A_35 = arith.constant 0 : index
    %swap3A_36 = arith.constant 0 : index
    %swap3A_37 = vector.load %arg6[%swap3A, %swap3A_35, %swap3A_36] : memref<4x1000x128xf32, #tpu.memory_space<vmem>>, vector<1x1000x128xf32>
    %swap3A_38 = vector.shape_cast %swap3A_37 : vector<1x1000x128xf32> to vector<1000x128xf32>
    %swap3A_39 = vector.shape_cast %slice3A : vector<1000x128xf32> to vector<1x1000x128xf32>
    tpu.vector_store %arg6[%swap3A, %swap3A_35, %swap3A_36], %swap3A_39 {strides = array<i32>} : memref<4x1000x128xf32, #tpu.memory_space<vmem>>, vector<1x1000x128xf32>,
    %slice3A_40 = vector.extract_strided_slice %add3A_34 {offsets = [0, 128], sizes = [1000, 128], strides = [1, 1]} : vector<1000x512xf32> to vector<1000x128xf32>
    %swap3A_41 = arith.constant 1 : index
    %swap3A_42 = arith.constant 0 : index
    %swap3A_43 = arith.constant 0 : index
    %swap3A_44 = vector.load %arg6[%swap3A_41, %swap3A_42, %swap3A_43] : memref<4x1000x128xf32, #tpu.memory_space<vmem>>, vector<1x1000x128xf32>
    %swap3A_45 = vector.shape_cast %swap3A_44 : vector<1x1000x128xf32> to vector<1000x128xf32>
    %swap3A_46 = vector.shape_cast %slice3A_40 : vector<1000x128xf32> to vector<1x1000x128xf32>
    tpu.vector_store %arg6[%swap3A_41, %swap3A_42, %swap3A_43], %swap3A_46 {strides = array<i32>} : memref<4x1000x128xf32, #tpu.memory_space<vmem>>, vector<1x1000x128xf32>,
    %slice3A_47 = vector.extract_strided_slice %add3A_34 {offsets = [0, 256], sizes = [1000, 128], strides = [1, 1]} : vector<1000x512xf32> to vector<1000x128xf32>
    %swap3A_48 = arith.constant 2 : index
    %swap3A_49 = arith.constant 0 : index
    %swap3A_50 = arith.constant 0 : index
    %swap3A_51 = vector.load %arg6[%swap3A_48, %swap3A_49, %swap3A_50] : memref<4x1000x128xf32, #tpu.memory_space<vmem>>, vector<1x1000x128xf32>
    %swap3A_52 = vector.shape_cast %swap3A_51 : vector<1x1000x128xf32> to vector<1000x128xf32>
    %swap3A_53 = vector.shape_cast %slice3A_47 : vector<1000x128xf32> to vector<1x1000x128xf32>
    tpu.vector_store %arg6[%swap3A_48, %swap3A_49, %swap3A_50], %swap3A_53 {strides = array<i32>} : memref<4x1000x128xf32, #tpu.memory_space<vmem>>, vector<1x1000x128xf32>,
    %slice3A_54 = vector.extract_strided_slice %add3A_34 {offsets = [0, 384], sizes = [1000, 128], strides = [1, 1]} : vector<1000x512xf32> to vector<1000x128xf32>
    %swap3A_55 = arith.constant 3 : index
    %swap3A_56 = arith.constant 0 : index
    %swap3A_57 = arith.constant 0 : index
    %swap3A_58 = vector.load %arg6[%swap3A_55, %swap3A_56, %swap3A_57] : memref<4x1000x128xf32, #tpu.memory_space<vmem>>, vector<1x1000x128xf32>
    %swap3A_59 = vector.shape_cast %swap3A_58 : vector<1x1000x128xf32> to vector<1000x128xf32>
    %swap3A_60 = vector.shape_cast %slice3A_54 : vector<1000x128xf32> to vector<1x1000x128xf32>
    tpu.vector_store %arg6[%swap3A_55, %swap3A_56, %swap3A_57], %swap3A_60 {strides = array<i32>} : memref<4x1000x128xf32, #tpu.memory_space<vmem>>, vector<1x1000x128xf32>,
    return
  }
  func.func @transform_0(%arg0: i32) -> (i32, i32) {
    %c0_i32 = arith.constant 0 : i32
    %c0_i32_0 = arith.constant 0 : i32
    return %arg0, %c0_i32 : i32, i32
  }
  func.func @transform_1(%arg0: i32) -> (i32, i32) {
    %c0_i32 = arith.constant 0 : i32
    %c0_i32_0 = arith.constant 0 : i32
    %c0_i32_1 = arith.constant 0 : i32
    return %c0_i32, %c0_i32_0 : i32, i32
  }
  func.func @transform_2(%arg0: i32) -> (i32, i32) {
    %c0_i32 = arith.constant 0 : i32
    %c0_i32_0 = arith.constant 0 : i32
    %c0_i32_1 = arith.constant 0 : i32
    return %c0_i32, %c0_i32_0 : i32, i32
  }
  func.func @transform_3(%arg0: i32) -> (i32, i32) {
    %c0_i32 = arith.constant 0 : i32
    %c0_i32_0 = arith.constant 0 : i32
    %c0_i32_1 = arith.constant 0 : i32
    return %c0_i32, %c0_i32_0 : i32, i32
  }
  func.func @transform_4(%arg0: i32) -> (i32, i32) {
    %c0_i32 = arith.constant 0 : i32
    %c0_i32_0 = arith.constant 0 : i32
    return %arg0, %c0_i32 : i32, i32
  }
  func.func @transform_5(%arg0: i32) -> (i32, i32, i32) {
    %c0_i32 = arith.constant 0 : i32
    %c0_i32_0 = arith.constant 0 : i32
    %c0_i32_1 = arith.constant 0 : i32
    return %c0_i32, %arg0, %c0_i32_0 : i32, i32, i32
  }
}

module attributes {stable_mosaic.version = 14 : i64} {
  func.func @_kpool_body(%arg0: i32, %arg1: memref<1000x512xf32, #tpu.memory_space<vmem>>, %arg2: memref<8x512xf32, #tpu.memory_space<vmem>>, %arg3: memref<1x512xf32, #tpu.memory_space<vmem>>, %arg4: memref<1x512xf32, #tpu.memory_space<vmem>>, %arg5: memref<1x1x1000xi32, #tpu.memory_space<vmem>>, %arg6: memref<512x256xf32, #tpu.memory_space<vmem>>, %arg7: memref<1x256xf32, #tpu.memory_space<vmem>>, %arg8: memref<64x256xf32, #tpu.memory_space<vmem>>, %arg9: memref<64x512xf32, #tpu.memory_space<vmem>>) attributes {dimension_semantics = [#tpu.dimension_semantics<arbitrary>], iteration_bounds = array<i64: 10>, scalar_prefetch = 0 : i64, scratch_operands = 1 : i64, tpu.core_type = #tpu.core_type<tc>, window_params = [{transform_indices = @transform_0, window_bounds = array<i64: 1000, 512>}, {pipeline_mode = #tpu.pipeline_mode<synchronous>, transform_indices = @transform_1, window_bounds = array<i64: 8, 512>}, {pipeline_mode = #tpu.pipeline_mode<synchronous>, transform_indices = @transform_2, window_bounds = array<i64: 1, 512>}, {pipeline_mode = #tpu.pipeline_mode<synchronous>, transform_indices = @transform_3, window_bounds = array<i64: 1, 512>}, {transform_indices = @transform_4, window_bounds = array<i64: 1, 1, 1000>}, {pipeline_mode = #tpu.pipeline_mode<synchronous>, transform_indices = @transform_5, window_bounds = array<i64: 512, 256>}, {pipeline_mode = #tpu.pipeline_mode<synchronous>, transform_indices = @transform_6, window_bounds = array<i64: 1, 256>}, {pipeline_mode = #tpu.pipeline_mode<synchronous>, transform_indices = @transform_7, window_bounds = array<i64: 64, 256>}]} {
    %eq3A = arith.constant 0 : i32
    %eq3A_0 = arith.cmpi eq, %arg0, %eq3A : i32
    %convert_element_type3A = arith.extui %eq3A_0 : i1 to i32
    %cond3A = arith.constant 0 : i32
    %cond3A_1 = arith.cmpi ne, %convert_element_type3A, %cond3A : i32
    scf.if %cond3A_1 {
      %broadcast_in_dim3A = arith.constant 0.000000e+00 : f32
      %broadcast_in_dim3A_54 = vector.broadcast %broadcast_in_dim3A : f32 to vector<64x512xf32>
      %swap3A_55 = arith.constant 0 : index
      %swap3A_56 = arith.constant 0 : index
      %swap3A_57 = vector.load %arg9[%swap3A_55, %swap3A_56] : memref<64x512xf32, #tpu.memory_space<vmem>>, vector<64x512xf32>
      tpu.vector_store %arg9[%swap3A_55, %swap3A_56], %broadcast_in_dim3A_54 {strides = array<i32>} : memref<64x512xf32, #tpu.memory_space<vmem>>, vector<64x512xf32>,
    } else {
    }
    %get3A = arith.constant 0 : index
    %get3A_2 = arith.constant 0 : index
    %get3A_3 = vector.load %arg2[%get3A, %get3A_2] : memref<8x512xf32, #tpu.memory_space<vmem>>, vector<1x512xf32>
    %mul3A = arith.constant 9.99999974E-5 : f32
    %mul3A_4 = vector.broadcast %mul3A : f32 to vector<1x512xf32>
    %mul3A_5 = arith.mulf %get3A_3, %mul3A_4 : vector<1x512xf32>
    %get3A_6 = arith.constant 1 : index
    %get3A_7 = arith.constant 0 : index
    %get3A_8 = vector.load %arg2[%get3A_6, %get3A_7] : memref<8x512xf32, #tpu.memory_space<vmem>>, vector<1x512xf32>
    %mul3A_9 = arith.constant 9.99999974E-5 : f32
    %mul3A_10 = vector.broadcast %mul3A_9 : f32 to vector<1x512xf32>
    %mul3A_11 = arith.mulf %get3A_8, %mul3A_10 : vector<1x512xf32>
    %mul3A_12 = arith.mulf %mul3A_5, %mul3A_5 : vector<1x512xf32>
    %sub3A = arith.subf %mul3A_11, %mul3A_12 : vector<1x512xf32>
    %get3A_13 = arith.constant 0 : index
    %get3A_14 = arith.constant 0 : index
    %get3A_15 = vector.load %arg3[%get3A_13, %get3A_14] : memref<1x512xf32, #tpu.memory_space<vmem>>, vector<1x512xf32>
    %add3A = arith.constant 9.99999974E-6 : f32
    %add3A_16 = vector.broadcast %add3A : f32 to vector<1x512xf32>
    %add3A_17 = arith.addf %sub3A, %add3A_16 : vector<1x512xf32>
    %rsqrt3A = math.rsqrt %add3A_17 : vector<1x512xf32>
    %mul3A_18 = arith.mulf %get3A_15, %rsqrt3A : vector<1x512xf32>
    %get3A_19 = arith.constant 0 : index
    %get3A_20 = arith.constant 0 : index
    %get3A_21 = vector.load %arg4[%get3A_19, %get3A_20] : memref<1x512xf32, #tpu.memory_space<vmem>>, vector<1x512xf32>
    %mul3A_22 = arith.mulf %mul3A_5, %mul3A_18 : vector<1x512xf32>
    %sub3A_23 = arith.subf %get3A_21, %mul3A_22 : vector<1x512xf32>
    %get3A_24 = arith.constant 0 : index
    %get3A_25 = arith.constant 0 : index
    %get3A_26 = vector.load %arg1[%get3A_24, %get3A_25] : memref<1000x512xf32, #tpu.memory_space<vmem>>, vector<1000x512xf32>
    %mul3A_27 = vector.broadcast %mul3A_18 : vector<1x512xf32> to vector<1000x512xf32>
    %mul3A_28 = arith.mulf %get3A_26, %mul3A_27 : vector<1000x512xf32>
    %add3A_29 = vector.broadcast %sub3A_23 : vector<1x512xf32> to vector<1000x512xf32>
    %add3A_30 = arith.addf %mul3A_28, %add3A_29 : vector<1000x512xf32>
    %max3A = arith.constant 0.000000e+00 : f32
    %max3A_31 = vector.broadcast %max3A : f32 to vector<1000x512xf32>
    %max3A_32 = arith.maximumf %add3A_30, %max3A_31 : vector<1000x512xf32>
    %get3A_33 = arith.constant 0 : index
    %get3A_34 = arith.constant 0 : index
    %get3A_35 = arith.constant 0 : index
    %get3A_36 = vector.load %arg5[%get3A_33, %get3A_34, %get3A_35] : memref<1x1x1000xi32, #tpu.memory_space<vmem>>, vector<1x1x1000xi32>
    %get3A_37 = vector.shape_cast %get3A_36 : vector<1x1x1000xi32> to vector<1x1000xi32>
    %iota3A = tpu.iota {dimensions = array<i32: 0>} : vector<64x1000xi32>
    %eq3A_38 = vector.broadcast %get3A_37 : vector<1x1000xi32> to vector<64x1000xi32>
    %eq3A_39 = arith.cmpi eq, %eq3A_38, %iota3A : vector<64x1000xi32>
    %convert_element_type3A_40 = arith.extui %eq3A_39 : vector<64x1000xi1> to vector<64x1000xi32>
    %convert_element_type3A_41 = arith.sitofp %convert_element_type3A_40 : vector<64x1000xi32> to vector<64x1000xf32>
    %get3A_42 = arith.constant 0 : index
    %get3A_43 = arith.constant 0 : index
    %get3A_44 = vector.load %arg9[%get3A_42, %get3A_43] : memref<64x512xf32, #tpu.memory_space<vmem>>, vector<64x512xf32>
    %dot_general3A = arith.constant dense<0.000000e+00> : vector<64x512xf32>
    %dot_general3A_45 = tpu.matmul %convert_element_type3A_41, %max3A_32, %dot_general3A {dimension_numbers = #tpu.dot_dimension_numbers<[1], [0], [0], [1], [0, 0, 1, 1], [], []>, transpose_lhs_hint = false} : vector<64x1000xf32>, vector<1000x512xf32>, vector<64x512xf32> -> vector<64x512xf32>
    %add3A_46 = arith.addf %get3A_44, %dot_general3A_45 : vector<64x512xf32>
    %swap3A = arith.constant 0 : index
    %swap3A_47 = arith.constant 0 : index
    %swap3A_48 = vector.load %arg9[%swap3A, %swap3A_47] : memref<64x512xf32, #tpu.memory_space<vmem>>, vector<64x512xf32>
    tpu.vector_store %arg9[%swap3A, %swap3A_47], %add3A_46 {strides = array<i32>} : memref<64x512xf32, #tpu.memory_space<vmem>>, vector<64x512xf32>,
    %eq3A_49 = arith.constant 9 : i32
    %eq3A_50 = arith.cmpi eq, %arg0, %eq3A_49 : i32
    %convert_element_type3A_51 = arith.extui %eq3A_50 : i1 to i32
    %cond3A_52 = arith.constant 0 : i32
    %cond3A_53 = arith.cmpi ne, %convert_element_type3A_51, %cond3A_52 : i32
    scf.if %cond3A_53 {
      %get3A_54 = arith.constant 0 : index
      %get3A_55 = arith.constant 0 : index
      %get3A_56 = vector.load %arg9[%get3A_54, %get3A_55] : memref<64x512xf32, #tpu.memory_space<vmem>>, vector<64x512xf32>
      %get3A_57 = arith.constant 0 : index
      %get3A_58 = arith.constant 0 : index
      %get3A_59 = vector.load %arg6[%get3A_57, %get3A_58] : memref<512x256xf32, #tpu.memory_space<vmem>>, vector<512x256xf32>
      %dot_general3A_60 = arith.constant dense<0.000000e+00> : vector<64x256xf32>
      %dot_general3A_61 = tpu.matmul %get3A_56, %get3A_59, %dot_general3A_60 {dimension_numbers = #tpu.dot_dimension_numbers<[1], [0], [0], [1], [0, 0, 1, 1], [], []>, transpose_lhs_hint = false} : vector<64x512xf32>, vector<512x256xf32>, vector<64x256xf32> -> vector<64x256xf32>
      %get3A_62 = arith.constant 0 : index
      %get3A_63 = arith.constant 0 : index
      %get3A_64 = vector.load %arg7[%get3A_62, %get3A_63] : memref<1x256xf32, #tpu.memory_space<vmem>>, vector<1x256xf32>
      %add3A_65 = vector.broadcast %get3A_64 : vector<1x256xf32> to vector<64x256xf32>
      %add3A_66 = arith.addf %dot_general3A_61, %add3A_65 : vector<64x256xf32>
      %swap3A_67 = arith.constant 0 : index
      %swap3A_68 = arith.constant 0 : index
      %swap3A_69 = vector.load %arg8[%swap3A_67, %swap3A_68] : memref<64x256xf32, #tpu.memory_space<vmem>>, vector<64x256xf32>
      tpu.vector_store %arg8[%swap3A_67, %swap3A_68], %add3A_66 {strides = array<i32>} : memref<64x256xf32, #tpu.memory_space<vmem>>, vector<64x256xf32>,
    } else {
    }
    return
  }
  func.func @transform_0(%arg0: i32) -> (i32, i32) {
    %c0_i32 = arith.constant 0 : i32
    %c0_i32_0 = arith.constant 0 : i32
    return %arg0, %c0_i32 : i32, i32
  }
  func.func @transform_1(%arg0: i32) -> (i32, i32) {
    %c0_i32 = arith.constant 0 : i32
    %c0_i32_0 = arith.constant 0 : i32
    %c0_i32_1 = arith.constant 0 : i32
    return %c0_i32, %c0_i32_0 : i32, i32
  }
  func.func @transform_2(%arg0: i32) -> (i32, i32) {
    %c0_i32 = arith.constant 0 : i32
    %c0_i32_0 = arith.constant 0 : i32
    %c0_i32_1 = arith.constant 0 : i32
    return %c0_i32, %c0_i32_0 : i32, i32
  }
  func.func @transform_3(%arg0: i32) -> (i32, i32) {
    %c0_i32 = arith.constant 0 : i32
    %c0_i32_0 = arith.constant 0 : i32
    %c0_i32_1 = arith.constant 0 : i32
    return %c0_i32, %c0_i32_0 : i32, i32
  }
  func.func @transform_4(%arg0: i32) -> (i32, i32, i32) {
    %c0_i32 = arith.constant 0 : i32
    %c0_i32_0 = arith.constant 0 : i32
    %c0_i32_1 = arith.constant 0 : i32
    return %arg0, %c0_i32, %c0_i32_0 : i32, i32, i32
  }
  func.func @transform_5(%arg0: i32) -> (i32, i32) {
    %c0_i32 = arith.constant 0 : i32
    %c0_i32_0 = arith.constant 0 : i32
    %c0_i32_1 = arith.constant 0 : i32
    return %c0_i32, %c0_i32_0 : i32, i32
  }
  func.func @transform_6(%arg0: i32) -> (i32, i32) {
    %c0_i32 = arith.constant 0 : i32
    %c0_i32_0 = arith.constant 0 : i32
    %c0_i32_1 = arith.constant 0 : i32
    return %c0_i32, %c0_i32_0 : i32, i32
  }
  func.func @transform_7(%arg0: i32) -> (i32, i32) {
    %c0_i32 = arith.constant 0 : i32
    %c0_i32_0 = arith.constant 0 : i32
    %c0_i32_1 = arith.constant 0 : i32
    return %c0_i32, %c0_i32_0 : i32, i32
  }
}

</mosaic_0001>

<sc_bundles>
// kernel: kernel.16.cloned.1.call-start
scs
__scs_entry_jumppad:
0x0: {  	(pc) =	sbr.rel $0x88, $3  }
0x1: {  	(tag) =	ssettag $0x0;
	lr =	simm.s32 $0x1  }
0x2: {  	[smem:$0x3F7C] =	sst lr;
	_ =	strace $0xD0000000  }
0x3: {  	_ = 	snop  }
0x4: {  	_ = 	snop  }
0x5: {  	_ = 	snop  }
0x6: {  	_ = 	snop  }
0x7: {  	_ = 	snop  }
__scs_overlays_trampoline_lowered:
0x8: {  	[smem:$0x3F8B] =	sst s0  }
0x9: {  	[smem:$0x3F8C] =	sst s1  }
0xa: {  	[smem:$0x3F8D] =	sst s2  }
0xb: {  	[smem:$0x3F8E] =	sst s3  }
0xc: {  	[smem:$0x3F8F] =	sst s4  }
0xd: {  	[smem:$0x3F90] =	sst s5  }
0xe: {  	[smem:$0x3F91] =	sst s6  }
0xf: {  	[smem:$0x3F92] =	sst s7  }
0x10: {  	[smem:$0x3F93] =	sst s8  }
0x11: {  	[smem:$0x3F94] =	sst s9;
	s0 =	simm.s32 @!p0 $0x0  }
0x12: {  	s1 =	sld [smem:$0x3F7A];
	s0 =	simm.s32 @p0 $0x1  }
0x13: {  	[smem:$0x3F95] =	sst s0;
	s0 =	simm.s32 @!p1 $0x0  }
0x14: {  	s2 =	sld [smem:$0x3F79];
	s0 =	simm.s32 @p1 $0x1  }
0x15: {  	[smem:$0x3F96] =	sst s0;
	s0 =	simm.s32 @!p2 $0x0  }
0x16: {  	s3 =	sld [smem:$0x3FDB];
	s0 =	simm.s32 @p2 $0x1  }
0x17: {  	s4 =	simm.s32 $0x1BF5;
	[smem:$0x3F98] =	sst s0  }
0x18: {  	s0 =	sld [smem:$0x3F7B];
	_ =	swait.ge [sflag:s4], $0x0  }
0x19: {  	s7 =	sld [smem:$0x3F7C]  }
0x1a: {  	s8 =	sadd.s32 $0xFFFFE003, lr  }
0x1b: {  	s9 =	sadd.s32 $0xFFFFFEF7, lr;
	s5 =	simm.s32 $0xFFFFFFFF;
	p2 =	slt.u32 s8, $0xFFFFF086  }
0x1c: {  	p1 =	slt.u32 s9, $0xF7A;
	s5 =	simm.s32 @!p2 $0x0  }
0x1d: {  	s5 =	simm.s32 @p1 $0x1;
	p0 =	seq.s32 s7, s2  }
0x1e: {  	s7 =	smul.u32 @!p0 $0xF7A, s2;
	p2 =	seq.s32 @!p0 s5, $0x0  }
0x1f: {  	s9 =	smul.u32 $0xF7A, s1;
	s8 =	simm.s32 @!p0 $0x1BF5;
	p2 =	por !p2, p0  }
0x20: {  	[sflag:s8] =	ssyncset.s32 @!p0 $0xFFFFF086;
	s6 =	sadd.s32 @!p0 s3, s7;
	s7 =	simm.s32 @!p0 $0x108  }
0x21: {  	s3 =	sadd.s32 s3, s9;
	s6 =	sadd.s32 @!p0 $0x88, s6;
	s7 =	simm.s32 @p2 $0x1082  }
0x22: {  	[simem:s7], [sflag:s8] =	dma.local @!p0 [hbm:s6], $0xF7A  }
0x23: {  	s9 =	sor.u32 $0xD0000000, s2;
	s6 =	simm.s32 $0x108;
	_ =	swait.ge @!p0 [sflag:s8], $0x0  }
0x24: {  	s3 =	sadd.s32 $0x88, s3;
	s6 =	simm.s32 @!p1 $0x1082;
	[sflag:s4] =	ssyncset.s32 $0xFFFFF086  }
0x25: {  	[simem:s6], [sflag:s4] =	dma.local [hbm:s3], $0xF7A  }
0x26: {  	[smem:$0x3F7C] =	sst s1;
	(tag) =	ssettag s2;
	_ =	strace s9  }
0x27: {  	s1 =	sld [smem:$0x3F8C]  }
0x28: {  	s2 =	sld [smem:$0x3F8D]  }
0x29: {  	s4 =	sld [smem:$0x3F8F]  }
0x2a: {  	p0 =	seq.s32 s5, $0x0;
	s5 =	sld [smem:$0x3F90]  }
0x2b: {  	s6 =	sld [smem:$0x3F91]  }
0x2c: {  	s7 =	sld [smem:$0x3F92]  }
0x2d: {  	s3 =	simm.s32 $0x108;
	s8 =	sld [smem:$0x3F93]  }
0x2e: {  	s3 =	simm.s32 @!p0 $0x1082;
	s9 =	sld [smem:$0x3F94]  }
0x2f: {  	lr =	sadd.s32 s0, s3;
	s0 =	sld [smem:$0x3F8B]  }
0x30: {  	s3 =	sld [smem:$0x3F8E]  }
0x31: {  	[smem:$0x3F97] =	sst s10  }
0x32: {  	s10 =	sld [smem:$0x3F95];
	_ =	sdelay $0x3  }
0x33: {  	p0 =	seq.s32 s10, $0x1;
	s10 =	sld [smem:$0x3F97];
	_ =	sdelay $0x3  }
0x34: {  	[smem:$0x3F97] =	sst s10  }
0x35: {  	s10 =	sld [smem:$0x3F96];
	_ =	sdelay $0x3  }
0x36: {  	p1 =	seq.s32 s10, $0x1;
	s10 =	sld [smem:$0x3F97];
	_ =	sdelay $0x3  }
0x37: {  	[smem:$0x3F97] =	sst s10  }
0x38: {  	s10 =	sld [smem:$0x3F98]  }
0x39: {  	_ = 	snop;
	(pc) =	sbr.ind lr, $3  }
0x3a: {  	_ = 	snop  }
0x3b: {  	_ = 	snop  }
0x3c: {  	p2 =	seq.s32 s10, $0x1;
	s10 =	sld [smem:$0x3F97]  }
0x3d: {  	_ =	shalt  }
0x3e: {  	_ =	shalt  }
0x3f: {  	_ =	shalt  }
0x40: {  	_ =	shalt  }
0x41: {  	_ =	shalt  }
0x42: {  	_ =	shalt  }
0x43: {  	_ =	shalt  }
0x44: {  	_ =	shalt  }
0x45: {  	_ =	shalt  }
0x46: {  	_ =	shalt  }
0x47: {  	_ =	shalt  }
0x48: {  	_ =	shalt  }
0x49: {  	_ =	shalt  }
0x4a: {  	_ =	shalt  }
0x4b: {  	_ =	shalt  }
0x4c: {  	_ =	shalt  }
0x4d: {  	_ =	shalt  }
0x4e: {  	_ =	shalt  }
0x4f: {  	_ =	shalt  }
0x50: {  	_ =	shalt  }
0x51: {  	_ =	shalt  }
0x52: {  	_ =	shalt  }
0x53: {  	_ =	shalt  }
0x54: {  	_ =	shalt  }
0x55: {  	_ =	shalt  }
0x56: {  	_ =	shalt  }
0x57: {  	_ =	shalt  }
0x58: {  	_ =	shalt  }
0x59: {  	_ =	shalt  }
0x5a: {  	_ =	shalt  }
0x5b: {  	_ =	shalt  }
0x5c: {  	_ =	shalt  }
0x5d: {  	_ =	shalt  }
0x5e: {  	_ =	shalt  }
0x5f: {  	_ =	shalt  }
0x60: {  	_ =	shalt  }
0x61: {  	_ =	shalt  }
0x62: {  	_ =	shalt  }
0x63: {  	_ =	shalt  }
0x64: {  	_ =	shalt  }
0x65: {  	_ =	shalt  }
0x66: {  	_ =	shalt  }
0x67: {  	_ =	shalt  }
0x68: {  	_ =	shalt  }
0x69: {  	_ =	shalt  }
0x6a: {  	_ =	shalt  }
0x6b: {  	_ =	shalt  }
0x6c: {  	_ =	shalt  }
0x6d: {  	_ =	shalt  }
0x6e: {  	_ =	shalt  }
0x6f: {  	_ =	shalt  }
0x70: {  	_ =	shalt  }
0x71: {  	_ =	shalt  }
0x72: {  	_ =	shalt  }
0x73: {  	_ =	shalt  }
0x74: {  	_ =	shalt  }
0x75: {  	_ =	shalt  }
0x76: {  	_ =	shalt  }
0x77: {  	_ =	shalt  }
0x78: {  	_ =	shalt  }
0x79: {  	_ =	shalt  }
0x7a: {  	_ =	shalt  }
0x7b: {  	_ =	shalt  }
0x7c: {  	_ =	shalt  }
0x7d: {  	_ =	shalt  }
0x7e: {  	_ =	shalt  }
0x7f: {  	_ =	shalt  }
0x80: {  	_ =	shalt  }
0x81: {  	_ =	shalt  }
0x82: {  	_ =	shalt  }
0x83: {  	_ =	shalt  }
0x84: {  	_ =	shalt  }
0x85: {  	_ =	shalt  }
0x86: {  	_ =	shalt  }
0x87: {  	_ =	shalt  }
.Lfunc_end0:
.L_simem_size_0:
called_computation_lowered:
.L_overlay_start_0:
0x88: {  	s2 =	sld [smem:$0x3FD9]  }
0x89: {  	s3 =	sld [smem:$0x3FFE];
	_ =	sdelay $0x1  }
0x8a: {  	s1 =	srdreg.scid  }
0x8b: {  	s0 =	sand.u32 $0x1, s1  }
0x8c: {  	s16 =	sshll.u32 s0, $0xA;
	s2 =	sadd.s32 s3, s2  }
0x8d: {  	s2 =	sadd.s32 s2, s16  }
0x8e: {  	[smem:$0x3FA3] =	sst s2  }
0x8f: {  	_ = 	snop  }
0x90: {  	(tm) =	ssettm $0x1  }
0x91: {  	s17 =	sld [smem:$0x3FFB];
	_ =	sdelay $0x3  }
0x92: {  	_ =	strace s17  }
0x93: {  	s2 =	sld [smem:$0x3FFC];
	_ =	sdelay $0x3  }
0x94: {  	_ =	strace s2  }
0x95: {  	s2 =	sld [smem:$0x3FFD];
	_ =	sdelay $0x3  }
0x96: {  	_ =	strace s2  }
0x97: {  	_ =	strace $0x8FFFFFFF  }
0x98: {  	s18 =	sld [smem:$0x3FDB];
	_ =	sdelay $0x1  }
0x99: {  	s19 =	simm.s32 $_scs_section_size  }
0x9a: {  	s4 =	simm.s32 $_size__tile_overlayer_lowered;
	s5 =	simm.s32 $_tile_overlayer_lowered  }
0x9b: {  	s22 =	simm.s32 $0x1BFF;
	s21 =	sshll.u32 s5, $0x1;
	s2 =	sadd.s32 s19, s18  }
0x9c: {  	s6 =	simm.s32 $0x0;
	s20 =	sshll.u32 s4, $0x1;
	s4 =	sadd.s32 s21, s2  }
0x9d: {  	[timem:s6], [sflag:s22] =	dma.local [hbm:s4], s20  }
0x9e: {  	_ =	swait.ge [sflag:s22], s20  }
0x9f: {  	s3 =	ssub.s32 $0x0, s20;
	[sflag:s22] =	ssyncset.done $0x0  }
0xa0: {  	[sflag:s22] =	ssyncadd.s32 s3;
	_ =	sdelay $0x1  }
0xa1: {  	s23 =	simm.s32 $0x1B8B  }
0xa2: {  	_ =	swait.ge [sflag:s23], $0x1  }
0xa3: {  	[sflag:s23] =	ssyncset.done $0x0  }
0xa4: {  	s25 =	simm.s32 $0x1B8E;
	s24 =	sld [smem:$0x3FFE];
	[sflag:s23] =	ssyncadd.s32 $0xFFFFFFFF  }
0xa5: {  	s26 =	simm.s32 $execute0_lowered;
	[smem:$0x3FD2] =	sst s25  }
0xa6: {  	s4 =	sshll.u32 s26, $0x1;
	_ =	strace $0x80000046;
	[dreg:$0x1] =	wrdreg $0xFFFFFFFF  }
0xa7: {  	s28 =	simm.s32 $_size_execute0_lowered;
	s2 =	sadd.s32 s2, s4;
	[dreg:$0x0] =	wrdreg $0x0  }
0xa8: {  	s4 =	sshll.u32 s28, $0x1;
	[dreg:$0x2] =	wrdreg s2  }
0xa9: {  	[dreg:$0x3] =	wrdreg s4  }
0xaa: {  	[dreg:$0x4] =	wrdreg $0xC0  }
0xab: {  	_ =	task [dreg:s6], $0x5FFFF  }
0xac: {  	[dreg:$0x1] =	wrdreg $0xFFFFFFFF  }
0xad: {  	[dreg:$0x0] =	wrdreg $0x60  }
0xae: {  	[dreg:$0x2] =	wrdreg s24  }
0xaf: {  	[dreg:$0x3] =	wrdreg $0x0  }
0xb0: {  	[dreg:$0x4] =	wrdreg $0x9  }
0xb1: {  	_ =	task.clear_ibuf [dreg:s6], $0x5FFFF;
	_ =	strace $0x90000046  }
0xb2: {  	s29 =	simm.s32 $0x9;
	_ =	strace $0x80000048  }
0xb3: {  	_ =	swait.ge [sflag:s29], $0x1  }
0xb4: {  	[sflag:s29] =	ssyncadd.s32 $0xFFFFFFFF  }
0xb5: {  	_ =	strace $0x90000048  }
0xb6: {  	_ =	sfence  }
0xb7: {  	s30 =	sld [smem:$0x0];
	_ =	sdelay $0x2  }
0xb8: {  	s31 =	sshll.u32 s1, $0xD;
	s1 =	sshrl.u32 s1, $0x2  }
0xb9: {  	s3 =	sand.u32 $0x4000, s31;
	s1 =	sadd.s32 s1, s30  }
0xba: {  	s0 =	sor.u32 s3, s0;
	s1 =	sshll.u32 s1, $0x11  }
0xbb: {  	s0 =	sor.u32 s1, s0  }
0xbc: {  	s0 =	sadd.s32 $0x8F2B, s0  }
0xbd: {  	[sflag:s0] =	ssyncadd.remote.s32 $0x1  }
0xbe: {  	_ =	sfence.sel $0xFFFF  }
0xbf: {  	[dreg:$0x0] =	wrdreg $0xFFFFFFFF;
	(pc) =	sbr.abs _section_cstart, $3  }
0xc0: {  	[dreg:$0x1] =	wrdreg $0xFFFFFFFF  }
0xc1: {  	_ =	task.clear_ibuf [dreg:s6], $0x2FFFF;
	_ =	strace $0x9FFFFFFF  }
0xc2: {  	(tm) =	ssettm $0x7FFFFFFF  }
0xc3: {  	_ =	shalt  }
tec
execute0_lowered:
.L_overlay_start_1:
0x0: {  	(tag) =	ssettag $0x1  }
0x1: {  	s0 =	rddreg [dreg:$0x0];
	s16 =	stileid.u32  }
0x2: {  	s1 =	rddreg [dreg:$0x1];
	s7 =	smul.u32 $0x14000, s16  }
0x3: {  	s2 =	simm.s32 $0x0;
	s3 =	srdreg.scid;
	s18 =	smul.u32 $0x50000, s16  }
0x4: {  	s28 =	simm.s32 $0x0;
	s11 =	sadd.s32 $0x282600, s0;
	s23 =	smul.u32 $0x1388, s16  }
0x5: {  	s9 =	sand.u32 $0x1, s3;
	s4 =	sadd.s32 $0x27D600, s0;
	s26 =	smul.u32 $0x13880, s16  }
0x6: {  	[smem:$0x7FF] =	sst s2;
	s5 =	sadd.s32 $0x278600, s0;
	s6 =	smul.u32 $0x140000, s9  }
0x7: {  	_ =	strace $0x80000047;
	s8 =	sshll.u32 s9, $0x4;
	s21 =	smul.u32 $0x13880, s9  }
0x8: {  	s10 =	ssub.s32 $0x2, s9;
	s15 =	smul.u32 $0x138800, s9;
	s17 =	sor.u32 s16, s8  }
0x9: {  	s19 =	sshrl.u32 s10, $0x1;
	s20 =	sshrl.u32 s18, $0x2;
	s12 =	smul.u32 $0x1388, s17  }
0xa: {  	s18 =	simm.s32 $0x14000;
	s6 =	sadd.s32 s7, s6;
	s13 =	smul.u32 $0x13880, s17  }
0xb: {  	s14 =	ssub.s32 s10, s19;
	s16 =	sadd.s32 s23, s21;
	s29 =	sadd.s32 s15, s11  }
0xc: {  	s17 =	simm.s32 $0x3;
	s19 =	simm.s32 $0x14080;
	s21 =	simm.s32 $0x15500  }
0xd: {  	s23 =	simm.s32 $0x15600;
	s6 =	sshrl.u32 s6, $0x3;
	s30 =	sadd.s32 $0x28, s16  }
0xe: {  	s0 =	sadd.s32 s6, s0;
	s6 =	sadd.s32 s20, s1;
	s22 =	sshrl.u32 s12, $0x3  }
0xf: {  	s9 =	sadd.s32 s11, s13;
	s11 =	smax.u32 s14, $0x1;
	s12 =	sadd.s32 s26, s29  }
0x10: {  	s31 =	sshrl.u32 s30, $0x3;
	s13 =	sadd.s32 $0x50, s16;
	s16 =	simm.s32 $0x16A00  }
0x11: {  	s20 =	simm.s32 $0x14100;
	s26 =	simm.s32 $0x2;
	s24 =	sadd.s32 s4, s22  }
0x12: {  	s25 =	sadd.s32 s5, s22;
	s10 =	sadd.s32 $0x7600, s0;
	s0 =	sadd.s32 s31, s5  }
0x13: {  	s15 =	sadd.s32 s31, s4;
	s22 =	simm.s32 $0x15580;
	[dreg:$0x3] =	wrdreg s24  }
0x14: {  	v0 =	vimm.f32 $0.0e+00;
	[dreg:$0x4] =	wrdreg s25;
	s24 =	simm.s32 $0x1;
	s25 =	simm.s32 $0x28  }
.LBB2_1:
0x15: {  	[tilespmem:$0x16A00] =	vst v0  }
0x16: {  	[tilespmem:$0x16A10] =	vst v0  }
0x17: {  	[tilespmem:$0x16A20] =	vst v0  }
0x18: {  	[tilespmem:$0x16A30] =	vst v0  }
0x19: {  	[tilespmem:$0x16A40] =	vst v0  }
0x1a: {  	[tilespmem:$0x16A50] =	vst v0  }
0x1b: {  	[tilespmem:$0x16A60] =	vst v0  }
0x1c: {  	[tilespmem:$0x16A70] =	vst v0  }
0x1d: {  	[tilespmem:$0x16A80] =	vst v0  }
0x1e: {  	[tilespmem:$0x16A90] =	vst v0  }
0x1f: {  	[tilespmem:$0x16AA0] =	vst v0  }
0x20: {  	[tilespmem:$0x16AB0] =	vst v0  }
0x21: {  	[tilespmem:$0x16AC0] =	vst v0  }
0x22: {  	[tilespmem:$0x16AD0] =	vst v0  }
0x23: {  	[tilespmem:$0x16AE0] =	vst v0  }
0x24: {  	[tilespmem:$0x16AF0] =	vst v0  }
0x25: {  	[tilespmem:$0x16B00] =	vst v0  }
0x26: {  	[tilespmem:$0x16B10] =	vst v0  }
0x27: {  	[tilespmem:$0x16B20] =	vst v0  }
0x28: {  	[tilespmem:$0x16B30] =	vst v0  }
0x29: {  	[tilespmem:$0x16B40] =	vst v0  }
0x2a: {  	[tilespmem:$0x16B50] =	vst v0  }
0x2b: {  	[tilespmem:$0x16B60] =	vst v0  }
0x2c: {  	[tilespmem:$0x16B70] =	vst v0  }
0x2d: {  	[tilespmem:$0x16B80] =	vst v0  }
0x2e: {  	[tilespmem:$0x16B90] =	vst v0  }
0x2f: {  	[tilespmem:$0x16BA0] =	vst v0  }
0x30: {  	[tilespmem:$0x16BB0] =	vst v0  }
0x31: {  	[tilespmem:$0x16BC0] =	vst v0  }
0x32: {  	[tilespmem:$0x16BD0] =	vst v0  }
0x33: {  	[tilespmem:$0x16BE0] =	vst v0  }
0x34: {  	[tilespmem:$0x16BF0] =	vst v0  }
0x35: {  	[tilespmem:$0x16C00] =	vst v0  }
0x36: {  	[tilespmem:$0x16C10] =	vst v0  }
0x37: {  	[tilespmem:$0x16C20] =	vst v0  }
0x38: {  	[tilespmem:$0x16C30] =	vst v0  }
0x39: {  	[tilespmem:$0x16C40] =	vst v0  }
0x3a: {  	[tilespmem:$0x16C50] =	vst v0  }
0x3b: {  	[tilespmem:$0x16C60] =	vst v0  }
0x3c: {  	[tilespmem:$0x16C70] =	vst v0  }
0x3d: {  	[tilespmem:$0x16C80] =	vst v0  }
0x3e: {  	[tilespmem:$0x16C90] =	vst v0  }
0x3f: {  	[tilespmem:$0x16CA0] =	vst v0  }
0x40: {  	[tilespmem:$0x16CB0] =	vst v0  }
0x41: {  	[tilespmem:$0x16CC0] =	vst v0  }
0x42: {  	[tilespmem:$0x16CD0] =	vst v0  }
0x43: {  	[tilespmem:$0x16CE0] =	vst v0  }
0x44: {  	[tilespmem:$0x16CF0] =	vst v0  }
0x45: {  	[tilespmem:$0x16D00] =	vst v0  }
0x46: {  	[tilespmem:$0x16D10] =	vst v0  }
0x47: {  	[tilespmem:$0x16D20] =	vst v0  }
0x48: {  	[tilespmem:$0x16D30] =	vst v0  }
0x49: {  	[tilespmem:$0x16D40] =	vst v0  }
0x4a: {  	[tilespmem:$0x16D50] =	vst v0  }
0x4b: {  	[tilespmem:$0x16D60] =	vst v0  }
0x4c: {  	[tilespmem:$0x16D70] =	vst v0  }
0x4d: {  	[tilespmem:$0x16D80] =	vst v0  }
0x4e: {  	[tilespmem:$0x16D90] =	vst v0  }
0x4f: {  	[tilespmem:$0x16DA0] =	vst v0  }
0x50: {  	[tilespmem:$0x16DB0] =	vst v0  }
0x51: {  	[tilespmem:$0x16DC0] =	vst v0  }
0x52: {  	[tilespmem:$0x16DD0] =	vst v0  }
0x53: {  	[tilespmem:$0x16DE0] =	vst v0  }
0x54: {  	[tilespmem:$0x16DF0] =	vst v0  }
0x55: {  	[tilespmem:$0x16E00] =	vst v0  }
0x56: {  	[tilespmem:$0x16E10] =	vst v0  }
0x57: {  	[tilespmem:$0x16E20] =	vst v0  }
0x58: {  	[tilespmem:$0x16E30] =	vst v0  }
0x59: {  	[tilespmem:$0x16E40] =	vst v0  }
0x5a: {  	[tilespmem:$0x16E50] =	vst v0  }
0x5b: {  	[tilespmem:$0x16E60] =	vst v0  }
0x5c: {  	[tilespmem:$0x16E70] =	vst v0  }
0x5d: {  	[tilespmem:$0x16E80] =	vst v0  }
0x5e: {  	[tilespmem:$0x16E90] =	vst v0  }
0x5f: {  	[tilespmem:$0x16EA0] =	vst v0  }
0x60: {  	[tilespmem:$0x16EB0] =	vst v0  }
0x61: {  	[tilespmem:$0x16EC0] =	vst v0  }
0x62: {  	[tilespmem:$0x16ED0] =	vst v0  }
0x63: {  	[tilespmem:$0x16EE0] =	vst v0  }
0x64: {  	[tilespmem:$0x16EF0] =	vst v0  }
0x65: {  	[tilespmem:$0x16F00] =	vst v0  }
0x66: {  	[tilespmem:$0x16F10] =	vst v0  }
0x67: {  	[tilespmem:$0x16F20] =	vst v0  }
0x68: {  	[tilespmem:$0x16F30] =	vst v0  }
0x69: {  	[tilespmem:$0x16F40] =	vst v0  }
0x6a: {  	[tilespmem:$0x16F50] =	vst v0  }
0x6b: {  	[tilespmem:$0x16F60] =	vst v0  }
0x6c: {  	[tilespmem:$0x16F70] =	vst v0  }
0x6d: {  	[tilespmem:$0x16F80] =	vst v0  }
0x6e: {  	[tilespmem:$0x16F90] =	vst v0  }
0x6f: {  	[tilespmem:$0x16FA0] =	vst v0  }
0x70: {  	[tilespmem:$0x16FB0] =	vst v0  }
0x71: {  	[tilespmem:$0x16FC0] =	vst v0  }
0x72: {  	[tilespmem:$0x16FD0] =	vst v0  }
0x73: {  	[tilespmem:$0x16FE0] =	vst v0  }
0x74: {  	[tilespmem:$0x16FF0] =	vst v0  }
0x75: {  	[tilespmem:$0x17000] =	vst v0  }
0x76: {  	[tilespmem:$0x17010] =	vst v0  }
0x77: {  	[tilespmem:$0x17020] =	vst v0  }
0x78: {  	[tilespmem:$0x17030] =	vst v0  }
0x79: {  	[tilespmem:$0x17040] =	vst v0  }
0x7a: {  	[tilespmem:$0x17050] =	vst v0  }
0x7b: {  	[tilespmem:$0x17060] =	vst v0  }
0x7c: {  	[tilespmem:$0x17070] =	vst v0  }
0x7d: {  	[tilespmem:$0x17080] =	vst v0  }
0x7e: {  	[tilespmem:$0x17090] =	vst v0  }
0x7f: {  	[tilespmem:$0x170A0] =	vst v0  }
0x80: {  	[tilespmem:$0x170B0] =	vst v0  }
0x81: {  	[tilespmem:$0x170C0] =	vst v0  }
0x82: {  	[tilespmem:$0x170D0] =	vst v0  }
0x83: {  	[tilespmem:$0x170E0] =	vst v0  }
0x84: {  	[tilespmem:$0x170F0] =	vst v0  }
0x85: {  	[tilespmem:$0x17100] =	vst v0  }
0x86: {  	[tilespmem:$0x17110] =	vst v0  }
0x87: {  	[tilespmem:$0x17120] =	vst v0  }
0x88: {  	[tilespmem:$0x17130] =	vst v0  }
0x89: {  	[tilespmem:$0x17140] =	vst v0  }
0x8a: {  	[tilespmem:$0x17150] =	vst v0  }
0x8b: {  	[tilespmem:$0x17160] =	vst v0  }
0x8c: {  	[tilespmem:$0x17170] =	vst v0  }
0x8d: {  	[tilespmem:$0x17180] =	vst v0  }
0x8e: {  	[tilespmem:$0x17190] =	vst v0  }
0x8f: {  	[tilespmem:$0x171A0] =	vst v0  }
0x90: {  	[tilespmem:$0x171B0] =	vst v0  }
0x91: {  	[tilespmem:$0x171C0] =	vst v0  }
0x92: {  	[tilespmem:$0x171D0] =	vst v0  }
0x93: {  	[tilespmem:$0x171E0] =	vst v0  }
0x94: {  	[tilespmem:$0x171F0] =	vst v0;
	s14 =	sadd.s32 $0x0, s6  }
0x95: {  	[spmem:s14] =	stream.linear.scatter [tilespmem:s16], [sflag:$0x3], $0x800, $0x38;
	[tilespmem:$0x17200] =	vst v63  }
0x96: {  	s14 =	simm.s32 $0x2000;
	_ =	swait.ge [sflag:s17], $0x800  }
.LBB2_2:
0x97: {  	s29 =	sshra.s32 s14, $0x2;
	[sflag:s17] =	ssyncset.done $0x0;
	p0 =	sne.s32 s14, $0x4E000  }
.Ltmp0:
0x98: {  	s29 =	sadd.s32 s29, s6;
	[sflag:s17] =	ssyncadd.s32 $0xFFFFF800;
	(pc) =	sbr.rel @p0 .LBB2_2-.Ltmp0, $3  }
0x99: {  	[spmem:s29] =	stream.linear.scatter [tilespmem:s16], [sflag:$0x3], $0x800, $0x38;
	[tilespmem:$0x17200] =	vst v63  }
0x9a: {  	s14 =	sadd.s32 $0x2000, s14;
	_ =	sdelay $0x1  }
0x9b: {  	_ =	swait.ge [sflag:s17], $0x800  }
0x9c: {  	[sflag:s17] =	ssyncset.done $0x0  }
0x9d: {  	[sflag:s17] =	ssyncadd.s32 $0xFFFFF800  }
0x9e: {  	[bflag:$0x0] =	sbarrier.arrive $0xFFFF  }
0x9f: {  	s14 =	simm.s32 $0x0;
	s3 =	rddreg [dreg:$0x3]  }
0xa0: {  	[tilespmem:s18], [sflag:$0x1] =	stream.linear.gather [hbm4b:s3+s14], $0x28, $0x38;
	[tilespmem:$0x17200] =	vst v63  }
0xa1: {  	s7 =	rddreg [dreg:$0x4]  }
0xa2: {  	[tilespmem:s19], [sflag:$0x1] =	stream.linear.gather [hbm4b:s7+s14], $0x28, $0x38;
	[tilespmem:$0x17200] =	vst v63  }
0xa3: {  	_ = 	snop  }
0xa4: {  	[tilespmem:s20], [sflag:$0x1] =	stream.linear.gather [hbm4b:s9+s14], $0x1400, $0x38;
	[tilespmem:$0x17200] =	vst v63  }
0xa5: {  	_ = 	snop  }
0xa6: {  	[tilespmem:s21], [sflag:$0x2] =	stream.linear.gather [hbm4b:s15+s2], $0x28, $0x38;
	[tilespmem:$0x17200] =	vst v63  }
0xa7: {  	s8 =	sadd.s32 $0x0, s12  }
0xa8: {  	[tilespmem:s22], [sflag:$0x2] =	stream.linear.gather [hbm4b:s0+s2], $0x28, $0x38;
	[tilespmem:$0x17200] =	vst v63  }
0xa9: {  	s29 =	sadd.s32 $0x280, s8  }
0xaa: {  	[tilespmem:s23], [sflag:$0x2] =	stream.linear.gather [hbm4b:s29+s2], $0x1400, $0x38;
	[tilespmem:$0x17200] =	vst v63  }
0xab: {  	_ =	swait.ge [sflag:s24], $0x28  }
0xac: {  	[sflag:s24] =	ssyncset.done $0x0  }
0xad: {  	[sflag:s24] =	ssyncadd.s32 $0xFFFFFFD8  }
0xae: {  	_ =	swait.ge [sflag:s24], $0x28  }
0xaf: {  	[sflag:s24] =	ssyncset.done $0x0  }
0xb0: {  	[sflag:s24] =	ssyncadd.s32 $0xFFFFFFD8  }
0xb1: {  	_ =	swait.ge [sflag:s24], $0x1400  }
0xb2: {  	[sflag:s24] =	ssyncset.done $0x0  }
0xb3: {  	[sflag:s24] =	ssyncadd.s32 $0xFFFFEC00  }
0xb4: {  	[spmem:s1] =	stream.indirect.scatter.add.f32 [tilespmem:s20], [sflag:$0x3], $0x80, s18, s25, $0xb8;
	[tilespmem:$0x17200] =	vst v63  }
0xb5: {  	_ =	swait.ge [sflag:s17], $0x1400  }
0xb6: {  	[sflag:s17] =	ssyncset.done $0x0  }
0xb7: {  	[sflag:s17] =	ssyncadd.s32 $0xFFFFEC00  }
0xb8: {  	[spmem:s1] =	stream.indirect.scatter.add.f32 [tilespmem:s20], [sflag:$0x3], $0x80, s19, s25, $0xb8;
	[tilespmem:$0x17200] =	vst v63  }
0xb9: {  	_ =	swait.ge [sflag:s17], $0x1400  }
0xba: {  	s29 =	sshrl.u32 s13, $0x3;
	[sflag:s17] =	ssyncset.done $0x0  }
0xbb: {  	s30 =	sadd.s32 s4, s29;
	[sflag:s17] =	ssyncadd.s32 $0xFFFFEC00  }
0xbc: {  	[tilespmem:s18], [sflag:$0x1] =	stream.linear.gather [hbm4b:s30+s2], $0x28, $0x38;
	[tilespmem:$0x17200] =	vst v63  }
0xbd: {  	s29 =	sadd.s32 s5, s29  }
0xbe: {  	[tilespmem:s19], [sflag:$0x1] =	stream.linear.gather [hbm4b:s29+s2], $0x28, $0x38;
	[tilespmem:$0x17200] =	vst v63  }
0xbf: {  	s14 =	sadd.s32 $0x500, s8  }
0xc0: {  	[tilespmem:s20], [sflag:$0x1] =	stream.linear.gather [hbm4b:s14+s2], $0x1400, $0x38;
	[tilespmem:$0x17200] =	vst v63  }
0xc1: {  	_ =	swait.ge [sflag:s26], $0x28  }
0xc2: {  	[sflag:s26] =	ssyncset.done $0x0  }
0xc3: {  	[sflag:s26] =	ssyncadd.s32 $0xFFFFFFD8  }
0xc4: {  	_ =	swait.ge [sflag:s26], $0x28  }
0xc5: {  	[sflag:s26] =	ssyncset.done $0x0  }
0xc6: {  	[sflag:s26] =	ssyncadd.s32 $0xFFFFFFD8  }
0xc7: {  	_ =	swait.ge [sflag:s26], $0x1400  }
0xc8: {  	[sflag:s26] =	ssyncset.done $0x0  }
0xc9: {  	[sflag:s26] =	ssyncadd.s32 $0xFFFFEC00  }
0xca: {  	[spmem:s1] =	stream.indirect.scatter.add.f32 [tilespmem:s23], [sflag:$0x3], $0x80, s21, s25, $0xb8;
	[tilespmem:$0x17200] =	vst v63  }
0xcb: {  	_ =	swait.ge [sflag:s17], $0x1400  }
0xcc: {  	[sflag:s17] =	ssyncset.done $0x0  }
0xcd: {  	[sflag:s17] =	ssyncadd.s32 $0xFFFFEC00  }
0xce: {  	[spmem:s1] =	stream.indirect.scatter.add.f32 [tilespmem:s23], [sflag:$0x3], $0x80, s22, s25, $0xb8;
	[tilespmem:$0x17200] =	vst v63  }
0xcf: {  	s31 =	smov.u32 s13;
	s30 =	sadd.s32 $0xA, s15;
	_ =	swait.ge [sflag:s17], $0x1400  }
0xd0: {  	s29 =	simm.s32 $0x500;
	s14 =	smov.u32 s0;
	[sflag:s17] =	ssyncset.done $0x0  }
.LBB2_4:
0xd1: {  	[sflag:s17] =	ssyncadd.s32 $0xFFFFEC00;
	s31 =	sadd.s32 $0x50, s31;
	s14 =	sadd.s32 $0xA, s14  }
0xd2: {  	[tilespmem:s21], [sflag:$0x2] =	stream.linear.gather [hbm4b:s30+s2], $0x28, $0x38;
	[tilespmem:$0x17200] =	vst v63  }
0xd3: {  	s3 =	sadd.s32 s29, s12;
	p0 =	sne.s32 s29, $0x13100;
	s29 =	sadd.s32 $0x500, s29  }
0xd4: {  	[tilespmem:s22], [sflag:$0x2] =	stream.linear.gather [hbm4b:s14+s2], $0x28, $0x38;
	[tilespmem:$0x17200] =	vst v63  }
0xd5: {  	s7 =	sadd.s32 $0x280, s3  }
0xd6: {  	[tilespmem:s23], [sflag:$0x2] =	stream.linear.gather [hbm4b:s7+s2], $0x1400, $0x38;
	[tilespmem:$0x17200] =	vst v63  }
0xd7: {  	_ =	swait.ge [sflag:s24], $0x28  }
0xd8: {  	[sflag:s24] =	ssyncset.done $0x0  }
0xd9: {  	[sflag:s24] =	ssyncadd.s32 $0xFFFFFFD8  }
0xda: {  	_ =	swait.ge [sflag:s24], $0x28  }
0xdb: {  	[sflag:s24] =	ssyncset.done $0x0  }
0xdc: {  	[sflag:s24] =	ssyncadd.s32 $0xFFFFFFD8  }
0xdd: {  	_ =	swait.ge [sflag:s24], $0x1400  }
0xde: {  	[sflag:s24] =	ssyncset.done $0x0  }
0xdf: {  	[sflag:s24] =	ssyncadd.s32 $0xFFFFEC00  }
0xe0: {  	[spmem:s1] =	stream.indirect.scatter.add.f32 [tilespmem:s20], [sflag:$0x3], $0x80, s18, s25, $0xb8;
	[tilespmem:$0x17200] =	vst v63  }
0xe1: {  	_ =	swait.ge [sflag:s17], $0x1400  }
0xe2: {  	[sflag:s17] =	ssyncset.done $0x0  }
0xe3: {  	[sflag:s17] =	ssyncadd.s32 $0xFFFFEC00  }
0xe4: {  	[spmem:s1] =	stream.indirect.scatter.add.f32 [tilespmem:s20], [sflag:$0x3], $0x80, s19, s25, $0xb8;
	[tilespmem:$0x17200] =	vst v63  }
0xe5: {  	_ =	swait.ge [sflag:s17], $0x1400  }
0xe6: {  	s7 =	sshrl.u32 s31, $0x3;
	[sflag:s17] =	ssyncset.done $0x0  }
0xe7: {  	s8 =	sadd.s32 s4, s7;
	[sflag:s17] =	ssyncadd.s32 $0xFFFFEC00  }
0xe8: {  	[tilespmem:s18], [sflag:$0x1] =	stream.linear.gather [hbm4b:s8+s2], $0x28, $0x38;
	[tilespmem:$0x17200] =	vst v63  }
0xe9: {  	s7 =	sadd.s32 s5, s7  }
0xea: {  	[tilespmem:s19], [sflag:$0x1] =	stream.linear.gather [hbm4b:s7+s2], $0x28, $0x38;
	[tilespmem:$0x17200] =	vst v63  }
0xeb: {  	s3 =	sadd.s32 $0x500, s3  }
0xec: {  	[tilespmem:s20], [sflag:$0x1] =	stream.linear.gather [hbm4b:s3+s2], $0x1400, $0x38;
	[tilespmem:$0x17200] =	vst v63  }
0xed: {  	_ =	swait.ge [sflag:s26], $0x28  }
0xee: {  	[sflag:s26] =	ssyncset.done $0x0  }
0xef: {  	[sflag:s26] =	ssyncadd.s32 $0xFFFFFFD8  }
0xf0: {  	_ =	swait.ge [sflag:s26], $0x28  }
0xf1: {  	[sflag:s26] =	ssyncset.done $0x0  }
0xf2: {  	[sflag:s26] =	ssyncadd.s32 $0xFFFFFFD8  }
0xf3: {  	_ =	swait.ge [sflag:s26], $0x1400  }
0xf4: {  	[sflag:s26] =	ssyncset.done $0x0  }
0xf5: {  	[sflag:s26] =	ssyncadd.s32 $0xFFFFEC00  }
0xf6: {  	[spmem:s1] =	stream.indirect.scatter.add.f32 [tilespmem:s23], [sflag:$0x3], $0x80, s21, s25, $0xb8;
	[tilespmem:$0x17200] =	vst v63  }
0xf7: {  	_ =	swait.ge [sflag:s17], $0x1400  }
.Ltmp1:
0xf8: {  	[sflag:s17] =	ssyncset.done $0x0;
	(pc) =	sbr.rel @p0 .LBB2_4-.Ltmp1, $4  }
0xf9: {  	[sflag:s17] =	ssyncadd.s32 $0xFFFFEC00  }
0xfa: {  	[spmem:s1] =	stream.indirect.scatter.add.f32 [tilespmem:s23], [sflag:$0x3], $0x80, s22, s25, $0xb8;
	[tilespmem:$0x17200] =	vst v63  }
0xfb: {  	_ =	swait.ge [sflag:s17], $0x1400  }
0xfc: {  	s30 =	sadd.s32 $0xA, s30;
	[sflag:s17] =	ssyncset.done $0x0  }
0xfd: {  	[sflag:s17] =	ssyncadd.s32 $0xFFFFEC00  }
0xfe: {  	_ =	swait.ge [sflag:s24], $0x28  }
0xff: {  	[sflag:s24] =	ssyncset.done $0x0  }
0x100: {  	[sflag:s24] =	ssyncadd.s32 $0xFFFFFFD8  }
0x101: {  	_ =	swait.ge [sflag:s24], $0x28  }
0x102: {  	[sflag:s24] =	ssyncset.done $0x0  }
0x103: {  	[sflag:s24] =	ssyncadd.s32 $0xFFFFFFD8  }
0x104: {  	_ =	swait.ge [sflag:s24], $0x1400  }
0x105: {  	[sflag:s24] =	ssyncset.done $0x0  }
0x106: {  	[sflag:s24] =	ssyncadd.s32 $0xFFFFEC00  }
0x107: {  	[spmem:s1] =	stream.indirect.scatter.add.f32 [tilespmem:s20], [sflag:$0x3], $0x80, s18, s25, $0xb8;
	[tilespmem:$0x17200] =	vst v63  }
0x108: {  	_ =	swait.ge [sflag:s17], $0x1400  }
0x109: {  	[sflag:s17] =	ssyncset.done $0x0  }
0x10a: {  	[sflag:s17] =	ssyncadd.s32 $0xFFFFEC00  }
0x10b: {  	[spmem:s1] =	stream.indirect.scatter.add.f32 [tilespmem:s20], [sflag:$0x3], $0x80, s19, s25, $0xb8;
	[tilespmem:$0x17200] =	vst v63  }
0x10c: {  	s3 =	stileid.u32;
	_ =	swait.ge [sflag:s17], $0x1400  }
0x10d: {  	s7 =	sshrl.u32 s6, $0x3;
	s28 =	sadd.s32 $0x1, s28;
	[sflag:s17] =	ssyncset.done $0x0  }
0x10e: {  	s3 =	sshll.u32 s3, $0x6;
	p0 =	sne.s32 s28, s11;
	[sflag:s17] =	ssyncadd.s32 $0xFFFFEC00  }
.Ltmp2:
0x10f: {  	s3 =	sor.u32 $0x1C03, s3;
	[bflag:$0x0] =	sbarrier.arrive $0xFFFF;
	(pc) =	sbr.rel @p0 .LBB2_1-.Ltmp2, $4  }
0x110: {  	[hbm:s10], [sflag:s3] =	dma.local [spmem:s7], $0x2800  }
0x111: {  	_ =	swait.ge [sflag:s17], $0x2800  }
0x112: {  	[sflag:s17] =	ssyncset.done $0x0  }
0x113: {  	[sflag:s17] =	ssyncadd.s32 $0xFFFFD800  }
0x114: {  	_ =	sfence.sel $0x180000  }
0x115: {  	[bflag:$0x0] =	sbarrier.arrive $0xFFFF  }
0x116: {  	_ =	strace $0x90000047  }
0x117: {  	s0 =	stileid.u32;
	[bflag:$0x2] =	sbarrier.arrive $0xFFFF  }
0x118: {  	p0 =	sne.s32 s0, $0x0;
	s0 =	rddreg [dreg:$0x2]  }
0x119: {  	s0 =	sadd.s32 @!p0 $0x100000, s0  }
0x11a: {  	[sflag:s0] =	ssyncadd.tile.s32 @!p0 $0x1;
	_ =	shalt  }
.Lfunc_end2:
_tile_overlayer_lowered:
.L_overlay_start_2:
0x11b: {  	(tag) =	ssettag $0x2  }
0x11c: {  	s0 =	rddreg [dreg:$0x0];
	s2 =	stileid.u32  }
0x11d: {  	s1 =	rddreg [dreg:$0x1];
	p0 =	sne.s32 s2, $0x0  }
0x11e: {  	s3 =	rddreg [dreg:$0x2];
	[bflag:$0x3] =	sbarrier.arrive $0xFFFF;
	s2 =	simm.s32 @!p0 $0x1C03  }
0x11f: {  	[timem:s3], [sflag:s2] =	dma.local @!p0 [hbm:s0], s1  }
0x120: {  	s0 =	simm.s32 @!p0 $0x3  }
0x121: {  	_ =	swait.ge @!p0 [sflag:s0], s1  }
0x122: {  	s1 =	ssub.s32 @!p0 $0x0, s1;
	[sflag:s0] =	ssyncset.done @!p0 $0x0  }
0x123: {  	[sflag:s0] =	ssyncadd.s32 @!p0 s1  }
0x124: {  	[bflag:$0x3] =	sbarrier.arrive $0xFFFF  }
0x125: {  	_ =	shalt  }

// kernel: kernel.19.cloned.1.call-start
scs
__scs_entry_jumppad:
0x0: {  	(pc) =	sbr.rel $0x88, $3  }
0x1: {  	(tag) =	ssettag $0x0;
	lr =	simm.s32 $0x1  }
0x2: {  	[smem:$0x3F7C] =	sst lr;
	_ =	strace $0xD0000000  }
0x3: {  	_ = 	snop  }
0x4: {  	_ = 	snop  }
0x5: {  	_ = 	snop  }
0x6: {  	_ = 	snop  }
0x7: {  	_ = 	snop  }
__scs_overlays_trampoline_lowered:
0x8: {  	[smem:$0x3F8B] =	sst s0  }
0x9: {  	[smem:$0x3F8C] =	sst s1  }
0xa: {  	[smem:$0x3F8D] =	sst s2  }
0xb: {  	[smem:$0x3F8E] =	sst s3  }
0xc: {  	[smem:$0x3F8F] =	sst s4  }
0xd: {  	[smem:$0x3F90] =	sst s5  }
0xe: {  	[smem:$0x3F91] =	sst s6  }
0xf: {  	[smem:$0x3F92] =	sst s7  }
0x10: {  	[smem:$0x3F93] =	sst s8  }
0x11: {  	[smem:$0x3F94] =	sst s9;
	s0 =	simm.s32 @!p0 $0x0  }
0x12: {  	s1 =	sld [smem:$0x3F7A];
	s0 =	simm.s32 @p0 $0x1  }
0x13: {  	[smem:$0x3F95] =	sst s0;
	s0 =	simm.s32 @!p1 $0x0  }
0x14: {  	s2 =	sld [smem:$0x3F79];
	s0 =	simm.s32 @p1 $0x1  }
0x15: {  	[smem:$0x3F96] =	sst s0;
	s0 =	simm.s32 @!p2 $0x0  }
0x16: {  	s3 =	sld [smem:$0x3FDB];
	s0 =	simm.s32 @p2 $0x1  }
0x17: {  	s4 =	simm.s32 $0x1BF5;
	[smem:$0x3F98] =	sst s0  }
0x18: {  	s0 =	sld [smem:$0x3F7B];
	_ =	swait.ge [sflag:s4], $0x0  }
0x19: {  	s7 =	sld [smem:$0x3F7C]  }
0x1a: {  	s8 =	sadd.s32 $0xFFFFE003, lr  }
0x1b: {  	s9 =	sadd.s32 $0xFFFFFEF7, lr;
	s5 =	simm.s32 $0xFFFFFFFF;
	p2 =	slt.u32 s8, $0xFFFFF086  }
0x1c: {  	p1 =	slt.u32 s9, $0xF7A;
	s5 =	simm.s32 @!p2 $0x0  }
0x1d: {  	s5 =	simm.s32 @p1 $0x1;
	p0 =	seq.s32 s7, s2  }
0x1e: {  	s7 =	smul.u32 @!p0 $0xF7A, s2;
	p2 =	seq.s32 @!p0 s5, $0x0  }
0x1f: {  	s9 =	smul.u32 $0xF7A, s1;
	s8 =	simm.s32 @!p0 $0x1BF5;
	p2 =	por !p2, p0  }
0x20: {  	[sflag:s8] =	ssyncset.s32 @!p0 $0xFFFFF086;
	s6 =	sadd.s32 @!p0 s3, s7;
	s7 =	simm.s32 @!p0 $0x108  }
0x21: {  	s3 =	sadd.s32 s3, s9;
	s6 =	sadd.s32 @!p0 $0x88, s6;
	s7 =	simm.s32 @p2 $0x1082  }
0x22: {  	[simem:s7], [sflag:s8] =	dma.local @!p0 [hbm:s6], $0xF7A  }
0x23: {  	s9 =	sor.u32 $0xD0000000, s2;
	s6 =	simm.s32 $0x108;
	_ =	swait.ge @!p0 [sflag:s8], $0x0  }
0x24: {  	s3 =	sadd.s32 $0x88, s3;
	s6 =	simm.s32 @!p1 $0x1082;
	[sflag:s4] =	ssyncset.s32 $0xFFFFF086  }
0x25: {  	[simem:s6], [sflag:s4] =	dma.local [hbm:s3], $0xF7A  }
0x26: {  	[smem:$0x3F7C] =	sst s1;
	(tag) =	ssettag s2;
	_ =	strace s9  }
0x27: {  	s1 =	sld [smem:$0x3F8C]  }
0x28: {  	s2 =	sld [smem:$0x3F8D]  }
0x29: {  	s4 =	sld [smem:$0x3F8F]  }
0x2a: {  	p0 =	seq.s32 s5, $0x0;
	s5 =	sld [smem:$0x3F90]  }
0x2b: {  	s6 =	sld [smem:$0x3F91]  }
0x2c: {  	s7 =	sld [smem:$0x3F92]  }
0x2d: {  	s3 =	simm.s32 $0x108;
	s8 =	sld [smem:$0x3F93]  }
0x2e: {  	s3 =	simm.s32 @!p0 $0x1082;
	s9 =	sld [smem:$0x3F94]  }
0x2f: {  	lr =	sadd.s32 s0, s3;
	s0 =	sld [smem:$0x3F8B]  }
0x30: {  	s3 =	sld [smem:$0x3F8E]  }
0x31: {  	[smem:$0x3F97] =	sst s10  }
0x32: {  	s10 =	sld [smem:$0x3F95];
	_ =	sdelay $0x3  }
0x33: {  	p0 =	seq.s32 s10, $0x1;
	s10 =	sld [smem:$0x3F97];
	_ =	sdelay $0x3  }
0x34: {  	[smem:$0x3F97] =	sst s10  }
0x35: {  	s10 =	sld [smem:$0x3F96];
	_ =	sdelay $0x3  }
0x36: {  	p1 =	seq.s32 s10, $0x1;
	s10 =	sld [smem:$0x3F97];
	_ =	sdelay $0x3  }
0x37: {  	[smem:$0x3F97] =	sst s10  }
0x38: {  	s10 =	sld [smem:$0x3F98]  }
0x39: {  	_ = 	snop;
	(pc) =	sbr.ind lr, $3  }
0x3a: {  	_ = 	snop  }
0x3b: {  	_ = 	snop  }
0x3c: {  	p2 =	seq.s32 s10, $0x1;
	s10 =	sld [smem:$0x3F97]  }
0x3d: {  	_ =	shalt  }
0x3e: {  	_ =	shalt  }
0x3f: {  	_ =	shalt  }
0x40: {  	_ =	shalt  }
0x41: {  	_ =	shalt  }
0x42: {  	_ =	shalt  }
0x43: {  	_ =	shalt  }
0x44: {  	_ =	shalt  }
0x45: {  	_ =	shalt  }
0x46: {  	_ =	shalt  }
0x47: {  	_ =	shalt  }
0x48: {  	_ =	shalt  }
0x49: {  	_ =	shalt  }
0x4a: {  	_ =	shalt  }
0x4b: {  	_ =	shalt  }
0x4c: {  	_ =	shalt  }
0x4d: {  	_ =	shalt  }
0x4e: {  	_ =	shalt  }
0x4f: {  	_ =	shalt  }
0x50: {  	_ =	shalt  }
0x51: {  	_ =	shalt  }
0x52: {  	_ =	shalt  }
0x53: {  	_ =	shalt  }
0x54: {  	_ =	shalt  }
0x55: {  	_ =	shalt  }
0x56: {  	_ =	shalt  }
0x57: {  	_ =	shalt  }
0x58: {  	_ =	shalt  }
0x59: {  	_ =	shalt  }
0x5a: {  	_ =	shalt  }
0x5b: {  	_ =	shalt  }
0x5c: {  	_ =	shalt  }
0x5d: {  	_ =	shalt  }
0x5e: {  	_ =	shalt  }
0x5f: {  	_ =	shalt  }
0x60: {  	_ =	shalt  }
0x61: {  	_ =	shalt  }
0x62: {  	_ =	shalt  }
0x63: {  	_ =	shalt  }
0x64: {  	_ =	shalt  }
0x65: {  	_ =	shalt  }
0x66: {  	_ =	shalt  }
0x67: {  	_ =	shalt  }
0x68: {  	_ =	shalt  }
0x69: {  	_ =	shalt  }
0x6a: {  	_ =	shalt  }
0x6b: {  	_ =	shalt  }
0x6c: {  	_ =	shalt  }
0x6d: {  	_ =	shalt  }
0x6e: {  	_ =	shalt  }
0x6f: {  	_ =	shalt  }
0x70: {  	_ =	shalt  }
0x71: {  	_ =	shalt  }
0x72: {  	_ =	shalt  }
0x73: {  	_ =	shalt  }
0x74: {  	_ =	shalt  }
0x75: {  	_ =	shalt  }
0x76: {  	_ =	shalt  }
0x77: {  	_ =	shalt  }
0x78: {  	_ =	shalt  }
0x79: {  	_ =	shalt  }
0x7a: {  	_ =	shalt  }
0x7b: {  	_ =	shalt  }
0x7c: {  	_ =	shalt  }
0x7d: {  	_ =	shalt  }
0x7e: {  	_ =	shalt  }
0x7f: {  	_ =	shalt  }
0x80: {  	_ =	shalt  }
0x81: {  	_ =	shalt  }
0x82: {  	_ =	shalt  }
0x83: {  	_ =	shalt  }
0x84: {  	_ =	shalt  }
0x85: {  	_ =	shalt  }
0x86: {  	_ =	shalt  }
0x87: {  	_ =	shalt  }
.Lfunc_end0:
.L_simem_size_0:
called_computation.1_lowered:
.L_overlay_start_0:
0x88: {  	s2 =	sld [smem:$0x3FD9]  }
0x89: {  	s3 =	sld [smem:$0x3FFE];
	_ =	sdelay $0x1  }
0x8a: {  	s1 =	srdreg.scid  }
0x8b: {  	s0 =	sand.u32 $0x1, s1  }
0x8c: {  	s16 =	sshll.u32 s0, $0xA;
	s2 =	sadd.s32 s3, s2  }
0x8d: {  	s2 =	sadd.s32 s2, s16  }
0x8e: {  	[smem:$0x3FA3] =	sst s2  }
0x8f: {  	_ = 	snop  }
0x90: {  	(tm) =	ssettm $0x1  }
0x91: {  	s17 =	sld [smem:$0x3FFB];
	_ =	sdelay $0x3  }
0x92: {  	_ =	strace s17  }
0x93: {  	s2 =	sld [smem:$0x3FFC];
	_ =	sdelay $0x3  }
0x94: {  	_ =	strace s2  }
0x95: {  	s2 =	sld [smem:$0x3FFD];
	_ =	sdelay $0x3  }
0x96: {  	_ =	strace s2  }
0x97: {  	_ =	strace $0x8FFFFFFF  }
0x98: {  	s18 =	sld [smem:$0x3FDB];
	_ =	sdelay $0x1  }
0x99: {  	s19 =	simm.s32 $_scs_section_size  }
0x9a: {  	s4 =	simm.s32 $_size__tile_overlayer_lowered;
	s5 =	simm.s32 $_tile_overlayer_lowered  }
0x9b: {  	s22 =	simm.s32 $0x1BFF;
	s21 =	sshll.u32 s5, $0x1;
	s2 =	sadd.s32 s19, s18  }
0x9c: {  	s6 =	simm.s32 $0x0;
	s20 =	sshll.u32 s4, $0x1;
	s4 =	sadd.s32 s21, s2  }
0x9d: {  	[timem:s6], [sflag:s22] =	dma.local [hbm:s4], s20  }
0x9e: {  	_ =	swait.ge [sflag:s22], s20  }
0x9f: {  	s3 =	ssub.s32 $0x0, s20;
	[sflag:s22] =	ssyncset.done $0x0  }
0xa0: {  	[sflag:s22] =	ssyncadd.s32 s3;
	_ =	sdelay $0x1  }
0xa1: {  	s23 =	simm.s32 $0x1B8B  }
0xa2: {  	_ =	swait.ge [sflag:s23], $0x1  }
0xa3: {  	[sflag:s23] =	ssyncset.done $0x0  }
0xa4: {  	s25 =	simm.s32 $0x1B8E;
	s24 =	sld [smem:$0x3FFE];
	[sflag:s23] =	ssyncadd.s32 $0xFFFFFFFF  }
0xa5: {  	s26 =	simm.s32 $execute0_lowered;
	[smem:$0x3FD2] =	sst s25  }
0xa6: {  	s4 =	sshll.u32 s26, $0x1;
	_ =	strace $0x80000049;
	[dreg:$0x1] =	wrdreg $0xFFFFFFFF  }
0xa7: {  	s28 =	simm.s32 $_size_execute0_lowered;
	s2 =	sadd.s32 s2, s4;
	[dreg:$0x0] =	wrdreg $0x0  }
0xa8: {  	s4 =	sshll.u32 s28, $0x1;
	[dreg:$0x2] =	wrdreg s2  }
0xa9: {  	[dreg:$0x3] =	wrdreg s4  }
0xaa: {  	[dreg:$0x4] =	wrdreg $0xC0  }
0xab: {  	_ =	task [dreg:s6], $0x5FFFF  }
0xac: {  	[dreg:$0x1] =	wrdreg $0xFFFFFFFF  }
0xad: {  	[dreg:$0x0] =	wrdreg $0x60  }
0xae: {  	[dreg:$0x2] =	wrdreg s24  }
0xaf: {  	[dreg:$0x3] =	wrdreg $0x0  }
0xb0: {  	[dreg:$0x4] =	wrdreg $0x9  }
0xb1: {  	_ =	task.clear_ibuf [dreg:s6], $0x5FFFF;
	_ =	strace $0x90000049  }
0xb2: {  	s29 =	simm.s32 $0x9;
	_ =	strace $0x8000004B  }
0xb3: {  	_ =	swait.ge [sflag:s29], $0x1  }
0xb4: {  	[sflag:s29] =	ssyncadd.s32 $0xFFFFFFFF  }
0xb5: {  	_ =	strace $0x9000004B  }
0xb6: {  	_ =	sfence  }
0xb7: {  	s30 =	sld [smem:$0x0];
	_ =	sdelay $0x2  }
0xb8: {  	s31 =	sshll.u32 s1, $0xD;
	s1 =	sshrl.u32 s1, $0x2  }
0xb9: {  	s3 =	sand.u32 $0x4000, s31;
	s1 =	sadd.s32 s1, s30  }
0xba: {  	s0 =	sor.u32 s3, s0;
	s1 =	sshll.u32 s1, $0x11  }
0xbb: {  	s0 =	sor.u32 s1, s0  }
0xbc: {  	s0 =	sadd.s32 $0x8F2B, s0  }
0xbd: {  	[sflag:s0] =	ssyncadd.remote.s32 $0x1  }
0xbe: {  	_ =	sfence.sel $0xFFFF  }
0xbf: {  	[dreg:$0x0] =	wrdreg $0xFFFFFFFF;
	(pc) =	sbr.abs _section_cstart, $3  }
0xc0: {  	[dreg:$0x1] =	wrdreg $0xFFFFFFFF  }
0xc1: {  	_ =	task.clear_ibuf [dreg:s6], $0x2FFFF;
	_ =	strace $0x9FFFFFFF  }
0xc2: {  	(tm) =	ssettm $0x7FFFFFFF  }
0xc3: {  	_ =	shalt  }
tec
execute0_lowered:
.L_overlay_start_1:
0x0: {  	(tag) =	ssettag $0x1  }
0x1: {  	s4 =	rddreg [dreg:$0x0]  }
0x2: {  	s2 =	rddreg [dreg:$0x1]  }
0x3: {  	s0 =	rddreg [dreg:$0x2];
	s3 =	simm.s32 $0x0;
	s1 =	stileid.u32  }
0x4: {  	s6 =	srdreg.scid;
	s15 =	simm.s32 $0x1DF80;
	s16 =	simm.s32 $0x50  }
0x5: {  	s17 =	simm.s32 $0x18F80;
	s18 =	simm.s32 $0x1B780;
	s19 =	simm.s32 $0x1  }
0x6: {  	s20 =	simm.s32 $0x18F00;
	s21 =	simm.s32 $0x2;
	s5 =	smul.u32 $0x4E2, s1  }
0x7: {  	s22 =	simm.s32 $0x0;
	[smem:$0x7FF] =	sst s3;
	s8 =	smul.u32 $0x50000, s1  }
0x8: {  	s7 =	sand.u32 $0x1, s6;
	s10 =	sadd.s32 $0x13FE00, s4;
	s11 =	smul.u32 $0x14000, s1  }
0x9: {  	s9 =	sadd.s32 $0x7600, s4;
	_ =	strace $0x8000004A;
	s13 =	smul.u32 $0x280000, s7  }
0xa: {  	s6 =	ssub.s32 $0x2, s7;
	s14 =	sshllo.u32 s7, $0x1;
	s7 =	smul.u32 $0x4E200, s7  }
0xb: {  	s5 =	sadd.s32 s5, s4;
	s26 =	sshrl.u32 s6, $0x1;
	s29 =	smul.u32 $0x140000, s14  }
0xc: {  	s28 =	sshrl.u32 s8, $0x2;
	s14 =	smul.u32 $0x27100, s14;
	s12 =	ssub.s32 s6, s26  }
0xd: {  	s4 =	sadd.s32 $0x27D600, s5;
	s5 =	sadd.s32 $0x278600, s5;
	s6 =	sadd.s32 s28, s2  }
0xe: {  	s13 =	sadd.s32 s11, s13;
	s7 =	sadd.s32 s9, s7;
	s8 =	sadd.s32 s11, s29  }
0xf: {  	s30 =	sshrl.u32 s13, $0x3;
	s9 =	sadd.s32 s9, s14;
	s11 =	smax.u32 s12, $0x1  }
0x10: {  	s12 =	simm.s32 $0x14000;
	s13 =	simm.s32 $0x3;
	s31 =	sshrl.u32 s8, $0x3  }
0x11: {  	v0 =	vimm.f32 $0.0e+00;
	s14 =	simm.s32 $0x16780;
	s8 =	sadd.s32 s10, s30;
	s10 =	sadd.s32 s10, s31  }
.LBB2_1:
0x12: {  	[tilespmem:s12], [sflag:$0x3] =	stream.linear.gather [hbm4b:s4+s3], $0x2710, $0x38;
	[tilespmem:$0x1E780] =	vst v63  }
0x13: {  	_ =	swait.ge [sflag:s13], $0x2710  }
0x14: {  	[sflag:s13] =	ssyncset.done $0x0  }
0x15: {  	[sflag:s13] =	ssyncadd.s32 $0xFFFFD8F0  }
0x16: {  	[tilespmem:s14], [sflag:$0x3] =	stream.linear.gather [hbm4b:s5+s3], $0x2710, $0x38;
	[tilespmem:$0x1E780] =	vst v63  }
0x17: {  	_ =	swait.ge [sflag:s13], $0x2710  }
0x18: {  	[sflag:s13] =	ssyncset.done $0x0  }
0x19: {  	[sflag:s13] =	ssyncadd.s32 $0xFFFFD8F0  }
0x1a: {  	[tilespmem:$0x1DF80] =	vst v0  }
0x1b: {  	[tilespmem:$0x1DF90] =	vst v0  }
0x1c: {  	[tilespmem:$0x1DFA0] =	vst v0  }
0x1d: {  	[tilespmem:$0x1DFB0] =	vst v0  }
0x1e: {  	[tilespmem:$0x1DFC0] =	vst v0  }
0x1f: {  	[tilespmem:$0x1DFD0] =	vst v0  }
0x20: {  	[tilespmem:$0x1DFE0] =	vst v0  }
0x21: {  	[tilespmem:$0x1DFF0] =	vst v0  }
0x22: {  	[tilespmem:$0x1E000] =	vst v0  }
0x23: {  	[tilespmem:$0x1E010] =	vst v0  }
0x24: {  	[tilespmem:$0x1E020] =	vst v0  }
0x25: {  	[tilespmem:$0x1E030] =	vst v0  }
0x26: {  	[tilespmem:$0x1E040] =	vst v0  }
0x27: {  	[tilespmem:$0x1E050] =	vst v0  }
0x28: {  	[tilespmem:$0x1E060] =	vst v0  }
0x29: {  	[tilespmem:$0x1E070] =	vst v0  }
0x2a: {  	[tilespmem:$0x1E080] =	vst v0  }
0x2b: {  	[tilespmem:$0x1E090] =	vst v0  }
0x2c: {  	[tilespmem:$0x1E0A0] =	vst v0  }
0x2d: {  	[tilespmem:$0x1E0B0] =	vst v0  }
0x2e: {  	[tilespmem:$0x1E0C0] =	vst v0  }
0x2f: {  	[tilespmem:$0x1E0D0] =	vst v0  }
0x30: {  	[tilespmem:$0x1E0E0] =	vst v0  }
0x31: {  	[tilespmem:$0x1E0F0] =	vst v0  }
0x32: {  	[tilespmem:$0x1E100] =	vst v0  }
0x33: {  	[tilespmem:$0x1E110] =	vst v0  }
0x34: {  	[tilespmem:$0x1E120] =	vst v0  }
0x35: {  	[tilespmem:$0x1E130] =	vst v0  }
0x36: {  	[tilespmem:$0x1E140] =	vst v0  }
0x37: {  	[tilespmem:$0x1E150] =	vst v0  }
0x38: {  	[tilespmem:$0x1E160] =	vst v0  }
0x39: {  	[tilespmem:$0x1E170] =	vst v0  }
0x3a: {  	[tilespmem:$0x1E180] =	vst v0  }
0x3b: {  	[tilespmem:$0x1E190] =	vst v0  }
0x3c: {  	[tilespmem:$0x1E1A0] =	vst v0  }
0x3d: {  	[tilespmem:$0x1E1B0] =	vst v0  }
0x3e: {  	[tilespmem:$0x1E1C0] =	vst v0  }
0x3f: {  	[tilespmem:$0x1E1D0] =	vst v0  }
0x40: {  	[tilespmem:$0x1E1E0] =	vst v0  }
0x41: {  	[tilespmem:$0x1E1F0] =	vst v0  }
0x42: {  	[tilespmem:$0x1E200] =	vst v0  }
0x43: {  	[tilespmem:$0x1E210] =	vst v0  }
0x44: {  	[tilespmem:$0x1E220] =	vst v0  }
0x45: {  	[tilespmem:$0x1E230] =	vst v0  }
0x46: {  	[tilespmem:$0x1E240] =	vst v0  }
0x47: {  	[tilespmem:$0x1E250] =	vst v0  }
0x48: {  	[tilespmem:$0x1E260] =	vst v0  }
0x49: {  	[tilespmem:$0x1E270] =	vst v0  }
0x4a: {  	[tilespmem:$0x1E280] =	vst v0  }
0x4b: {  	[tilespmem:$0x1E290] =	vst v0  }
0x4c: {  	[tilespmem:$0x1E2A0] =	vst v0  }
0x4d: {  	[tilespmem:$0x1E2B0] =	vst v0  }
0x4e: {  	[tilespmem:$0x1E2C0] =	vst v0  }
0x4f: {  	[tilespmem:$0x1E2D0] =	vst v0  }
0x50: {  	[tilespmem:$0x1E2E0] =	vst v0  }
0x51: {  	[tilespmem:$0x1E2F0] =	vst v0  }
0x52: {  	[tilespmem:$0x1E300] =	vst v0  }
0x53: {  	[tilespmem:$0x1E310] =	vst v0  }
0x54: {  	[tilespmem:$0x1E320] =	vst v0  }
0x55: {  	[tilespmem:$0x1E330] =	vst v0  }
0x56: {  	[tilespmem:$0x1E340] =	vst v0  }
0x57: {  	[tilespmem:$0x1E350] =	vst v0  }
0x58: {  	[tilespmem:$0x1E360] =	vst v0  }
0x59: {  	[tilespmem:$0x1E370] =	vst v0  }
0x5a: {  	[tilespmem:$0x1E380] =	vst v0  }
0x5b: {  	[tilespmem:$0x1E390] =	vst v0  }
0x5c: {  	[tilespmem:$0x1E3A0] =	vst v0  }
0x5d: {  	[tilespmem:$0x1E3B0] =	vst v0  }
0x5e: {  	[tilespmem:$0x1E3C0] =	vst v0  }
0x5f: {  	[tilespmem:$0x1E3D0] =	vst v0  }
0x60: {  	[tilespmem:$0x1E3E0] =	vst v0  }
0x61: {  	[tilespmem:$0x1E3F0] =	vst v0  }
0x62: {  	[tilespmem:$0x1E400] =	vst v0  }
0x63: {  	[tilespmem:$0x1E410] =	vst v0  }
0x64: {  	[tilespmem:$0x1E420] =	vst v0  }
0x65: {  	[tilespmem:$0x1E430] =	vst v0  }
0x66: {  	[tilespmem:$0x1E440] =	vst v0  }
0x67: {  	[tilespmem:$0x1E450] =	vst v0  }
0x68: {  	[tilespmem:$0x1E460] =	vst v0  }
0x69: {  	[tilespmem:$0x1E470] =	vst v0  }
0x6a: {  	[tilespmem:$0x1E480] =	vst v0  }
0x6b: {  	[tilespmem:$0x1E490] =	vst v0  }
0x6c: {  	[tilespmem:$0x1E4A0] =	vst v0  }
0x6d: {  	[tilespmem:$0x1E4B0] =	vst v0  }
0x6e: {  	[tilespmem:$0x1E4C0] =	vst v0  }
0x6f: {  	[tilespmem:$0x1E4D0] =	vst v0  }
0x70: {  	[tilespmem:$0x1E4E0] =	vst v0  }
0x71: {  	[tilespmem:$0x1E4F0] =	vst v0  }
0x72: {  	[tilespmem:$0x1E500] =	vst v0  }
0x73: {  	[tilespmem:$0x1E510] =	vst v0  }
0x74: {  	[tilespmem:$0x1E520] =	vst v0  }
0x75: {  	[tilespmem:$0x1E530] =	vst v0  }
0x76: {  	[tilespmem:$0x1E540] =	vst v0  }
0x77: {  	[tilespmem:$0x1E550] =	vst v0  }
0x78: {  	[tilespmem:$0x1E560] =	vst v0  }
0x79: {  	[tilespmem:$0x1E570] =	vst v0  }
0x7a: {  	[tilespmem:$0x1E580] =	vst v0  }
0x7b: {  	[tilespmem:$0x1E590] =	vst v0  }
0x7c: {  	[tilespmem:$0x1E5A0] =	vst v0  }
0x7d: {  	[tilespmem:$0x1E5B0] =	vst v0  }
0x7e: {  	[tilespmem:$0x1E5C0] =	vst v0  }
0x7f: {  	[tilespmem:$0x1E5D0] =	vst v0  }
0x80: {  	[tilespmem:$0x1E5E0] =	vst v0  }
0x81: {  	[tilespmem:$0x1E5F0] =	vst v0  }
0x82: {  	[tilespmem:$0x1E600] =	vst v0  }
0x83: {  	[tilespmem:$0x1E610] =	vst v0  }
0x84: {  	[tilespmem:$0x1E620] =	vst v0  }
0x85: {  	[tilespmem:$0x1E630] =	vst v0  }
0x86: {  	[tilespmem:$0x1E640] =	vst v0  }
0x87: {  	[tilespmem:$0x1E650] =	vst v0  }
0x88: {  	[tilespmem:$0x1E660] =	vst v0  }
0x89: {  	[tilespmem:$0x1E670] =	vst v0  }
0x8a: {  	[tilespmem:$0x1E680] =	vst v0  }
0x8b: {  	[tilespmem:$0x1E690] =	vst v0  }
0x8c: {  	[tilespmem:$0x1E6A0] =	vst v0  }
0x8d: {  	[tilespmem:$0x1E6B0] =	vst v0  }
0x8e: {  	[tilespmem:$0x1E6C0] =	vst v0  }
0x8f: {  	[tilespmem:$0x1E6D0] =	vst v0  }
0x90: {  	[tilespmem:$0x1E6E0] =	vst v0  }
0x91: {  	[tilespmem:$0x1E6F0] =	vst v0  }
0x92: {  	[tilespmem:$0x1E700] =	vst v0  }
0x93: {  	[tilespmem:$0x1E710] =	vst v0  }
0x94: {  	[tilespmem:$0x1E720] =	vst v0  }
0x95: {  	[tilespmem:$0x1E730] =	vst v0  }
0x96: {  	[tilespmem:$0x1E740] =	vst v0  }
0x97: {  	[tilespmem:$0x1E750] =	vst v0  }
0x98: {  	[tilespmem:$0x1E760] =	vst v0  }
0x99: {  	s23 =	sadd.s32 $0x0, s6;
	[tilespmem:$0x1E770] =	vst v0  }
0x9a: {  	[spmem:s23] =	stream.linear.scatter [tilespmem:s15], [sflag:$0x3], $0x800, $0x38;
	[tilespmem:$0x1E780] =	vst v63  }
0x9b: {  	s23 =	simm.s32 $0x2000;
	_ =	swait.ge [sflag:s13], $0x800  }
.LBB2_2:
0x9c: {  	s24 =	sshra.s32 s23, $0x2;
	[sflag:s13] =	ssyncset.done $0x0;
	p0 =	sne.s32 s23, $0x4E000  }
.Ltmp0:
0x9d: {  	s24 =	sadd.s32 s24, s6;
	[sflag:s13] =	ssyncadd.s32 $0xFFFFF800;
	(pc) =	sbr.rel @p0 .LBB2_2-.Ltmp0, $3  }
0x9e: {  	[spmem:s24] =	stream.linear.scatter [tilespmem:s15], [sflag:$0x3], $0x800, $0x38;
	[tilespmem:$0x1E780] =	vst v63  }
0x9f: {  	s23 =	sadd.s32 $0x2000, s23;
	_ =	sdelay $0x1  }
0xa0: {  	_ =	swait.ge [sflag:s13], $0x800  }
0xa1: {  	[sflag:s13] =	ssyncset.done $0x0  }
0xa2: {  	[sflag:s13] =	ssyncadd.s32 $0xFFFFF800  }
0xa3: {  	[bflag:$0x0] =	sbarrier.arrive $0xFFFF  }
0xa4: {  	[tilespmem:s17], [sflag:$0x1] =	stream.indirect.gather [hbm4b:s7+s16], $0x80, s12, s16, $0xb8;
	[tilespmem:$0x1E780] =	vst v63  }
0xa5: {  	s23 =	simm.s32 $0x14050  }
0xa6: {  	[tilespmem:s18], [sflag:$0x2] =	stream.indirect.gather [hbm4b:s7+s16], $0x80, s23, s16, $0xb8;
	[tilespmem:$0x1E780] =	vst v63  }
0xa7: {  	_ =	swait.ge [sflag:s19], $0x2800  }
0xa8: {  	[sflag:s19] =	ssyncset.done $0x0  }
0xa9: {  	s23 =	simm.s32 $0x167D0;
	[sflag:s19] =	ssyncadd.s32 $0xFFFFD800  }
0xaa: {  	v1 =	vld [tilespmem:s23+$0xFFFFFFB0];
	_ =	sdelay $0x4  }
0xab: {  	[tilespmem:$0x18F00] =	vst v1  }
0xac: {  	v1 =	vld [tilespmem:s23+$0xFFFFFFC0];
	_ =	sdelay $0x4  }
0xad: {  	[tilespmem:$0x18F10] =	vst v1  }
0xae: {  	v1 =	vld [tilespmem:s23+$0xFFFFFFD0];
	_ =	sdelay $0x4  }
0xaf: {  	[tilespmem:$0x18F20] =	vst v1  }
0xb0: {  	v1 =	vld [tilespmem:s23+$0xFFFFFFE0];
	_ =	sdelay $0x4  }
0xb1: {  	[tilespmem:$0x18F30] =	vst v1  }
0xb2: {  	v1 =	vld [tilespmem:s23+$0xFFFFFFF0];
	_ =	sdelay $0x4  }
0xb3: {  	[tilespmem:$0x18F40] =	vst v1  }
0xb4: {  	[spmem:s2] =	stream.indirect.scatter.add.f32 [tilespmem:s17], [sflag:$0x3], $0x80, s20, s16, $0xb8;
	[tilespmem:$0x1E780] =	vst v63  }
0xb5: {  	_ =	swait.ge [sflag:s13], $0x2800  }
0xb6: {  	[sflag:s13] =	ssyncset.done $0x0  }
0xb7: {  	s24 =	simm.s32 $0x140A0;
	[sflag:s13] =	ssyncadd.s32 $0xFFFFD800  }
0xb8: {  	[tilespmem:s17], [sflag:$0x1] =	stream.indirect.gather [hbm4b:s7+s16], $0x80, s24, s16, $0xb8;
	[tilespmem:$0x1E780] =	vst v63  }
0xb9: {  	_ =	swait.ge [sflag:s21], $0x2800  }
0xba: {  	[sflag:s21] =	ssyncset.done $0x0  }
0xbb: {  	[sflag:s21] =	ssyncadd.s32 $0xFFFFD800  }
0xbc: {  	v1 =	vld [tilespmem:s23+$0x0];
	_ =	sdelay $0x4  }
0xbd: {  	[tilespmem:$0x18F00] =	vst v1  }
0xbe: {  	v1 =	vld [tilespmem:s23+$0x10];
	_ =	sdelay $0x4  }
0xbf: {  	[tilespmem:$0x18F10] =	vst v1  }
0xc0: {  	v1 =	vld [tilespmem:s23+$0x20];
	_ =	sdelay $0x3  }
0xc1: {  	s31 =	simm.s32 $0x0  }
0xc2: {  	s24 =	sand.u32 $0x3FE0, s31;
	[tilespmem:$0x18F20] =	vst v1  }
0xc3: {  	v1 =	vld [tilespmem:s24+$0x16800];
	_ =	sdelay $0x4  }
0xc4: {  	[tilespmem:$0x18F30] =	vst v1  }
0xc5: {  	v1 =	vld [tilespmem:s23+$0x40];
	_ =	sdelay $0x4  }
0xc6: {  	[tilespmem:$0x18F40] =	vst v1  }
0xc7: {  	[spmem:s2] =	stream.indirect.scatter.add.f32 [tilespmem:s18], [sflag:$0x3], $0x80, s20, s16, $0xb8;
	[tilespmem:$0x1E780] =	vst v63  }
0xc8: {  	s26 =	simm.s32 $0x140;
	_ =	swait.ge [sflag:s13], $0x2800  }
0xc9: {  	s25 =	simm.s32 $0x14140;
	s24 =	simm.s32 $0xA0;
	[sflag:s13] =	ssyncset.done $0x0  }
.LBB2_4:
0xca: {  	s29 =	sadd.s32 $0xFFFFFFB0, s25  }
0xcb: {  	[sflag:s13] =	ssyncadd.s32 $0xFFFFD800;
	s23 =	sadd.s32 $0xA0, s23;
	s28 =	smov.u32 s26  }
0xcc: {  	[tilespmem:s18], [sflag:$0x2] =	stream.indirect.gather [hbm4b:s7+s16], $0x80, s29, s16, $0xb8;
	[tilespmem:$0x1E780] =	vst v63  }
0xcd: {  	p0 =	sne.s32 s26, $0x2620;
	s26 =	sadd.s32 $0xA0, s26;
	_ =	swait.ge [sflag:s19], $0x2800  }
0xce: {  	[sflag:s19] =	ssyncset.done $0x0  }
0xcf: {  	[sflag:s19] =	ssyncadd.s32 $0xFFFFD800  }
0xd0: {  	v1 =	vld [tilespmem:s23+$0xFFFFFFB0];
	_ =	sdelay $0x4  }
0xd1: {  	[tilespmem:$0x18F00] =	vst v1  }
0xd2: {  	v1 =	vld [tilespmem:s23+$0xFFFFFFC0];
	_ =	sdelay $0x4  }
0xd3: {  	[tilespmem:$0x18F10] =	vst v1  }
0xd4: {  	v1 =	vld [tilespmem:s23+$0xFFFFFFD0];
	_ =	sdelay $0x4  }
0xd5: {  	[tilespmem:$0x18F20] =	vst v1  }
0xd6: {  	v1 =	vld [tilespmem:s23+$0xFFFFFFE0];
	_ =	sdelay $0x4  }
0xd7: {  	[tilespmem:$0x18F30] =	vst v1  }
0xd8: {  	v1 =	vld [tilespmem:s23+$0xFFFFFFF0];
	_ =	sdelay $0x4  }
0xd9: {  	[tilespmem:$0x18F40] =	vst v1  }
0xda: {  	[spmem:s2] =	stream.indirect.scatter.add.f32 [tilespmem:s17], [sflag:$0x3], $0x80, s20, s16, $0xb8;
	[tilespmem:$0x1E780] =	vst v63  }
0xdb: {  	_ =	swait.ge [sflag:s13], $0x2800  }
0xdc: {  	[sflag:s13] =	ssyncset.done $0x0  }
0xdd: {  	[sflag:s13] =	ssyncadd.s32 $0xFFFFD800  }
0xde: {  	[tilespmem:s17], [sflag:$0x1] =	stream.indirect.gather [hbm4b:s7+s16], $0x80, s25, s16, $0xb8;
	[tilespmem:$0x1E780] =	vst v63  }
0xdf: {  	_ =	swait.ge [sflag:s21], $0x2800  }
0xe0: {  	[sflag:s21] =	ssyncset.done $0x0  }
0xe1: {  	[sflag:s21] =	ssyncadd.s32 $0xFFFFD800  }
0xe2: {  	v1 =	vld [tilespmem:s23+$0x0];
	_ =	sdelay $0x4  }
0xe3: {  	[tilespmem:$0x18F00] =	vst v1  }
0xe4: {  	v1 =	vld [tilespmem:s23+$0x10];
	_ =	sdelay $0x4  }
0xe5: {  	[tilespmem:$0x18F10] =	vst v1  }
0xe6: {  	v1 =	vld [tilespmem:s23+$0x20];
	_ =	sdelay $0x4  }
0xe7: {  	s29 =	sand.u32 $0x3FE0, s24;
	s24 =	smov.u32 s28;
	[tilespmem:$0x18F20] =	vst v1  }
0xe8: {  	v1 =	vld [tilespmem:s29+$0x16800];
	_ =	sdelay $0x4  }
0xe9: {  	[tilespmem:$0x18F30] =	vst v1  }
0xea: {  	v1 =	vld [tilespmem:s23+$0x40];
	_ =	sdelay $0x3  }
.Ltmp1:
0xeb: {  	(pc) =	sbr.rel @p0 .LBB2_4-.Ltmp1, $4  }
0xec: {  	[tilespmem:$0x18F40] =	vst v1  }
0xed: {  	[spmem:s2] =	stream.indirect.scatter.add.f32 [tilespmem:s18], [sflag:$0x3], $0x80, s20, s16, $0xb8;
	[tilespmem:$0x1E780] =	vst v63  }
0xee: {  	_ =	swait.ge [sflag:s13], $0x2800  }
0xef: {  	s25 =	sadd.s32 $0xA0, s25;
	[sflag:s13] =	ssyncset.done $0x0  }
0xf0: {  	s26 =	sadd.s32 $0xFFFFFFB0, s25;
	[sflag:s13] =	ssyncadd.s32 $0xFFFFD800  }
0xf1: {  	[tilespmem:s18], [sflag:$0x2] =	stream.indirect.gather [hbm4b:s7+s16], $0x80, s26, s16, $0xb8;
	[tilespmem:$0x1E780] =	vst v63  }
0xf2: {  	_ =	swait.ge [sflag:s19], $0x2800  }
0xf3: {  	[sflag:s19] =	ssyncset.done $0x0  }
0xf4: {  	s23 =	sadd.s32 $0xA0, s23;
	[sflag:s19] =	ssyncadd.s32 $0xFFFFD800  }
0xf5: {  	v1 =	vld [tilespmem:s23+$0xFFFFFFB0];
	_ =	sdelay $0x4  }
0xf6: {  	[tilespmem:$0x18F00] =	vst v1  }
0xf7: {  	v1 =	vld [tilespmem:s23+$0xFFFFFFC0];
	_ =	sdelay $0x4  }
0xf8: {  	[tilespmem:$0x18F10] =	vst v1  }
0xf9: {  	v1 =	vld [tilespmem:s23+$0xFFFFFFD0];
	_ =	sdelay $0x4  }
0xfa: {  	[tilespmem:$0x18F20] =	vst v1  }
0xfb: {  	v1 =	vld [tilespmem:s23+$0xFFFFFFE0];
	_ =	sdelay $0x4  }
0xfc: {  	[tilespmem:$0x18F30] =	vst v1  }
0xfd: {  	v1 =	vld [tilespmem:s23+$0xFFFFFFF0];
	_ =	sdelay $0x4  }
0xfe: {  	[tilespmem:$0x18F40] =	vst v1  }
0xff: {  	[spmem:s2] =	stream.indirect.scatter.add.f32 [tilespmem:s17], [sflag:$0x3], $0x80, s20, s16, $0xb8;
	[tilespmem:$0x1E780] =	vst v63  }
0x100: {  	_ =	swait.ge [sflag:s13], $0x2800  }
0x101: {  	[sflag:s13] =	ssyncset.done $0x0  }
0x102: {  	[sflag:s13] =	ssyncadd.s32 $0xFFFFD800  }
0x103: {  	[tilespmem:s17], [sflag:$0x1] =	stream.indirect.gather [hbm4b:s7+s16], $0x80, s25, s16, $0xb8;
	[tilespmem:$0x1E780] =	vst v63  }
0x104: {  	_ =	swait.ge [sflag:s21], $0x2800  }
0x105: {  	[sflag:s21] =	ssyncset.done $0x0  }
0x106: {  	[sflag:s21] =	ssyncadd.s32 $0xFFFFD800  }
0x107: {  	v1 =	vld [tilespmem:s23+$0x0];
	_ =	sdelay $0x4  }
0x108: {  	[tilespmem:$0x18F00] =	vst v1  }
0x109: {  	v1 =	vld [tilespmem:s23+$0x10];
	_ =	sdelay $0x4  }
0x10a: {  	[tilespmem:$0x18F10] =	vst v1  }
0x10b: {  	v1 =	vld [tilespmem:s23+$0x20];
	_ =	sdelay $0x4  }
0x10c: {  	s24 =	sand.u32 $0x3FE0, s24;
	[tilespmem:$0x18F20] =	vst v1  }
0x10d: {  	v1 =	vld [tilespmem:s24+$0x16800];
	_ =	sdelay $0x4  }
0x10e: {  	[tilespmem:$0x18F30] =	vst v1  }
0x10f: {  	v1 =	vld [tilespmem:s23+$0x40];
	_ =	sdelay $0x4  }
0x110: {  	[tilespmem:$0x18F40] =	vst v1  }
0x111: {  	[spmem:s2] =	stream.indirect.scatter.add.f32 [tilespmem:s18], [sflag:$0x3], $0x80, s20, s16, $0xb8;
	[tilespmem:$0x1E780] =	vst v63  }
0x112: {  	_ =	swait.ge [sflag:s13], $0x2800  }
0x113: {  	[sflag:s13] =	ssyncset.done $0x0  }
0x114: {  	[sflag:s13] =	ssyncadd.s32 $0xFFFFD800  }
0x115: {  	_ =	swait.ge [sflag:s19], $0x2800  }
0x116: {  	[sflag:s19] =	ssyncset.done $0x0  }
0x117: {  	[sflag:s19] =	ssyncadd.s32 $0xFFFFD800  }
0x118: {  	v1 =	vld [tilespmem:$0x18E40]  }
0x119: {  	v2 =	vld [tilespmem:$0x18E50]  }
0x11a: {  	v3 =	vld [tilespmem:$0x18E60]  }
0x11b: {  	v4 =	vld [tilespmem:$0x18E70]  }
0x11c: {  	v5 =	vld [tilespmem:$0x18E80]  }
0x11d: {  	[tilespmem:$0x18F00] =	vst v1  }
0x11e: {  	[tilespmem:$0x18F10] =	vst v2  }
0x11f: {  	[tilespmem:$0x18F20] =	vst v3  }
0x120: {  	[tilespmem:$0x18F30] =	vst v4  }
0x121: {  	[tilespmem:$0x18F40] =	vst v5  }
0x122: {  	[spmem:s2] =	stream.indirect.scatter.add.f32 [tilespmem:s17], [sflag:$0x3], $0x80, s20, s16, $0xb8;
	[tilespmem:$0x1E780] =	vst v63  }
0x123: {  	_ =	swait.ge [sflag:s13], $0x2800  }
0x124: {  	[sflag:s13] =	ssyncset.done $0x0  }
0x125: {  	s30 =	sshll.u32 s1, $0x6;
	[sflag:s13] =	ssyncadd.s32 $0xFFFFD800  }
0x126: {  	s24 =	sshrl.u32 s6, $0x3;
	s23 =	sor.u32 $0x1C03, s30;
	[bflag:$0x0] =	sbarrier.arrive $0xFFFF  }
0x127: {  	[hbm:s8], [sflag:s23] =	dma.local [spmem:s24], $0x2800  }
0x128: {  	_ =	swait.ge [sflag:s13], $0x2800  }
0x129: {  	[sflag:s13] =	ssyncset.done $0x0  }
0x12a: {  	[sflag:s13] =	ssyncadd.s32 $0xFFFFD800  }
0x12b: {  	s31 =	sadd.s32 $0x0, s6;
	[bflag:$0x0] =	sbarrier.arrive $0xFFFF  }
0x12c: {  	[spmem:s31] =	stream.linear.scatter [tilespmem:s15], [sflag:$0x3], $0x800, $0x38;
	[tilespmem:$0x1E780] =	vst v63  }
0x12d: {  	s25 =	simm.s32 $0x2000;
	_ =	swait.ge [sflag:s13], $0x800  }
.LBB2_6:
0x12e: {  	s26 =	sshra.s32 s25, $0x2;
	[sflag:s13] =	ssyncset.done $0x0;
	p0 =	sne.s32 s25, $0x4E000  }
.Ltmp2:
0x12f: {  	s26 =	sadd.s32 s26, s6;
	[sflag:s13] =	ssyncadd.s32 $0xFFFFF800;
	(pc) =	sbr.rel @p0 .LBB2_6-.Ltmp2, $3  }
0x130: {  	[spmem:s26] =	stream.linear.scatter [tilespmem:s15], [sflag:$0x3], $0x800, $0x38;
	[tilespmem:$0x1E780] =	vst v63  }
0x131: {  	s25 =	sadd.s32 $0x2000, s25;
	_ =	sdelay $0x1  }
0x132: {  	_ =	swait.ge [sflag:s13], $0x800  }
0x133: {  	[sflag:s13] =	ssyncset.done $0x0  }
0x134: {  	[sflag:s13] =	ssyncadd.s32 $0xFFFFF800  }
0x135: {  	[bflag:$0x0] =	sbarrier.arrive $0xFFFF  }
0x136: {  	[tilespmem:s17], [sflag:$0x1] =	stream.indirect.gather [hbm4b:s9+s16], $0x80, s12, s16, $0xb8;
	[tilespmem:$0x1E780] =	vst v63  }
0x137: {  	s25 =	simm.s32 $0x14050  }
0x138: {  	[tilespmem:s18], [sflag:$0x2] =	stream.indirect.gather [hbm4b:s9+s16], $0x80, s25, s16, $0xb8;
	[tilespmem:$0x1E780] =	vst v63  }
0x139: {  	_ =	swait.ge [sflag:s19], $0x2800  }
0x13a: {  	[sflag:s19] =	ssyncset.done $0x0  }
0x13b: {  	s25 =	simm.s32 $0x167D0;
	[sflag:s19] =	ssyncadd.s32 $0xFFFFD800  }
0x13c: {  	v1 =	vld [tilespmem:s25+$0xFFFFFFB0];
	_ =	sdelay $0x4  }
0x13d: {  	[tilespmem:$0x18F00] =	vst v1  }
0x13e: {  	v1 =	vld [tilespmem:s25+$0xFFFFFFC0];
	_ =	sdelay $0x4  }
0x13f: {  	[tilespmem:$0x18F10] =	vst v1  }
0x140: {  	v1 =	vld [tilespmem:s25+$0xFFFFFFD0];
	_ =	sdelay $0x4  }
0x141: {  	[tilespmem:$0x18F20] =	vst v1  }
0x142: {  	v1 =	vld [tilespmem:s25+$0xFFFFFFE0];
	_ =	sdelay $0x4  }
0x143: {  	[tilespmem:$0x18F30] =	vst v1  }
0x144: {  	v1 =	vld [tilespmem:s25+$0xFFFFFFF0];
	_ =	sdelay $0x4  }
0x145: {  	[tilespmem:$0x18F40] =	vst v1  }
0x146: {  	[spmem:s2] =	stream.indirect.scatter.add.f32 [tilespmem:s17], [sflag:$0x3], $0x80, s20, s16, $0xb8;
	[tilespmem:$0x1E780] =	vst v63  }
0x147: {  	_ =	swait.ge [sflag:s13], $0x2800  }
0x148: {  	[sflag:s13] =	ssyncset.done $0x0  }
0x149: {  	s26 =	simm.s32 $0x140A0;
	[sflag:s13] =	ssyncadd.s32 $0xFFFFD800  }
0x14a: {  	[tilespmem:s17], [sflag:$0x1] =	stream.indirect.gather [hbm4b:s9+s16], $0x80, s26, s16, $0xb8;
	[tilespmem:$0x1E780] =	vst v63  }
0x14b: {  	_ =	swait.ge [sflag:s21], $0x2800  }
0x14c: {  	[sflag:s21] =	ssyncset.done $0x0  }
0x14d: {  	[sflag:s21] =	ssyncadd.s32 $0xFFFFD800  }
0x14e: {  	v1 =	vld [tilespmem:s25+$0x0];
	_ =	sdelay $0x4  }
0x14f: {  	[tilespmem:$0x18F00] =	vst v1  }
0x150: {  	v1 =	vld [tilespmem:s25+$0x10];
	_ =	sdelay $0x4  }
0x151: {  	[tilespmem:$0x18F10] =	vst v1  }
0x152: {  	v1 =	vld [tilespmem:s25+$0x20];
	_ =	sdelay $0x3  }
0x153: {  	s31 =	simm.s32 $0x0  }
0x154: {  	s26 =	sand.u32 $0x3FE0, s31;
	[tilespmem:$0x18F20] =	vst v1  }
0x155: {  	v1 =	vld [tilespmem:s26+$0x16800];
	_ =	sdelay $0x4  }
0x156: {  	[tilespmem:$0x18F30] =	vst v1  }
0x157: {  	v1 =	vld [tilespmem:s25+$0x40];
	_ =	sdelay $0x4  }
0x158: {  	[tilespmem:$0x18F40] =	vst v1  }
0x159: {  	[spmem:s2] =	stream.indirect.scatter.add.f32 [tilespmem:s18], [sflag:$0x3], $0x80, s20, s16, $0xb8;
	[tilespmem:$0x1E780] =	vst v63  }
0x15a: {  	s29 =	simm.s32 $0x140;
	_ =	swait.ge [sflag:s13], $0x2800  }
0x15b: {  	s28 =	simm.s32 $0x14140;
	s26 =	simm.s32 $0xA0;
	[sflag:s13] =	ssyncset.done $0x0  }
.LBB2_8:
0x15c: {  	s31 =	sadd.s32 $0xFFFFFFB0, s28  }
0x15d: {  	[sflag:s13] =	ssyncadd.s32 $0xFFFFD800;
	s25 =	sadd.s32 $0xA0, s25;
	s30 =	smov.u32 s29  }
0x15e: {  	[tilespmem:s18], [sflag:$0x2] =	stream.indirect.gather [hbm4b:s9+s16], $0x80, s31, s16, $0xb8;
	[tilespmem:$0x1E780] =	vst v63  }
0x15f: {  	p0 =	sne.s32 s29, $0x2620;
	s29 =	sadd.s32 $0xA0, s29;
	_ =	swait.ge [sflag:s19], $0x2800  }
0x160: {  	[sflag:s19] =	ssyncset.done $0x0  }
0x161: {  	[sflag:s19] =	ssyncadd.s32 $0xFFFFD800  }
0x162: {  	v1 =	vld [tilespmem:s25+$0xFFFFFFB0];
	_ =	sdelay $0x4  }
0x163: {  	[tilespmem:$0x18F00] =	vst v1  }
0x164: {  	v1 =	vld [tilespmem:s25+$0xFFFFFFC0];
	_ =	sdelay $0x4  }
0x165: {  	[tilespmem:$0x18F10] =	vst v1  }
0x166: {  	v1 =	vld [tilespmem:s25+$0xFFFFFFD0];
	_ =	sdelay $0x4  }
0x167: {  	[tilespmem:$0x18F20] =	vst v1  }
0x168: {  	v1 =	vld [tilespmem:s25+$0xFFFFFFE0];
	_ =	sdelay $0x4  }
0x169: {  	[tilespmem:$0x18F30] =	vst v1  }
0x16a: {  	v1 =	vld [tilespmem:s25+$0xFFFFFFF0];
	_ =	sdelay $0x4  }
0x16b: {  	[tilespmem:$0x18F40] =	vst v1  }
0x16c: {  	[spmem:s2] =	stream.indirect.scatter.add.f32 [tilespmem:s17], [sflag:$0x3], $0x80, s20, s16, $0xb8;
	[tilespmem:$0x1E780] =	vst v63  }
0x16d: {  	_ =	swait.ge [sflag:s13], $0x2800  }
0x16e: {  	[sflag:s13] =	ssyncset.done $0x0  }
0x16f: {  	[sflag:s13] =	ssyncadd.s32 $0xFFFFD800  }
0x170: {  	[tilespmem:s17], [sflag:$0x1] =	stream.indirect.gather [hbm4b:s9+s16], $0x80, s28, s16, $0xb8;
	[tilespmem:$0x1E780] =	vst v63  }
0x171: {  	_ =	swait.ge [sflag:s21], $0x2800  }
0x172: {  	[sflag:s21] =	ssyncset.done $0x0  }
0x173: {  	[sflag:s21] =	ssyncadd.s32 $0xFFFFD800  }
0x174: {  	v1 =	vld [tilespmem:s25+$0x0];
	_ =	sdelay $0x4  }
0x175: {  	[tilespmem:$0x18F00] =	vst v1  }
0x176: {  	v1 =	vld [tilespmem:s25+$0x10];
	_ =	sdelay $0x4  }
0x177: {  	[tilespmem:$0x18F10] =	vst v1  }
0x178: {  	v1 =	vld [tilespmem:s25+$0x20];
	_ =	sdelay $0x4  }
0x179: {  	s31 =	sand.u32 $0x3FE0, s26;
	s26 =	smov.u32 s30;
	[tilespmem:$0x18F20] =	vst v1  }
0x17a: {  	v1 =	vld [tilespmem:s31+$0x16800];
	_ =	sdelay $0x4  }
0x17b: {  	[tilespmem:$0x18F30] =	vst v1  }
0x17c: {  	v1 =	vld [tilespmem:s25+$0x40];
	_ =	sdelay $0x3  }
.Ltmp3:
0x17d: {  	(pc) =	sbr.rel @p0 .LBB2_8-.Ltmp3, $4  }
0x17e: {  	[tilespmem:$0x18F40] =	vst v1  }
0x17f: {  	[spmem:s2] =	stream.indirect.scatter.add.f32 [tilespmem:s18], [sflag:$0x3], $0x80, s20, s16, $0xb8;
	[tilespmem:$0x1E780] =	vst v63  }
0x180: {  	_ =	swait.ge [sflag:s13], $0x2800  }
0x181: {  	s28 =	sadd.s32 $0xA0, s28;
	[sflag:s13] =	ssyncset.done $0x0  }
0x182: {  	s29 =	sadd.s32 $0xFFFFFFB0, s28;
	[sflag:s13] =	ssyncadd.s32 $0xFFFFD800  }
0x183: {  	[tilespmem:s18], [sflag:$0x2] =	stream.indirect.gather [hbm4b:s9+s16], $0x80, s29, s16, $0xb8;
	[tilespmem:$0x1E780] =	vst v63  }
0x184: {  	_ =	swait.ge [sflag:s19], $0x2800  }
0x185: {  	[sflag:s19] =	ssyncset.done $0x0  }
0x186: {  	s25 =	sadd.s32 $0xA0, s25;
	[sflag:s19] =	ssyncadd.s32 $0xFFFFD800  }
0x187: {  	v1 =	vld [tilespmem:s25+$0xFFFFFFB0];
	_ =	sdelay $0x4  }
0x188: {  	[tilespmem:$0x18F00] =	vst v1  }
0x189: {  	v1 =	vld [tilespmem:s25+$0xFFFFFFC0];
	_ =	sdelay $0x4  }
0x18a: {  	[tilespmem:$0x18F10] =	vst v1  }
0x18b: {  	v1 =	vld [tilespmem:s25+$0xFFFFFFD0];
	_ =	sdelay $0x4  }
0x18c: {  	[tilespmem:$0x18F20] =	vst v1  }
0x18d: {  	v1 =	vld [tilespmem:s25+$0xFFFFFFE0];
	_ =	sdelay $0x4  }
0x18e: {  	[tilespmem:$0x18F30] =	vst v1  }
0x18f: {  	v1 =	vld [tilespmem:s25+$0xFFFFFFF0];
	_ =	sdelay $0x4  }
0x190: {  	[tilespmem:$0x18F40] =	vst v1  }
0x191: {  	[spmem:s2] =	stream.indirect.scatter.add.f32 [tilespmem:s17], [sflag:$0x3], $0x80, s20, s16, $0xb8;
	[tilespmem:$0x1E780] =	vst v63  }
0x192: {  	_ =	swait.ge [sflag:s13], $0x2800  }
0x193: {  	[sflag:s13] =	ssyncset.done $0x0  }
0x194: {  	[sflag:s13] =	ssyncadd.s32 $0xFFFFD800  }
0x195: {  	[tilespmem:s17], [sflag:$0x1] =	stream.indirect.gather [hbm4b:s9+s16], $0x80, s28, s16, $0xb8;
	[tilespmem:$0x1E780] =	vst v63  }
0x196: {  	_ =	swait.ge [sflag:s21], $0x2800  }
0x197: {  	[sflag:s21] =	ssyncset.done $0x0  }
0x198: {  	[sflag:s21] =	ssyncadd.s32 $0xFFFFD800  }
0x199: {  	v1 =	vld [tilespmem:s25+$0x0];
	_ =	sdelay $0x4  }
0x19a: {  	[tilespmem:$0x18F00] =	vst v1  }
0x19b: {  	v1 =	vld [tilespmem:s25+$0x10];
	_ =	sdelay $0x4  }
0x19c: {  	[tilespmem:$0x18F10] =	vst v1  }
0x19d: {  	v1 =	vld [tilespmem:s25+$0x20];
	_ =	sdelay $0x4  }
0x19e: {  	s26 =	sand.u32 $0x3FE0, s26;
	[tilespmem:$0x18F20] =	vst v1  }
0x19f: {  	v1 =	vld [tilespmem:s26+$0x16800];
	_ =	sdelay $0x4  }
0x1a0: {  	[tilespmem:$0x18F30] =	vst v1  }
0x1a1: {  	v1 =	vld [tilespmem:s25+$0x40];
	_ =	sdelay $0x4  }
0x1a2: {  	[tilespmem:$0x18F40] =	vst v1  }
0x1a3: {  	[spmem:s2] =	stream.indirect.scatter.add.f32 [tilespmem:s18], [sflag:$0x3], $0x80, s20, s16, $0xb8;
	[tilespmem:$0x1E780] =	vst v63  }
0x1a4: {  	_ =	swait.ge [sflag:s13], $0x2800  }
0x1a5: {  	[sflag:s13] =	ssyncset.done $0x0  }
0x1a6: {  	[sflag:s13] =	ssyncadd.s32 $0xFFFFD800  }
0x1a7: {  	_ =	swait.ge [sflag:s19], $0x2800  }
0x1a8: {  	[sflag:s19] =	ssyncset.done $0x0  }
0x1a9: {  	[sflag:s19] =	ssyncadd.s32 $0xFFFFD800  }
0x1aa: {  	v1 =	vld [tilespmem:$0x18E40]  }
0x1ab: {  	v2 =	vld [tilespmem:$0x18E50]  }
0x1ac: {  	v3 =	vld [tilespmem:$0x18E60]  }
0x1ad: {  	v4 =	vld [tilespmem:$0x18E70]  }
0x1ae: {  	v5 =	vld [tilespmem:$0x18E80]  }
0x1af: {  	[tilespmem:$0x18F00] =	vst v1  }
0x1b0: {  	[tilespmem:$0x18F10] =	vst v2  }
0x1b1: {  	[tilespmem:$0x18F20] =	vst v3  }
0x1b2: {  	[tilespmem:$0x18F30] =	vst v4  }
0x1b3: {  	[tilespmem:$0x18F40] =	vst v5  }
0x1b4: {  	[spmem:s2] =	stream.indirect.scatter.add.f32 [tilespmem:s17], [sflag:$0x3], $0x80, s20, s16, $0xb8;
	[tilespmem:$0x1E780] =	vst v63  }
0x1b5: {  	_ =	swait.ge [sflag:s13], $0x2800  }
0x1b6: {  	[sflag:s13] =	ssyncset.done $0x0  }
0x1b7: {  	s22 =	sadd.s32 $0x1, s22;
	[sflag:s13] =	ssyncadd.s32 $0xFFFFD800  }
0x1b8: {  	p0 =	sne.s32 s22, s11;
	[bflag:$0x0] =	sbarrier.arrive $0xFFFF  }
0x1b9: {  	[hbm:s10], [sflag:s23] =	dma.local [spmem:s24], $0x2800  }
.Ltmp4:
0x1ba: {  	_ =	swait.ge [sflag:s13], $0x2800;
	(pc) =	sbr.rel @p0 .LBB2_1-.Ltmp4, $3  }
0x1bb: {  	[sflag:s13] =	ssyncset.done $0x0  }
0x1bc: {  	[sflag:s13] =	ssyncadd.s32 $0xFFFFD800  }
0x1bd: {  	[bflag:$0x0] =	sbarrier.arrive $0xFFFF;
	_ =	sdelay $0x1  }
0x1be: {  	_ =	sfence.sel $0x180000  }
0x1bf: {  	[bflag:$0x0] =	sbarrier.arrive $0xFFFF  }
0x1c0: {  	p0 =	sne.s32 s1, $0x0;
	_ =	strace $0x9000004A  }
0x1c1: {  	s0 =	sadd.s32 @!p0 $0x100000, s0;
	[bflag:$0x2] =	sbarrier.arrive $0xFFFF  }
0x1c2: {  	[sflag:s0] =	ssyncadd.tile.s32 @!p0 $0x1;
	_ =	shalt  }
.Lfunc_end2:
_tile_overlayer_lowered:
.L_overlay_start_2:
0x1c3: {  	(tag) =	ssettag $0x2  }
0x1c4: {  	s0 =	rddreg [dreg:$0x0];
	s2 =	stileid.u32  }
0x1c5: {  	s1 =	rddreg [dreg:$0x1];
	p0 =	sne.s32 s2, $0x0  }
0x1c6: {  	s3 =	rddreg [dreg:$0x2];
	[bflag:$0x3] =	sbarrier.arrive $0xFFFF;
	s2 =	simm.s32 @!p0 $0x1C03  }
0x1c7: {  	[timem:s3], [sflag:s2] =	dma.local @!p0 [hbm:s0], s1  }
0x1c8: {  	s0 =	simm.s32 @!p0 $0x3  }
0x1c9: {  	_ =	swait.ge @!p0 [sflag:s0], s1  }
0x1ca: {  	s1 =	ssub.s32 @!p0 $0x0, s1;
	[sflag:s0] =	ssyncset.done @!p0 $0x0  }
0x1cb: {  	[sflag:s0] =	ssyncadd.s32 @!p0 s1  }
0x1cc: {  	[bflag:$0x3] =	sbarrier.arrive $0xFFFF  }
0x1cd: {  	_ =	shalt  }

// kernel: kernel.22.cloned.1.call-start
scs
__scs_entry_jumppad:
0x0: {  	(pc) =	sbr.rel $0x88, $3  }
0x1: {  	(tag) =	ssettag $0x0;
	lr =	simm.s32 $0x1  }
0x2: {  	[smem:$0x3F7C] =	sst lr;
	_ =	strace $0xD0000000  }
0x3: {  	_ = 	snop  }
0x4: {  	_ = 	snop  }
0x5: {  	_ = 	snop  }
0x6: {  	_ = 	snop  }
0x7: {  	_ = 	snop  }
__scs_overlays_trampoline_lowered:
0x8: {  	[smem:$0x3F8B] =	sst s0  }
0x9: {  	[smem:$0x3F8C] =	sst s1  }
0xa: {  	[smem:$0x3F8D] =	sst s2  }
0xb: {  	[smem:$0x3F8E] =	sst s3  }
0xc: {  	[smem:$0x3F8F] =	sst s4  }
0xd: {  	[smem:$0x3F90] =	sst s5  }
0xe: {  	[smem:$0x3F91] =	sst s6  }
0xf: {  	[smem:$0x3F92] =	sst s7  }
0x10: {  	[smem:$0x3F93] =	sst s8  }
0x11: {  	[smem:$0x3F94] =	sst s9;
	s0 =	simm.s32 @!p0 $0x0  }
0x12: {  	s1 =	sld [smem:$0x3F7A];
	s0 =	simm.s32 @p0 $0x1  }
0x13: {  	[smem:$0x3F95] =	sst s0;
	s0 =	simm.s32 @!p1 $0x0  }
0x14: {  	s2 =	sld [smem:$0x3F79];
	s0 =	simm.s32 @p1 $0x1  }
0x15: {  	[smem:$0x3F96] =	sst s0;
	s0 =	simm.s32 @!p2 $0x0  }
0x16: {  	s3 =	sld [smem:$0x3FDB];
	s0 =	simm.s32 @p2 $0x1  }
0x17: {  	s4 =	simm.s32 $0x1BF5;
	[smem:$0x3F98] =	sst s0  }
0x18: {  	s0 =	sld [smem:$0x3F7B];
	_ =	swait.ge [sflag:s4], $0x0  }
0x19: {  	s7 =	sld [smem:$0x3F7C]  }
0x1a: {  	s8 =	sadd.s32 $0xFFFFE003, lr  }
0x1b: {  	s9 =	sadd.s32 $0xFFFFFEF7, lr;
	s5 =	simm.s32 $0xFFFFFFFF;
	p2 =	slt.u32 s8, $0xFFFFF086  }
0x1c: {  	p1 =	slt.u32 s9, $0xF7A;
	s5 =	simm.s32 @!p2 $0x0  }
0x1d: {  	s5 =	simm.s32 @p1 $0x1;
	p0 =	seq.s32 s7, s2  }
0x1e: {  	s7 =	smul.u32 @!p0 $0xF7A, s2;
	p2 =	seq.s32 @!p0 s5, $0x0  }
0x1f: {  	s9 =	smul.u32 $0xF7A, s1;
	s8 =	simm.s32 @!p0 $0x1BF5;
	p2 =	por !p2, p0  }
0x20: {  	[sflag:s8] =	ssyncset.s32 @!p0 $0xFFFFF086;
	s6 =	sadd.s32 @!p0 s3, s7;
	s7 =	simm.s32 @!p0 $0x108  }
0x21: {  	s3 =	sadd.s32 s3, s9;
	s6 =	sadd.s32 @!p0 $0x88, s6;
	s7 =	simm.s32 @p2 $0x1082  }
0x22: {  	[simem:s7], [sflag:s8] =	dma.local @!p0 [hbm:s6], $0xF7A  }
0x23: {  	s9 =	sor.u32 $0xD0000000, s2;
	s6 =	simm.s32 $0x108;
	_ =	swait.ge @!p0 [sflag:s8], $0x0  }
0x24: {  	s3 =	sadd.s32 $0x88, s3;
	s6 =	simm.s32 @!p1 $0x1082;
	[sflag:s4] =	ssyncset.s32 $0xFFFFF086  }
0x25: {  	[simem:s6], [sflag:s4] =	dma.local [hbm:s3], $0xF7A  }
0x26: {  	[smem:$0x3F7C] =	sst s1;
	(tag) =	ssettag s2;
	_ =	strace s9  }
0x27: {  	s1 =	sld [smem:$0x3F8C]  }
0x28: {  	s2 =	sld [smem:$0x3F8D]  }
0x29: {  	s4 =	sld [smem:$0x3F8F]  }
0x2a: {  	p0 =	seq.s32 s5, $0x0;
	s5 =	sld [smem:$0x3F90]  }
0x2b: {  	s6 =	sld [smem:$0x3F91]  }
0x2c: {  	s7 =	sld [smem:$0x3F92]  }
0x2d: {  	s3 =	simm.s32 $0x108;
	s8 =	sld [smem:$0x3F93]  }
0x2e: {  	s3 =	simm.s32 @!p0 $0x1082;
	s9 =	sld [smem:$0x3F94]  }
0x2f: {  	lr =	sadd.s32 s0, s3;
	s0 =	sld [smem:$0x3F8B]  }
0x30: {  	s3 =	sld [smem:$0x3F8E]  }
0x31: {  	[smem:$0x3F97] =	sst s10  }
0x32: {  	s10 =	sld [smem:$0x3F95];
	_ =	sdelay $0x3  }
0x33: {  	p0 =	seq.s32 s10, $0x1;
	s10 =	sld [smem:$0x3F97];
	_ =	sdelay $0x3  }
0x34: {  	[smem:$0x3F97] =	sst s10  }
0x35: {  	s10 =	sld [smem:$0x3F96];
	_ =	sdelay $0x3  }
0x36: {  	p1 =	seq.s32 s10, $0x1;
	s10 =	sld [smem:$0x3F97];
	_ =	sdelay $0x3  }
0x37: {  	[smem:$0x3F97] =	sst s10  }
0x38: {  	s10 =	sld [smem:$0x3F98]  }
0x39: {  	_ = 	snop;
	(pc) =	sbr.ind lr, $3  }
0x3a: {  	_ = 	snop  }
0x3b: {  	_ = 	snop  }
0x3c: {  	p2 =	seq.s32 s10, $0x1;
	s10 =	sld [smem:$0x3F97]  }
0x3d: {  	_ =	shalt  }
0x3e: {  	_ =	shalt  }
0x3f: {  	_ =	shalt  }
0x40: {  	_ =	shalt  }
0x41: {  	_ =	shalt  }
0x42: {  	_ =	shalt  }
0x43: {  	_ =	shalt  }
0x44: {  	_ =	shalt  }
0x45: {  	_ =	shalt  }
0x46: {  	_ =	shalt  }
0x47: {  	_ =	shalt  }
0x48: {  	_ =	shalt  }
0x49: {  	_ =	shalt  }
0x4a: {  	_ =	shalt  }
0x4b: {  	_ =	shalt  }
0x4c: {  	_ =	shalt  }
0x4d: {  	_ =	shalt  }
0x4e: {  	_ =	shalt  }
0x4f: {  	_ =	shalt  }
0x50: {  	_ =	shalt  }
0x51: {  	_ =	shalt  }
0x52: {  	_ =	shalt  }
0x53: {  	_ =	shalt  }
0x54: {  	_ =	shalt  }
0x55: {  	_ =	shalt  }
0x56: {  	_ =	shalt  }
0x57: {  	_ =	shalt  }
0x58: {  	_ =	shalt  }
0x59: {  	_ =	shalt  }
0x5a: {  	_ =	shalt  }
0x5b: {  	_ =	shalt  }
0x5c: {  	_ =	shalt  }
0x5d: {  	_ =	shalt  }
0x5e: {  	_ =	shalt  }
0x5f: {  	_ =	shalt  }
0x60: {  	_ =	shalt  }
0x61: {  	_ =	shalt  }
0x62: {  	_ =	shalt  }
0x63: {  	_ =	shalt  }
0x64: {  	_ =	shalt  }
0x65: {  	_ =	shalt  }
0x66: {  	_ =	shalt  }
0x67: {  	_ =	shalt  }
0x68: {  	_ =	shalt  }
0x69: {  	_ =	shalt  }
0x6a: {  	_ =	shalt  }
0x6b: {  	_ =	shalt  }
0x6c: {  	_ =	shalt  }
0x6d: {  	_ =	shalt  }
0x6e: {  	_ =	shalt  }
0x6f: {  	_ =	shalt  }
0x70: {  	_ =	shalt  }
0x71: {  	_ =	shalt  }
0x72: {  	_ =	shalt  }
0x73: {  	_ =	shalt  }
0x74: {  	_ =	shalt  }
0x75: {  	_ =	shalt  }
0x76: {  	_ =	shalt  }
0x77: {  	_ =	shalt  }
0x78: {  	_ =	shalt  }
0x79: {  	_ =	shalt  }
0x7a: {  	_ =	shalt  }
0x7b: {  	_ =	shalt  }
0x7c: {  	_ =	shalt  }
0x7d: {  	_ =	shalt  }
0x7e: {  	_ =	shalt  }
0x7f: {  	_ =	shalt  }
0x80: {  	_ =	shalt  }
0x81: {  	_ =	shalt  }
0x82: {  	_ =	shalt  }
0x83: {  	_ =	shalt  }
0x84: {  	_ =	shalt  }
0x85: {  	_ =	shalt  }
0x86: {  	_ =	shalt  }
0x87: {  	_ =	shalt  }
.Lfunc_end0:
.L_simem_size_0:
called_computation.2_lowered:
.L_overlay_start_0:
0x88: {  	s2 =	sld [smem:$0x3FD9]  }
0x89: {  	s3 =	sld [smem:$0x3FFE];
	_ =	sdelay $0x1  }
0x8a: {  	s1 =	srdreg.scid  }
0x8b: {  	s0 =	sand.u32 $0x1, s1  }
0x8c: {  	s16 =	sshll.u32 s0, $0xA;
	s2 =	sadd.s32 s3, s2  }
0x8d: {  	s2 =	sadd.s32 s2, s16  }
0x8e: {  	[smem:$0x3FA3] =	sst s2  }
0x8f: {  	_ = 	snop  }
0x90: {  	(tm) =	ssettm $0x1  }
0x91: {  	s17 =	sld [smem:$0x3FFB];
	_ =	sdelay $0x3  }
0x92: {  	_ =	strace s17  }
0x93: {  	s2 =	sld [smem:$0x3FFC];
	_ =	sdelay $0x3  }
0x94: {  	_ =	strace s2  }
0x95: {  	s2 =	sld [smem:$0x3FFD];
	_ =	sdelay $0x3  }
0x96: {  	_ =	strace s2  }
0x97: {  	_ =	strace $0x8FFFFFFF  }
0x98: {  	s18 =	sld [smem:$0x3FDB];
	_ =	sdelay $0x1  }
0x99: {  	s19 =	simm.s32 $_scs_section_size  }
0x9a: {  	s4 =	simm.s32 $_size__tile_overlayer_lowered;
	s5 =	simm.s32 $_tile_overlayer_lowered  }
0x9b: {  	s22 =	simm.s32 $0x1BFF;
	s21 =	sshll.u32 s5, $0x1;
	s2 =	sadd.s32 s19, s18  }
0x9c: {  	s6 =	simm.s32 $0x0;
	s20 =	sshll.u32 s4, $0x1;
	s4 =	sadd.s32 s21, s2  }
0x9d: {  	[timem:s6], [sflag:s22] =	dma.local [hbm:s4], s20  }
0x9e: {  	_ =	swait.ge [sflag:s22], s20  }
0x9f: {  	s3 =	ssub.s32 $0x0, s20;
	[sflag:s22] =	ssyncset.done $0x0  }
0xa0: {  	[sflag:s22] =	ssyncadd.s32 s3;
	_ =	sdelay $0x1  }
0xa1: {  	s23 =	simm.s32 $0x1B8B  }
0xa2: {  	_ =	swait.ge [sflag:s23], $0x1  }
0xa3: {  	[sflag:s23] =	ssyncset.done $0x0  }
0xa4: {  	s25 =	simm.s32 $0x1B8E;
	s24 =	sld [smem:$0x3FFE];
	[sflag:s23] =	ssyncadd.s32 $0xFFFFFFFF  }
0xa5: {  	s26 =	simm.s32 $execute0_lowered;
	[smem:$0x3FD2] =	sst s25  }
0xa6: {  	s4 =	sshll.u32 s26, $0x1;
	_ =	strace $0x8000004C;
	[dreg:$0x1] =	wrdreg $0xFFFFFFFF  }
0xa7: {  	s28 =	simm.s32 $_size_execute0_lowered;
	s2 =	sadd.s32 s2, s4;
	[dreg:$0x0] =	wrdreg $0x0  }
0xa8: {  	s4 =	sshll.u32 s28, $0x1;
	[dreg:$0x2] =	wrdreg s2  }
0xa9: {  	[dreg:$0x3] =	wrdreg s4  }
0xaa: {  	[dreg:$0x4] =	wrdreg $0xC0  }
0xab: {  	_ =	task [dreg:s6], $0x5FFFF  }
0xac: {  	[dreg:$0x1] =	wrdreg $0xFFFFFFFF  }
0xad: {  	[dreg:$0x0] =	wrdreg $0x60  }
0xae: {  	[dreg:$0x2] =	wrdreg s24  }
0xaf: {  	[dreg:$0x3] =	wrdreg $0x0  }
0xb0: {  	[dreg:$0x4] =	wrdreg $0x9  }
0xb1: {  	_ =	task.clear_ibuf [dreg:s6], $0x5FFFF;
	_ =	strace $0x9000004C  }
0xb2: {  	s29 =	simm.s32 $0x9;
	_ =	strace $0x8000004E  }
0xb3: {  	_ =	swait.ge [sflag:s29], $0x1  }
0xb4: {  	[sflag:s29] =	ssyncadd.s32 $0xFFFFFFFF  }
0xb5: {  	_ =	strace $0x9000004E  }
0xb6: {  	_ =	sfence  }
0xb7: {  	s30 =	sld [smem:$0x0];
	_ =	sdelay $0x2  }
0xb8: {  	s31 =	sshll.u32 s1, $0xD;
	s1 =	sshrl.u32 s1, $0x2  }
0xb9: {  	s3 =	sand.u32 $0x4000, s31;
	s1 =	sadd.s32 s1, s30  }
0xba: {  	s0 =	sor.u32 s3, s0;
	s1 =	sshll.u32 s1, $0x11  }
0xbb: {  	s0 =	sor.u32 s1, s0  }
0xbc: {  	s0 =	sadd.s32 $0x8F2B, s0  }
0xbd: {  	[sflag:s0] =	ssyncadd.remote.s32 $0x1  }
0xbe: {  	_ =	sfence.sel $0xFFFF  }
0xbf: {  	[dreg:$0x0] =	wrdreg $0xFFFFFFFF;
	(pc) =	sbr.abs _section_cstart, $3  }
0xc0: {  	[dreg:$0x1] =	wrdreg $0xFFFFFFFF  }
0xc1: {  	_ =	task.clear_ibuf [dreg:s6], $0x2FFFF;
	_ =	strace $0x9FFFFFFF  }
0xc2: {  	(tm) =	ssettm $0x7FFFFFFF  }
0xc3: {  	_ =	shalt  }
tec
execute0_lowered:
.L_overlay_start_1:
0x0: {  	(tag) =	ssettag $0x1  }
0x1: {  	s4 =	rddreg [dreg:$0x0]  }
0x2: {  	s2 =	rddreg [dreg:$0x1]  }
0x3: {  	s0 =	rddreg [dreg:$0x2];
	s3 =	simm.s32 $0x0;
	s1 =	stileid.u32  }
0x4: {  	s6 =	srdreg.scid;
	s15 =	simm.s32 $0x1DF80;
	s16 =	simm.s32 $0x50  }
0x5: {  	s17 =	simm.s32 $0x18F80;
	s18 =	simm.s32 $0x1B780;
	s19 =	simm.s32 $0x1  }
0x6: {  	s20 =	simm.s32 $0x18F00;
	s21 =	simm.s32 $0x2;
	s5 =	smul.u32 $0x4E2, s1  }
0x7: {  	s22 =	simm.s32 $0x0;
	[smem:$0x7FF] =	sst s3;
	s8 =	smul.u32 $0x50000, s1  }
0x8: {  	s7 =	sand.u32 $0x1, s6;
	s10 =	sadd.s32 $0x13FE00, s4;
	s11 =	smul.u32 $0x14000, s1  }
0x9: {  	s9 =	sadd.s32 $0x7600, s4;
	_ =	strace $0x8000004D;
	s13 =	smul.u32 $0x280000, s7  }
0xa: {  	s6 =	ssub.s32 $0x2, s7;
	s14 =	sshllo.u32 s7, $0x1;
	s7 =	smul.u32 $0x4E200, s7  }
0xb: {  	s5 =	sadd.s32 s5, s4;
	s26 =	sshrl.u32 s6, $0x1;
	s29 =	smul.u32 $0x140000, s14  }
0xc: {  	s28 =	sshrl.u32 s8, $0x2;
	s14 =	smul.u32 $0x27100, s14;
	s12 =	ssub.s32 s6, s26  }
0xd: {  	s4 =	sadd.s32 $0x27D600, s5;
	s5 =	sadd.s32 $0x278600, s5;
	s6 =	sadd.s32 s28, s2  }
0xe: {  	s13 =	sadd.s32 s11, s13;
	s7 =	sadd.s32 s9, s7;
	s8 =	sadd.s32 s11, s29  }
0xf: {  	s30 =	sshrl.u32 s13, $0x3;
	s9 =	sadd.s32 s9, s14;
	s11 =	smax.u32 s12, $0x1  }
0x10: {  	s12 =	simm.s32 $0x14000;
	s13 =	simm.s32 $0x3;
	s31 =	sshrl.u32 s8, $0x3  }
0x11: {  	v0 =	vimm.f32 $0.0e+00;
	s14 =	simm.s32 $0x16780;
	s8 =	sadd.s32 s10, s30;
	s10 =	sadd.s32 s10, s31  }
.LBB2_1:
0x12: {  	[tilespmem:s12], [sflag:$0x3] =	stream.linear.gather [hbm4b:s4+s3], $0x2710, $0x38;
	[tilespmem:$0x1E780] =	vst v63  }
0x13: {  	_ =	swait.ge [sflag:s13], $0x2710  }
0x14: {  	[sflag:s13] =	ssyncset.done $0x0  }
0x15: {  	[sflag:s13] =	ssyncadd.s32 $0xFFFFD8F0  }
0x16: {  	[tilespmem:s14], [sflag:$0x3] =	stream.linear.gather [hbm4b:s5+s3], $0x2710, $0x38;
	[tilespmem:$0x1E780] =	vst v63  }
0x17: {  	_ =	swait.ge [sflag:s13], $0x2710  }
0x18: {  	[sflag:s13] =	ssyncset.done $0x0  }
0x19: {  	[sflag:s13] =	ssyncadd.s32 $0xFFFFD8F0  }
0x1a: {  	[tilespmem:$0x1DF80] =	vst v0  }
0x1b: {  	[tilespmem:$0x1DF90] =	vst v0  }
0x1c: {  	[tilespmem:$0x1DFA0] =	vst v0  }
0x1d: {  	[tilespmem:$0x1DFB0] =	vst v0  }
0x1e: {  	[tilespmem:$0x1DFC0] =	vst v0  }
0x1f: {  	[tilespmem:$0x1DFD0] =	vst v0  }
0x20: {  	[tilespmem:$0x1DFE0] =	vst v0  }
0x21: {  	[tilespmem:$0x1DFF0] =	vst v0  }
0x22: {  	[tilespmem:$0x1E000] =	vst v0  }
0x23: {  	[tilespmem:$0x1E010] =	vst v0  }
0x24: {  	[tilespmem:$0x1E020] =	vst v0  }
0x25: {  	[tilespmem:$0x1E030] =	vst v0  }
0x26: {  	[tilespmem:$0x1E040] =	vst v0  }
0x27: {  	[tilespmem:$0x1E050] =	vst v0  }
0x28: {  	[tilespmem:$0x1E060] =	vst v0  }
0x29: {  	[tilespmem:$0x1E070] =	vst v0  }
0x2a: {  	[tilespmem:$0x1E080] =	vst v0  }
0x2b: {  	[tilespmem:$0x1E090] =	vst v0  }
0x2c: {  	[tilespmem:$0x1E0A0] =	vst v0  }
0x2d: {  	[tilespmem:$0x1E0B0] =	vst v0  }
0x2e: {  	[tilespmem:$0x1E0C0] =	vst v0  }
0x2f: {  	[tilespmem:$0x1E0D0] =	vst v0  }
0x30: {  	[tilespmem:$0x1E0E0] =	vst v0  }
0x31: {  	[tilespmem:$0x1E0F0] =	vst v0  }
0x32: {  	[tilespmem:$0x1E100] =	vst v0  }
0x33: {  	[tilespmem:$0x1E110] =	vst v0  }
0x34: {  	[tilespmem:$0x1E120] =	vst v0  }
0x35: {  	[tilespmem:$0x1E130] =	vst v0  }
0x36: {  	[tilespmem:$0x1E140] =	vst v0  }
0x37: {  	[tilespmem:$0x1E150] =	vst v0  }
0x38: {  	[tilespmem:$0x1E160] =	vst v0  }
0x39: {  	[tilespmem:$0x1E170] =	vst v0  }
0x3a: {  	[tilespmem:$0x1E180] =	vst v0  }
0x3b: {  	[tilespmem:$0x1E190] =	vst v0  }
0x3c: {  	[tilespmem:$0x1E1A0] =	vst v0  }
0x3d: {  	[tilespmem:$0x1E1B0] =	vst v0  }
0x3e: {  	[tilespmem:$0x1E1C0] =	vst v0  }
0x3f: {  	[tilespmem:$0x1E1D0] =	vst v0  }
0x40: {  	[tilespmem:$0x1E1E0] =	vst v0  }
0x41: {  	[tilespmem:$0x1E1F0] =	vst v0  }
0x42: {  	[tilespmem:$0x1E200] =	vst v0  }
0x43: {  	[tilespmem:$0x1E210] =	vst v0  }
0x44: {  	[tilespmem:$0x1E220] =	vst v0  }
0x45: {  	[tilespmem:$0x1E230] =	vst v0  }
0x46: {  	[tilespmem:$0x1E240] =	vst v0  }
0x47: {  	[tilespmem:$0x1E250] =	vst v0  }
0x48: {  	[tilespmem:$0x1E260] =	vst v0  }
0x49: {  	[tilespmem:$0x1E270] =	vst v0  }
0x4a: {  	[tilespmem:$0x1E280] =	vst v0  }
0x4b: {  	[tilespmem:$0x1E290] =	vst v0  }
0x4c: {  	[tilespmem:$0x1E2A0] =	vst v0  }
0x4d: {  	[tilespmem:$0x1E2B0] =	vst v0  }
0x4e: {  	[tilespmem:$0x1E2C0] =	vst v0  }
0x4f: {  	[tilespmem:$0x1E2D0] =	vst v0  }
0x50: {  	[tilespmem:$0x1E2E0] =	vst v0  }
0x51: {  	[tilespmem:$0x1E2F0] =	vst v0  }
0x52: {  	[tilespmem:$0x1E300] =	vst v0  }
0x53: {  	[tilespmem:$0x1E310] =	vst v0  }
0x54: {  	[tilespmem:$0x1E320] =	vst v0  }
0x55: {  	[tilespmem:$0x1E330] =	vst v0  }
0x56: {  	[tilespmem:$0x1E340] =	vst v0  }
0x57: {  	[tilespmem:$0x1E350] =	vst v0  }
0x58: {  	[tilespmem:$0x1E360] =	vst v0  }
0x59: {  	[tilespmem:$0x1E370] =	vst v0  }
0x5a: {  	[tilespmem:$0x1E380] =	vst v0  }
0x5b: {  	[tilespmem:$0x1E390] =	vst v0  }
0x5c: {  	[tilespmem:$0x1E3A0] =	vst v0  }
0x5d: {  	[tilespmem:$0x1E3B0] =	vst v0  }
0x5e: {  	[tilespmem:$0x1E3C0] =	vst v0  }
0x5f: {  	[tilespmem:$0x1E3D0] =	vst v0  }
0x60: {  	[tilespmem:$0x1E3E0] =	vst v0  }
0x61: {  	[tilespmem:$0x1E3F0] =	vst v0  }
0x62: {  	[tilespmem:$0x1E400] =	vst v0  }
0x63: {  	[tilespmem:$0x1E410] =	vst v0  }
0x64: {  	[tilespmem:$0x1E420] =	vst v0  }
0x65: {  	[tilespmem:$0x1E430] =	vst v0  }
0x66: {  	[tilespmem:$0x1E440] =	vst v0  }
0x67: {  	[tilespmem:$0x1E450] =	vst v0  }
0x68: {  	[tilespmem:$0x1E460] =	vst v0  }
0x69: {  	[tilespmem:$0x1E470] =	vst v0  }
0x6a: {  	[tilespmem:$0x1E480] =	vst v0  }
0x6b: {  	[tilespmem:$0x1E490] =	vst v0  }
0x6c: {  	[tilespmem:$0x1E4A0] =	vst v0  }
0x6d: {  	[tilespmem:$0x1E4B0] =	vst v0  }
0x6e: {  	[tilespmem:$0x1E4C0] =	vst v0  }
0x6f: {  	[tilespmem:$0x1E4D0] =	vst v0  }
0x70: {  	[tilespmem:$0x1E4E0] =	vst v0  }
0x71: {  	[tilespmem:$0x1E4F0] =	vst v0  }
0x72: {  	[tilespmem:$0x1E500] =	vst v0  }
0x73: {  	[tilespmem:$0x1E510] =	vst v0  }
0x74: {  	[tilespmem:$0x1E520] =	vst v0  }
0x75: {  	[tilespmem:$0x1E530] =	vst v0  }
0x76: {  	[tilespmem:$0x1E540] =	vst v0  }
0x77: {  	[tilespmem:$0x1E550] =	vst v0  }
0x78: {  	[tilespmem:$0x1E560] =	vst v0  }
0x79: {  	[tilespmem:$0x1E570] =	vst v0  }
0x7a: {  	[tilespmem:$0x1E580] =	vst v0  }
0x7b: {  	[tilespmem:$0x1E590] =	vst v0  }
0x7c: {  	[tilespmem:$0x1E5A0] =	vst v0  }
0x7d: {  	[tilespmem:$0x1E5B0] =	vst v0  }
0x7e: {  	[tilespmem:$0x1E5C0] =	vst v0  }
0x7f: {  	[tilespmem:$0x1E5D0] =	vst v0  }
0x80: {  	[tilespmem:$0x1E5E0] =	vst v0  }
0x81: {  	[tilespmem:$0x1E5F0] =	vst v0  }
0x82: {  	[tilespmem:$0x1E600] =	vst v0  }
0x83: {  	[tilespmem:$0x1E610] =	vst v0  }
0x84: {  	[tilespmem:$0x1E620] =	vst v0  }
0x85: {  	[tilespmem:$0x1E630] =	vst v0  }
0x86: {  	[tilespmem:$0x1E640] =	vst v0  }
0x87: {  	[tilespmem:$0x1E650] =	vst v0  }
0x88: {  	[tilespmem:$0x1E660] =	vst v0  }
0x89: {  	[tilespmem:$0x1E670] =	vst v0  }
0x8a: {  	[tilespmem:$0x1E680] =	vst v0  }
0x8b: {  	[tilespmem:$0x1E690] =	vst v0  }
0x8c: {  	[tilespmem:$0x1E6A0] =	vst v0  }
0x8d: {  	[tilespmem:$0x1E6B0] =	vst v0  }
0x8e: {  	[tilespmem:$0x1E6C0] =	vst v0  }
0x8f: {  	[tilespmem:$0x1E6D0] =	vst v0  }
0x90: {  	[tilespmem:$0x1E6E0] =	vst v0  }
0x91: {  	[tilespmem:$0x1E6F0] =	vst v0  }
0x92: {  	[tilespmem:$0x1E700] =	vst v0  }
0x93: {  	[tilespmem:$0x1E710] =	vst v0  }
0x94: {  	[tilespmem:$0x1E720] =	vst v0  }
0x95: {  	[tilespmem:$0x1E730] =	vst v0  }
0x96: {  	[tilespmem:$0x1E740] =	vst v0  }
0x97: {  	[tilespmem:$0x1E750] =	vst v0  }
0x98: {  	[tilespmem:$0x1E760] =	vst v0  }
0x99: {  	s23 =	sadd.s32 $0x0, s6;
	[tilespmem:$0x1E770] =	vst v0  }
0x9a: {  	[spmem:s23] =	stream.linear.scatter [tilespmem:s15], [sflag:$0x3], $0x800, $0x38;
	[tilespmem:$0x1E780] =	vst v63  }
0x9b: {  	s23 =	simm.s32 $0x2000;
	_ =	swait.ge [sflag:s13], $0x800  }
.LBB2_2:
0x9c: {  	s24 =	sshra.s32 s23, $0x2;
	[sflag:s13] =	ssyncset.done $0x0;
	p0 =	sne.s32 s23, $0x4E000  }
.Ltmp0:
0x9d: {  	s24 =	sadd.s32 s24, s6;
	[sflag:s13] =	ssyncadd.s32 $0xFFFFF800;
	(pc) =	sbr.rel @p0 .LBB2_2-.Ltmp0, $3  }
0x9e: {  	[spmem:s24] =	stream.linear.scatter [tilespmem:s15], [sflag:$0x3], $0x800, $0x38;
	[tilespmem:$0x1E780] =	vst v63  }
0x9f: {  	s23 =	sadd.s32 $0x2000, s23;
	_ =	sdelay $0x1  }
0xa0: {  	_ =	swait.ge [sflag:s13], $0x800  }
0xa1: {  	[sflag:s13] =	ssyncset.done $0x0  }
0xa2: {  	[sflag:s13] =	ssyncadd.s32 $0xFFFFF800  }
0xa3: {  	[bflag:$0x0] =	sbarrier.arrive $0xFFFF  }
0xa4: {  	[tilespmem:s17], [sflag:$0x1] =	stream.indirect.gather [hbm4b:s7+s16], $0x80, s12, s16, $0xb8;
	[tilespmem:$0x1E780] =	vst v63  }
0xa5: {  	s23 =	simm.s32 $0x14050  }
0xa6: {  	[tilespmem:s18], [sflag:$0x2] =	stream.indirect.gather [hbm4b:s7+s16], $0x80, s23, s16, $0xb8;
	[tilespmem:$0x1E780] =	vst v63  }
0xa7: {  	_ =	swait.ge [sflag:s19], $0x2800  }
0xa8: {  	[sflag:s19] =	ssyncset.done $0x0  }
0xa9: {  	s23 =	simm.s32 $0x167D0;
	[sflag:s19] =	ssyncadd.s32 $0xFFFFD800  }
0xaa: {  	v1 =	vld [tilespmem:s23+$0xFFFFFFB0];
	_ =	sdelay $0x4  }
0xab: {  	[tilespmem:$0x18F00] =	vst v1  }
0xac: {  	v1 =	vld [tilespmem:s23+$0xFFFFFFC0];
	_ =	sdelay $0x4  }
0xad: {  	[tilespmem:$0x18F10] =	vst v1  }
0xae: {  	v1 =	vld [tilespmem:s23+$0xFFFFFFD0];
	_ =	sdelay $0x4  }
0xaf: {  	[tilespmem:$0x18F20] =	vst v1  }
0xb0: {  	v1 =	vld [tilespmem:s23+$0xFFFFFFE0];
	_ =	sdelay $0x4  }
0xb1: {  	[tilespmem:$0x18F30] =	vst v1  }
0xb2: {  	v1 =	vld [tilespmem:s23+$0xFFFFFFF0];
	_ =	sdelay $0x4  }
0xb3: {  	[tilespmem:$0x18F40] =	vst v1  }
0xb4: {  	[spmem:s2] =	stream.indirect.scatter.add.f32 [tilespmem:s17], [sflag:$0x3], $0x80, s20, s16, $0xb8;
	[tilespmem:$0x1E780] =	vst v63  }
0xb5: {  	_ =	swait.ge [sflag:s13], $0x2800  }
0xb6: {  	[sflag:s13] =	ssyncset.done $0x0  }
0xb7: {  	s24 =	simm.s32 $0x140A0;
	[sflag:s13] =	ssyncadd.s32 $0xFFFFD800  }
0xb8: {  	[tilespmem:s17], [sflag:$0x1] =	stream.indirect.gather [hbm4b:s7+s16], $0x80, s24, s16, $0xb8;
	[tilespmem:$0x1E780] =	vst v63  }
0xb9: {  	_ =	swait.ge [sflag:s21], $0x2800  }
0xba: {  	[sflag:s21] =	ssyncset.done $0x0  }
0xbb: {  	[sflag:s21] =	ssyncadd.s32 $0xFFFFD800  }
0xbc: {  	v1 =	vld [tilespmem:s23+$0x0];
	_ =	sdelay $0x4  }
0xbd: {  	[tilespmem:$0x18F00] =	vst v1  }
0xbe: {  	v1 =	vld [tilespmem:s23+$0x10];
	_ =	sdelay $0x4  }
0xbf: {  	[tilespmem:$0x18F10] =	vst v1  }
0xc0: {  	v1 =	vld [tilespmem:s23+$0x20];
	_ =	sdelay $0x3  }
0xc1: {  	s31 =	simm.s32 $0x0  }
0xc2: {  	s24 =	sand.u32 $0x3FE0, s31;
	[tilespmem:$0x18F20] =	vst v1  }
0xc3: {  	v1 =	vld [tilespmem:s24+$0x16800];
	_ =	sdelay $0x4  }
0xc4: {  	[tilespmem:$0x18F30] =	vst v1  }
0xc5: {  	v1 =	vld [tilespmem:s23+$0x40];
	_ =	sdelay $0x4  }
0xc6: {  	[tilespmem:$0x18F40] =	vst v1  }
0xc7: {  	[spmem:s2] =	stream.indirect.scatter.add.f32 [tilespmem:s18], [sflag:$0x3], $0x80, s20, s16, $0xb8;
	[tilespmem:$0x1E780] =	vst v63  }
0xc8: {  	s26 =	simm.s32 $0x140;
	_ =	swait.ge [sflag:s13], $0x2800  }
0xc9: {  	s25 =	simm.s32 $0x14140;
	s24 =	simm.s32 $0xA0;
	[sflag:s13] =	ssyncset.done $0x0  }
.LBB2_4:
0xca: {  	s29 =	sadd.s32 $0xFFFFFFB0, s25  }
0xcb: {  	[sflag:s13] =	ssyncadd.s32 $0xFFFFD800;
	s23 =	sadd.s32 $0xA0, s23;
	s28 =	smov.u32 s26  }
0xcc: {  	[tilespmem:s18], [sflag:$0x2] =	stream.indirect.gather [hbm4b:s7+s16], $0x80, s29, s16, $0xb8;
	[tilespmem:$0x1E780] =	vst v63  }
0xcd: {  	p0 =	sne.s32 s26, $0x2620;
	s26 =	sadd.s32 $0xA0, s26;
	_ =	swait.ge [sflag:s19], $0x2800  }
0xce: {  	[sflag:s19] =	ssyncset.done $0x0  }
0xcf: {  	[sflag:s19] =	ssyncadd.s32 $0xFFFFD800  }
0xd0: {  	v1 =	vld [tilespmem:s23+$0xFFFFFFB0];
	_ =	sdelay $0x4  }
0xd1: {  	[tilespmem:$0x18F00] =	vst v1  }
0xd2: {  	v1 =	vld [tilespmem:s23+$0xFFFFFFC0];
	_ =	sdelay $0x4  }
0xd3: {  	[tilespmem:$0x18F10] =	vst v1  }
0xd4: {  	v1 =	vld [tilespmem:s23+$0xFFFFFFD0];
	_ =	sdelay $0x4  }
0xd5: {  	[tilespmem:$0x18F20] =	vst v1  }
0xd6: {  	v1 =	vld [tilespmem:s23+$0xFFFFFFE0];
	_ =	sdelay $0x4  }
0xd7: {  	[tilespmem:$0x18F30] =	vst v1  }
0xd8: {  	v1 =	vld [tilespmem:s23+$0xFFFFFFF0];
	_ =	sdelay $0x4  }
0xd9: {  	[tilespmem:$0x18F40] =	vst v1  }
0xda: {  	[spmem:s2] =	stream.indirect.scatter.add.f32 [tilespmem:s17], [sflag:$0x3], $0x80, s20, s16, $0xb8;
	[tilespmem:$0x1E780] =	vst v63  }
0xdb: {  	_ =	swait.ge [sflag:s13], $0x2800  }
0xdc: {  	[sflag:s13] =	ssyncset.done $0x0  }
0xdd: {  	[sflag:s13] =	ssyncadd.s32 $0xFFFFD800  }
0xde: {  	[tilespmem:s17], [sflag:$0x1] =	stream.indirect.gather [hbm4b:s7+s16], $0x80, s25, s16, $0xb8;
	[tilespmem:$0x1E780] =	vst v63  }
0xdf: {  	_ =	swait.ge [sflag:s21], $0x2800  }
0xe0: {  	[sflag:s21] =	ssyncset.done $0x0  }
0xe1: {  	[sflag:s21] =	ssyncadd.s32 $0xFFFFD800  }
0xe2: {  	v1 =	vld [tilespmem:s23+$0x0];
	_ =	sdelay $0x4  }
0xe3: {  	[tilespmem:$0x18F00] =	vst v1  }
0xe4: {  	v1 =	vld [tilespmem:s23+$0x10];
	_ =	sdelay $0x4  }
0xe5: {  	[tilespmem:$0x18F10] =	vst v1  }
0xe6: {  	v1 =	vld [tilespmem:s23+$0x20];
	_ =	sdelay $0x4  }
0xe7: {  	s29 =	sand.u32 $0x3FE0, s24;
	s24 =	smov.u32 s28;
	[tilespmem:$0x18F20] =	vst v1  }
0xe8: {  	v1 =	vld [tilespmem:s29+$0x16800];
	_ =	sdelay $0x4  }
0xe9: {  	[tilespmem:$0x18F30] =	vst v1  }
0xea: {  	v1 =	vld [tilespmem:s23+$0x40];
	_ =	sdelay $0x3  }
.Ltmp1:
0xeb: {  	(pc) =	sbr.rel @p0 .LBB2_4-.Ltmp1, $4  }
0xec: {  	[tilespmem:$0x18F40] =	vst v1  }
0xed: {  	[spmem:s2] =	stream.indirect.scatter.add.f32 [tilespmem:s18], [sflag:$0x3], $0x80, s20, s16, $0xb8;
	[tilespmem:$0x1E780] =	vst v63  }
0xee: {  	_ =	swait.ge [sflag:s13], $0x2800  }
0xef: {  	s25 =	sadd.s32 $0xA0, s25;
	[sflag:s13] =	ssyncset.done $0x0  }
0xf0: {  	s26 =	sadd.s32 $0xFFFFFFB0, s25;
	[sflag:s13] =	ssyncadd.s32 $0xFFFFD800  }
0xf1: {  	[tilespmem:s18], [sflag:$0x2] =	stream.indirect.gather [hbm4b:s7+s16], $0x80, s26, s16, $0xb8;
	[tilespmem:$0x1E780] =	vst v63  }
0xf2: {  	_ =	swait.ge [sflag:s19], $0x2800  }
0xf3: {  	[sflag:s19] =	ssyncset.done $0x0  }
0xf4: {  	s23 =	sadd.s32 $0xA0, s23;
	[sflag:s19] =	ssyncadd.s32 $0xFFFFD800  }
0xf5: {  	v1 =	vld [tilespmem:s23+$0xFFFFFFB0];
	_ =	sdelay $0x4  }
0xf6: {  	[tilespmem:$0x18F00] =	vst v1  }
0xf7: {  	v1 =	vld [tilespmem:s23+$0xFFFFFFC0];
	_ =	sdelay $0x4  }
0xf8: {  	[tilespmem:$0x18F10] =	vst v1  }
0xf9: {  	v1 =	vld [tilespmem:s23+$0xFFFFFFD0];
	_ =	sdelay $0x4  }
0xfa: {  	[tilespmem:$0x18F20] =	vst v1  }
0xfb: {  	v1 =	vld [tilespmem:s23+$0xFFFFFFE0];
	_ =	sdelay $0x4  }
0xfc: {  	[tilespmem:$0x18F30] =	vst v1  }
0xfd: {  	v1 =	vld [tilespmem:s23+$0xFFFFFFF0];
	_ =	sdelay $0x4  }
0xfe: {  	[tilespmem:$0x18F40] =	vst v1  }
0xff: {  	[spmem:s2] =	stream.indirect.scatter.add.f32 [tilespmem:s17], [sflag:$0x3], $0x80, s20, s16, $0xb8;
	[tilespmem:$0x1E780] =	vst v63  }
0x100: {  	_ =	swait.ge [sflag:s13], $0x2800  }
0x101: {  	[sflag:s13] =	ssyncset.done $0x0  }
0x102: {  	[sflag:s13] =	ssyncadd.s32 $0xFFFFD800  }
0x103: {  	[tilespmem:s17], [sflag:$0x1] =	stream.indirect.gather [hbm4b:s7+s16], $0x80, s25, s16, $0xb8;
	[tilespmem:$0x1E780] =	vst v63  }
0x104: {  	_ =	swait.ge [sflag:s21], $0x2800  }
0x105: {  	[sflag:s21] =	ssyncset.done $0x0  }
0x106: {  	[sflag:s21] =	ssyncadd.s32 $0xFFFFD800  }
0x107: {  	v1 =	vld [tilespmem:s23+$0x0];
	_ =	sdelay $0x4  }
0x108: {  	[tilespmem:$0x18F00] =	vst v1  }
0x109: {  	v1 =	vld [tilespmem:s23+$0x10];
	_ =	sdelay $0x4  }
0x10a: {  	[tilespmem:$0x18F10] =	vst v1  }
0x10b: {  	v1 =	vld [tilespmem:s23+$0x20];
	_ =	sdelay $0x4  }
0x10c: {  	s24 =	sand.u32 $0x3FE0, s24;
	[tilespmem:$0x18F20] =	vst v1  }
0x10d: {  	v1 =	vld [tilespmem:s24+$0x16800];
	_ =	sdelay $0x4  }
0x10e: {  	[tilespmem:$0x18F30] =	vst v1  }
0x10f: {  	v1 =	vld [tilespmem:s23+$0x40];
	_ =	sdelay $0x4  }
0x110: {  	[tilespmem:$0x18F40] =	vst v1  }
0x111: {  	[spmem:s2] =	stream.indirect.scatter.add.f32 [tilespmem:s18], [sflag:$0x3], $0x80, s20, s16, $0xb8;
	[tilespmem:$0x1E780] =	vst v63  }
0x112: {  	_ =	swait.ge [sflag:s13], $0x2800  }
0x113: {  	[sflag:s13] =	ssyncset.done $0x0  }
0x114: {  	[sflag:s13] =	ssyncadd.s32 $0xFFFFD800  }
0x115: {  	_ =	swait.ge [sflag:s19], $0x2800  }
0x116: {  	[sflag:s19] =	ssyncset.done $0x0  }
0x117: {  	[sflag:s19] =	ssyncadd.s32 $0xFFFFD800  }
0x118: {  	v1 =	vld [tilespmem:$0x18E40]  }
0x119: {  	v2 =	vld [tilespmem:$0x18E50]  }
0x11a: {  	v3 =	vld [tilespmem:$0x18E60]  }
0x11b: {  	v4 =	vld [tilespmem:$0x18E70]  }
0x11c: {  	v5 =	vld [tilespmem:$0x18E80]  }
0x11d: {  	[tilespmem:$0x18F00] =	vst v1  }
0x11e: {  	[tilespmem:$0x18F10] =	vst v2  }
0x11f: {  	[tilespmem:$0x18F20] =	vst v3  }
0x120: {  	[tilespmem:$0x18F30] =	vst v4  }
0x121: {  	[tilespmem:$0x18F40] =	vst v5  }
0x122: {  	[spmem:s2] =	stream.indirect.scatter.add.f32 [tilespmem:s17], [sflag:$0x3], $0x80, s20, s16, $0xb8;
	[tilespmem:$0x1E780] =	vst v63  }
0x123: {  	_ =	swait.ge [sflag:s13], $0x2800  }
0x124: {  	[sflag:s13] =	ssyncset.done $0x0  }
0x125: {  	s30 =	sshll.u32 s1, $0x6;
	[sflag:s13] =	ssyncadd.s32 $0xFFFFD800  }
0x126: {  	s24 =	sshrl.u32 s6, $0x3;
	s23 =	sor.u32 $0x1C03, s30;
	[bflag:$0x0] =	sbarrier.arrive $0xFFFF  }
0x127: {  	[hbm:s8], [sflag:s23] =	dma.local [spmem:s24], $0x2800  }
0x128: {  	_ =	swait.ge [sflag:s13], $0x2800  }
0x129: {  	[sflag:s13] =	ssyncset.done $0x0  }
0x12a: {  	[sflag:s13] =	ssyncadd.s32 $0xFFFFD800  }
0x12b: {  	s31 =	sadd.s32 $0x0, s6;
	[bflag:$0x0] =	sbarrier.arrive $0xFFFF  }
0x12c: {  	[spmem:s31] =	stream.linear.scatter [tilespmem:s15], [sflag:$0x3], $0x800, $0x38;
	[tilespmem:$0x1E780] =	vst v63  }
0x12d: {  	s25 =	simm.s32 $0x2000;
	_ =	swait.ge [sflag:s13], $0x800  }
.LBB2_6:
0x12e: {  	s26 =	sshra.s32 s25, $0x2;
	[sflag:s13] =	ssyncset.done $0x0;
	p0 =	sne.s32 s25, $0x4E000  }
.Ltmp2:
0x12f: {  	s26 =	sadd.s32 s26, s6;
	[sflag:s13] =	ssyncadd.s32 $0xFFFFF800;
	(pc) =	sbr.rel @p0 .LBB2_6-.Ltmp2, $3  }
0x130: {  	[spmem:s26] =	stream.linear.scatter [tilespmem:s15], [sflag:$0x3], $0x800, $0x38;
	[tilespmem:$0x1E780] =	vst v63  }
0x131: {  	s25 =	sadd.s32 $0x2000, s25;
	_ =	sdelay $0x1  }
0x132: {  	_ =	swait.ge [sflag:s13], $0x800  }
0x133: {  	[sflag:s13] =	ssyncset.done $0x0  }
0x134: {  	[sflag:s13] =	ssyncadd.s32 $0xFFFFF800  }
0x135: {  	[bflag:$0x0] =	sbarrier.arrive $0xFFFF  }
0x136: {  	[tilespmem:s17], [sflag:$0x1] =	stream.indirect.gather [hbm4b:s9+s16], $0x80, s12, s16, $0xb8;
	[tilespmem:$0x1E780] =	vst v63  }
0x137: {  	s25 =	simm.s32 $0x14050  }
0x138: {  	[tilespmem:s18], [sflag:$0x2] =	stream.indirect.gather [hbm4b:s9+s16], $0x80, s25, s16, $0xb8;
	[tilespmem:$0x1E780] =	vst v63  }
0x139: {  	_ =	swait.ge [sflag:s19], $0x2800  }
0x13a: {  	[sflag:s19] =	ssyncset.done $0x0  }
0x13b: {  	s25 =	simm.s32 $0x167D0;
	[sflag:s19] =	ssyncadd.s32 $0xFFFFD800  }
0x13c: {  	v1 =	vld [tilespmem:s25+$0xFFFFFFB0];
	_ =	sdelay $0x4  }
0x13d: {  	[tilespmem:$0x18F00] =	vst v1  }
0x13e: {  	v1 =	vld [tilespmem:s25+$0xFFFFFFC0];
	_ =	sdelay $0x4  }
0x13f: {  	[tilespmem:$0x18F10] =	vst v1  }
0x140: {  	v1 =	vld [tilespmem:s25+$0xFFFFFFD0];
	_ =	sdelay $0x4  }
0x141: {  	[tilespmem:$0x18F20] =	vst v1  }
0x142: {  	v1 =	vld [tilespmem:s25+$0xFFFFFFE0];
	_ =	sdelay $0x4  }
0x143: {  	[tilespmem:$0x18F30] =	vst v1  }
0x144: {  	v1 =	vld [tilespmem:s25+$0xFFFFFFF0];
	_ =	sdelay $0x4  }
0x145: {  	[tilespmem:$0x18F40] =	vst v1  }
0x146: {  	[spmem:s2] =	stream.indirect.scatter.add.f32 [tilespmem:s17], [sflag:$0x3], $0x80, s20, s16, $0xb8;
	[tilespmem:$0x1E780] =	vst v63  }
0x147: {  	_ =	swait.ge [sflag:s13], $0x2800  }
0x148: {  	[sflag:s13] =	ssyncset.done $0x0  }
0x149: {  	s26 =	simm.s32 $0x140A0;
	[sflag:s13] =	ssyncadd.s32 $0xFFFFD800  }
0x14a: {  	[tilespmem:s17], [sflag:$0x1] =	stream.indirect.gather [hbm4b:s9+s16], $0x80, s26, s16, $0xb8;
	[tilespmem:$0x1E780] =	vst v63  }
0x14b: {  	_ =	swait.ge [sflag:s21], $0x2800  }
0x14c: {  	[sflag:s21] =	ssyncset.done $0x0  }
0x14d: {  	[sflag:s21] =	ssyncadd.s32 $0xFFFFD800  }
0x14e: {  	v1 =	vld [tilespmem:s25+$0x0];
	_ =	sdelay $0x4  }
0x14f: {  	[tilespmem:$0x18F00] =	vst v1  }
0x150: {  	v1 =	vld [tilespmem:s25+$0x10];
	_ =	sdelay $0x4  }
0x151: {  	[tilespmem:$0x18F10] =	vst v1  }
0x152: {  	v1 =	vld [tilespmem:s25+$0x20];
	_ =	sdelay $0x3  }
0x153: {  	s31 =	simm.s32 $0x0  }
0x154: {  	s26 =	sand.u32 $0x3FE0, s31;
	[tilespmem:$0x18F20] =	vst v1  }
0x155: {  	v1 =	vld [tilespmem:s26+$0x16800];
	_ =	sdelay $0x4  }
0x156: {  	[tilespmem:$0x18F30] =	vst v1  }
0x157: {  	v1 =	vld [tilespmem:s25+$0x40];
	_ =	sdelay $0x4  }
0x158: {  	[tilespmem:$0x18F40] =	vst v1  }
0x159: {  	[spmem:s2] =	stream.indirect.scatter.add.f32 [tilespmem:s18], [sflag:$0x3], $0x80, s20, s16, $0xb8;
	[tilespmem:$0x1E780] =	vst v63  }
0x15a: {  	s29 =	simm.s32 $0x140;
	_ =	swait.ge [sflag:s13], $0x2800  }
0x15b: {  	s28 =	simm.s32 $0x14140;
	s26 =	simm.s32 $0xA0;
	[sflag:s13] =	ssyncset.done $0x0  }
.LBB2_8:
0x15c: {  	s31 =	sadd.s32 $0xFFFFFFB0, s28  }
0x15d: {  	[sflag:s13] =	ssyncadd.s32 $0xFFFFD800;
	s25 =	sadd.s32 $0xA0, s25;
	s30 =	smov.u32 s29  }
0x15e: {  	[tilespmem:s18], [sflag:$0x2] =	stream.indirect.gather [hbm4b:s9+s16], $0x80, s31, s16, $0xb8;
	[tilespmem:$0x1E780] =	vst v63  }
0x15f: {  	p0 =	sne.s32 s29, $0x2620;
	s29 =	sadd.s32 $0xA0, s29;
	_ =	swait.ge [sflag:s19], $0x2800  }
0x160: {  	[sflag:s19] =	ssyncset.done $0x0  }
0x161: {  	[sflag:s19] =	ssyncadd.s32 $0xFFFFD800  }
0x162: {  	v1 =	vld [tilespmem:s25+$0xFFFFFFB0];
	_ =	sdelay $0x4  }
0x163: {  	[tilespmem:$0x18F00] =	vst v1  }
0x164: {  	v1 =	vld [tilespmem:s25+$0xFFFFFFC0];
	_ =	sdelay $0x4  }
0x165: {  	[tilespmem:$0x18F10] =	vst v1  }
0x166: {  	v1 =	vld [tilespmem:s25+$0xFFFFFFD0];
	_ =	sdelay $0x4  }
0x167: {  	[tilespmem:$0x18F20] =	vst v1  }
0x168: {  	v1 =	vld [tilespmem:s25+$0xFFFFFFE0];
	_ =	sdelay $0x4  }
0x169: {  	[tilespmem:$0x18F30] =	vst v1  }
0x16a: {  	v1 =	vld [tilespmem:s25+$0xFFFFFFF0];
	_ =	sdelay $0x4  }
0x16b: {  	[tilespmem:$0x18F40] =	vst v1  }
0x16c: {  	[spmem:s2] =	stream.indirect.scatter.add.f32 [tilespmem:s17], [sflag:$0x3], $0x80, s20, s16, $0xb8;
	[tilespmem:$0x1E780] =	vst v63  }
0x16d: {  	_ =	swait.ge [sflag:s13], $0x2800  }
0x16e: {  	[sflag:s13] =	ssyncset.done $0x0  }
0x16f: {  	[sflag:s13] =	ssyncadd.s32 $0xFFFFD800  }
0x170: {  	[tilespmem:s17], [sflag:$0x1] =	stream.indirect.gather [hbm4b:s9+s16], $0x80, s28, s16, $0xb8;
	[tilespmem:$0x1E780] =	vst v63  }
0x171: {  	_ =	swait.ge [sflag:s21], $0x2800  }
0x172: {  	[sflag:s21] =	ssyncset.done $0x0  }
0x173: {  	[sflag:s21] =	ssyncadd.s32 $0xFFFFD800  }
0x174: {  	v1 =	vld [tilespmem:s25+$0x0];
	_ =	sdelay $0x4  }
0x175: {  	[tilespmem:$0x18F00] =	vst v1  }
0x176: {  	v1 =	vld [tilespmem:s25+$0x10];
	_ =	sdelay $0x4  }
0x177: {  	[tilespmem:$0x18F10] =	vst v1  }
0x178: {  	v1 =	vld [tilespmem:s25+$0x20];
	_ =	sdelay $0x4  }
0x179: {  	s31 =	sand.u32 $0x3FE0, s26;
	s26 =	smov.u32 s30;
	[tilespmem:$0x18F20] =	vst v1  }
0x17a: {  	v1 =	vld [tilespmem:s31+$0x16800];
	_ =	sdelay $0x4  }
0x17b: {  	[tilespmem:$0x18F30] =	vst v1  }
0x17c: {  	v1 =	vld [tilespmem:s25+$0x40];
	_ =	sdelay $0x3  }
.Ltmp3:
0x17d: {  	(pc) =	sbr.rel @p0 .LBB2_8-.Ltmp3, $4  }
0x17e: {  	[tilespmem:$0x18F40] =	vst v1  }
0x17f: {  	[spmem:s2] =	stream.indirect.scatter.add.f32 [tilespmem:s18], [sflag:$0x3], $0x80, s20, s16, $0xb8;
	[tilespmem:$0x1E780] =	vst v63  }
0x180: {  	_ =	swait.ge [sflag:s13], $0x2800  }
0x181: {  	s28 =	sadd.s32 $0xA0, s28;
	[sflag:s13] =	ssyncset.done $0x0  }
0x182: {  	s29 =	sadd.s32 $0xFFFFFFB0, s28;
	[sflag:s13] =	ssyncadd.s32 $0xFFFFD800  }
0x183: {  	[tilespmem:s18], [sflag:$0x2] =	stream.indirect.gather [hbm4b:s9+s16], $0x80, s29, s16, $0xb8;
	[tilespmem:$0x1E780] =	vst v63  }
0x184: {  	_ =	swait.ge [sflag:s19], $0x2800  }
0x185: {  	[sflag:s19] =	ssyncset.done $0x0  }
0x186: {  	s25 =	sadd.s32 $0xA0, s25;
	[sflag:s19] =	ssyncadd.s32 $0xFFFFD800  }
0x187: {  	v1 =	vld [tilespmem:s25+$0xFFFFFFB0];
	_ =	sdelay $0x4  }
0x188: {  	[tilespmem:$0x18F00] =	vst v1  }
0x189: {  	v1 =	vld [tilespmem:s25+$0xFFFFFFC0];
	_ =	sdelay $0x4  }
0x18a: {  	[tilespmem:$0x18F10] =	vst v1  }
0x18b: {  	v1 =	vld [tilespmem:s25+$0xFFFFFFD0];
	_ =	sdelay $0x4  }
0x18c: {  	[tilespmem:$0x18F20] =	vst v1  }
0x18d: {  	v1 =	vld [tilespmem:s25+$0xFFFFFFE0];
	_ =	sdelay $0x4  }
0x18e: {  	[tilespmem:$0x18F30] =	vst v1  }
0x18f: {  	v1 =	vld [tilespmem:s25+$0xFFFFFFF0];
	_ =	sdelay $0x4  }
0x190: {  	[tilespmem:$0x18F40] =	vst v1  }
0x191: {  	[spmem:s2] =	stream.indirect.scatter.add.f32 [tilespmem:s17], [sflag:$0x3], $0x80, s20, s16, $0xb8;
	[tilespmem:$0x1E780] =	vst v63  }
0x192: {  	_ =	swait.ge [sflag:s13], $0x2800  }
0x193: {  	[sflag:s13] =	ssyncset.done $0x0  }
0x194: {  	[sflag:s13] =	ssyncadd.s32 $0xFFFFD800  }
0x195: {  	[tilespmem:s17], [sflag:$0x1] =	stream.indirect.gather [hbm4b:s9+s16], $0x80, s28, s16, $0xb8;
	[tilespmem:$0x1E780] =	vst v63  }
0x196: {  	_ =	swait.ge [sflag:s21], $0x2800  }
0x197: {  	[sflag:s21] =	ssyncset.done $0x0  }
0x198: {  	[sflag:s21] =	ssyncadd.s32 $0xFFFFD800  }
0x199: {  	v1 =	vld [tilespmem:s25+$0x0];
	_ =	sdelay $0x4  }
0x19a: {  	[tilespmem:$0x18F00] =	vst v1  }
0x19b: {  	v1 =	vld [tilespmem:s25+$0x10];
	_ =	sdelay $0x4  }
0x19c: {  	[tilespmem:$0x18F10] =	vst v1  }
0x19d: {  	v1 =	vld [tilespmem:s25+$0x20];
	_ =	sdelay $0x4  }
0x19e: {  	s26 =	sand.u32 $0x3FE0, s26;
	[tilespmem:$0x18F20] =	vst v1  }
0x19f: {  	v1 =	vld [tilespmem:s26+$0x16800];
	_ =	sdelay $0x4  }
0x1a0: {  	[tilespmem:$0x18F30] =	vst v1  }
0x1a1: {  	v1 =	vld [tilespmem:s25+$0x40];
	_ =	sdelay $0x4  }
0x1a2: {  	[tilespmem:$0x18F40] =	vst v1  }
0x1a3: {  	[spmem:s2] =	stream.indirect.scatter.add.f32 [tilespmem:s18], [sflag:$0x3], $0x80, s20, s16, $0xb8;
	[tilespmem:$0x1E780] =	vst v63  }
0x1a4: {  	_ =	swait.ge [sflag:s13], $0x2800  }
0x1a5: {  	[sflag:s13] =	ssyncset.done $0x0  }
0x1a6: {  	[sflag:s13] =	ssyncadd.s32 $0xFFFFD800  }
0x1a7: {  	_ =	swait.ge [sflag:s19], $0x2800  }
0x1a8: {  	[sflag:s19] =	ssyncset.done $0x0  }
0x1a9: {  	[sflag:s19] =	ssyncadd.s32 $0xFFFFD800  }
0x1aa: {  	v1 =	vld [tilespmem:$0x18E40]  }
0x1ab: {  	v2 =	vld [tilespmem:$0x18E50]  }
0x1ac: {  	v3 =	vld [tilespmem:$0x18E60]  }
0x1ad: {  	v4 =	vld [tilespmem:$0x18E70]  }
0x1ae: {  	v5 =	vld [tilespmem:$0x18E80]  }
0x1af: {  	[tilespmem:$0x18F00] =	vst v1  }
0x1b0: {  	[tilespmem:$0x18F10] =	vst v2  }
0x1b1: {  	[tilespmem:$0x18F20] =	vst v3  }
0x1b2: {  	[tilespmem:$0x18F30] =	vst v4  }
0x1b3: {  	[tilespmem:$0x18F40] =	vst v5  }
0x1b4: {  	[spmem:s2] =	stream.indirect.scatter.add.f32 [tilespmem:s17], [sflag:$0x3], $0x80, s20, s16, $0xb8;
	[tilespmem:$0x1E780] =	vst v63  }
0x1b5: {  	_ =	swait.ge [sflag:s13], $0x2800  }
0x1b6: {  	[sflag:s13] =	ssyncset.done $0x0  }
0x1b7: {  	s22 =	sadd.s32 $0x1, s22;
	[sflag:s13] =	ssyncadd.s32 $0xFFFFD800  }
0x1b8: {  	p0 =	sne.s32 s22, s11;
	[bflag:$0x0] =	sbarrier.arrive $0xFFFF  }
0x1b9: {  	[hbm:s10], [sflag:s23] =	dma.local [spmem:s24], $0x2800  }
.Ltmp4:
0x1ba: {  	_ =	swait.ge [sflag:s13], $0x2800;
	(pc) =	sbr.rel @p0 .LBB2_1-.Ltmp4, $3  }
0x1bb: {  	[sflag:s13] =	ssyncset.done $0x0  }
0x1bc: {  	[sflag:s13] =	ssyncadd.s32 $0xFFFFD800  }
0x1bd: {  	[bflag:$0x0] =	sbarrier.arrive $0xFFFF;
	_ =	sdelay $0x1  }
0x1be: {  	_ =	sfence.sel $0x180000  }
0x1bf: {  	[bflag:$0x0] =	sbarrier.arrive $0xFFFF  }
0x1c0: {  	p0 =	sne.s32 s1, $0x0;
	_ =	strace $0x9000004D  }
0x1c1: {  	s0 =	sadd.s32 @!p0 $0x100000, s0;
	[bflag:$0x2] =	sbarrier.arrive $0xFFFF  }
0x1c2: {  	[sflag:s0] =	ssyncadd.tile.s32 @!p0 $0x1;
	_ =	shalt  }
.Lfunc_end2:
_tile_overlayer_lowered:
.L_overlay_start_2:
0x1c3: {  	(tag) =	ssettag $0x2  }
0x1c4: {  	s0 =	rddreg [dreg:$0x0];
	s2 =	stileid.u32  }
0x1c5: {  	s1 =	rddreg [dreg:$0x1];
	p0 =	sne.s32 s2, $0x0  }
0x1c6: {  	s3 =	rddreg [dreg:$0x2];
	[bflag:$0x3] =	sbarrier.arrive $0xFFFF;
	s2 =	simm.s32 @!p0 $0x1C03  }
0x1c7: {  	[timem:s3], [sflag:s2] =	dma.local @!p0 [hbm:s0], s1  }
0x1c8: {  	s0 =	simm.s32 @!p0 $0x3  }
0x1c9: {  	_ =	swait.ge @!p0 [sflag:s0], s1  }
0x1ca: {  	s1 =	ssub.s32 @!p0 $0x0, s1;
	[sflag:s0] =	ssyncset.done @!p0 $0x0  }
0x1cb: {  	[sflag:s0] =	ssyncadd.s32 @!p0 s1  }
0x1cc: {  	[bflag:$0x3] =	sbarrier.arrive $0xFFFF  }
0x1cd: {  	_ =	shalt  }

// kernel: kernel.25.cloned.1.call-start
scs
__scs_entry_jumppad:
0x0: {  	(pc) =	sbr.rel $0x88, $3  }
0x1: {  	(tag) =	ssettag $0x0;
	lr =	simm.s32 $0x1  }
0x2: {  	[smem:$0x3F7C] =	sst lr;
	_ =	strace $0xD0000000  }
0x3: {  	_ = 	snop  }
0x4: {  	_ = 	snop  }
0x5: {  	_ = 	snop  }
0x6: {  	_ = 	snop  }
0x7: {  	_ = 	snop  }
__scs_overlays_trampoline_lowered:
0x8: {  	[smem:$0x3F8B] =	sst s0  }
0x9: {  	[smem:$0x3F8C] =	sst s1  }
0xa: {  	[smem:$0x3F8D] =	sst s2  }
0xb: {  	[smem:$0x3F8E] =	sst s3  }
0xc: {  	[smem:$0x3F8F] =	sst s4  }
0xd: {  	[smem:$0x3F90] =	sst s5  }
0xe: {  	[smem:$0x3F91] =	sst s6  }
0xf: {  	[smem:$0x3F92] =	sst s7  }
0x10: {  	[smem:$0x3F93] =	sst s8  }
0x11: {  	[smem:$0x3F94] =	sst s9;
	s0 =	simm.s32 @!p0 $0x0  }
0x12: {  	s1 =	sld [smem:$0x3F7A];
	s0 =	simm.s32 @p0 $0x1  }
0x13: {  	[smem:$0x3F95] =	sst s0;
	s0 =	simm.s32 @!p1 $0x0  }
0x14: {  	s2 =	sld [smem:$0x3F79];
	s0 =	simm.s32 @p1 $0x1  }
0x15: {  	[smem:$0x3F96] =	sst s0;
	s0 =	simm.s32 @!p2 $0x0  }
0x16: {  	s3 =	sld [smem:$0x3FDB];
	s0 =	simm.s32 @p2 $0x1  }
0x17: {  	s4 =	simm.s32 $0x1BF5;
	[smem:$0x3F98] =	sst s0  }
0x18: {  	s0 =	sld [smem:$0x3F7B];
	_ =	swait.ge [sflag:s4], $0x0  }
0x19: {  	s7 =	sld [smem:$0x3F7C]  }
0x1a: {  	s8 =	sadd.s32 $0xFFFFE003, lr  }
0x1b: {  	s9 =	sadd.s32 $0xFFFFFEF7, lr;
	s5 =	simm.s32 $0xFFFFFFFF;
	p2 =	slt.u32 s8, $0xFFFFF086  }
0x1c: {  	p1 =	slt.u32 s9, $0xF7A;
	s5 =	simm.s32 @!p2 $0x0  }
0x1d: {  	s5 =	simm.s32 @p1 $0x1;
	p0 =	seq.s32 s7, s2  }
0x1e: {  	s7 =	smul.u32 @!p0 $0xF7A, s2;
	p2 =	seq.s32 @!p0 s5, $0x0  }
0x1f: {  	s9 =	smul.u32 $0xF7A, s1;
	s8 =	simm.s32 @!p0 $0x1BF5;
	p2 =	por !p2, p0  }
0x20: {  	[sflag:s8] =	ssyncset.s32 @!p0 $0xFFFFF086;
	s6 =	sadd.s32 @!p0 s3, s7;
	s7 =	simm.s32 @!p0 $0x108  }
0x21: {  	s3 =	sadd.s32 s3, s9;
	s6 =	sadd.s32 @!p0 $0x88, s6;
	s7 =	simm.s32 @p2 $0x1082  }
0x22: {  	[simem:s7], [sflag:s8] =	dma.local @!p0 [hbm:s6], $0xF7A  }
0x23: {  	s9 =	sor.u32 $0xD0000000, s2;
	s6 =	simm.s32 $0x108;
	_ =	swait.ge @!p0 [sflag:s8], $0x0  }
0x24: {  	s3 =	sadd.s32 $0x88, s3;
	s6 =	simm.s32 @!p1 $0x1082;
	[sflag:s4] =	ssyncset.s32 $0xFFFFF086  }
0x25: {  	[simem:s6], [sflag:s4] =	dma.local [hbm:s3], $0xF7A  }
0x26: {  	[smem:$0x3F7C] =	sst s1;
	(tag) =	ssettag s2;
	_ =	strace s9  }
0x27: {  	s1 =	sld [smem:$0x3F8C]  }
0x28: {  	s2 =	sld [smem:$0x3F8D]  }
0x29: {  	s4 =	sld [smem:$0x3F8F]  }
0x2a: {  	p0 =	seq.s32 s5, $0x0;
	s5 =	sld [smem:$0x3F90]  }
0x2b: {  	s6 =	sld [smem:$0x3F91]  }
0x2c: {  	s7 =	sld [smem:$0x3F92]  }
0x2d: {  	s3 =	simm.s32 $0x108;
	s8 =	sld [smem:$0x3F93]  }
0x2e: {  	s3 =	simm.s32 @!p0 $0x1082;
	s9 =	sld [smem:$0x3F94]  }
0x2f: {  	lr =	sadd.s32 s0, s3;
	s0 =	sld [smem:$0x3F8B]  }
0x30: {  	s3 =	sld [smem:$0x3F8E]  }
0x31: {  	[smem:$0x3F97] =	sst s10  }
0x32: {  	s10 =	sld [smem:$0x3F95];
	_ =	sdelay $0x3  }
0x33: {  	p0 =	seq.s32 s10, $0x1;
	s10 =	sld [smem:$0x3F97];
	_ =	sdelay $0x3  }
0x34: {  	[smem:$0x3F97] =	sst s10  }
0x35: {  	s10 =	sld [smem:$0x3F96];
	_ =	sdelay $0x3  }
0x36: {  	p1 =	seq.s32 s10, $0x1;
	s10 =	sld [smem:$0x3F97];
	_ =	sdelay $0x3  }
0x37: {  	[smem:$0x3F97] =	sst s10  }
0x38: {  	s10 =	sld [smem:$0x3F98]  }
0x39: {  	_ = 	snop;
	(pc) =	sbr.ind lr, $3  }
0x3a: {  	_ = 	snop  }
0x3b: {  	_ = 	snop  }
0x3c: {  	p2 =	seq.s32 s10, $0x1;
	s10 =	sld [smem:$0x3F97]  }
0x3d: {  	_ =	shalt  }
0x3e: {  	_ =	shalt  }
0x3f: {  	_ =	shalt  }
0x40: {  	_ =	shalt  }
0x41: {  	_ =	shalt  }
0x42: {  	_ =	shalt  }
0x43: {  	_ =	shalt  }
0x44: {  	_ =	shalt  }
0x45: {  	_ =	shalt  }
0x46: {  	_ =	shalt  }
0x47: {  	_ =	shalt  }
0x48: {  	_ =	shalt  }
0x49: {  	_ =	shalt  }
0x4a: {  	_ =	shalt  }
0x4b: {  	_ =	shalt  }
0x4c: {  	_ =	shalt  }
0x4d: {  	_ =	shalt  }
0x4e: {  	_ =	shalt  }
0x4f: {  	_ =	shalt  }
0x50: {  	_ =	shalt  }
0x51: {  	_ =	shalt  }
0x52: {  	_ =	shalt  }
0x53: {  	_ =	shalt  }
0x54: {  	_ =	shalt  }
0x55: {  	_ =	shalt  }
0x56: {  	_ =	shalt  }
0x57: {  	_ =	shalt  }
0x58: {  	_ =	shalt  }
0x59: {  	_ =	shalt  }
0x5a: {  	_ =	shalt  }
0x5b: {  	_ =	shalt  }
0x5c: {  	_ =	shalt  }
0x5d: {  	_ =	shalt  }
0x5e: {  	_ =	shalt  }
0x5f: {  	_ =	shalt  }
0x60: {  	_ =	shalt  }
0x61: {  	_ =	shalt  }
0x62: {  	_ =	shalt  }
0x63: {  	_ =	shalt  }
0x64: {  	_ =	shalt  }
0x65: {  	_ =	shalt  }
0x66: {  	_ =	shalt  }
0x67: {  	_ =	shalt  }
0x68: {  	_ =	shalt  }
0x69: {  	_ =	shalt  }
0x6a: {  	_ =	shalt  }
0x6b: {  	_ =	shalt  }
0x6c: {  	_ =	shalt  }
0x6d: {  	_ =	shalt  }
0x6e: {  	_ =	shalt  }
0x6f: {  	_ =	shalt  }
0x70: {  	_ =	shalt  }
0x71: {  	_ =	shalt  }
0x72: {  	_ =	shalt  }
0x73: {  	_ =	shalt  }
0x74: {  	_ =	shalt  }
0x75: {  	_ =	shalt  }
0x76: {  	_ =	shalt  }
0x77: {  	_ =	shalt  }
0x78: {  	_ =	shalt  }
0x79: {  	_ =	shalt  }
0x7a: {  	_ =	shalt  }
0x7b: {  	_ =	shalt  }
0x7c: {  	_ =	shalt  }
0x7d: {  	_ =	shalt  }
0x7e: {  	_ =	shalt  }
0x7f: {  	_ =	shalt  }
0x80: {  	_ =	shalt  }
0x81: {  	_ =	shalt  }
0x82: {  	_ =	shalt  }
0x83: {  	_ =	shalt  }
0x84: {  	_ =	shalt  }
0x85: {  	_ =	shalt  }
0x86: {  	_ =	shalt  }
0x87: {  	_ =	shalt  }
.Lfunc_end0:
.L_simem_size_0:
called_computation.3_lowered:
.L_overlay_start_0:
0x88: {  	s2 =	sld [smem:$0x3FD9]  }
0x89: {  	s3 =	sld [smem:$0x3FFE];
	_ =	sdelay $0x1  }
0x8a: {  	s1 =	srdreg.scid  }
0x8b: {  	s0 =	sand.u32 $0x1, s1  }
0x8c: {  	s16 =	sshll.u32 s0, $0xA;
	s2 =	sadd.s32 s3, s2  }
0x8d: {  	s2 =	sadd.s32 s2, s16  }
0x8e: {  	[smem:$0x3FA3] =	sst s2  }
0x8f: {  	_ = 	snop  }
0x90: {  	(tm) =	ssettm $0x1  }
0x91: {  	s17 =	sld [smem:$0x3FFB];
	_ =	sdelay $0x3  }
0x92: {  	_ =	strace s17  }
0x93: {  	s2 =	sld [smem:$0x3FFC];
	_ =	sdelay $0x3  }
0x94: {  	_ =	strace s2  }
0x95: {  	s2 =	sld [smem:$0x3FFD];
	_ =	sdelay $0x3  }
0x96: {  	_ =	strace s2  }
0x97: {  	_ =	strace $0x8FFFFFFF  }
0x98: {  	s18 =	sld [smem:$0x3FDB];
	_ =	sdelay $0x1  }
0x99: {  	s19 =	simm.s32 $_scs_section_size  }
0x9a: {  	s4 =	simm.s32 $_size__tile_overlayer_lowered;
	s5 =	simm.s32 $_tile_overlayer_lowered  }
0x9b: {  	s22 =	simm.s32 $0x1BFF;
	s21 =	sshll.u32 s5, $0x1;
	s2 =	sadd.s32 s19, s18  }
0x9c: {  	s6 =	simm.s32 $0x0;
	s20 =	sshll.u32 s4, $0x1;
	s4 =	sadd.s32 s21, s2  }
0x9d: {  	[timem:s6], [sflag:s22] =	dma.local [hbm:s4], s20  }
0x9e: {  	_ =	swait.ge [sflag:s22], s20  }
0x9f: {  	s3 =	ssub.s32 $0x0, s20;
	[sflag:s22] =	ssyncset.done $0x0  }
0xa0: {  	[sflag:s22] =	ssyncadd.s32 s3;
	_ =	sdelay $0x1  }
0xa1: {  	s23 =	simm.s32 $0x1B8B  }
0xa2: {  	_ =	swait.ge [sflag:s23], $0x1  }
0xa3: {  	[sflag:s23] =	ssyncset.done $0x0  }
0xa4: {  	s25 =	simm.s32 $0x1B8E;
	s24 =	sld [smem:$0x3FFE];
	[sflag:s23] =	ssyncadd.s32 $0xFFFFFFFF  }
0xa5: {  	s26 =	simm.s32 $execute0_lowered;
	[smem:$0x3FD2] =	sst s25  }
0xa6: {  	s4 =	sshll.u32 s26, $0x1;
	_ =	strace $0x8000004F;
	[dreg:$0x1] =	wrdreg $0xFFFFFFFF  }
0xa7: {  	s28 =	simm.s32 $_size_execute0_lowered;
	s2 =	sadd.s32 s2, s4;
	[dreg:$0x0] =	wrdreg $0x0  }
0xa8: {  	s4 =	sshll.u32 s28, $0x1;
	[dreg:$0x2] =	wrdreg s2  }
0xa9: {  	[dreg:$0x3] =	wrdreg s4  }
0xaa: {  	[dreg:$0x4] =	wrdreg $0xC0  }
0xab: {  	_ =	task [dreg:s6], $0x5FFFF  }
0xac: {  	[dreg:$0x1] =	wrdreg $0xFFFFFFFF  }
0xad: {  	[dreg:$0x0] =	wrdreg $0x60  }
0xae: {  	[dreg:$0x2] =	wrdreg s24  }
0xaf: {  	[dreg:$0x3] =	wrdreg $0x0  }
0xb0: {  	[dreg:$0x4] =	wrdreg $0x9  }
0xb1: {  	_ =	task.clear_ibuf [dreg:s6], $0x5FFFF;
	_ =	strace $0x9000004F  }
0xb2: {  	s29 =	simm.s32 $0x9;
	_ =	strace $0x80000051  }
0xb3: {  	_ =	swait.ge [sflag:s29], $0x1  }
0xb4: {  	[sflag:s29] =	ssyncadd.s32 $0xFFFFFFFF  }
0xb5: {  	_ =	strace $0x90000051  }
0xb6: {  	_ =	sfence  }
0xb7: {  	s30 =	sld [smem:$0x0];
	_ =	sdelay $0x2  }
0xb8: {  	s31 =	sshll.u32 s1, $0xD;
	s1 =	sshrl.u32 s1, $0x2  }
0xb9: {  	s3 =	sand.u32 $0x4000, s31;
	s1 =	sadd.s32 s1, s30  }
0xba: {  	s0 =	sor.u32 s3, s0;
	s1 =	sshll.u32 s1, $0x11  }
0xbb: {  	s0 =	sor.u32 s1, s0  }
0xbc: {  	s0 =	sadd.s32 $0x8F2B, s0  }
0xbd: {  	[sflag:s0] =	ssyncadd.remote.s32 $0x1  }
0xbe: {  	_ =	sfence.sel $0xFFFF  }
0xbf: {  	[dreg:$0x0] =	wrdreg $0xFFFFFFFF;
	(pc) =	sbr.abs _section_cstart, $3  }
0xc0: {  	[dreg:$0x1] =	wrdreg $0xFFFFFFFF  }
0xc1: {  	_ =	task.clear_ibuf [dreg:s6], $0x2FFFF;
	_ =	strace $0x9FFFFFFF  }
0xc2: {  	(tm) =	ssettm $0x7FFFFFFF  }
0xc3: {  	_ =	shalt  }
tec
execute0_lowered:
.L_overlay_start_1:
0x0: {  	(tag) =	ssettag $0x1  }
0x1: {  	s4 =	rddreg [dreg:$0x0]  }
0x2: {  	s2 =	rddreg [dreg:$0x1]  }
0x3: {  	s0 =	rddreg [dreg:$0x2];
	s3 =	simm.s32 $0x0;
	s1 =	stileid.u32  }
0x4: {  	s6 =	srdreg.scid;
	s15 =	simm.s32 $0x1DF80;
	s16 =	simm.s32 $0x50  }
0x5: {  	s17 =	simm.s32 $0x18F80;
	s18 =	simm.s32 $0x1B780;
	s19 =	simm.s32 $0x1  }
0x6: {  	s20 =	simm.s32 $0x18F00;
	s21 =	simm.s32 $0x2;
	s5 =	smul.u32 $0x4E2, s1  }
0x7: {  	s22 =	simm.s32 $0x0;
	[smem:$0x7FF] =	sst s3;
	s8 =	smul.u32 $0x50000, s1  }
0x8: {  	s9 =	sadd.s32 $0x7600, s4;
	s7 =	sand.u32 $0x1, s6;
	s11 =	smul.u32 $0x14000, s1  }
0x9: {  	s10 =	sadd.s32 $0xA3A00, s4;
	_ =	strace $0x80000050;
	s13 =	smul.u32 $0x280000, s7  }
0xa: {  	s6 =	ssub.s32 $0x2, s7;
	s14 =	sshllo.u32 s7, $0x1;
	s7 =	smul.u32 $0x4E200, s7  }
0xb: {  	s5 =	sadd.s32 s5, s4;
	s26 =	sshrl.u32 s6, $0x1;
	s29 =	smul.u32 $0x140000, s14  }
0xc: {  	s28 =	sshrl.u32 s8, $0x2;
	s14 =	smul.u32 $0x27100, s14;
	s12 =	ssub.s32 s6, s26  }
0xd: {  	s4 =	sadd.s32 $0x27D600, s5;
	s5 =	sadd.s32 $0x278600, s5;
	s6 =	sadd.s32 s28, s2  }
0xe: {  	s13 =	sadd.s32 s11, s13;
	s7 =	sadd.s32 s9, s7;
	s8 =	sadd.s32 s11, s29  }
0xf: {  	s30 =	sshrl.u32 s13, $0x3;
	s9 =	sadd.s32 s9, s14;
	s11 =	smax.u32 s12, $0x1  }
0x10: {  	s12 =	simm.s32 $0x14000;
	s13 =	simm.s32 $0x3;
	s31 =	sshrl.u32 s8, $0x3  }
0x11: {  	v0 =	vimm.f32 $0.0e+00;
	s14 =	simm.s32 $0x16780;
	s8 =	sadd.s32 s10, s30;
	s10 =	sadd.s32 s10, s31  }
.LBB2_1:
0x12: {  	[tilespmem:s12], [sflag:$0x3] =	stream.linear.gather [hbm4b:s4+s3], $0x2710, $0x38;
	[tilespmem:$0x1E780] =	vst v63  }
0x13: {  	_ =	swait.ge [sflag:s13], $0x2710  }
0x14: {  	[sflag:s13] =	ssyncset.done $0x0  }
0x15: {  	[sflag:s13] =	ssyncadd.s32 $0xFFFFD8F0  }
0x16: {  	[tilespmem:s14], [sflag:$0x3] =	stream.linear.gather [hbm4b:s5+s3], $0x2710, $0x38;
	[tilespmem:$0x1E780] =	vst v63  }
0x17: {  	_ =	swait.ge [sflag:s13], $0x2710  }
0x18: {  	[sflag:s13] =	ssyncset.done $0x0  }
0x19: {  	[sflag:s13] =	ssyncadd.s32 $0xFFFFD8F0  }
0x1a: {  	[tilespmem:$0x1DF80] =	vst v0  }
0x1b: {  	[tilespmem:$0x1DF90] =	vst v0  }
0x1c: {  	[tilespmem:$0x1DFA0] =	vst v0  }
0x1d: {  	[tilespmem:$0x1DFB0] =	vst v0  }
0x1e: {  	[tilespmem:$0x1DFC0] =	vst v0  }
0x1f: {  	[tilespmem:$0x1DFD0] =	vst v0  }
0x20: {  	[tilespmem:$0x1DFE0] =	vst v0  }
0x21: {  	[tilespmem:$0x1DFF0] =	vst v0  }
0x22: {  	[tilespmem:$0x1E000] =	vst v0  }
0x23: {  	[tilespmem:$0x1E010] =	vst v0  }
0x24: {  	[tilespmem:$0x1E020] =	vst v0  }
0x25: {  	[tilespmem:$0x1E030] =	vst v0  }
0x26: {  	[tilespmem:$0x1E040] =	vst v0  }
0x27: {  	[tilespmem:$0x1E050] =	vst v0  }
0x28: {  	[tilespmem:$0x1E060] =	vst v0  }
0x29: {  	[tilespmem:$0x1E070] =	vst v0  }
0x2a: {  	[tilespmem:$0x1E080] =	vst v0  }
0x2b: {  	[tilespmem:$0x1E090] =	vst v0  }
0x2c: {  	[tilespmem:$0x1E0A0] =	vst v0  }
0x2d: {  	[tilespmem:$0x1E0B0] =	vst v0  }
0x2e: {  	[tilespmem:$0x1E0C0] =	vst v0  }
0x2f: {  	[tilespmem:$0x1E0D0] =	vst v0  }
0x30: {  	[tilespmem:$0x1E0E0] =	vst v0  }
0x31: {  	[tilespmem:$0x1E0F0] =	vst v0  }
0x32: {  	[tilespmem:$0x1E100] =	vst v0  }
0x33: {  	[tilespmem:$0x1E110] =	vst v0  }
0x34: {  	[tilespmem:$0x1E120] =	vst v0  }
0x35: {  	[tilespmem:$0x1E130] =	vst v0  }
0x36: {  	[tilespmem:$0x1E140] =	vst v0  }
0x37: {  	[tilespmem:$0x1E150] =	vst v0  }
0x38: {  	[tilespmem:$0x1E160] =	vst v0  }
0x39: {  	[tilespmem:$0x1E170] =	vst v0  }
0x3a: {  	[tilespmem:$0x1E180] =	vst v0  }
0x3b: {  	[tilespmem:$0x1E190] =	vst v0  }
0x3c: {  	[tilespmem:$0x1E1A0] =	vst v0  }
0x3d: {  	[tilespmem:$0x1E1B0] =	vst v0  }
0x3e: {  	[tilespmem:$0x1E1C0] =	vst v0  }
0x3f: {  	[tilespmem:$0x1E1D0] =	vst v0  }
0x40: {  	[tilespmem:$0x1E1E0] =	vst v0  }
0x41: {  	[tilespmem:$0x1E1F0] =	vst v0  }
0x42: {  	[tilespmem:$0x1E200] =	vst v0  }
0x43: {  	[tilespmem:$0x1E210] =	vst v0  }
0x44: {  	[tilespmem:$0x1E220] =	vst v0  }
0x45: {  	[tilespmem:$0x1E230] =	vst v0  }
0x46: {  	[tilespmem:$0x1E240] =	vst v0  }
0x47: {  	[tilespmem:$0x1E250] =	vst v0  }
0x48: {  	[tilespmem:$0x1E260] =	vst v0  }
0x49: {  	[tilespmem:$0x1E270] =	vst v0  }
0x4a: {  	[tilespmem:$0x1E280] =	vst v0  }
0x4b: {  	[tilespmem:$0x1E290] =	vst v0  }
0x4c: {  	[tilespmem:$0x1E2A0] =	vst v0  }
0x4d: {  	[tilespmem:$0x1E2B0] =	vst v0  }
0x4e: {  	[tilespmem:$0x1E2C0] =	vst v0  }
0x4f: {  	[tilespmem:$0x1E2D0] =	vst v0  }
0x50: {  	[tilespmem:$0x1E2E0] =	vst v0  }
0x51: {  	[tilespmem:$0x1E2F0] =	vst v0  }
0x52: {  	[tilespmem:$0x1E300] =	vst v0  }
0x53: {  	[tilespmem:$0x1E310] =	vst v0  }
0x54: {  	[tilespmem:$0x1E320] =	vst v0  }
0x55: {  	[tilespmem:$0x1E330] =	vst v0  }
0x56: {  	[tilespmem:$0x1E340] =	vst v0  }
0x57: {  	[tilespmem:$0x1E350] =	vst v0  }
0x58: {  	[tilespmem:$0x1E360] =	vst v0  }
0x59: {  	[tilespmem:$0x1E370] =	vst v0  }
0x5a: {  	[tilespmem:$0x1E380] =	vst v0  }
0x5b: {  	[tilespmem:$0x1E390] =	vst v0  }
0x5c: {  	[tilespmem:$0x1E3A0] =	vst v0  }
0x5d: {  	[tilespmem:$0x1E3B0] =	vst v0  }
0x5e: {  	[tilespmem:$0x1E3C0] =	vst v0  }
0x5f: {  	[tilespmem:$0x1E3D0] =	vst v0  }
0x60: {  	[tilespmem:$0x1E3E0] =	vst v0  }
0x61: {  	[tilespmem:$0x1E3F0] =	vst v0  }
0x62: {  	[tilespmem:$0x1E400] =	vst v0  }
0x63: {  	[tilespmem:$0x1E410] =	vst v0  }
0x64: {  	[tilespmem:$0x1E420] =	vst v0  }
0x65: {  	[tilespmem:$0x1E430] =	vst v0  }
0x66: {  	[tilespmem:$0x1E440] =	vst v0  }
0x67: {  	[tilespmem:$0x1E450] =	vst v0  }
0x68: {  	[tilespmem:$0x1E460] =	vst v0  }
0x69: {  	[tilespmem:$0x1E470] =	vst v0  }
0x6a: {  	[tilespmem:$0x1E480] =	vst v0  }
0x6b: {  	[tilespmem:$0x1E490] =	vst v0  }
0x6c: {  	[tilespmem:$0x1E4A0] =	vst v0  }
0x6d: {  	[tilespmem:$0x1E4B0] =	vst v0  }
0x6e: {  	[tilespmem:$0x1E4C0] =	vst v0  }
0x6f: {  	[tilespmem:$0x1E4D0] =	vst v0  }
0x70: {  	[tilespmem:$0x1E4E0] =	vst v0  }
0x71: {  	[tilespmem:$0x1E4F0] =	vst v0  }
0x72: {  	[tilespmem:$0x1E500] =	vst v0  }
0x73: {  	[tilespmem:$0x1E510] =	vst v0  }
0x74: {  	[tilespmem:$0x1E520] =	vst v0  }
0x75: {  	[tilespmem:$0x1E530] =	vst v0  }
0x76: {  	[tilespmem:$0x1E540] =	vst v0  }
0x77: {  	[tilespmem:$0x1E550] =	vst v0  }
0x78: {  	[tilespmem:$0x1E560] =	vst v0  }
0x79: {  	[tilespmem:$0x1E570] =	vst v0  }
0x7a: {  	[tilespmem:$0x1E580] =	vst v0  }
0x7b: {  	[tilespmem:$0x1E590] =	vst v0  }
0x7c: {  	[tilespmem:$0x1E5A0] =	vst v0  }
0x7d: {  	[tilespmem:$0x1E5B0] =	vst v0  }
0x7e: {  	[tilespmem:$0x1E5C0] =	vst v0  }
0x7f: {  	[tilespmem:$0x1E5D0] =	vst v0  }
0x80: {  	[tilespmem:$0x1E5E0] =	vst v0  }
0x81: {  	[tilespmem:$0x1E5F0] =	vst v0  }
0x82: {  	[tilespmem:$0x1E600] =	vst v0  }
0x83: {  	[tilespmem:$0x1E610] =	vst v0  }
0x84: {  	[tilespmem:$0x1E620] =	vst v0  }
0x85: {  	[tilespmem:$0x1E630] =	vst v0  }
0x86: {  	[tilespmem:$0x1E640] =	vst v0  }
0x87: {  	[tilespmem:$0x1E650] =	vst v0  }
0x88: {  	[tilespmem:$0x1E660] =	vst v0  }
0x89: {  	[tilespmem:$0x1E670] =	vst v0  }
0x8a: {  	[tilespmem:$0x1E680] =	vst v0  }
0x8b: {  	[tilespmem:$0x1E690] =	vst v0  }
0x8c: {  	[tilespmem:$0x1E6A0] =	vst v0  }
0x8d: {  	[tilespmem:$0x1E6B0] =	vst v0  }
0x8e: {  	[tilespmem:$0x1E6C0] =	vst v0  }
0x8f: {  	[tilespmem:$0x1E6D0] =	vst v0  }
0x90: {  	[tilespmem:$0x1E6E0] =	vst v0  }
0x91: {  	[tilespmem:$0x1E6F0] =	vst v0  }
0x92: {  	[tilespmem:$0x1E700] =	vst v0  }
0x93: {  	[tilespmem:$0x1E710] =	vst v0  }
0x94: {  	[tilespmem:$0x1E720] =	vst v0  }
0x95: {  	[tilespmem:$0x1E730] =	vst v0  }
0x96: {  	[tilespmem:$0x1E740] =	vst v0  }
0x97: {  	[tilespmem:$0x1E750] =	vst v0  }
0x98: {  	[tilespmem:$0x1E760] =	vst v0  }
0x99: {  	s23 =	sadd.s32 $0x0, s6;
	[tilespmem:$0x1E770] =	vst v0  }
0x9a: {  	[spmem:s23] =	stream.linear.scatter [tilespmem:s15], [sflag:$0x3], $0x800, $0x38;
	[tilespmem:$0x1E780] =	vst v63  }
0x9b: {  	s23 =	simm.s32 $0x2000;
	_ =	swait.ge [sflag:s13], $0x800  }
.LBB2_2:
0x9c: {  	s24 =	sshra.s32 s23, $0x2;
	[sflag:s13] =	ssyncset.done $0x0;
	p0 =	sne.s32 s23, $0x4E000  }
.Ltmp0:
0x9d: {  	s24 =	sadd.s32 s24, s6;
	[sflag:s13] =	ssyncadd.s32 $0xFFFFF800;
	(pc) =	sbr.rel @p0 .LBB2_2-.Ltmp0, $3  }
0x9e: {  	[spmem:s24] =	stream.linear.scatter [tilespmem:s15], [sflag:$0x3], $0x800, $0x38;
	[tilespmem:$0x1E780] =	vst v63  }
0x9f: {  	s23 =	sadd.s32 $0x2000, s23;
	_ =	sdelay $0x1  }
0xa0: {  	_ =	swait.ge [sflag:s13], $0x800  }
0xa1: {  	[sflag:s13] =	ssyncset.done $0x0  }
0xa2: {  	[sflag:s13] =	ssyncadd.s32 $0xFFFFF800  }
0xa3: {  	[bflag:$0x0] =	sbarrier.arrive $0xFFFF  }
0xa4: {  	[tilespmem:s17], [sflag:$0x1] =	stream.indirect.gather [hbm4b:s7+s16], $0x80, s12, s16, $0xb8;
	[tilespmem:$0x1E780] =	vst v63  }
0xa5: {  	s23 =	simm.s32 $0x14050  }
0xa6: {  	[tilespmem:s18], [sflag:$0x2] =	stream.indirect.gather [hbm4b:s7+s16], $0x80, s23, s16, $0xb8;
	[tilespmem:$0x1E780] =	vst v63  }
0xa7: {  	_ =	swait.ge [sflag:s19], $0x2800  }
0xa8: {  	[sflag:s19] =	ssyncset.done $0x0  }
0xa9: {  	s23 =	simm.s32 $0x167D0;
	[sflag:s19] =	ssyncadd.s32 $0xFFFFD800  }
0xaa: {  	v1 =	vld [tilespmem:s23+$0xFFFFFFB0];
	_ =	sdelay $0x4  }
0xab: {  	[tilespmem:$0x18F00] =	vst v1  }
0xac: {  	v1 =	vld [tilespmem:s23+$0xFFFFFFC0];
	_ =	sdelay $0x4  }
0xad: {  	[tilespmem:$0x18F10] =	vst v1  }
0xae: {  	v1 =	vld [tilespmem:s23+$0xFFFFFFD0];
	_ =	sdelay $0x4  }
0xaf: {  	[tilespmem:$0x18F20] =	vst v1  }
0xb0: {  	v1 =	vld [tilespmem:s23+$0xFFFFFFE0];
	_ =	sdelay $0x4  }
0xb1: {  	[tilespmem:$0x18F30] =	vst v1  }
0xb2: {  	v1 =	vld [tilespmem:s23+$0xFFFFFFF0];
	_ =	sdelay $0x4  }
0xb3: {  	[tilespmem:$0x18F40] =	vst v1  }
0xb4: {  	[spmem:s2] =	stream.indirect.scatter.add.f32 [tilespmem:s17], [sflag:$0x3], $0x80, s20, s16, $0xb8;
	[tilespmem:$0x1E780] =	vst v63  }
0xb5: {  	_ =	swait.ge [sflag:s13], $0x2800  }
0xb6: {  	[sflag:s13] =	ssyncset.done $0x0  }
0xb7: {  	s24 =	simm.s32 $0x140A0;
	[sflag:s13] =	ssyncadd.s32 $0xFFFFD800  }
0xb8: {  	[tilespmem:s17], [sflag:$0x1] =	stream.indirect.gather [hbm4b:s7+s16], $0x80, s24, s16, $0xb8;
	[tilespmem:$0x1E780] =	vst v63  }
0xb9: {  	_ =	swait.ge [sflag:s21], $0x2800  }
0xba: {  	[sflag:s21] =	ssyncset.done $0x0  }
0xbb: {  	[sflag:s21] =	ssyncadd.s32 $0xFFFFD800  }
0xbc: {  	v1 =	vld [tilespmem:s23+$0x0];
	_ =	sdelay $0x4  }
0xbd: {  	[tilespmem:$0x18F00] =	vst v1  }
0xbe: {  	v1 =	vld [tilespmem:s23+$0x10];
	_ =	sdelay $0x4  }
0xbf: {  	[tilespmem:$0x18F10] =	vst v1  }
0xc0: {  	v1 =	vld [tilespmem:s23+$0x20];
	_ =	sdelay $0x3  }
0xc1: {  	s31 =	simm.s32 $0x0  }
0xc2: {  	s24 =	sand.u32 $0x3FE0, s31;
	[tilespmem:$0x18F20] =	vst v1  }
0xc3: {  	v1 =	vld [tilespmem:s24+$0x16800];
	_ =	sdelay $0x4  }
0xc4: {  	[tilespmem:$0x18F30] =	vst v1  }
0xc5: {  	v1 =	vld [tilespmem:s23+$0x40];
	_ =	sdelay $0x4  }
0xc6: {  	[tilespmem:$0x18F40] =	vst v1  }
0xc7: {  	[spmem:s2] =	stream.indirect.scatter.add.f32 [tilespmem:s18], [sflag:$0x3], $0x80, s20, s16, $0xb8;
	[tilespmem:$0x1E780] =	vst v63  }
0xc8: {  	s26 =	simm.s32 $0x140;
	_ =	swait.ge [sflag:s13], $0x2800  }
0xc9: {  	s25 =	simm.s32 $0x14140;
	s24 =	simm.s32 $0xA0;
	[sflag:s13] =	ssyncset.done $0x0  }
.LBB2_4:
0xca: {  	s29 =	sadd.s32 $0xFFFFFFB0, s25  }
0xcb: {  	[sflag:s13] =	ssyncadd.s32 $0xFFFFD800;
	s23 =	sadd.s32 $0xA0, s23;
	s28 =	smov.u32 s26  }
0xcc: {  	[tilespmem:s18], [sflag:$0x2] =	stream.indirect.gather [hbm4b:s7+s16], $0x80, s29, s16, $0xb8;
	[tilespmem:$0x1E780] =	vst v63  }
0xcd: {  	p0 =	sne.s32 s26, $0x2620;
	s26 =	sadd.s32 $0xA0, s26;
	_ =	swait.ge [sflag:s19], $0x2800  }
0xce: {  	[sflag:s19] =	ssyncset.done $0x0  }
0xcf: {  	[sflag:s19] =	ssyncadd.s32 $0xFFFFD800  }
0xd0: {  	v1 =	vld [tilespmem:s23+$0xFFFFFFB0];
	_ =	sdelay $0x4  }
0xd1: {  	[tilespmem:$0x18F00] =	vst v1  }
0xd2: {  	v1 =	vld [tilespmem:s23+$0xFFFFFFC0];
	_ =	sdelay $0x4  }
0xd3: {  	[tilespmem:$0x18F10] =	vst v1  }
0xd4: {  	v1 =	vld [tilespmem:s23+$0xFFFFFFD0];
	_ =	sdelay $0x4  }
0xd5: {  	[tilespmem:$0x18F20] =	vst v1  }
0xd6: {  	v1 =	vld [tilespmem:s23+$0xFFFFFFE0];
	_ =	sdelay $0x4  }
0xd7: {  	[tilespmem:$0x18F30] =	vst v1  }
0xd8: {  	v1 =	vld [tilespmem:s23+$0xFFFFFFF0];
	_ =	sdelay $0x4  }
0xd9: {  	[tilespmem:$0x18F40] =	vst v1  }
0xda: {  	[spmem:s2] =	stream.indirect.scatter.add.f32 [tilespmem:s17], [sflag:$0x3], $0x80, s20, s16, $0xb8;
	[tilespmem:$0x1E780] =	vst v63  }
0xdb: {  	_ =	swait.ge [sflag:s13], $0x2800  }
0xdc: {  	[sflag:s13] =	ssyncset.done $0x0  }
0xdd: {  	[sflag:s13] =	ssyncadd.s32 $0xFFFFD800  }
0xde: {  	[tilespmem:s17], [sflag:$0x1] =	stream.indirect.gather [hbm4b:s7+s16], $0x80, s25, s16, $0xb8;
	[tilespmem:$0x1E780] =	vst v63  }
0xdf: {  	_ =	swait.ge [sflag:s21], $0x2800  }
0xe0: {  	[sflag:s21] =	ssyncset.done $0x0  }
0xe1: {  	[sflag:s21] =	ssyncadd.s32 $0xFFFFD800  }
0xe2: {  	v1 =	vld [tilespmem:s23+$0x0];
	_ =	sdelay $0x4  }
0xe3: {  	[tilespmem:$0x18F00] =	vst v1  }
0xe4: {  	v1 =	vld [tilespmem:s23+$0x10];
	_ =	sdelay $0x4  }
0xe5: {  	[tilespmem:$0x18F10] =	vst v1  }
0xe6: {  	v1 =	vld [tilespmem:s23+$0x20];
	_ =	sdelay $0x4  }
0xe7: {  	s29 =	sand.u32 $0x3FE0, s24;
	s24 =	smov.u32 s28;
	[tilespmem:$0x18F20] =	vst v1  }
0xe8: {  	v1 =	vld [tilespmem:s29+$0x16800];
	_ =	sdelay $0x4  }
0xe9: {  	[tilespmem:$0x18F30] =	vst v1  }
0xea: {  	v1 =	vld [tilespmem:s23+$0x40];
	_ =	sdelay $0x3  }
.Ltmp1:
0xeb: {  	(pc) =	sbr.rel @p0 .LBB2_4-.Ltmp1, $4  }
0xec: {  	[tilespmem:$0x18F40] =	vst v1  }
0xed: {  	[spmem:s2] =	stream.indirect.scatter.add.f32 [tilespmem:s18], [sflag:$0x3], $0x80, s20, s16, $0xb8;
	[tilespmem:$0x1E780] =	vst v63  }
0xee: {  	_ =	swait.ge [sflag:s13], $0x2800  }
0xef: {  	s25 =	sadd.s32 $0xA0, s25;
	[sflag:s13] =	ssyncset.done $0x0  }
0xf0: {  	s26 =	sadd.s32 $0xFFFFFFB0, s25;
	[sflag:s13] =	ssyncadd.s32 $0xFFFFD800  }
0xf1: {  	[tilespmem:s18], [sflag:$0x2] =	stream.indirect.gather [hbm4b:s7+s16], $0x80, s26, s16, $0xb8;
	[tilespmem:$0x1E780] =	vst v63  }
0xf2: {  	_ =	swait.ge [sflag:s19], $0x2800  }
0xf3: {  	[sflag:s19] =	ssyncset.done $0x0  }
0xf4: {  	s23 =	sadd.s32 $0xA0, s23;
	[sflag:s19] =	ssyncadd.s32 $0xFFFFD800  }
0xf5: {  	v1 =	vld [tilespmem:s23+$0xFFFFFFB0];
	_ =	sdelay $0x4  }
0xf6: {  	[tilespmem:$0x18F00] =	vst v1  }
0xf7: {  	v1 =	vld [tilespmem:s23+$0xFFFFFFC0];
	_ =	sdelay $0x4  }
0xf8: {  	[tilespmem:$0x18F10] =	vst v1  }
0xf9: {  	v1 =	vld [tilespmem:s23+$0xFFFFFFD0];
	_ =	sdelay $0x4  }
0xfa: {  	[tilespmem:$0x18F20] =	vst v1  }
0xfb: {  	v1 =	vld [tilespmem:s23+$0xFFFFFFE0];
	_ =	sdelay $0x4  }
0xfc: {  	[tilespmem:$0x18F30] =	vst v1  }
0xfd: {  	v1 =	vld [tilespmem:s23+$0xFFFFFFF0];
	_ =	sdelay $0x4  }
0xfe: {  	[tilespmem:$0x18F40] =	vst v1  }
0xff: {  	[spmem:s2] =	stream.indirect.scatter.add.f32 [tilespmem:s17], [sflag:$0x3], $0x80, s20, s16, $0xb8;
	[tilespmem:$0x1E780] =	vst v63  }
0x100: {  	_ =	swait.ge [sflag:s13], $0x2800  }
0x101: {  	[sflag:s13] =	ssyncset.done $0x0  }
0x102: {  	[sflag:s13] =	ssyncadd.s32 $0xFFFFD800  }
0x103: {  	[tilespmem:s17], [sflag:$0x1] =	stream.indirect.gather [hbm4b:s7+s16], $0x80, s25, s16, $0xb8;
	[tilespmem:$0x1E780] =	vst v63  }
0x104: {  	_ =	swait.ge [sflag:s21], $0x2800  }
0x105: {  	[sflag:s21] =	ssyncset.done $0x0  }
0x106: {  	[sflag:s21] =	ssyncadd.s32 $0xFFFFD800  }
0x107: {  	v1 =	vld [tilespmem:s23+$0x0];
	_ =	sdelay $0x4  }
0x108: {  	[tilespmem:$0x18F00] =	vst v1  }
0x109: {  	v1 =	vld [tilespmem:s23+$0x10];
	_ =	sdelay $0x4  }
0x10a: {  	[tilespmem:$0x18F10] =	vst v1  }
0x10b: {  	v1 =	vld [tilespmem:s23+$0x20];
	_ =	sdelay $0x4  }
0x10c: {  	s24 =	sand.u32 $0x3FE0, s24;
	[tilespmem:$0x18F20] =	vst v1  }
0x10d: {  	v1 =	vld [tilespmem:s24+$0x16800];
	_ =	sdelay $0x4  }
0x10e: {  	[tilespmem:$0x18F30] =	vst v1  }
0x10f: {  	v1 =	vld [tilespmem:s23+$0x40];
	_ =	sdelay $0x4  }
0x110: {  	[tilespmem:$0x18F40] =	vst v1  }
0x111: {  	[spmem:s2] =	stream.indirect.scatter.add.f32 [tilespmem:s18], [sflag:$0x3], $0x80, s20, s16, $0xb8;
	[tilespmem:$0x1E780] =	vst v63  }
0x112: {  	_ =	swait.ge [sflag:s13], $0x2800  }
0x113: {  	[sflag:s13] =	ssyncset.done $0x0  }
0x114: {  	[sflag:s13] =	ssyncadd.s32 $0xFFFFD800  }
0x115: {  	_ =	swait.ge [sflag:s19], $0x2800  }
0x116: {  	[sflag:s19] =	ssyncset.done $0x0  }
0x117: {  	[sflag:s19] =	ssyncadd.s32 $0xFFFFD800  }
0x118: {  	v1 =	vld [tilespmem:$0x18E40]  }
0x119: {  	v2 =	vld [tilespmem:$0x18E50]  }
0x11a: {  	v3 =	vld [tilespmem:$0x18E60]  }
0x11b: {  	v4 =	vld [tilespmem:$0x18E70]  }
0x11c: {  	v5 =	vld [tilespmem:$0x18E80]  }
0x11d: {  	[tilespmem:$0x18F00] =	vst v1  }
0x11e: {  	[tilespmem:$0x18F10] =	vst v2  }
0x11f: {  	[tilespmem:$0x18F20] =	vst v3  }
0x120: {  	[tilespmem:$0x18F30] =	vst v4  }
0x121: {  	[tilespmem:$0x18F40] =	vst v5  }
0x122: {  	[spmem:s2] =	stream.indirect.scatter.add.f32 [tilespmem:s17], [sflag:$0x3], $0x80, s20, s16, $0xb8;
	[tilespmem:$0x1E780] =	vst v63  }
0x123: {  	_ =	swait.ge [sflag:s13], $0x2800  }
0x124: {  	[sflag:s13] =	ssyncset.done $0x0  }
0x125: {  	s30 =	sshll.u32 s1, $0x6;
	[sflag:s13] =	ssyncadd.s32 $0xFFFFD800  }
0x126: {  	s24 =	sshrl.u32 s6, $0x3;
	s23 =	sor.u32 $0x1C03, s30;
	[bflag:$0x0] =	sbarrier.arrive $0xFFFF  }
0x127: {  	[hbm:s8], [sflag:s23] =	dma.local [spmem:s24], $0x2800  }
0x128: {  	_ =	swait.ge [sflag:s13], $0x2800  }
0x129: {  	[sflag:s13] =	ssyncset.done $0x0  }
0x12a: {  	[sflag:s13] =	ssyncadd.s32 $0xFFFFD800  }
0x12b: {  	s31 =	sadd.s32 $0x0, s6;
	[bflag:$0x0] =	sbarrier.arrive $0xFFFF  }
0x12c: {  	[spmem:s31] =	stream.linear.scatter [tilespmem:s15], [sflag:$0x3], $0x800, $0x38;
	[tilespmem:$0x1E780] =	vst v63  }
0x12d: {  	s25 =	simm.s32 $0x2000;
	_ =	swait.ge [sflag:s13], $0x800  }
.LBB2_6:
0x12e: {  	s26 =	sshra.s32 s25, $0x2;
	[sflag:s13] =	ssyncset.done $0x0;
	p0 =	sne.s32 s25, $0x4E000  }
.Ltmp2:
0x12f: {  	s26 =	sadd.s32 s26, s6;
	[sflag:s13] =	ssyncadd.s32 $0xFFFFF800;
	(pc) =	sbr.rel @p0 .LBB2_6-.Ltmp2, $3  }
0x130: {  	[spmem:s26] =	stream.linear.scatter [tilespmem:s15], [sflag:$0x3], $0x800, $0x38;
	[tilespmem:$0x1E780] =	vst v63  }
0x131: {  	s25 =	sadd.s32 $0x2000, s25;
	_ =	sdelay $0x1  }
0x132: {  	_ =	swait.ge [sflag:s13], $0x800  }
0x133: {  	[sflag:s13] =	ssyncset.done $0x0  }
0x134: {  	[sflag:s13] =	ssyncadd.s32 $0xFFFFF800  }
0x135: {  	[bflag:$0x0] =	sbarrier.arrive $0xFFFF  }
0x136: {  	[tilespmem:s17], [sflag:$0x1] =	stream.indirect.gather [hbm4b:s9+s16], $0x80, s12, s16, $0xb8;
	[tilespmem:$0x1E780] =	vst v63  }
0x137: {  	s25 =	simm.s32 $0x14050  }
0x138: {  	[tilespmem:s18], [sflag:$0x2] =	stream.indirect.gather [hbm4b:s9+s16], $0x80, s25, s16, $0xb8;
	[tilespmem:$0x1E780] =	vst v63  }
0x139: {  	_ =	swait.ge [sflag:s19], $0x2800  }
0x13a: {  	[sflag:s19] =	ssyncset.done $0x0  }
0x13b: {  	s25 =	simm.s32 $0x167D0;
	[sflag:s19] =	ssyncadd.s32 $0xFFFFD800  }
0x13c: {  	v1 =	vld [tilespmem:s25+$0xFFFFFFB0];
	_ =	sdelay $0x4  }
0x13d: {  	[tilespmem:$0x18F00] =	vst v1  }
0x13e: {  	v1 =	vld [tilespmem:s25+$0xFFFFFFC0];
	_ =	sdelay $0x4  }
0x13f: {  	[tilespmem:$0x18F10] =	vst v1  }
0x140: {  	v1 =	vld [tilespmem:s25+$0xFFFFFFD0];
	_ =	sdelay $0x4  }
0x141: {  	[tilespmem:$0x18F20] =	vst v1  }
0x142: {  	v1 =	vld [tilespmem:s25+$0xFFFFFFE0];
	_ =	sdelay $0x4  }
0x143: {  	[tilespmem:$0x18F30] =	vst v1  }
0x144: {  	v1 =	vld [tilespmem:s25+$0xFFFFFFF0];
	_ =	sdelay $0x4  }
0x145: {  	[tilespmem:$0x18F40] =	vst v1  }
0x146: {  	[spmem:s2] =	stream.indirect.scatter.add.f32 [tilespmem:s17], [sflag:$0x3], $0x80, s20, s16, $0xb8;
	[tilespmem:$0x1E780] =	vst v63  }
0x147: {  	_ =	swait.ge [sflag:s13], $0x2800  }
0x148: {  	[sflag:s13] =	ssyncset.done $0x0  }
0x149: {  	s26 =	simm.s32 $0x140A0;
	[sflag:s13] =	ssyncadd.s32 $0xFFFFD800  }
0x14a: {  	[tilespmem:s17], [sflag:$0x1] =	stream.indirect.gather [hbm4b:s9+s16], $0x80, s26, s16, $0xb8;
	[tilespmem:$0x1E780] =	vst v63  }
0x14b: {  	_ =	swait.ge [sflag:s21], $0x2800  }
0x14c: {  	[sflag:s21] =	ssyncset.done $0x0  }
0x14d: {  	[sflag:s21] =	ssyncadd.s32 $0xFFFFD800  }
0x14e: {  	v1 =	vld [tilespmem:s25+$0x0];
	_ =	sdelay $0x4  }
0x14f: {  	[tilespmem:$0x18F00] =	vst v1  }
0x150: {  	v1 =	vld [tilespmem:s25+$0x10];
	_ =	sdelay $0x4  }
0x151: {  	[tilespmem:$0x18F10] =	vst v1  }
0x152: {  	v1 =	vld [tilespmem:s25+$0x20];
	_ =	sdelay $0x3  }
0x153: {  	s31 =	simm.s32 $0x0  }
0x154: {  	s26 =	sand.u32 $0x3FE0, s31;
	[tilespmem:$0x18F20] =	vst v1  }
0x155: {  	v1 =	vld [tilespmem:s26+$0x16800];
	_ =	sdelay $0x4  }
0x156: {  	[tilespmem:$0x18F30] =	vst v1  }
0x157: {  	v1 =	vld [tilespmem:s25+$0x40];
	_ =	sdelay $0x4  }
0x158: {  	[tilespmem:$0x18F40] =	vst v1  }
0x159: {  	[spmem:s2] =	stream.indirect.scatter.add.f32 [tilespmem:s18], [sflag:$0x3], $0x80, s20, s16, $0xb8;
	[tilespmem:$0x1E780] =	vst v63  }
0x15a: {  	s29 =	simm.s32 $0x140;
	_ =	swait.ge [sflag:s13], $0x2800  }
0x15b: {  	s28 =	simm.s32 $0x14140;
	s26 =	simm.s32 $0xA0;
	[sflag:s13] =	ssyncset.done $0x0  }
.LBB2_8:
0x15c: {  	s31 =	sadd.s32 $0xFFFFFFB0, s28  }
0x15d: {  	[sflag:s13] =	ssyncadd.s32 $0xFFFFD800;
	s25 =	sadd.s32 $0xA0, s25;
	s30 =	smov.u32 s29  }
0x15e: {  	[tilespmem:s18], [sflag:$0x2] =	stream.indirect.gather [hbm4b:s9+s16], $0x80, s31, s16, $0xb8;
	[tilespmem:$0x1E780] =	vst v63  }
0x15f: {  	p0 =	sne.s32 s29, $0x2620;
	s29 =	sadd.s32 $0xA0, s29;
	_ =	swait.ge [sflag:s19], $0x2800  }
0x160: {  	[sflag:s19] =	ssyncset.done $0x0  }
0x161: {  	[sflag:s19] =	ssyncadd.s32 $0xFFFFD800  }
0x162: {  	v1 =	vld [tilespmem:s25+$0xFFFFFFB0];
	_ =	sdelay $0x4  }
0x163: {  	[tilespmem:$0x18F00] =	vst v1  }
0x164: {  	v1 =	vld [tilespmem:s25+$0xFFFFFFC0];
	_ =	sdelay $0x4  }
0x165: {  	[tilespmem:$0x18F10] =	vst v1  }
0x166: {  	v1 =	vld [tilespmem:s25+$0xFFFFFFD0];
	_ =	sdelay $0x4  }
0x167: {  	[tilespmem:$0x18F20] =	vst v1  }
0x168: {  	v1 =	vld [tilespmem:s25+$0xFFFFFFE0];
	_ =	sdelay $0x4  }
0x169: {  	[tilespmem:$0x18F30] =	vst v1  }
0x16a: {  	v1 =	vld [tilespmem:s25+$0xFFFFFFF0];
	_ =	sdelay $0x4  }
0x16b: {  	[tilespmem:$0x18F40] =	vst v1  }
0x16c: {  	[spmem:s2] =	stream.indirect.scatter.add.f32 [tilespmem:s17], [sflag:$0x3], $0x80, s20, s16, $0xb8;
	[tilespmem:$0x1E780] =	vst v63  }
0x16d: {  	_ =	swait.ge [sflag:s13], $0x2800  }
0x16e: {  	[sflag:s13] =	ssyncset.done $0x0  }
0x16f: {  	[sflag:s13] =	ssyncadd.s32 $0xFFFFD800  }
0x170: {  	[tilespmem:s17], [sflag:$0x1] =	stream.indirect.gather [hbm4b:s9+s16], $0x80, s28, s16, $0xb8;
	[tilespmem:$0x1E780] =	vst v63  }
0x171: {  	_ =	swait.ge [sflag:s21], $0x2800  }
0x172: {  	[sflag:s21] =	ssyncset.done $0x0  }
0x173: {  	[sflag:s21] =	ssyncadd.s32 $0xFFFFD800  }
0x174: {  	v1 =	vld [tilespmem:s25+$0x0];
	_ =	sdelay $0x4  }
0x175: {  	[tilespmem:$0x18F00] =	vst v1  }
0x176: {  	v1 =	vld [tilespmem:s25+$0x10];
	_ =	sdelay $0x4  }
0x177: {  	[tilespmem:$0x18F10] =	vst v1  }
0x178: {  	v1 =	vld [tilespmem:s25+$0x20];
	_ =	sdelay $0x4  }
0x179: {  	s31 =	sand.u32 $0x3FE0, s26;
	s26 =	smov.u32 s30;
	[tilespmem:$0x18F20] =	vst v1  }
0x17a: {  	v1 =	vld [tilespmem:s31+$0x16800];
	_ =	sdelay $0x4  }
0x17b: {  	[tilespmem:$0x18F30] =	vst v1  }
0x17c: {  	v1 =	vld [tilespmem:s25+$0x40];
	_ =	sdelay $0x3  }
.Ltmp3:
0x17d: {  	(pc) =	sbr.rel @p0 .LBB2_8-.Ltmp3, $4  }
0x17e: {  	[tilespmem:$0x18F40] =	vst v1  }
0x17f: {  	[spmem:s2] =	stream.indirect.scatter.add.f32 [tilespmem:s18], [sflag:$0x3], $0x80, s20, s16, $0xb8;
	[tilespmem:$0x1E780] =	vst v63  }
0x180: {  	_ =	swait.ge [sflag:s13], $0x2800  }
0x181: {  	s28 =	sadd.s32 $0xA0, s28;
	[sflag:s13] =	ssyncset.done $0x0  }
0x182: {  	s29 =	sadd.s32 $0xFFFFFFB0, s28;
	[sflag:s13] =	ssyncadd.s32 $0xFFFFD800  }
0x183: {  	[tilespmem:s18], [sflag:$0x2] =	stream.indirect.gather [hbm4b:s9+s16], $0x80, s29, s16, $0xb8;
	[tilespmem:$0x1E780] =	vst v63  }
0x184: {  	_ =	swait.ge [sflag:s19], $0x2800  }
0x185: {  	[sflag:s19] =	ssyncset.done $0x0  }
0x186: {  	s25 =	sadd.s32 $0xA0, s25;
	[sflag:s19] =	ssyncadd.s32 $0xFFFFD800  }
0x187: {  	v1 =	vld [tilespmem:s25+$0xFFFFFFB0];
	_ =	sdelay $0x4  }
0x188: {  	[tilespmem:$0x18F00] =	vst v1  }
0x189: {  	v1 =	vld [tilespmem:s25+$0xFFFFFFC0];
	_ =	sdelay $0x4  }
0x18a: {  	[tilespmem:$0x18F10] =	vst v1  }
0x18b: {  	v1 =	vld [tilespmem:s25+$0xFFFFFFD0];
	_ =	sdelay $0x4  }
0x18c: {  	[tilespmem:$0x18F20] =	vst v1  }
0x18d: {  	v1 =	vld [tilespmem:s25+$0xFFFFFFE0];
	_ =	sdelay $0x4  }
0x18e: {  	[tilespmem:$0x18F30] =	vst v1  }
0x18f: {  	v1 =	vld [tilespmem:s25+$0xFFFFFFF0];
	_ =	sdelay $0x4  }
0x190: {  	[tilespmem:$0x18F40] =	vst v1  }
0x191: {  	[spmem:s2] =	stream.indirect.scatter.add.f32 [tilespmem:s17], [sflag:$0x3], $0x80, s20, s16, $0xb8;
	[tilespmem:$0x1E780] =	vst v63  }
0x192: {  	_ =	swait.ge [sflag:s13], $0x2800  }
0x193: {  	[sflag:s13] =	ssyncset.done $0x0  }
0x194: {  	[sflag:s13] =	ssyncadd.s32 $0xFFFFD800  }
0x195: {  	[tilespmem:s17], [sflag:$0x1] =	stream.indirect.gather [hbm4b:s9+s16], $0x80, s28, s16, $0xb8;
	[tilespmem:$0x1E780] =	vst v63  }
0x196: {  	_ =	swait.ge [sflag:s21], $0x2800  }
0x197: {  	[sflag:s21] =	ssyncset.done $0x0  }
0x198: {  	[sflag:s21] =	ssyncadd.s32 $0xFFFFD800  }
0x199: {  	v1 =	vld [tilespmem:s25+$0x0];
	_ =	sdelay $0x4  }
0x19a: {  	[tilespmem:$0x18F00] =	vst v1  }
0x19b: {  	v1 =	vld [tilespmem:s25+$0x10];
	_ =	sdelay $0x4  }
0x19c: {  	[tilespmem:$0x18F10] =	vst v1  }
0x19d: {  	v1 =	vld [tilespmem:s25+$0x20];
	_ =	sdelay $0x4  }
0x19e: {  	s26 =	sand.u32 $0x3FE0, s26;
	[tilespmem:$0x18F20] =	vst v1  }
0x19f: {  	v1 =	vld [tilespmem:s26+$0x16800];
	_ =	sdelay $0x4  }
0x1a0: {  	[tilespmem:$0x18F30] =	vst v1  }
0x1a1: {  	v1 =	vld [tilespmem:s25+$0x40];
	_ =	sdelay $0x4  }
0x1a2: {  	[tilespmem:$0x18F40] =	vst v1  }
0x1a3: {  	[spmem:s2] =	stream.indirect.scatter.add.f32 [tilespmem:s18], [sflag:$0x3], $0x80, s20, s16, $0xb8;
	[tilespmem:$0x1E780] =	vst v63  }
0x1a4: {  	_ =	swait.ge [sflag:s13], $0x2800  }
0x1a5: {  	[sflag:s13] =	ssyncset.done $0x0  }
0x1a6: {  	[sflag:s13] =	ssyncadd.s32 $0xFFFFD800  }
0x1a7: {  	_ =	swait.ge [sflag:s19], $0x2800  }
0x1a8: {  	[sflag:s19] =	ssyncset.done $0x0  }
0x1a9: {  	[sflag:s19] =	ssyncadd.s32 $0xFFFFD800  }
0x1aa: {  	v1 =	vld [tilespmem:$0x18E40]  }
0x1ab: {  	v2 =	vld [tilespmem:$0x18E50]  }
0x1ac: {  	v3 =	vld [tilespmem:$0x18E60]  }
0x1ad: {  	v4 =	vld [tilespmem:$0x18E70]  }
0x1ae: {  	v5 =	vld [tilespmem:$0x18E80]  }
0x1af: {  	[tilespmem:$0x18F00] =	vst v1  }
0x1b0: {  	[tilespmem:$0x18F10] =	vst v2  }
0x1b1: {  	[tilespmem:$0x18F20] =	vst v3  }
0x1b2: {  	[tilespmem:$0x18F30] =	vst v4  }
0x1b3: {  	[tilespmem:$0x18F40] =	vst v5  }
0x1b4: {  	[spmem:s2] =	stream.indirect.scatter.add.f32 [tilespmem:s17], [sflag:$0x3], $0x80, s20, s16, $0xb8;
	[tilespmem:$0x1E780] =	vst v63  }
0x1b5: {  	_ =	swait.ge [sflag:s13], $0x2800  }
0x1b6: {  	[sflag:s13] =	ssyncset.done $0x0  }
0x1b7: {  	s22 =	sadd.s32 $0x1, s22;
	[sflag:s13] =	ssyncadd.s32 $0xFFFFD800  }
0x1b8: {  	p0 =	sne.s32 s22, s11;
	[bflag:$0x0] =	sbarrier.arrive $0xFFFF  }
0x1b9: {  	[hbm:s10], [sflag:s23] =	dma.local [spmem:s24], $0x2800  }
.Ltmp4:
0x1ba: {  	_ =	swait.ge [sflag:s13], $0x2800;
	(pc) =	sbr.rel @p0 .LBB2_1-.Ltmp4, $3  }
0x1bb: {  	[sflag:s13] =	ssyncset.done $0x0  }
0x1bc: {  	[sflag:s13] =	ssyncadd.s32 $0xFFFFD800  }
0x1bd: {  	[bflag:$0x0] =	sbarrier.arrive $0xFFFF;
	_ =	sdelay $0x1  }
0x1be: {  	_ =	sfence.sel $0x180000  }
0x1bf: {  	[bflag:$0x0] =	sbarrier.arrive $0xFFFF  }
0x1c0: {  	p0 =	sne.s32 s1, $0x0;
	_ =	strace $0x90000050  }
0x1c1: {  	s0 =	sadd.s32 @!p0 $0x100000, s0;
	[bflag:$0x2] =	sbarrier.arrive $0xFFFF  }
0x1c2: {  	[sflag:s0] =	ssyncadd.tile.s32 @!p0 $0x1;
	_ =	shalt  }
.Lfunc_end2:
_tile_overlayer_lowered:
.L_overlay_start_2:
0x1c3: {  	(tag) =	ssettag $0x2  }
0x1c4: {  	s0 =	rddreg [dreg:$0x0];
	s2 =	stileid.u32  }
0x1c5: {  	s1 =	rddreg [dreg:$0x1];
	p0 =	sne.s32 s2, $0x0  }
0x1c6: {  	s3 =	rddreg [dreg:$0x2];
	[bflag:$0x3] =	sbarrier.arrive $0xFFFF;
	s2 =	simm.s32 @!p0 $0x1C03  }
0x1c7: {  	[timem:s3], [sflag:s2] =	dma.local @!p0 [hbm:s0], s1  }
0x1c8: {  	s0 =	simm.s32 @!p0 $0x3  }
0x1c9: {  	_ =	swait.ge @!p0 [sflag:s0], s1  }
0x1ca: {  	s1 =	ssub.s32 @!p0 $0x0, s1;
	[sflag:s0] =	ssyncset.done @!p0 $0x0  }
0x1cb: {  	[sflag:s0] =	ssyncadd.s32 @!p0 s1  }
0x1cc: {  	[bflag:$0x3] =	sbarrier.arrive $0xFFFF  }
0x1cd: {  	_ =	shalt  }

</sc_bundles>
